<compile_context>
chip_gen: v7x
topology: tpu7x:2x2x1
jax: 0.10.2.dev20260603
libtpu: 0.0.44.dev20260713+nightly
codegen_flags: <defaults>
</compile_context>

<pallas_src>
import functools
import math

import jax
import jax.numpy as jnp
from jax import lax
from jax.experimental import pallas as pl
from jax.experimental.pallas import tpu as pltpu
from jax.experimental.pallas import tpu_sc as plsc

NC = 2
NS = 16
NW = NC * NS
LANES = 16
CHUNK = 128

_PARAMS = pltpu.CompilerParams(
    use_tc_tiling_on_sc=True, needs_layout_passes=False)

_MESH = plsc.VectorSubcoreMesh(
    core_axis_name="c", subcore_axis_name="s",
    num_cores=NC, num_subcores=NS)


def _repack_table(wt, tailx, *, scale):
    D, V = wt.shape
    VB = V // CHUNK
    TAIL = V - VB * CHUNK
    PER_W = -(-VB // NW)
    GROUPS = -(-PER_W // 2)

    @functools.partial(
        pl.kernel,
        out_type=jax.ShapeDtypeStruct((V // 2, 2 * D), jnp.float32),
        mesh=_MESH,
        scratch_types=[
            *([pltpu.VMEM((D, CHUNK), jnp.float32)] * 2),
            *([pltpu.VMEM((CHUNK // 2, 2 * D), jnp.float32)] * 2),
            *([pltpu.SemaphoreType.DMA] * 4),
        ],
        compiler_params=_PARAMS,
    )
    def k(wt_hbm, tailx_hbm, x_hbm, blk0, blk1, ob0, ob1, gs0, gs1, ss0, ss1):
        blks, obs = (blk0, blk1), (ob0, ob1)
        gsem, ssem = (gs0, gs1), (ss0, ss1)
        wid = lax.axis_index("s") * NC + lax.axis_index("c")
        lane = jax.lax.iota(jnp.int32, LANES)
        nst = lax.div(VB - wid + NW - 1, NW)

        def start_load(b, j):
            pltpu.async_copy(
                wt_hbm.at[:, pl.ds(j * CHUNK, CHUNK)], blks[b], gsem[b])

        def transpose_block(b):
            for v0 in range(0, CHUNK, LANES):
                vv = v0 + lane
                rowv = jax.lax.shift_right_logical(vv, 1)
                colb = (vv & 1) * D

                @pl.loop(0, LANES)
                def _kk(kk):
                    perm = (lane + kk) & (LANES - 1)
                    for dd in range(D // LANES):
                        d = dd * LANES + perm
                        vals = plsc.load_gather(blks[b], [d, vv]) * scale
                        plsc.store_scatter(obs[b], [rowv, colb + d], vals)

        for b in range(2):
            start_load(b, wid + b * NW)

        @pl.loop(0, GROUPS)
        def _grp(i0):
            for b in range(2):
                i = i0 * 2 + b
                j = wid + i * NW

                @pl.when(i < nst)
                def _():
                    pltpu.make_async_copy(
                        wt_hbm.at[:, pl.ds(j * CHUNK, CHUNK)],
                        blks[b], gsem[b]).wait()

                    @pl.when(i >= 2)
                    def _():
                        prev = x_hbm.at[pl.ds((j - 2 * NW) * (CHUNK // 2),
                                              CHUNK // 2)]
                        pltpu.make_async_copy(obs[b], prev, ssem[b]).wait()

                    transpose_block(b)
                    pltpu.async_copy(
                        obs[b],
                        x_hbm.at[pl.ds(j * (CHUNK // 2), CHUNK // 2)],
                        ssem[b])

                    @pl.when(i + 2 < nst)
                    def _():
                        start_load(b, j + 2 * NW)

        for b in range(2):
            i_last = ((nst - 1 - b) // 2) * 2 + b
            j_last = wid + i_last * NW
            pltpu.make_async_copy(
                obs[b],
                x_hbm.at[pl.ds(j_last * (CHUNK // 2), CHUNK // 2)],
                ssem[b]).wait()

        if TAIL:
            @pl.when(wid == 0)
            def _():
                pltpu.sync_copy(tailx_hbm, ob0.at[pl.ds(0, TAIL // 2)])
                pltpu.sync_copy(
                    ob0.at[pl.ds(0, TAIL // 2)],
                    x_hbm.at[pl.ds(VB * (CHUNK // 2), TAIL // 2)])

    return k(wt, tailx)


def _gather_tokens(tokens_t, x):
    V2, D2 = x.shape
    D = D2 // 2
    S, B = tokens_t.shape
    NBUF = 2

    @functools.partial(
        pl.kernel,
        out_type=jax.ShapeDtypeStruct((S, D, B), jnp.float32),
        mesh=_MESH,
        scratch_types=[
            pltpu.VMEM((S, CHUNK), jnp.int32),
            *([pltpu.VMEM((CHUNK,), jnp.int32)] * NBUF),
            *([pltpu.VMEM((CHUNK, D2), jnp.float32)] * NBUF),
            *([pltpu.VMEM((D, CHUNK), jnp.float32)] * NBUF),
            *([pltpu.SemaphoreType.DMA] * (2 * NBUF)),
        ],
        compiler_params=_PARAMS,
    )
    def k(tok_hbm, x_hbm, out_hbm, idx_v, *refs):
        ridx = refs[:NBUF]
        rows = refs[NBUF:2 * NBUF]
        outt = refs[2 * NBUF:3 * NBUF]
        gsem = refs[3 * NBUF:4 * NBUF]
        ssem = refs[4 * NBUF:]
        wid = lax.axis_index("s") * NC + lax.axis_index("c")
        b0 = wid * CHUNK
        lane = jax.lax.iota(jnp.int32, LANES)
        pltpu.sync_copy(tok_hbm.at[:, pl.ds(b0, CHUNK)], idx_v)

        def start_gather(b, s):
            @pl.loop(0, CHUNK // LANES)
            def _(g):
                sl = pl.ds(g * LANES, LANES)
                ridx[b][sl] = jax.lax.shift_right_logical(idx_v[s, sl], 1)
            pltpu.async_copy(x_hbm.at[ridx[b]], rows[b], gsem[b])

        def select_transpose(b, s):
            for i0 in range(0, CHUNK, LANES):
                @pl.loop(0, LANES)
                def _kk(kk):
                    perm = (lane + kk) & (LANES - 1)
                    iv = i0 + perm
                    tv = plsc.load_gather(idx_v.at[s], [iv])
                    half = (tv & 1) * D
                    for dd in range(D // LANES):
                        d = dd * LANES + lane
                        vals = plsc.load_gather(rows[b], [iv, half + d])
                        plsc.store_scatter(outt[b], [d, iv], vals)

        for b in range(NBUF):
            start_gather(b, b)

        @pl.loop(0, S, step=NBUF)
        def _grp(s0):
            for b in range(NBUF):
                s = s0 + b
                pltpu.make_async_copy(
                    x_hbm.at[ridx[b]], rows[b], gsem[b]).wait()

                @pl.when(s >= NBUF)
                def _():
                    prev = out_hbm.at[s - NBUF, :, pl.ds(b0, CHUNK)]
                    pltpu.make_async_copy(outt[b], prev, ssem[b]).wait()

                select_transpose(b, s)
                pltpu.async_copy(
                    outt[b], out_hbm.at[s, :, pl.ds(b0, CHUNK)], ssem[b])

                @pl.when(s + NBUF < S)
                def _():
                    start_gather(b, s + NBUF)

        for b in range(NBUF):
            s = S - NBUF + b
            pltpu.make_async_copy(
                outt[b], out_hbm.at[s, :, pl.ds(b0, CHUNK)], ssem[b]).wait()

    return k(tokens_t, x)


def kernel(tokens, embedding_weight):
    B0, S = tokens.shape
    V, D = embedding_weight.shape
    assert B0 == NW * CHUNK and V % 2 == 0 and 2 * D == 128 and S % 2 == 0
    scale = math.sqrt(D)
    vb = (V // CHUNK) * CHUNK
    tailx = jnp.concatenate(
        [embedding_weight[vb::2] * scale,
         embedding_weight[vb + 1::2] * scale], axis=1)
    x = _repack_table(embedding_weight.T, tailx, scale=scale)
    out_sdb = _gather_tokens(tokens.T.astype(jnp.int32), x)
    return out_sdb.transpose(2, 0, 1)

# --- scband reference (transcript-rebuilt; emitter-appended) ---
"""Pipeline reference for scband-token-embedding-56487409877128 (READ-ONLY COPY).

The authoritative reference and input builder live on the scoring server;
editing this copy changes nothing except your own understanding.
"""

import jax, jax.numpy as jnp
import numpy as np
import math

VOCAB = 1000000
EMB = 64

def setup_inputs(seed: int = 0) -> dict:
    key = jax.random.key(seed)
    k_tok, k_emb = jax.random.split(key)
    tokens = jax.random.randint(k_tok, (4096, 200), 0, VOCAB, dtype=jnp.int64 if jax.config.read('jax_enable_x64') else jnp.int32)
    embedding_weight = jax.random.normal(k_emb, (VOCAB, EMB), dtype=jnp.float32)
    return {"tokens": tokens, "embedding_weight": embedding_weight}

def reference(tokens, embedding_weight):
    # TokenEmbedding.forward: embedding(tokens) * sqrt(emb_size)
    emb = jnp.take(embedding_weight, tokens, axis=0)
    return emb * math.sqrt(EMB)

if __name__ == "__main__":
    import jax
    _d = setup_inputs()
    print(jax.jit(kernel)(*tuple(_d.values())))

</pallas_src>

<mosaic_0001>
#map = affine_map<(d0, d1) -> (0, 0)>
#map1 = affine_map<(d0, d1) -> (0, 0, 0)>
module attributes {stable_mosaic.version = 14 : i64} {
  func.func @k(%arg0: i32, %arg1: i32, %arg2: memref<200x4096xi32, #tpu.memory_space<hbm>>, %arg3: memref<500000x128xf32, #tpu.memory_space<hbm>>, %arg4: memref<200x64x4096xf32, #tpu.memory_space<hbm>>, %arg5: memref<200x128xi32, #tpu.memory_space<vmem>>, %arg6: memref<128xi32, #tpu.memory_space<vmem>>, %arg7: memref<128xi32, #tpu.memory_space<vmem>>, %arg8: memref<128x128xf32, #tpu.memory_space<vmem>>, %arg9: memref<128x128xf32, #tpu.memory_space<vmem>>, %arg10: memref<64x128xf32, #tpu.memory_space<vmem>>, %arg11: memref<64x128xf32, #tpu.memory_space<vmem>>, %arg12: memref<!tpu.dma_semaphore, #tpu.memory_space<semaphore_mem>>, %arg13: memref<!tpu.dma_semaphore, #tpu.memory_space<semaphore_mem>>, %arg14: memref<!tpu.dma_semaphore, #tpu.memory_space<semaphore_mem>>, %arg15: memref<!tpu.dma_semaphore, #tpu.memory_space<semaphore_mem>>) attributes {dimension_semantics = [#tpu.dimension_semantics<core_parallel>, #tpu.dimension_semantics<subcore_parallel>], iteration_bounds = array<i64: 2, 16>, scalar_prefetch = 0 : i64, scratch_operands = 11 : i64, tpu.core_type = #tpu.core_type<sc_vector_subcore>, window_params = [{transform_indices = #map}, {transform_indices = #map}, {transform_indices = #map1}]} {
    %mul3A = arith.constant 2 : i32
    %mul3A_0 = arith.muli %arg1, %mul3A : i32
    %add3A = arith.addi %mul3A_0, %arg0 : i32
    %mul3A_1 = arith.constant 128 : i32
    %mul3A_2 = arith.muli %add3A, %mul3A_1 : i32
    %iota3A = tpu.iota {dimensions = array<i32: 0>} : vector<16xi32>
    "tpu.region"() ({
      %run_scoped3A = tpu.sem_alloc : memref<!tpu.dma_semaphore, #tpu.memory_space<semaphore_mem>>
      %dma_start3A_35 = arith.constant 0 : i32
      %dma_start3A_36 = tpu.memref_slice %arg2[%dma_start3A_35, %mul3A_2] : memref<200x4096xi32, #tpu.memory_space<hbm>> -> memref<200x128xi32, #tpu.memory_space<hbm>>
      %dma_start3A_37 = arith.constant 0 : i32
      %dma_start3A_38 = tpu.memref_slice %arg2[%dma_start3A_37, %mul3A_2] : memref<200x4096xi32, #tpu.memory_space<hbm>> -> memref<200x128xi32, #tpu.memory_space<hbm>>
      tpu.enqueue_dma source(%dma_start3A_38 : memref<200x128xi32, #tpu.memory_space<hbm>>) target(%arg5 : memref<200x128xi32, #tpu.memory_space<vmem>>) target_semaphore(%run_scoped3A : memref<!tpu.dma_semaphore, #tpu.memory_space<semaphore_mem>>)
      %dma_wait3A_39 = arith.constant 0 : i32
      %dma_wait3A_40 = tpu.memref_slice %arg2[%dma_wait3A_39, %mul3A_2] : memref<200x4096xi32, #tpu.memory_space<hbm>> -> memref<200x128xi32, #tpu.memory_space<hbm>>
      %dma_wait3A_41 = arith.constant 0 : i32
      %dma_wait3A_42 = tpu.memref_slice %arg2[%dma_wait3A_41, %mul3A_2] : memref<200x4096xi32, #tpu.memory_space<hbm>> -> memref<200x128xi32, #tpu.memory_space<hbm>>
      tpu.wait_dma2 semaphore(%run_scoped3A : memref<!tpu.dma_semaphore, #tpu.memory_space<semaphore_mem>>) src(%dma_wait3A_42 : memref<200x128xi32, #tpu.memory_space<hbm>>) dst(%arg5 : memref<200x128xi32, #tpu.memory_space<vmem>>)
      tpu.yield
    }) : () -> ()
    %scan3A = arith.constant 0 : i32
    %scan3A_3 = arith.constant 8 : i32
    %scan3A_4 = arith.addi %scan3A, %scan3A_3 : i32
    %scan3A_5 = arith.constant 1 : i32
    scf.for %scan3A_35 = %scan3A to %scan3A_4 step %scan3A_5  : i32 {
      %mul3A_36 = arith.constant 1 : i32
      %mul3A_37 = arith.muli %scan3A_35, %mul3A_36 : i32
      %add3A_38 = arith.constant 0 : i32
      %add3A_39 = arith.addi %add3A_38, %mul3A_37 : i32
      %mul3A_40 = arith.constant 16 : i32
      %mul3A_41 = arith.muli %add3A_39, %mul3A_40 : i32
      %get3A = arith.constant 0 : i32
      %get3A_42 = arith.index_cast %get3A : i32 to index
      %get3A_43 = arith.index_cast %mul3A_41 : i32 to index
      %get3A_44 = tpu.vector_load %arg5[%get3A_42, %get3A_43] {strides = array<i32>} : memref<200x128xi32, #tpu.memory_space<vmem>>, vector<16xi32>,
      %shift_right_logical3A = arith.constant 1 : i32
      %shift_right_logical3A_45 = vector.broadcast %shift_right_logical3A : i32 to vector<16xi32>
      %shift_right_logical3A_46 = arith.shrui %get3A_44, %shift_right_logical3A_45 : vector<16xi32>
      %swap3A = arith.index_cast %mul3A_41 : i32 to index
      %swap3A_47 = tpu.vector_load %arg6[%swap3A] {strides = array<i32>} : memref<128xi32, #tpu.memory_space<vmem>>, vector<16xi32>,
      tpu.vector_store %arg6[%swap3A], %shift_right_logical3A_46 {strides = array<i32>} : memref<128xi32, #tpu.memory_space<vmem>>, vector<16xi32>,
    }
    %scan3A_6 = arith.constant 8 : i32
    %dma_start3A = arith.constant 0 : i32
    %dma_start3A_7 = arith.constant 0 : i32
    %dma_start3A_8 = tpu.memref_slice %arg3[%dma_start3A, %dma_start3A_7] : memref<500000x128xf32, #tpu.memory_space<hbm>> -> memref<500000x128xf32, #tpu.memory_space<hbm>>
    tpu.enqueue_indirect_dma source(%dma_start3A_8 : memref<500000x128xf32, #tpu.memory_space<hbm>>) target(%arg8 : memref<128x128xf32, #tpu.memory_space<vmem>>) offsets(%arg6 : memref<128xi32, #tpu.memory_space<vmem>>) semaphore(%arg12 : memref<!tpu.dma_semaphore, #tpu.memory_space<semaphore_mem>>)
    %scan3A_9 = arith.constant 0 : i32
    %scan3A_10 = arith.constant 8 : i32
    %scan3A_11 = arith.addi %scan3A_9, %scan3A_10 : i32
    %scan3A_12 = arith.constant 1 : i32
    scf.for %scan3A_35 = %scan3A_9 to %scan3A_11 step %scan3A_12  : i32 {
      %mul3A_36 = arith.constant 1 : i32
      %mul3A_37 = arith.muli %scan3A_35, %mul3A_36 : i32
      %add3A_38 = arith.constant 0 : i32
      %add3A_39 = arith.addi %add3A_38, %mul3A_37 : i32
      %mul3A_40 = arith.constant 16 : i32
      %mul3A_41 = arith.muli %add3A_39, %mul3A_40 : i32
      %get3A = arith.constant 1 : i32
      %get3A_42 = arith.index_cast %get3A : i32 to index
      %get3A_43 = arith.index_cast %mul3A_41 : i32 to index
      %get3A_44 = tpu.vector_load %arg5[%get3A_42, %get3A_43] {strides = array<i32>} : memref<200x128xi32, #tpu.memory_space<vmem>>, vector<16xi32>,
      %shift_right_logical3A = arith.constant 1 : i32
      %shift_right_logical3A_45 = vector.broadcast %shift_right_logical3A : i32 to vector<16xi32>
      %shift_right_logical3A_46 = arith.shrui %get3A_44, %shift_right_logical3A_45 : vector<16xi32>
      %swap3A = arith.index_cast %mul3A_41 : i32 to index
      %swap3A_47 = tpu.vector_load %arg7[%swap3A] {strides = array<i32>} : memref<128xi32, #tpu.memory_space<vmem>>, vector<16xi32>,
      tpu.vector_store %arg7[%swap3A], %shift_right_logical3A_46 {strides = array<i32>} : memref<128xi32, #tpu.memory_space<vmem>>, vector<16xi32>,
    }
    %scan3A_13 = arith.constant 8 : i32
    %dma_start3A_14 = arith.constant 0 : i32
    %dma_start3A_15 = arith.constant 0 : i32
    %dma_start3A_16 = tpu.memref_slice %arg3[%dma_start3A_14, %dma_start3A_15] : memref<500000x128xf32, #tpu.memory_space<hbm>> -> memref<500000x128xf32, #tpu.memory_space<hbm>>
    tpu.enqueue_indirect_dma source(%dma_start3A_16 : memref<500000x128xf32, #tpu.memory_space<hbm>>) target(%arg9 : memref<128x128xf32, #tpu.memory_space<vmem>>) offsets(%arg7 : memref<128xi32, #tpu.memory_space<vmem>>) semaphore(%arg13 : memref<!tpu.dma_semaphore, #tpu.memory_space<semaphore_mem>>)
    %scan3A_17 = arith.constant 0 : i32
    %scan3A_18 = arith.constant 100 : i32
    %scan3A_19 = arith.addi %scan3A_17, %scan3A_18 : i32
    %scan3A_20 = arith.constant 1 : i32
    scf.for %scan3A_35 = %scan3A_17 to %scan3A_19 step %scan3A_20  : i32 {
      %mul3A_36 = arith.constant 2 : i32
      %mul3A_37 = arith.muli %scan3A_35, %mul3A_36 : i32
      %add3A_38 = arith.constant 0 : i32
      %add3A_39 = arith.addi %add3A_38, %mul3A_37 : i32
      %add3A_40 = arith.constant 0 : i32
      %add3A_41 = arith.addi %add3A_39, %add3A_40 : i32
      %dma_wait3A_42 = arith.constant 0 : i32
      %dma_wait3A_43 = arith.constant 0 : i32
      %dma_wait3A_44 = tpu.memref_slice %arg3[%dma_wait3A_42, %dma_wait3A_43] : memref<500000x128xf32, #tpu.memory_space<hbm>> -> memref<500000x128xf32, #tpu.memory_space<hbm>>
      tpu.wait_indirect_dma semaphore(%arg12 : memref<!tpu.dma_semaphore, #tpu.memory_space<semaphore_mem>>) src(%dma_wait3A_44 : memref<500000x128xf32, #tpu.memory_space<hbm>>) dst(%arg8 : memref<128x128xf32, #tpu.memory_space<vmem>>)
      %ge3A = arith.constant 2 : i32
      %ge3A_45 = arith.cmpi sge, %add3A_41, %ge3A : i32
      %convert_element_type3A = arith.extui %ge3A_45 : i1 to i32
      %cond3A = arith.constant 0 : i32
      %cond3A_46 = arith.cmpi ne, %convert_element_type3A, %cond3A : i32
      scf.if %cond3A_46 {
        %sub3A = arith.constant 2 : i32
        %sub3A_162 = arith.subi %add3A_41, %sub3A : i32
        %dma_wait3A_163 = arith.constant 0 : i32
        %dma_wait3A_164 = tpu.memref_slice %arg4[%sub3A_162, %dma_wait3A_163, %mul3A_2] : memref<200x64x4096xf32, #tpu.memory_space<hbm>> -> memref<1x64x128xf32, #tpu.memory_space<hbm>>
        %dma_wait3A_165 = tpu.memref_squeeze %dma_wait3A_164 : memref<1x64x128xf32, #tpu.memory_space<hbm>> -> memref<64x128xf32, #tpu.memory_space<hbm>>
        %dma_wait3A_166 = arith.constant 0 : i32
        %dma_wait3A_167 = tpu.memref_slice %arg4[%sub3A_162, %dma_wait3A_166, %mul3A_2] : memref<200x64x4096xf32, #tpu.memory_space<hbm>> -> memref<1x64x128xf32, #tpu.memory_space<hbm>>
        %dma_wait3A_168 = tpu.memref_squeeze %dma_wait3A_167 : memref<1x64x128xf32, #tpu.memory_space<hbm>> -> memref<64x128xf32, #tpu.memory_space<hbm>>
        tpu.wait_dma2 semaphore(%arg14 : memref<!tpu.dma_semaphore, #tpu.memory_space<semaphore_mem>>) src(%arg10 : memref<64x128xf32, #tpu.memory_space<vmem>>) dst(%dma_wait3A_168 : memref<64x128xf32, #tpu.memory_space<hbm>>)
      } else {
      }
      %scan3A_47 = arith.constant 0 : i32
      %scan3A_48 = arith.constant 16 : i32
      %scan3A_49 = arith.addi %scan3A_47, %scan3A_48 : i32
      %scan3A_50 = arith.constant 1 : i32
      scf.for %scan3A_162 = %scan3A_47 to %scan3A_49 step %scan3A_50  : i32 {
        %mul3A_163 = arith.constant 1 : i32
        %mul3A_164 = arith.muli %scan3A_162, %mul3A_163 : i32
        %add3A_165 = arith.constant 0 : i32
        %add3A_166 = arith.addi %add3A_165, %mul3A_164 : i32
        %add3A_167 = vector.broadcast %add3A_166 : i32 to vector<16xi32>
        %add3A_168 = arith.addi %iota3A, %add3A_167 : vector<16xi32>
        %and3A = arith.constant 15 : i32
        %and3A_169 = vector.broadcast %and3A : i32 to vector<16xi32>
        %and3A_170 = arith.andi %add3A_168, %and3A_169 : vector<16xi32>
        %add3A_171 = arith.constant 0 : i32
        %add3A_172 = vector.broadcast %add3A_171 : i32 to vector<16xi32>
        %add3A_173 = arith.addi %add3A_172, %and3A_170 : vector<16xi32>
        %gather3A = arith.constant 0 : i32
        %gather3A_174 = tpu.memref_slice %arg5[%add3A_41, %gather3A] : memref<200x128xi32, #tpu.memory_space<vmem>> -> memref<1x128xi32, #tpu.memory_space<vmem>>
        %gather3A_175 = tpu.memref_squeeze %gather3A_174 : memref<1x128xi32, #tpu.memory_space<vmem>> -> memref<128xi32, #tpu.memory_space<vmem>>
        %gather3A_176 = tpu.vector_load_idx %gather3A_175[%add3A_173] : memref<128xi32, #tpu.memory_space<vmem>>[vector<16xi32>], vector<16xi32>,
        %and3A_177 = arith.constant 1 : i32
        %and3A_178 = vector.broadcast %and3A_177 : i32 to vector<16xi32>
        %and3A_179 = arith.andi %gather3A_176, %and3A_178 : vector<16xi32>
        %mul3A_180 = arith.constant 64 : i32
        %mul3A_181 = vector.broadcast %mul3A_180 : i32 to vector<16xi32>
        %mul3A_182 = arith.muli %and3A_179, %mul3A_181 : vector<16xi32>
        %add3A_183 = arith.constant 0 : i32
        %add3A_184 = vector.broadcast %add3A_183 : i32 to vector<16xi32>
        %add3A_185 = arith.addi %add3A_184, %iota3A : vector<16xi32>
        %add3A_186 = arith.addi %mul3A_182, %add3A_185 : vector<16xi32>
        %gather3A_187 = tpu.vector_load_idx %arg8[%add3A_173, %add3A_186] : memref<128x128xf32, #tpu.memory_space<vmem>>[vector<16xi32>, vector<16xi32>], vector<16xf32>,
        tpu.vector_store_idx %arg10[%add3A_185, %add3A_173], %gather3A_187 : memref<64x128xf32, #tpu.memory_space<vmem>>[vector<16xi32>, vector<16xi32>], vector<16xf32>,
        %add3A_188 = arith.constant 16 : i32
        %add3A_189 = vector.broadcast %add3A_188 : i32 to vector<16xi32>
        %add3A_190 = arith.addi %add3A_189, %iota3A : vector<16xi32>
        %add3A_191 = arith.addi %mul3A_182, %add3A_190 : vector<16xi32>
        %gather3A_192 = tpu.vector_load_idx %arg8[%add3A_173, %add3A_191] : memref<128x128xf32, #tpu.memory_space<vmem>>[vector<16xi32>, vector<16xi32>], vector<16xf32>,
        tpu.vector_store_idx %arg10[%add3A_190, %add3A_173], %gather3A_192 : memref<64x128xf32, #tpu.memory_space<vmem>>[vector<16xi32>, vector<16xi32>], vector<16xf32>,
        %add3A_193 = arith.constant 32 : i32
        %add3A_194 = vector.broadcast %add3A_193 : i32 to vector<16xi32>
        %add3A_195 = arith.addi %add3A_194, %iota3A : vector<16xi32>
        %add3A_196 = arith.addi %mul3A_182, %add3A_195 : vector<16xi32>
        %gather3A_197 = tpu.vector_load_idx %arg8[%add3A_173, %add3A_196] : memref<128x128xf32, #tpu.memory_space<vmem>>[vector<16xi32>, vector<16xi32>], vector<16xf32>,
        tpu.vector_store_idx %arg10[%add3A_195, %add3A_173], %gather3A_197 : memref<64x128xf32, #tpu.memory_space<vmem>>[vector<16xi32>, vector<16xi32>], vector<16xf32>,
        %add3A_198 = arith.constant 48 : i32
        %add3A_199 = vector.broadcast %add3A_198 : i32 to vector<16xi32>
        %add3A_200 = arith.addi %add3A_199, %iota3A : vector<16xi32>
        %add3A_201 = arith.addi %mul3A_182, %add3A_200 : vector<16xi32>
        %gather3A_202 = tpu.vector_load_idx %arg8[%add3A_173, %add3A_201] : memref<128x128xf32, #tpu.memory_space<vmem>>[vector<16xi32>, vector<16xi32>], vector<16xf32>,
        tpu.vector_store_idx %arg10[%add3A_200, %add3A_173], %gather3A_202 : memref<64x128xf32, #tpu.memory_space<vmem>>[vector<16xi32>, vector<16xi32>], vector<16xf32>,
      }
      %scan3A_51 = arith.constant 16 : i32
      %scan3A_52 = arith.constant 0 : i32
      %scan3A_53 = arith.constant 16 : i32
      %scan3A_54 = arith.addi %scan3A_52, %scan3A_53 : i32
      %scan3A_55 = arith.constant 1 : i32
      scf.for %scan3A_162 = %scan3A_52 to %scan3A_54 step %scan3A_55  : i32 {
        %mul3A_163 = arith.constant 1 : i32
        %mul3A_164 = arith.muli %scan3A_162, %mul3A_163 : i32
        %add3A_165 = arith.constant 0 : i32
        %add3A_166 = arith.addi %add3A_165, %mul3A_164 : i32
        %add3A_167 = vector.broadcast %add3A_166 : i32 to vector<16xi32>
        %add3A_168 = arith.addi %iota3A, %add3A_167 : vector<16xi32>
        %and3A = arith.constant 15 : i32
        %and3A_169 = vector.broadcast %and3A : i32 to vector<16xi32>
        %and3A_170 = arith.andi %add3A_168, %and3A_169 : vector<16xi32>
        %add3A_171 = arith.constant 16 : i32
        %add3A_172 = vector.broadcast %add3A_171 : i32 to vector<16xi32>
        %add3A_173 = arith.addi %add3A_172, %and3A_170 : vector<16xi32>
        %gather3A = arith.constant 0 : i32
        %gather3A_174 = tpu.memref_slice %arg5[%add3A_41, %gather3A] : memref<200x128xi32, #tpu.memory_space<vmem>> -> memref<1x128xi32, #tpu.memory_space<vmem>>
        %gather3A_175 = tpu.memref_squeeze %gather3A_174 : memref<1x128xi32, #tpu.memory_space<vmem>> -> memref<128xi32, #tpu.memory_space<vmem>>
        %gather3A_176 = tpu.vector_load_idx %gather3A_175[%add3A_173] : memref<128xi32, #tpu.memory_space<vmem>>[vector<16xi32>], vector<16xi32>,
        %and3A_177 = arith.constant 1 : i32
        %and3A_178 = vector.broadcast %and3A_177 : i32 to vector<16xi32>
        %and3A_179 = arith.andi %gather3A_176, %and3A_178 : vector<16xi32>
        %mul3A_180 = arith.constant 64 : i32
        %mul3A_181 = vector.broadcast %mul3A_180 : i32 to vector<16xi32>
        %mul3A_182 = arith.muli %and3A_179, %mul3A_181 : vector<16xi32>
        %add3A_183 = arith.constant 0 : i32
        %add3A_184 = vector.broadcast %add3A_183 : i32 to vector<16xi32>
        %add3A_185 = arith.addi %add3A_184, %iota3A : vector<16xi32>
        %add3A_186 = arith.addi %mul3A_182, %add3A_185 : vector<16xi32>
        %gather3A_187 = tpu.vector_load_idx %arg8[%add3A_173, %add3A_186] : memref<128x128xf32, #tpu.memory_space<vmem>>[vector<16xi32>, vector<16xi32>], vector<16xf32>,
        tpu.vector_store_idx %arg10[%add3A_185, %add3A_173], %gather3A_187 : memref<64x128xf32, #tpu.memory_space<vmem>>[vector<16xi32>, vector<16xi32>], vector<16xf32>,
        %add3A_188 = arith.constant 16 : i32
        %add3A_189 = vector.broadcast %add3A_188 : i32 to vector<16xi32>
        %add3A_190 = arith.addi %add3A_189, %iota3A : vector<16xi32>
        %add3A_191 = arith.addi %mul3A_182, %add3A_190 : vector<16xi32>
        %gather3A_192 = tpu.vector_load_idx %arg8[%add3A_173, %add3A_191] : memref<128x128xf32, #tpu.memory_space<vmem>>[vector<16xi32>, vector<16xi32>], vector<16xf32>,
        tpu.vector_store_idx %arg10[%add3A_190, %add3A_173], %gather3A_192 : memref<64x128xf32, #tpu.memory_space<vmem>>[vector<16xi32>, vector<16xi32>], vector<16xf32>,
        %add3A_193 = arith.constant 32 : i32
        %add3A_194 = vector.broadcast %add3A_193 : i32 to vector<16xi32>
        %add3A_195 = arith.addi %add3A_194, %iota3A : vector<16xi32>
        %add3A_196 = arith.addi %mul3A_182, %add3A_195 : vector<16xi32>
        %gather3A_197 = tpu.vector_load_idx %arg8[%add3A_173, %add3A_196] : memref<128x128xf32, #tpu.memory_space<vmem>>[vector<16xi32>, vector<16xi32>], vector<16xf32>,
        tpu.vector_store_idx %arg10[%add3A_195, %add3A_173], %gather3A_197 : memref<64x128xf32, #tpu.memory_space<vmem>>[vector<16xi32>, vector<16xi32>], vector<16xf32>,
        %add3A_198 = arith.constant 48 : i32
        %add3A_199 = vector.broadcast %add3A_198 : i32 to vector<16xi32>
        %add3A_200 = arith.addi %add3A_199, %iota3A : vector<16xi32>
        %add3A_201 = arith.addi %mul3A_182, %add3A_200 : vector<16xi32>
        %gather3A_202 = tpu.vector_load_idx %arg8[%add3A_173, %add3A_201] : memref<128x128xf32, #tpu.memory_space<vmem>>[vector<16xi32>, vector<16xi32>], vector<16xf32>,
        tpu.vector_store_idx %arg10[%add3A_200, %add3A_173], %gather3A_202 : memref<64x128xf32, #tpu.memory_space<vmem>>[vector<16xi32>, vector<16xi32>], vector<16xf32>,
      }
      %scan3A_56 = arith.constant 16 : i32
      %scan3A_57 = arith.constant 0 : i32
      %scan3A_58 = arith.constant 16 : i32
      %scan3A_59 = arith.addi %scan3A_57, %scan3A_58 : i32
      %scan3A_60 = arith.constant 1 : i32
      scf.for %scan3A_162 = %scan3A_57 to %scan3A_59 step %scan3A_60  : i32 {
        %mul3A_163 = arith.constant 1 : i32
        %mul3A_164 = arith.muli %scan3A_162, %mul3A_163 : i32
        %add3A_165 = arith.constant 0 : i32
        %add3A_166 = arith.addi %add3A_165, %mul3A_164 : i32
        %add3A_167 = vector.broadcast %add3A_166 : i32 to vector<16xi32>
        %add3A_168 = arith.addi %iota3A, %add3A_167 : vector<16xi32>
        %and3A = arith.constant 15 : i32
        %and3A_169 = vector.broadcast %and3A : i32 to vector<16xi32>
        %and3A_170 = arith.andi %add3A_168, %and3A_169 : vector<16xi32>
        %add3A_171 = arith.constant 32 : i32
        %add3A_172 = vector.broadcast %add3A_171 : i32 to vector<16xi32>
        %add3A_173 = arith.addi %add3A_172, %and3A_170 : vector<16xi32>
        %gather3A = arith.constant 0 : i32
        %gather3A_174 = tpu.memref_slice %arg5[%add3A_41, %gather3A] : memref<200x128xi32, #tpu.memory_space<vmem>> -> memref<1x128xi32, #tpu.memory_space<vmem>>
        %gather3A_175 = tpu.memref_squeeze %gather3A_174 : memref<1x128xi32, #tpu.memory_space<vmem>> -> memref<128xi32, #tpu.memory_space<vmem>>
        %gather3A_176 = tpu.vector_load_idx %gather3A_175[%add3A_173] : memref<128xi32, #tpu.memory_space<vmem>>[vector<16xi32>], vector<16xi32>,
        %and3A_177 = arith.constant 1 : i32
        %and3A_178 = vector.broadcast %and3A_177 : i32 to vector<16xi32>
        %and3A_179 = arith.andi %gather3A_176, %and3A_178 : vector<16xi32>
        %mul3A_180 = arith.constant 64 : i32
        %mul3A_181 = vector.broadcast %mul3A_180 : i32 to vector<16xi32>
        %mul3A_182 = arith.muli %and3A_179, %mul3A_181 : vector<16xi32>
        %add3A_183 = arith.constant 0 : i32
        %add3A_184 = vector.broadcast %add3A_183 : i32 to vector<16xi32>
        %add3A_185 = arith.addi %add3A_184, %iota3A : vector<16xi32>
        %add3A_186 = arith.addi %mul3A_182, %add3A_185 : vector<16xi32>
        %gather3A_187 = tpu.vector_load_idx %arg8[%add3A_173, %add3A_186] : memref<128x128xf32, #tpu.memory_space<vmem>>[vector<16xi32>, vector<16xi32>], vector<16xf32>,
        tpu.vector_store_idx %arg10[%add3A_185, %add3A_173], %gather3A_187 : memref<64x128xf32, #tpu.memory_space<vmem>>[vector<16xi32>, vector<16xi32>], vector<16xf32>,
        %add3A_188 = arith.constant 16 : i32
        %add3A_189 = vector.broadcast %add3A_188 : i32 to vector<16xi32>
        %add3A_190 = arith.addi %add3A_189, %iota3A : vector<16xi32>
        %add3A_191 = arith.addi %mul3A_182, %add3A_190 : vector<16xi32>
        %gather3A_192 = tpu.vector_load_idx %arg8[%add3A_173, %add3A_191] : memref<128x128xf32, #tpu.memory_space<vmem>>[vector<16xi32>, vector<16xi32>], vector<16xf32>,
        tpu.vector_store_idx %arg10[%add3A_190, %add3A_173], %gather3A_192 : memref<64x128xf32, #tpu.memory_space<vmem>>[vector<16xi32>, vector<16xi32>], vector<16xf32>,
        %add3A_193 = arith.constant 32 : i32
        %add3A_194 = vector.broadcast %add3A_193 : i32 to vector<16xi32>
        %add3A_195 = arith.addi %add3A_194, %iota3A : vector<16xi32>
        %add3A_196 = arith.addi %mul3A_182, %add3A_195 : vector<16xi32>
        %gather3A_197 = tpu.vector_load_idx %arg8[%add3A_173, %add3A_196] : memref<128x128xf32, #tpu.memory_space<vmem>>[vector<16xi32>, vector<16xi32>], vector<16xf32>,
        tpu.vector_store_idx %arg10[%add3A_195, %add3A_173], %gather3A_197 : memref<64x128xf32, #tpu.memory_space<vmem>>[vector<16xi32>, vector<16xi32>], vector<16xf32>,
        %add3A_198 = arith.constant 48 : i32
        %add3A_199 = vector.broadcast %add3A_198 : i32 to vector<16xi32>
        %add3A_200 = arith.addi %add3A_199, %iota3A : vector<16xi32>
        %add3A_201 = arith.addi %mul3A_182, %add3A_200 : vector<16xi32>
        %gather3A_202 = tpu.vector_load_idx %arg8[%add3A_173, %add3A_201] : memref<128x128xf32, #tpu.memory_space<vmem>>[vector<16xi32>, vector<16xi32>], vector<16xf32>,
        tpu.vector_store_idx %arg10[%add3A_200, %add3A_173], %gather3A_202 : memref<64x128xf32, #tpu.memory_space<vmem>>[vector<16xi32>, vector<16xi32>], vector<16xf32>,
      }
      %scan3A_61 = arith.constant 16 : i32
      %scan3A_62 = arith.constant 0 : i32
      %scan3A_63 = arith.constant 16 : i32
      %scan3A_64 = arith.addi %scan3A_62, %scan3A_63 : i32
      %scan3A_65 = arith.constant 1 : i32
      scf.for %scan3A_162 = %scan3A_62 to %scan3A_64 step %scan3A_65  : i32 {
        %mul3A_163 = arith.constant 1 : i32
        %mul3A_164 = arith.muli %scan3A_162, %mul3A_163 : i32
        %add3A_165 = arith.constant 0 : i32
        %add3A_166 = arith.addi %add3A_165, %mul3A_164 : i32
        %add3A_167 = vector.broadcast %add3A_166 : i32 to vector<16xi32>
        %add3A_168 = arith.addi %iota3A, %add3A_167 : vector<16xi32>
        %and3A = arith.constant 15 : i32
        %and3A_169 = vector.broadcast %and3A : i32 to vector<16xi32>
        %and3A_170 = arith.andi %add3A_168, %and3A_169 : vector<16xi32>
        %add3A_171 = arith.constant 48 : i32
        %add3A_172 = vector.broadcast %add3A_171 : i32 to vector<16xi32>
        %add3A_173 = arith.addi %add3A_172, %and3A_170 : vector<16xi32>
        %gather3A = arith.constant 0 : i32
        %gather3A_174 = tpu.memref_slice %arg5[%add3A_41, %gather3A] : memref<200x128xi32, #tpu.memory_space<vmem>> -> memref<1x128xi32, #tpu.memory_space<vmem>>
        %gather3A_175 = tpu.memref_squeeze %gather3A_174 : memref<1x128xi32, #tpu.memory_space<vmem>> -> memref<128xi32, #tpu.memory_space<vmem>>
        %gather3A_176 = tpu.vector_load_idx %gather3A_175[%add3A_173] : memref<128xi32, #tpu.memory_space<vmem>>[vector<16xi32>], vector<16xi32>,
        %and3A_177 = arith.constant 1 : i32
        %and3A_178 = vector.broadcast %and3A_177 : i32 to vector<16xi32>
        %and3A_179 = arith.andi %gather3A_176, %and3A_178 : vector<16xi32>
        %mul3A_180 = arith.constant 64 : i32
        %mul3A_181 = vector.broadcast %mul3A_180 : i32 to vector<16xi32>
        %mul3A_182 = arith.muli %and3A_179, %mul3A_181 : vector<16xi32>
        %add3A_183 = arith.constant 0 : i32
        %add3A_184 = vector.broadcast %add3A_183 : i32 to vector<16xi32>
        %add3A_185 = arith.addi %add3A_184, %iota3A : vector<16xi32>
        %add3A_186 = arith.addi %mul3A_182, %add3A_185 : vector<16xi32>
        %gather3A_187 = tpu.vector_load_idx %arg8[%add3A_173, %add3A_186] : memref<128x128xf32, #tpu.memory_space<vmem>>[vector<16xi32>, vector<16xi32>], vector<16xf32>,
        tpu.vector_store_idx %arg10[%add3A_185, %add3A_173], %gather3A_187 : memref<64x128xf32, #tpu.memory_space<vmem>>[vector<16xi32>, vector<16xi32>], vector<16xf32>,
        %add3A_188 = arith.constant 16 : i32
        %add3A_189 = vector.broadcast %add3A_188 : i32 to vector<16xi32>
        %add3A_190 = arith.addi %add3A_189, %iota3A : vector<16xi32>
        %add3A_191 = arith.addi %mul3A_182, %add3A_190 : vector<16xi32>
        %gather3A_192 = tpu.vector_load_idx %arg8[%add3A_173, %add3A_191] : memref<128x128xf32, #tpu.memory_space<vmem>>[vector<16xi32>, vector<16xi32>], vector<16xf32>,
        tpu.vector_store_idx %arg10[%add3A_190, %add3A_173], %gather3A_192 : memref<64x128xf32, #tpu.memory_space<vmem>>[vector<16xi32>, vector<16xi32>], vector<16xf32>,
        %add3A_193 = arith.constant 32 : i32
        %add3A_194 = vector.broadcast %add3A_193 : i32 to vector<16xi32>
        %add3A_195 = arith.addi %add3A_194, %iota3A : vector<16xi32>
        %add3A_196 = arith.addi %mul3A_182, %add3A_195 : vector<16xi32>
        %gather3A_197 = tpu.vector_load_idx %arg8[%add3A_173, %add3A_196] : memref<128x128xf32, #tpu.memory_space<vmem>>[vector<16xi32>, vector<16xi32>], vector<16xf32>,
        tpu.vector_store_idx %arg10[%add3A_195, %add3A_173], %gather3A_197 : memref<64x128xf32, #tpu.memory_space<vmem>>[vector<16xi32>, vector<16xi32>], vector<16xf32>,
        %add3A_198 = arith.constant 48 : i32
        %add3A_199 = vector.broadcast %add3A_198 : i32 to vector<16xi32>
        %add3A_200 = arith.addi %add3A_199, %iota3A : vector<16xi32>
        %add3A_201 = arith.addi %mul3A_182, %add3A_200 : vector<16xi32>
        %gather3A_202 = tpu.vector_load_idx %arg8[%add3A_173, %add3A_201] : memref<128x128xf32, #tpu.memory_space<vmem>>[vector<16xi32>, vector<16xi32>], vector<16xf32>,
        tpu.vector_store_idx %arg10[%add3A_200, %add3A_173], %gather3A_202 : memref<64x128xf32, #tpu.memory_space<vmem>>[vector<16xi32>, vector<16xi32>], vector<16xf32>,
      }
      %scan3A_66 = arith.constant 16 : i32
      %scan3A_67 = arith.constant 0 : i32
      %scan3A_68 = arith.constant 16 : i32
      %scan3A_69 = arith.addi %scan3A_67, %scan3A_68 : i32
      %scan3A_70 = arith.constant 1 : i32
      scf.for %scan3A_162 = %scan3A_67 to %scan3A_69 step %scan3A_70  : i32 {
        %mul3A_163 = arith.constant 1 : i32
        %mul3A_164 = arith.muli %scan3A_162, %mul3A_163 : i32
        %add3A_165 = arith.constant 0 : i32
        %add3A_166 = arith.addi %add3A_165, %mul3A_164 : i32
        %add3A_167 = vector.broadcast %add3A_166 : i32 to vector<16xi32>
        %add3A_168 = arith.addi %iota3A, %add3A_167 : vector<16xi32>
        %and3A = arith.constant 15 : i32
        %and3A_169 = vector.broadcast %and3A : i32 to vector<16xi32>
        %and3A_170 = arith.andi %add3A_168, %and3A_169 : vector<16xi32>
        %add3A_171 = arith.constant 64 : i32
        %add3A_172 = vector.broadcast %add3A_171 : i32 to vector<16xi32>
        %add3A_173 = arith.addi %add3A_172, %and3A_170 : vector<16xi32>
        %gather3A = arith.constant 0 : i32
        %gather3A_174 = tpu.memref_slice %arg5[%add3A_41, %gather3A] : memref<200x128xi32, #tpu.memory_space<vmem>> -> memref<1x128xi32, #tpu.memory_space<vmem>>
        %gather3A_175 = tpu.memref_squeeze %gather3A_174 : memref<1x128xi32, #tpu.memory_space<vmem>> -> memref<128xi32, #tpu.memory_space<vmem>>
        %gather3A_176 = tpu.vector_load_idx %gather3A_175[%add3A_173] : memref<128xi32, #tpu.memory_space<vmem>>[vector<16xi32>], vector<16xi32>,
        %and3A_177 = arith.constant 1 : i32
        %and3A_178 = vector.broadcast %and3A_177 : i32 to vector<16xi32>
        %and3A_179 = arith.andi %gather3A_176, %and3A_178 : vector<16xi32>
        %mul3A_180 = arith.constant 64 : i32
        %mul3A_181 = vector.broadcast %mul3A_180 : i32 to vector<16xi32>
        %mul3A_182 = arith.muli %and3A_179, %mul3A_181 : vector<16xi32>
        %add3A_183 = arith.constant 0 : i32
        %add3A_184 = vector.broadcast %add3A_183 : i32 to vector<16xi32>
        %add3A_185 = arith.addi %add3A_184, %iota3A : vector<16xi32>
        %add3A_186 = arith.addi %mul3A_182, %add3A_185 : vector<16xi32>
        %gather3A_187 = tpu.vector_load_idx %arg8[%add3A_173, %add3A_186] : memref<128x128xf32, #tpu.memory_space<vmem>>[vector<16xi32>, vector<16xi32>], vector<16xf32>,
        tpu.vector_store_idx %arg10[%add3A_185, %add3A_173], %gather3A_187 : memref<64x128xf32, #tpu.memory_space<vmem>>[vector<16xi32>, vector<16xi32>], vector<16xf32>,
        %add3A_188 = arith.constant 16 : i32
        %add3A_189 = vector.broadcast %add3A_188 : i32 to vector<16xi32>
        %add3A_190 = arith.addi %add3A_189, %iota3A : vector<16xi32>
        %add3A_191 = arith.addi %mul3A_182, %add3A_190 : vector<16xi32>
        %gather3A_192 = tpu.vector_load_idx %arg8[%add3A_173, %add3A_191] : memref<128x128xf32, #tpu.memory_space<vmem>>[vector<16xi32>, vector<16xi32>], vector<16xf32>,
        tpu.vector_store_idx %arg10[%add3A_190, %add3A_173], %gather3A_192 : memref<64x128xf32, #tpu.memory_space<vmem>>[vector<16xi32>, vector<16xi32>], vector<16xf32>,
        %add3A_193 = arith.constant 32 : i32
        %add3A_194 = vector.broadcast %add3A_193 : i32 to vector<16xi32>
        %add3A_195 = arith.addi %add3A_194, %iota3A : vector<16xi32>
        %add3A_196 = arith.addi %mul3A_182, %add3A_195 : vector<16xi32>
        %gather3A_197 = tpu.vector_load_idx %arg8[%add3A_173, %add3A_196] : memref<128x128xf32, #tpu.memory_space<vmem>>[vector<16xi32>, vector<16xi32>], vector<16xf32>,
        tpu.vector_store_idx %arg10[%add3A_195, %add3A_173], %gather3A_197 : memref<64x128xf32, #tpu.memory_space<vmem>>[vector<16xi32>, vector<16xi32>], vector<16xf32>,
        %add3A_198 = arith.constant 48 : i32
        %add3A_199 = vector.broadcast %add3A_198 : i32 to vector<16xi32>
        %add3A_200 = arith.addi %add3A_199, %iota3A : vector<16xi32>
        %add3A_201 = arith.addi %mul3A_182, %add3A_200 : vector<16xi32>
        %gather3A_202 = tpu.vector_load_idx %arg8[%add3A_173, %add3A_201] : memref<128x128xf32, #tpu.memory_space<vmem>>[vector<16xi32>, vector<16xi32>], vector<16xf32>,
        tpu.vector_store_idx %arg10[%add3A_200, %add3A_173], %gather3A_202 : memref<64x128xf32, #tpu.memory_space<vmem>>[vector<16xi32>, vector<16xi32>], vector<16xf32>,
      }
      %scan3A_71 = arith.constant 16 : i32
      %scan3A_72 = arith.constant 0 : i32
      %scan3A_73 = arith.constant 16 : i32
      %scan3A_74 = arith.addi %scan3A_72, %scan3A_73 : i32
      %scan3A_75 = arith.constant 1 : i32
      scf.for %scan3A_162 = %scan3A_72 to %scan3A_74 step %scan3A_75  : i32 {
        %mul3A_163 = arith.constant 1 : i32
        %mul3A_164 = arith.muli %scan3A_162, %mul3A_163 : i32
        %add3A_165 = arith.constant 0 : i32
        %add3A_166 = arith.addi %add3A_165, %mul3A_164 : i32
        %add3A_167 = vector.broadcast %add3A_166 : i32 to vector<16xi32>
        %add3A_168 = arith.addi %iota3A, %add3A_167 : vector<16xi32>
        %and3A = arith.constant 15 : i32
        %and3A_169 = vector.broadcast %and3A : i32 to vector<16xi32>
        %and3A_170 = arith.andi %add3A_168, %and3A_169 : vector<16xi32>
        %add3A_171 = arith.constant 80 : i32
        %add3A_172 = vector.broadcast %add3A_171 : i32 to vector<16xi32>
        %add3A_173 = arith.addi %add3A_172, %and3A_170 : vector<16xi32>
        %gather3A = arith.constant 0 : i32
        %gather3A_174 = tpu.memref_slice %arg5[%add3A_41, %gather3A] : memref<200x128xi32, #tpu.memory_space<vmem>> -> memref<1x128xi32, #tpu.memory_space<vmem>>
        %gather3A_175 = tpu.memref_squeeze %gather3A_174 : memref<1x128xi32, #tpu.memory_space<vmem>> -> memref<128xi32, #tpu.memory_space<vmem>>
        %gather3A_176 = tpu.vector_load_idx %gather3A_175[%add3A_173] : memref<128xi32, #tpu.memory_space<vmem>>[vector<16xi32>], vector<16xi32>,
        %and3A_177 = arith.constant 1 : i32
        %and3A_178 = vector.broadcast %and3A_177 : i32 to vector<16xi32>
        %and3A_179 = arith.andi %gather3A_176, %and3A_178 : vector<16xi32>
        %mul3A_180 = arith.constant 64 : i32
        %mul3A_181 = vector.broadcast %mul3A_180 : i32 to vector<16xi32>
        %mul3A_182 = arith.muli %and3A_179, %mul3A_181 : vector<16xi32>
        %add3A_183 = arith.constant 0 : i32
        %add3A_184 = vector.broadcast %add3A_183 : i32 to vector<16xi32>
        %add3A_185 = arith.addi %add3A_184, %iota3A : vector<16xi32>
        %add3A_186 = arith.addi %mul3A_182, %add3A_185 : vector<16xi32>
        %gather3A_187 = tpu.vector_load_idx %arg8[%add3A_173, %add3A_186] : memref<128x128xf32, #tpu.memory_space<vmem>>[vector<16xi32>, vector<16xi32>], vector<16xf32>,
        tpu.vector_store_idx %arg10[%add3A_185, %add3A_173], %gather3A_187 : memref<64x128xf32, #tpu.memory_space<vmem>>[vector<16xi32>, vector<16xi32>], vector<16xf32>,
        %add3A_188 = arith.constant 16 : i32
        %add3A_189 = vector.broadcast %add3A_188 : i32 to vector<16xi32>
        %add3A_190 = arith.addi %add3A_189, %iota3A : vector<16xi32>
        %add3A_191 = arith.addi %mul3A_182, %add3A_190 : vector<16xi32>
        %gather3A_192 = tpu.vector_load_idx %arg8[%add3A_173, %add3A_191] : memref<128x128xf32, #tpu.memory_space<vmem>>[vector<16xi32>, vector<16xi32>], vector<16xf32>,
        tpu.vector_store_idx %arg10[%add3A_190, %add3A_173], %gather3A_192 : memref<64x128xf32, #tpu.memory_space<vmem>>[vector<16xi32>, vector<16xi32>], vector<16xf32>,
        %add3A_193 = arith.constant 32 : i32
        %add3A_194 = vector.broadcast %add3A_193 : i32 to vector<16xi32>
        %add3A_195 = arith.addi %add3A_194, %iota3A : vector<16xi32>
        %add3A_196 = arith.addi %mul3A_182, %add3A_195 : vector<16xi32>
        %gather3A_197 = tpu.vector_load_idx %arg8[%add3A_173, %add3A_196] : memref<128x128xf32, #tpu.memory_space<vmem>>[vector<16xi32>, vector<16xi32>], vector<16xf32>,
        tpu.vector_store_idx %arg10[%add3A_195, %add3A_173], %gather3A_197 : memref<64x128xf32, #tpu.memory_space<vmem>>[vector<16xi32>, vector<16xi32>], vector<16xf32>,
        %add3A_198 = arith.constant 48 : i32
        %add3A_199 = vector.broadcast %add3A_198 : i32 to vector<16xi32>
        %add3A_200 = arith.addi %add3A_199, %iota3A : vector<16xi32>
        %add3A_201 = arith.addi %mul3A_182, %add3A_200 : vector<16xi32>
        %gather3A_202 = tpu.vector_load_idx %arg8[%add3A_173, %add3A_201] : memref<128x128xf32, #tpu.memory_space<vmem>>[vector<16xi32>, vector<16xi32>], vector<16xf32>,
        tpu.vector_store_idx %arg10[%add3A_200, %add3A_173], %gather3A_202 : memref<64x128xf32, #tpu.memory_space<vmem>>[vector<16xi32>, vector<16xi32>], vector<16xf32>,
      }
      %scan3A_76 = arith.constant 16 : i32
      %scan3A_77 = arith.constant 0 : i32
      %scan3A_78 = arith.constant 16 : i32
      %scan3A_79 = arith.addi %scan3A_77, %scan3A_78 : i32
      %scan3A_80 = arith.constant 1 : i32
      scf.for %scan3A_162 = %scan3A_77 to %scan3A_79 step %scan3A_80  : i32 {
        %mul3A_163 = arith.constant 1 : i32
        %mul3A_164 = arith.muli %scan3A_162, %mul3A_163 : i32
        %add3A_165 = arith.constant 0 : i32
        %add3A_166 = arith.addi %add3A_165, %mul3A_164 : i32
        %add3A_167 = vector.broadcast %add3A_166 : i32 to vector<16xi32>
        %add3A_168 = arith.addi %iota3A, %add3A_167 : vector<16xi32>
        %and3A = arith.constant 15 : i32
        %and3A_169 = vector.broadcast %and3A : i32 to vector<16xi32>
        %and3A_170 = arith.andi %add3A_168, %and3A_169 : vector<16xi32>
        %add3A_171 = arith.constant 96 : i32
        %add3A_172 = vector.broadcast %add3A_171 : i32 to vector<16xi32>
        %add3A_173 = arith.addi %add3A_172, %and3A_170 : vector<16xi32>
        %gather3A = arith.constant 0 : i32
        %gather3A_174 = tpu.memref_slice %arg5[%add3A_41, %gather3A] : memref<200x128xi32, #tpu.memory_space<vmem>> -> memref<1x128xi32, #tpu.memory_space<vmem>>
        %gather3A_175 = tpu.memref_squeeze %gather3A_174 : memref<1x128xi32, #tpu.memory_space<vmem>> -> memref<128xi32, #tpu.memory_space<vmem>>
        %gather3A_176 = tpu.vector_load_idx %gather3A_175[%add3A_173] : memref<128xi32, #tpu.memory_space<vmem>>[vector<16xi32>], vector<16xi32>,
        %and3A_177 = arith.constant 1 : i32
        %and3A_178 = vector.broadcast %and3A_177 : i32 to vector<16xi32>
        %and3A_179 = arith.andi %gather3A_176, %and3A_178 : vector<16xi32>
        %mul3A_180 = arith.constant 64 : i32
        %mul3A_181 = vector.broadcast %mul3A_180 : i32 to vector<16xi32>
        %mul3A_182 = arith.muli %and3A_179, %mul3A_181 : vector<16xi32>
        %add3A_183 = arith.constant 0 : i32
        %add3A_184 = vector.broadcast %add3A_183 : i32 to vector<16xi32>
        %add3A_185 = arith.addi %add3A_184, %iota3A : vector<16xi32>
        %add3A_186 = arith.addi %mul3A_182, %add3A_185 : vector<16xi32>
        %gather3A_187 = tpu.vector_load_idx %arg8[%add3A_173, %add3A_186] : memref<128x128xf32, #tpu.memory_space<vmem>>[vector<16xi32>, vector<16xi32>], vector<16xf32>,
        tpu.vector_store_idx %arg10[%add3A_185, %add3A_173], %gather3A_187 : memref<64x128xf32, #tpu.memory_space<vmem>>[vector<16xi32>, vector<16xi32>], vector<16xf32>,
        %add3A_188 = arith.constant 16 : i32
        %add3A_189 = vector.broadcast %add3A_188 : i32 to vector<16xi32>
        %add3A_190 = arith.addi %add3A_189, %iota3A : vector<16xi32>
        %add3A_191 = arith.addi %mul3A_182, %add3A_190 : vector<16xi32>
        %gather3A_192 = tpu.vector_load_idx %arg8[%add3A_173, %add3A_191] : memref<128x128xf32, #tpu.memory_space<vmem>>[vector<16xi32>, vector<16xi32>], vector<16xf32>,
        tpu.vector_store_idx %arg10[%add3A_190, %add3A_173], %gather3A_192 : memref<64x128xf32, #tpu.memory_space<vmem>>[vector<16xi32>, vector<16xi32>], vector<16xf32>,
        %add3A_193 = arith.constant 32 : i32
        %add3A_194 = vector.broadcast %add3A_193 : i32 to vector<16xi32>
        %add3A_195 = arith.addi %add3A_194, %iota3A : vector<16xi32>
        %add3A_196 = arith.addi %mul3A_182, %add3A_195 : vector<16xi32>
        %gather3A_197 = tpu.vector_load_idx %arg8[%add3A_173, %add3A_196] : memref<128x128xf32, #tpu.memory_space<vmem>>[vector<16xi32>, vector<16xi32>], vector<16xf32>,
        tpu.vector_store_idx %arg10[%add3A_195, %add3A_173], %gather3A_197 : memref<64x128xf32, #tpu.memory_space<vmem>>[vector<16xi32>, vector<16xi32>], vector<16xf32>,
        %add3A_198 = arith.constant 48 : i32
        %add3A_199 = vector.broadcast %add3A_198 : i32 to vector<16xi32>
        %add3A_200 = arith.addi %add3A_199, %iota3A : vector<16xi32>
        %add3A_201 = arith.addi %mul3A_182, %add3A_200 : vector<16xi32>
        %gather3A_202 = tpu.vector_load_idx %arg8[%add3A_173, %add3A_201] : memref<128x128xf32, #tpu.memory_space<vmem>>[vector<16xi32>, vector<16xi32>], vector<16xf32>,
        tpu.vector_store_idx %arg10[%add3A_200, %add3A_173], %gather3A_202 : memref<64x128xf32, #tpu.memory_space<vmem>>[vector<16xi32>, vector<16xi32>], vector<16xf32>,
      }
      %scan3A_81 = arith.constant 16 : i32
      %scan3A_82 = arith.constant 0 : i32
      %scan3A_83 = arith.constant 16 : i32
      %scan3A_84 = arith.addi %scan3A_82, %scan3A_83 : i32
      %scan3A_85 = arith.constant 1 : i32
      scf.for %scan3A_162 = %scan3A_82 to %scan3A_84 step %scan3A_85  : i32 {
        %mul3A_163 = arith.constant 1 : i32
        %mul3A_164 = arith.muli %scan3A_162, %mul3A_163 : i32
        %add3A_165 = arith.constant 0 : i32
        %add3A_166 = arith.addi %add3A_165, %mul3A_164 : i32
        %add3A_167 = vector.broadcast %add3A_166 : i32 to vector<16xi32>
        %add3A_168 = arith.addi %iota3A, %add3A_167 : vector<16xi32>
        %and3A = arith.constant 15 : i32
        %and3A_169 = vector.broadcast %and3A : i32 to vector<16xi32>
        %and3A_170 = arith.andi %add3A_168, %and3A_169 : vector<16xi32>
        %add3A_171 = arith.constant 112 : i32
        %add3A_172 = vector.broadcast %add3A_171 : i32 to vector<16xi32>
        %add3A_173 = arith.addi %add3A_172, %and3A_170 : vector<16xi32>
        %gather3A = arith.constant 0 : i32
        %gather3A_174 = tpu.memref_slice %arg5[%add3A_41, %gather3A] : memref<200x128xi32, #tpu.memory_space<vmem>> -> memref<1x128xi32, #tpu.memory_space<vmem>>
        %gather3A_175 = tpu.memref_squeeze %gather3A_174 : memref<1x128xi32, #tpu.memory_space<vmem>> -> memref<128xi32, #tpu.memory_space<vmem>>
        %gather3A_176 = tpu.vector_load_idx %gather3A_175[%add3A_173] : memref<128xi32, #tpu.memory_space<vmem>>[vector<16xi32>], vector<16xi32>,
        %and3A_177 = arith.constant 1 : i32
        %and3A_178 = vector.broadcast %and3A_177 : i32 to vector<16xi32>
        %and3A_179 = arith.andi %gather3A_176, %and3A_178 : vector<16xi32>
        %mul3A_180 = arith.constant 64 : i32
        %mul3A_181 = vector.broadcast %mul3A_180 : i32 to vector<16xi32>
        %mul3A_182 = arith.muli %and3A_179, %mul3A_181 : vector<16xi32>
        %add3A_183 = arith.constant 0 : i32
        %add3A_184 = vector.broadcast %add3A_183 : i32 to vector<16xi32>
        %add3A_185 = arith.addi %add3A_184, %iota3A : vector<16xi32>
        %add3A_186 = arith.addi %mul3A_182, %add3A_185 : vector<16xi32>
        %gather3A_187 = tpu.vector_load_idx %arg8[%add3A_173, %add3A_186] : memref<128x128xf32, #tpu.memory_space<vmem>>[vector<16xi32>, vector<16xi32>], vector<16xf32>,
        tpu.vector_store_idx %arg10[%add3A_185, %add3A_173], %gather3A_187 : memref<64x128xf32, #tpu.memory_space<vmem>>[vector<16xi32>, vector<16xi32>], vector<16xf32>,
        %add3A_188 = arith.constant 16 : i32
        %add3A_189 = vector.broadcast %add3A_188 : i32 to vector<16xi32>
        %add3A_190 = arith.addi %add3A_189, %iota3A : vector<16xi32>
        %add3A_191 = arith.addi %mul3A_182, %add3A_190 : vector<16xi32>
        %gather3A_192 = tpu.vector_load_idx %arg8[%add3A_173, %add3A_191] : memref<128x128xf32, #tpu.memory_space<vmem>>[vector<16xi32>, vector<16xi32>], vector<16xf32>,
        tpu.vector_store_idx %arg10[%add3A_190, %add3A_173], %gather3A_192 : memref<64x128xf32, #tpu.memory_space<vmem>>[vector<16xi32>, vector<16xi32>], vector<16xf32>,
        %add3A_193 = arith.constant 32 : i32
        %add3A_194 = vector.broadcast %add3A_193 : i32 to vector<16xi32>
        %add3A_195 = arith.addi %add3A_194, %iota3A : vector<16xi32>
        %add3A_196 = arith.addi %mul3A_182, %add3A_195 : vector<16xi32>
        %gather3A_197 = tpu.vector_load_idx %arg8[%add3A_173, %add3A_196] : memref<128x128xf32, #tpu.memory_space<vmem>>[vector<16xi32>, vector<16xi32>], vector<16xf32>,
        tpu.vector_store_idx %arg10[%add3A_195, %add3A_173], %gather3A_197 : memref<64x128xf32, #tpu.memory_space<vmem>>[vector<16xi32>, vector<16xi32>], vector<16xf32>,
        %add3A_198 = arith.constant 48 : i32
        %add3A_199 = vector.broadcast %add3A_198 : i32 to vector<16xi32>
        %add3A_200 = arith.addi %add3A_199, %iota3A : vector<16xi32>
        %add3A_201 = arith.addi %mul3A_182, %add3A_200 : vector<16xi32>
        %gather3A_202 = tpu.vector_load_idx %arg8[%add3A_173, %add3A_201] : memref<128x128xf32, #tpu.memory_space<vmem>>[vector<16xi32>, vector<16xi32>], vector<16xf32>,
        tpu.vector_store_idx %arg10[%add3A_200, %add3A_173], %gather3A_202 : memref<64x128xf32, #tpu.memory_space<vmem>>[vector<16xi32>, vector<16xi32>], vector<16xf32>,
      }
      %scan3A_86 = arith.constant 16 : i32
      %dma_start3A_87 = arith.constant 0 : i32
      %dma_start3A_88 = tpu.memref_slice %arg4[%add3A_41, %dma_start3A_87, %mul3A_2] : memref<200x64x4096xf32, #tpu.memory_space<hbm>> -> memref<1x64x128xf32, #tpu.memory_space<hbm>>
      %dma_start3A_89 = tpu.memref_squeeze %dma_start3A_88 : memref<1x64x128xf32, #tpu.memory_space<hbm>> -> memref<64x128xf32, #tpu.memory_space<hbm>>
      %dma_start3A_90 = arith.constant 0 : i32
      %dma_start3A_91 = tpu.memref_slice %arg4[%add3A_41, %dma_start3A_90, %mul3A_2] : memref<200x64x4096xf32, #tpu.memory_space<hbm>> -> memref<1x64x128xf32, #tpu.memory_space<hbm>>
      %dma_start3A_92 = tpu.memref_squeeze %dma_start3A_91 : memref<1x64x128xf32, #tpu.memory_space<hbm>> -> memref<64x128xf32, #tpu.memory_space<hbm>>
      tpu.enqueue_dma source(%arg10 : memref<64x128xf32, #tpu.memory_space<vmem>>) target(%dma_start3A_92 : memref<64x128xf32, #tpu.memory_space<hbm>>) target_semaphore(%arg14 : memref<!tpu.dma_semaphore, #tpu.memory_space<semaphore_mem>>)
      %add3A_93 = arith.constant 2 : i32
      %add3A_94 = arith.addi %add3A_41, %add3A_93 : i32
      %lt3A = arith.constant 200 : i32
      %lt3A_95 = arith.cmpi slt, %add3A_94, %lt3A : i32
      %convert_element_type3A_96 = arith.extui %lt3A_95 : i1 to i32
      %cond3A_97 = arith.constant 0 : i32
      %cond3A_98 = arith.cmpi ne, %convert_element_type3A_96, %cond3A_97 : i32
      scf.if %cond3A_98 {
        %add3A_162 = arith.constant 2 : i32
        %add3A_163 = arith.addi %add3A_41, %add3A_162 : i32
        %scan3A_164 = arith.constant 0 : i32
        %scan3A_165 = arith.constant 8 : i32
        %scan3A_166 = arith.addi %scan3A_164, %scan3A_165 : i32
        %scan3A_167 = arith.constant 1 : i32
        scf.for %scan3A_172 = %scan3A_164 to %scan3A_166 step %scan3A_167  : i32 {
          %mul3A_173 = arith.constant 1 : i32
          %mul3A_174 = arith.muli %scan3A_172, %mul3A_173 : i32
          %add3A_175 = arith.constant 0 : i32
          %add3A_176 = arith.addi %add3A_175, %mul3A_174 : i32
          %mul3A_177 = arith.constant 16 : i32
          %mul3A_178 = arith.muli %add3A_176, %mul3A_177 : i32
          %get3A = arith.index_cast %add3A_163 : i32 to index
          %get3A_179 = arith.index_cast %mul3A_178 : i32 to index
          %get3A_180 = tpu.vector_load %arg5[%get3A, %get3A_179] {strides = array<i32>} : memref<200x128xi32, #tpu.memory_space<vmem>>, vector<16xi32>,
          %shift_right_logical3A = arith.constant 1 : i32
          %shift_right_logical3A_181 = vector.broadcast %shift_right_logical3A : i32 to vector<16xi32>
          %shift_right_logical3A_182 = arith.shrui %get3A_180, %shift_right_logical3A_181 : vector<16xi32>
          %swap3A = arith.index_cast %mul3A_178 : i32 to index
          %swap3A_183 = tpu.vector_load %arg6[%swap3A] {strides = array<i32>} : memref<128xi32, #tpu.memory_space<vmem>>, vector<16xi32>,
          tpu.vector_store %arg6[%swap3A], %shift_right_logical3A_182 {strides = array<i32>} : memref<128xi32, #tpu.memory_space<vmem>>, vector<16xi32>,
        }
        %scan3A_168 = arith.constant 8 : i32
        %dma_start3A_169 = arith.constant 0 : i32
        %dma_start3A_170 = arith.constant 0 : i32
        %dma_start3A_171 = tpu.memref_slice %arg3[%dma_start3A_169, %dma_start3A_170] : memref<500000x128xf32, #tpu.memory_space<hbm>> -> memref<500000x128xf32, #tpu.memory_space<hbm>>
        tpu.enqueue_indirect_dma source(%dma_start3A_171 : memref<500000x128xf32, #tpu.memory_space<hbm>>) target(%arg8 : memref<128x128xf32, #tpu.memory_space<vmem>>) offsets(%arg6 : memref<128xi32, #tpu.memory_space<vmem>>) semaphore(%arg12 : memref<!tpu.dma_semaphore, #tpu.memory_space<semaphore_mem>>)
      } else {
      }
      %add3A_99 = arith.constant 1 : i32
      %add3A_100 = arith.addi %add3A_39, %add3A_99 : i32
      %dma_wait3A_101 = arith.constant 0 : i32
      %dma_wait3A_102 = arith.constant 0 : i32
      %dma_wait3A_103 = tpu.memref_slice %arg3[%dma_wait3A_101, %dma_wait3A_102] : memref<500000x128xf32, #tpu.memory_space<hbm>> -> memref<500000x128xf32, #tpu.memory_space<hbm>>
      tpu.wait_indirect_dma semaphore(%arg13 : memref<!tpu.dma_semaphore, #tpu.memory_space<semaphore_mem>>) src(%dma_wait3A_103 : memref<500000x128xf32, #tpu.memory_space<hbm>>) dst(%arg9 : memref<128x128xf32, #tpu.memory_space<vmem>>)
      %ge3A_104 = arith.constant 2 : i32
      %ge3A_105 = arith.cmpi sge, %add3A_100, %ge3A_104 : i32
      %convert_element_type3A_106 = arith.extui %ge3A_105 : i1 to i32
      %cond3A_107 = arith.constant 0 : i32
      %cond3A_108 = arith.cmpi ne, %convert_element_type3A_106, %cond3A_107 : i32
      scf.if %cond3A_108 {
        %sub3A = arith.constant 2 : i32
        %sub3A_162 = arith.subi %add3A_100, %sub3A : i32
        %dma_wait3A_163 = arith.constant 0 : i32
        %dma_wait3A_164 = tpu.memref_slice %arg4[%sub3A_162, %dma_wait3A_163, %mul3A_2] : memref<200x64x4096xf32, #tpu.memory_space<hbm>> -> memref<1x64x128xf32, #tpu.memory_space<hbm>>
        %dma_wait3A_165 = tpu.memref_squeeze %dma_wait3A_164 : memref<1x64x128xf32, #tpu.memory_space<hbm>> -> memref<64x128xf32, #tpu.memory_space<hbm>>
        %dma_wait3A_166 = arith.constant 0 : i32
        %dma_wait3A_167 = tpu.memref_slice %arg4[%sub3A_162, %dma_wait3A_166, %mul3A_2] : memref<200x64x4096xf32, #tpu.memory_space<hbm>> -> memref<1x64x128xf32, #tpu.memory_space<hbm>>
        %dma_wait3A_168 = tpu.memref_squeeze %dma_wait3A_167 : memref<1x64x128xf32, #tpu.memory_space<hbm>> -> memref<64x128xf32, #tpu.memory_space<hbm>>
        tpu.wait_dma2 semaphore(%arg15 : memref<!tpu.dma_semaphore, #tpu.memory_space<semaphore_mem>>) src(%arg11 : memref<64x128xf32, #tpu.memory_space<vmem>>) dst(%dma_wait3A_168 : memref<64x128xf32, #tpu.memory_space<hbm>>)
      } else {
      }
      %scan3A_109 = arith.constant 0 : i32
      %scan3A_110 = arith.constant 16 : i32
      %scan3A_111 = arith.addi %scan3A_109, %scan3A_110 : i32
      %scan3A_112 = arith.constant 1 : i32
      scf.for %scan3A_162 = %scan3A_109 to %scan3A_111 step %scan3A_112  : i32 {
        %mul3A_163 = arith.constant 1 : i32
        %mul3A_164 = arith.muli %scan3A_162, %mul3A_163 : i32
        %add3A_165 = arith.constant 0 : i32
        %add3A_166 = arith.addi %add3A_165, %mul3A_164 : i32
        %add3A_167 = vector.broadcast %add3A_166 : i32 to vector<16xi32>
        %add3A_168 = arith.addi %iota3A, %add3A_167 : vector<16xi32>
        %and3A = arith.constant 15 : i32
        %and3A_169 = vector.broadcast %and3A : i32 to vector<16xi32>
        %and3A_170 = arith.andi %add3A_168, %and3A_169 : vector<16xi32>
        %add3A_171 = arith.constant 0 : i32
        %add3A_172 = vector.broadcast %add3A_171 : i32 to vector<16xi32>
        %add3A_173 = arith.addi %add3A_172, %and3A_170 : vector<16xi32>
        %gather3A = arith.constant 0 : i32
        %gather3A_174 = tpu.memref_slice %arg5[%add3A_100, %gather3A] : memref<200x128xi32, #tpu.memory_space<vmem>> -> memref<1x128xi32, #tpu.memory_space<vmem>>
        %gather3A_175 = tpu.memref_squeeze %gather3A_174 : memref<1x128xi32, #tpu.memory_space<vmem>> -> memref<128xi32, #tpu.memory_space<vmem>>
        %gather3A_176 = tpu.vector_load_idx %gather3A_175[%add3A_173] : memref<128xi32, #tpu.memory_space<vmem>>[vector<16xi32>], vector<16xi32>,
        %and3A_177 = arith.constant 1 : i32
        %and3A_178 = vector.broadcast %and3A_177 : i32 to vector<16xi32>
        %and3A_179 = arith.andi %gather3A_176, %and3A_178 : vector<16xi32>
        %mul3A_180 = arith.constant 64 : i32
        %mul3A_181 = vector.broadcast %mul3A_180 : i32 to vector<16xi32>
        %mul3A_182 = arith.muli %and3A_179, %mul3A_181 : vector<16xi32>
        %add3A_183 = arith.constant 0 : i32
        %add3A_184 = vector.broadcast %add3A_183 : i32 to vector<16xi32>
        %add3A_185 = arith.addi %add3A_184, %iota3A : vector<16xi32>
        %add3A_186 = arith.addi %mul3A_182, %add3A_185 : vector<16xi32>
        %gather3A_187 = tpu.vector_load_idx %arg9[%add3A_173, %add3A_186] : memref<128x128xf32, #tpu.memory_space<vmem>>[vector<16xi32>, vector<16xi32>], vector<16xf32>,
        tpu.vector_store_idx %arg11[%add3A_185, %add3A_173], %gather3A_187 : memref<64x128xf32, #tpu.memory_space<vmem>>[vector<16xi32>, vector<16xi32>], vector<16xf32>,
        %add3A_188 = arith.constant 16 : i32
        %add3A_189 = vector.broadcast %add3A_188 : i32 to vector<16xi32>
        %add3A_190 = arith.addi %add3A_189, %iota3A : vector<16xi32>
        %add3A_191 = arith.addi %mul3A_182, %add3A_190 : vector<16xi32>
        %gather3A_192 = tpu.vector_load_idx %arg9[%add3A_173, %add3A_191] : memref<128x128xf32, #tpu.memory_space<vmem>>[vector<16xi32>, vector<16xi32>], vector<16xf32>,
        tpu.vector_store_idx %arg11[%add3A_190, %add3A_173], %gather3A_192 : memref<64x128xf32, #tpu.memory_space<vmem>>[vector<16xi32>, vector<16xi32>], vector<16xf32>,
        %add3A_193 = arith.constant 32 : i32
        %add3A_194 = vector.broadcast %add3A_193 : i32 to vector<16xi32>
        %add3A_195 = arith.addi %add3A_194, %iota3A : vector<16xi32>
        %add3A_196 = arith.addi %mul3A_182, %add3A_195 : vector<16xi32>
        %gather3A_197 = tpu.vector_load_idx %arg9[%add3A_173, %add3A_196] : memref<128x128xf32, #tpu.memory_space<vmem>>[vector<16xi32>, vector<16xi32>], vector<16xf32>,
        tpu.vector_store_idx %arg11[%add3A_195, %add3A_173], %gather3A_197 : memref<64x128xf32, #tpu.memory_space<vmem>>[vector<16xi32>, vector<16xi32>], vector<16xf32>,
        %add3A_198 = arith.constant 48 : i32
        %add3A_199 = vector.broadcast %add3A_198 : i32 to vector<16xi32>
        %add3A_200 = arith.addi %add3A_199, %iota3A : vector<16xi32>
        %add3A_201 = arith.addi %mul3A_182, %add3A_200 : vector<16xi32>
        %gather3A_202 = tpu.vector_load_idx %arg9[%add3A_173, %add3A_201] : memref<128x128xf32, #tpu.memory_space<vmem>>[vector<16xi32>, vector<16xi32>], vector<16xf32>,
        tpu.vector_store_idx %arg11[%add3A_200, %add3A_173], %gather3A_202 : memref<64x128xf32, #tpu.memory_space<vmem>>[vector<16xi32>, vector<16xi32>], vector<16xf32>,
      }
      %scan3A_113 = arith.constant 16 : i32
      %scan3A_114 = arith.constant 0 : i32
      %scan3A_115 = arith.constant 16 : i32
      %scan3A_116 = arith.addi %scan3A_114, %scan3A_115 : i32
      %scan3A_117 = arith.constant 1 : i32
      scf.for %scan3A_162 = %scan3A_114 to %scan3A_116 step %scan3A_117  : i32 {
        %mul3A_163 = arith.constant 1 : i32
        %mul3A_164 = arith.muli %scan3A_162, %mul3A_163 : i32
        %add3A_165 = arith.constant 0 : i32
        %add3A_166 = arith.addi %add3A_165, %mul3A_164 : i32
        %add3A_167 = vector.broadcast %add3A_166 : i32 to vector<16xi32>
        %add3A_168 = arith.addi %iota3A, %add3A_167 : vector<16xi32>
        %and3A = arith.constant 15 : i32
        %and3A_169 = vector.broadcast %and3A : i32 to vector<16xi32>
        %and3A_170 = arith.andi %add3A_168, %and3A_169 : vector<16xi32>
        %add3A_171 = arith.constant 16 : i32
        %add3A_172 = vector.broadcast %add3A_171 : i32 to vector<16xi32>
        %add3A_173 = arith.addi %add3A_172, %and3A_170 : vector<16xi32>
        %gather3A = arith.constant 0 : i32
        %gather3A_174 = tpu.memref_slice %arg5[%add3A_100, %gather3A] : memref<200x128xi32, #tpu.memory_space<vmem>> -> memref<1x128xi32, #tpu.memory_space<vmem>>
        %gather3A_175 = tpu.memref_squeeze %gather3A_174 : memref<1x128xi32, #tpu.memory_space<vmem>> -> memref<128xi32, #tpu.memory_space<vmem>>
        %gather3A_176 = tpu.vector_load_idx %gather3A_175[%add3A_173] : memref<128xi32, #tpu.memory_space<vmem>>[vector<16xi32>], vector<16xi32>,
        %and3A_177 = arith.constant 1 : i32
        %and3A_178 = vector.broadcast %and3A_177 : i32 to vector<16xi32>
        %and3A_179 = arith.andi %gather3A_176, %and3A_178 : vector<16xi32>
        %mul3A_180 = arith.constant 64 : i32
        %mul3A_181 = vector.broadcast %mul3A_180 : i32 to vector<16xi32>
        %mul3A_182 = arith.muli %and3A_179, %mul3A_181 : vector<16xi32>
        %add3A_183 = arith.constant 0 : i32
        %add3A_184 = vector.broadcast %add3A_183 : i32 to vector<16xi32>
        %add3A_185 = arith.addi %add3A_184, %iota3A : vector<16xi32>
        %add3A_186 = arith.addi %mul3A_182, %add3A_185 : vector<16xi32>
        %gather3A_187 = tpu.vector_load_idx %arg9[%add3A_173, %add3A_186] : memref<128x128xf32, #tpu.memory_space<vmem>>[vector<16xi32>, vector<16xi32>], vector<16xf32>,
        tpu.vector_store_idx %arg11[%add3A_185, %add3A_173], %gather3A_187 : memref<64x128xf32, #tpu.memory_space<vmem>>[vector<16xi32>, vector<16xi32>], vector<16xf32>,
        %add3A_188 = arith.constant 16 : i32
        %add3A_189 = vector.broadcast %add3A_188 : i32 to vector<16xi32>
        %add3A_190 = arith.addi %add3A_189, %iota3A : vector<16xi32>
        %add3A_191 = arith.addi %mul3A_182, %add3A_190 : vector<16xi32>
        %gather3A_192 = tpu.vector_load_idx %arg9[%add3A_173, %add3A_191] : memref<128x128xf32, #tpu.memory_space<vmem>>[vector<16xi32>, vector<16xi32>], vector<16xf32>,
        tpu.vector_store_idx %arg11[%add3A_190, %add3A_173], %gather3A_192 : memref<64x128xf32, #tpu.memory_space<vmem>>[vector<16xi32>, vector<16xi32>], vector<16xf32>,
        %add3A_193 = arith.constant 32 : i32
        %add3A_194 = vector.broadcast %add3A_193 : i32 to vector<16xi32>
        %add3A_195 = arith.addi %add3A_194, %iota3A : vector<16xi32>
        %add3A_196 = arith.addi %mul3A_182, %add3A_195 : vector<16xi32>
        %gather3A_197 = tpu.vector_load_idx %arg9[%add3A_173, %add3A_196] : memref<128x128xf32, #tpu.memory_space<vmem>>[vector<16xi32>, vector<16xi32>], vector<16xf32>,
        tpu.vector_store_idx %arg11[%add3A_195, %add3A_173], %gather3A_197 : memref<64x128xf32, #tpu.memory_space<vmem>>[vector<16xi32>, vector<16xi32>], vector<16xf32>,
        %add3A_198 = arith.constant 48 : i32
        %add3A_199 = vector.broadcast %add3A_198 : i32 to vector<16xi32>
        %add3A_200 = arith.addi %add3A_199, %iota3A : vector<16xi32>
        %add3A_201 = arith.addi %mul3A_182, %add3A_200 : vector<16xi32>
        %gather3A_202 = tpu.vector_load_idx %arg9[%add3A_173, %add3A_201] : memref<128x128xf32, #tpu.memory_space<vmem>>[vector<16xi32>, vector<16xi32>], vector<16xf32>,
        tpu.vector_store_idx %arg11[%add3A_200, %add3A_173], %gather3A_202 : memref<64x128xf32, #tpu.memory_space<vmem>>[vector<16xi32>, vector<16xi32>], vector<16xf32>,
      }
      %scan3A_118 = arith.constant 16 : i32
      %scan3A_119 = arith.constant 0 : i32
      %scan3A_120 = arith.constant 16 : i32
      %scan3A_121 = arith.addi %scan3A_119, %scan3A_120 : i32
      %scan3A_122 = arith.constant 1 : i32
      scf.for %scan3A_162 = %scan3A_119 to %scan3A_121 step %scan3A_122  : i32 {
        %mul3A_163 = arith.constant 1 : i32
        %mul3A_164 = arith.muli %scan3A_162, %mul3A_163 : i32
        %add3A_165 = arith.constant 0 : i32
        %add3A_166 = arith.addi %add3A_165, %mul3A_164 : i32
        %add3A_167 = vector.broadcast %add3A_166 : i32 to vector<16xi32>
        %add3A_168 = arith.addi %iota3A, %add3A_167 : vector<16xi32>
        %and3A = arith.constant 15 : i32
        %and3A_169 = vector.broadcast %and3A : i32 to vector<16xi32>
        %and3A_170 = arith.andi %add3A_168, %and3A_169 : vector<16xi32>
        %add3A_171 = arith.constant 32 : i32
        %add3A_172 = vector.broadcast %add3A_171 : i32 to vector<16xi32>
        %add3A_173 = arith.addi %add3A_172, %and3A_170 : vector<16xi32>
        %gather3A = arith.constant 0 : i32
        %gather3A_174 = tpu.memref_slice %arg5[%add3A_100, %gather3A] : memref<200x128xi32, #tpu.memory_space<vmem>> -> memref<1x128xi32, #tpu.memory_space<vmem>>
        %gather3A_175 = tpu.memref_squeeze %gather3A_174 : memref<1x128xi32, #tpu.memory_space<vmem>> -> memref<128xi32, #tpu.memory_space<vmem>>
        %gather3A_176 = tpu.vector_load_idx %gather3A_175[%add3A_173] : memref<128xi32, #tpu.memory_space<vmem>>[vector<16xi32>], vector<16xi32>,
        %and3A_177 = arith.constant 1 : i32
        %and3A_178 = vector.broadcast %and3A_177 : i32 to vector<16xi32>
        %and3A_179 = arith.andi %gather3A_176, %and3A_178 : vector<16xi32>
        %mul3A_180 = arith.constant 64 : i32
        %mul3A_181 = vector.broadcast %mul3A_180 : i32 to vector<16xi32>
        %mul3A_182 = arith.muli %and3A_179, %mul3A_181 : vector<16xi32>
        %add3A_183 = arith.constant 0 : i32
        %add3A_184 = vector.broadcast %add3A_183 : i32 to vector<16xi32>
        %add3A_185 = arith.addi %add3A_184, %iota3A : vector<16xi32>
        %add3A_186 = arith.addi %mul3A_182, %add3A_185 : vector<16xi32>
        %gather3A_187 = tpu.vector_load_idx %arg9[%add3A_173, %add3A_186] : memref<128x128xf32, #tpu.memory_space<vmem>>[vector<16xi32>, vector<16xi32>], vector<16xf32>,
        tpu.vector_store_idx %arg11[%add3A_185, %add3A_173], %gather3A_187 : memref<64x128xf32, #tpu.memory_space<vmem>>[vector<16xi32>, vector<16xi32>], vector<16xf32>,
        %add3A_188 = arith.constant 16 : i32
        %add3A_189 = vector.broadcast %add3A_188 : i32 to vector<16xi32>
        %add3A_190 = arith.addi %add3A_189, %iota3A : vector<16xi32>
        %add3A_191 = arith.addi %mul3A_182, %add3A_190 : vector<16xi32>
        %gather3A_192 = tpu.vector_load_idx %arg9[%add3A_173, %add3A_191] : memref<128x128xf32, #tpu.memory_space<vmem>>[vector<16xi32>, vector<16xi32>], vector<16xf32>,
        tpu.vector_store_idx %arg11[%add3A_190, %add3A_173], %gather3A_192 : memref<64x128xf32, #tpu.memory_space<vmem>>[vector<16xi32>, vector<16xi32>], vector<16xf32>,
        %add3A_193 = arith.constant 32 : i32
        %add3A_194 = vector.broadcast %add3A_193 : i32 to vector<16xi32>
        %add3A_195 = arith.addi %add3A_194, %iota3A : vector<16xi32>
        %add3A_196 = arith.addi %mul3A_182, %add3A_195 : vector<16xi32>
        %gather3A_197 = tpu.vector_load_idx %arg9[%add3A_173, %add3A_196] : memref<128x128xf32, #tpu.memory_space<vmem>>[vector<16xi32>, vector<16xi32>], vector<16xf32>,
        tpu.vector_store_idx %arg11[%add3A_195, %add3A_173], %gather3A_197 : memref<64x128xf32, #tpu.memory_space<vmem>>[vector<16xi32>, vector<16xi32>], vector<16xf32>,
        %add3A_198 = arith.constant 48 : i32
        %add3A_199 = vector.broadcast %add3A_198 : i32 to vector<16xi32>
        %add3A_200 = arith.addi %add3A_199, %iota3A : vector<16xi32>
        %add3A_201 = arith.addi %mul3A_182, %add3A_200 : vector<16xi32>
        %gather3A_202 = tpu.vector_load_idx %arg9[%add3A_173, %add3A_201] : memref<128x128xf32, #tpu.memory_space<vmem>>[vector<16xi32>, vector<16xi32>], vector<16xf32>,
        tpu.vector_store_idx %arg11[%add3A_200, %add3A_173], %gather3A_202 : memref<64x128xf32, #tpu.memory_space<vmem>>[vector<16xi32>, vector<16xi32>], vector<16xf32>,
      }
      %scan3A_123 = arith.constant 16 : i32
      %scan3A_124 = arith.constant 0 : i32
      %scan3A_125 = arith.constant 16 : i32
      %scan3A_126 = arith.addi %scan3A_124, %scan3A_125 : i32
      %scan3A_127 = arith.constant 1 : i32
      scf.for %scan3A_162 = %scan3A_124 to %scan3A_126 step %scan3A_127  : i32 {
        %mul3A_163 = arith.constant 1 : i32
        %mul3A_164 = arith.muli %scan3A_162, %mul3A_163 : i32
        %add3A_165 = arith.constant 0 : i32
        %add3A_166 = arith.addi %add3A_165, %mul3A_164 : i32
        %add3A_167 = vector.broadcast %add3A_166 : i32 to vector<16xi32>
        %add3A_168 = arith.addi %iota3A, %add3A_167 : vector<16xi32>
        %and3A = arith.constant 15 : i32
        %and3A_169 = vector.broadcast %and3A : i32 to vector<16xi32>
        %and3A_170 = arith.andi %add3A_168, %and3A_169 : vector<16xi32>
        %add3A_171 = arith.constant 48 : i32
        %add3A_172 = vector.broadcast %add3A_171 : i32 to vector<16xi32>
        %add3A_173 = arith.addi %add3A_172, %and3A_170 : vector<16xi32>
        %gather3A = arith.constant 0 : i32
        %gather3A_174 = tpu.memref_slice %arg5[%add3A_100, %gather3A] : memref<200x128xi32, #tpu.memory_space<vmem>> -> memref<1x128xi32, #tpu.memory_space<vmem>>
        %gather3A_175 = tpu.memref_squeeze %gather3A_174 : memref<1x128xi32, #tpu.memory_space<vmem>> -> memref<128xi32, #tpu.memory_space<vmem>>
        %gather3A_176 = tpu.vector_load_idx %gather3A_175[%add3A_173] : memref<128xi32, #tpu.memory_space<vmem>>[vector<16xi32>], vector<16xi32>,
        %and3A_177 = arith.constant 1 : i32
        %and3A_178 = vector.broadcast %and3A_177 : i32 to vector<16xi32>
        %and3A_179 = arith.andi %gather3A_176, %and3A_178 : vector<16xi32>
        %mul3A_180 = arith.constant 64 : i32
        %mul3A_181 = vector.broadcast %mul3A_180 : i32 to vector<16xi32>
        %mul3A_182 = arith.muli %and3A_179, %mul3A_181 : vector<16xi32>
        %add3A_183 = arith.constant 0 : i32
        %add3A_184 = vector.broadcast %add3A_183 : i32 to vector<16xi32>
        %add3A_185 = arith.addi %add3A_184, %iota3A : vector<16xi32>
        %add3A_186 = arith.addi %mul3A_182, %add3A_185 : vector<16xi32>
        %gather3A_187 = tpu.vector_load_idx %arg9[%add3A_173, %add3A_186] : memref<128x128xf32, #tpu.memory_space<vmem>>[vector<16xi32>, vector<16xi32>], vector<16xf32>,
        tpu.vector_store_idx %arg11[%add3A_185, %add3A_173], %gather3A_187 : memref<64x128xf32, #tpu.memory_space<vmem>>[vector<16xi32>, vector<16xi32>], vector<16xf32>,
        %add3A_188 = arith.constant 16 : i32
        %add3A_189 = vector.broadcast %add3A_188 : i32 to vector<16xi32>
        %add3A_190 = arith.addi %add3A_189, %iota3A : vector<16xi32>
        %add3A_191 = arith.addi %mul3A_182, %add3A_190 : vector<16xi32>
        %gather3A_192 = tpu.vector_load_idx %arg9[%add3A_173, %add3A_191] : memref<128x128xf32, #tpu.memory_space<vmem>>[vector<16xi32>, vector<16xi32>], vector<16xf32>,
        tpu.vector_store_idx %arg11[%add3A_190, %add3A_173], %gather3A_192 : memref<64x128xf32, #tpu.memory_space<vmem>>[vector<16xi32>, vector<16xi32>], vector<16xf32>,
        %add3A_193 = arith.constant 32 : i32
        %add3A_194 = vector.broadcast %add3A_193 : i32 to vector<16xi32>
        %add3A_195 = arith.addi %add3A_194, %iota3A : vector<16xi32>
        %add3A_196 = arith.addi %mul3A_182, %add3A_195 : vector<16xi32>
        %gather3A_197 = tpu.vector_load_idx %arg9[%add3A_173, %add3A_196] : memref<128x128xf32, #tpu.memory_space<vmem>>[vector<16xi32>, vector<16xi32>], vector<16xf32>,
        tpu.vector_store_idx %arg11[%add3A_195, %add3A_173], %gather3A_197 : memref<64x128xf32, #tpu.memory_space<vmem>>[vector<16xi32>, vector<16xi32>], vector<16xf32>,
        %add3A_198 = arith.constant 48 : i32
        %add3A_199 = vector.broadcast %add3A_198 : i32 to vector<16xi32>
        %add3A_200 = arith.addi %add3A_199, %iota3A : vector<16xi32>
        %add3A_201 = arith.addi %mul3A_182, %add3A_200 : vector<16xi32>
        %gather3A_202 = tpu.vector_load_idx %arg9[%add3A_173, %add3A_201] : memref<128x128xf32, #tpu.memory_space<vmem>>[vector<16xi32>, vector<16xi32>], vector<16xf32>,
        tpu.vector_store_idx %arg11[%add3A_200, %add3A_173], %gather3A_202 : memref<64x128xf32, #tpu.memory_space<vmem>>[vector<16xi32>, vector<16xi32>], vector<16xf32>,
      }
      %scan3A_128 = arith.constant 16 : i32
      %scan3A_129 = arith.constant 0 : i32
      %scan3A_130 = arith.constant 16 : i32
      %scan3A_131 = arith.addi %scan3A_129, %scan3A_130 : i32
      %scan3A_132 = arith.constant 1 : i32
      scf.for %scan3A_162 = %scan3A_129 to %scan3A_131 step %scan3A_132  : i32 {
        %mul3A_163 = arith.constant 1 : i32
        %mul3A_164 = arith.muli %scan3A_162, %mul3A_163 : i32
        %add3A_165 = arith.constant 0 : i32
        %add3A_166 = arith.addi %add3A_165, %mul3A_164 : i32
        %add3A_167 = vector.broadcast %add3A_166 : i32 to vector<16xi32>
        %add3A_168 = arith.addi %iota3A, %add3A_167 : vector<16xi32>
        %and3A = arith.constant 15 : i32
        %and3A_169 = vector.broadcast %and3A : i32 to vector<16xi32>
        %and3A_170 = arith.andi %add3A_168, %and3A_169 : vector<16xi32>
        %add3A_171 = arith.constant 64 : i32
        %add3A_172 = vector.broadcast %add3A_171 : i32 to vector<16xi32>
        %add3A_173 = arith.addi %add3A_172, %and3A_170 : vector<16xi32>
        %gather3A = arith.constant 0 : i32
        %gather3A_174 = tpu.memref_slice %arg5[%add3A_100, %gather3A] : memref<200x128xi32, #tpu.memory_space<vmem>> -> memref<1x128xi32, #tpu.memory_space<vmem>>
        %gather3A_175 = tpu.memref_squeeze %gather3A_174 : memref<1x128xi32, #tpu.memory_space<vmem>> -> memref<128xi32, #tpu.memory_space<vmem>>
        %gather3A_176 = tpu.vector_load_idx %gather3A_175[%add3A_173] : memref<128xi32, #tpu.memory_space<vmem>>[vector<16xi32>], vector<16xi32>,
        %and3A_177 = arith.constant 1 : i32
        %and3A_178 = vector.broadcast %and3A_177 : i32 to vector<16xi32>
        %and3A_179 = arith.andi %gather3A_176, %and3A_178 : vector<16xi32>
        %mul3A_180 = arith.constant 64 : i32
        %mul3A_181 = vector.broadcast %mul3A_180 : i32 to vector<16xi32>
        %mul3A_182 = arith.muli %and3A_179, %mul3A_181 : vector<16xi32>
        %add3A_183 = arith.constant 0 : i32
        %add3A_184 = vector.broadcast %add3A_183 : i32 to vector<16xi32>
        %add3A_185 = arith.addi %add3A_184, %iota3A : vector<16xi32>
        %add3A_186 = arith.addi %mul3A_182, %add3A_185 : vector<16xi32>
        %gather3A_187 = tpu.vector_load_idx %arg9[%add3A_173, %add3A_186] : memref<128x128xf32, #tpu.memory_space<vmem>>[vector<16xi32>, vector<16xi32>], vector<16xf32>,
        tpu.vector_store_idx %arg11[%add3A_185, %add3A_173], %gather3A_187 : memref<64x128xf32, #tpu.memory_space<vmem>>[vector<16xi32>, vector<16xi32>], vector<16xf32>,
        %add3A_188 = arith.constant 16 : i32
        %add3A_189 = vector.broadcast %add3A_188 : i32 to vector<16xi32>
        %add3A_190 = arith.addi %add3A_189, %iota3A : vector<16xi32>
        %add3A_191 = arith.addi %mul3A_182, %add3A_190 : vector<16xi32>
        %gather3A_192 = tpu.vector_load_idx %arg9[%add3A_173, %add3A_191] : memref<128x128xf32, #tpu.memory_space<vmem>>[vector<16xi32>, vector<16xi32>], vector<16xf32>,
        tpu.vector_store_idx %arg11[%add3A_190, %add3A_173], %gather3A_192 : memref<64x128xf32, #tpu.memory_space<vmem>>[vector<16xi32>, vector<16xi32>], vector<16xf32>,
        %add3A_193 = arith.constant 32 : i32
        %add3A_194 = vector.broadcast %add3A_193 : i32 to vector<16xi32>
        %add3A_195 = arith.addi %add3A_194, %iota3A : vector<16xi32>
        %add3A_196 = arith.addi %mul3A_182, %add3A_195 : vector<16xi32>
        %gather3A_197 = tpu.vector_load_idx %arg9[%add3A_173, %add3A_196] : memref<128x128xf32, #tpu.memory_space<vmem>>[vector<16xi32>, vector<16xi32>], vector<16xf32>,
        tpu.vector_store_idx %arg11[%add3A_195, %add3A_173], %gather3A_197 : memref<64x128xf32, #tpu.memory_space<vmem>>[vector<16xi32>, vector<16xi32>], vector<16xf32>,
        %add3A_198 = arith.constant 48 : i32
        %add3A_199 = vector.broadcast %add3A_198 : i32 to vector<16xi32>
        %add3A_200 = arith.addi %add3A_199, %iota3A : vector<16xi32>
        %add3A_201 = arith.addi %mul3A_182, %add3A_200 : vector<16xi32>
        %gather3A_202 = tpu.vector_load_idx %arg9[%add3A_173, %add3A_201] : memref<128x128xf32, #tpu.memory_space<vmem>>[vector<16xi32>, vector<16xi32>], vector<16xf32>,
        tpu.vector_store_idx %arg11[%add3A_200, %add3A_173], %gather3A_202 : memref<64x128xf32, #tpu.memory_space<vmem>>[vector<16xi32>, vector<16xi32>], vector<16xf32>,
      }
      %scan3A_133 = arith.constant 16 : i32
      %scan3A_134 = arith.constant 0 : i32
      %scan3A_135 = arith.constant 16 : i32
      %scan3A_136 = arith.addi %scan3A_134, %scan3A_135 : i32
      %scan3A_137 = arith.constant 1 : i32
      scf.for %scan3A_162 = %scan3A_134 to %scan3A_136 step %scan3A_137  : i32 {
        %mul3A_163 = arith.constant 1 : i32
        %mul3A_164 = arith.muli %scan3A_162, %mul3A_163 : i32
        %add3A_165 = arith.constant 0 : i32
        %add3A_166 = arith.addi %add3A_165, %mul3A_164 : i32
        %add3A_167 = vector.broadcast %add3A_166 : i32 to vector<16xi32>
        %add3A_168 = arith.addi %iota3A, %add3A_167 : vector<16xi32>
        %and3A = arith.constant 15 : i32
        %and3A_169 = vector.broadcast %and3A : i32 to vector<16xi32>
        %and3A_170 = arith.andi %add3A_168, %and3A_169 : vector<16xi32>
        %add3A_171 = arith.constant 80 : i32
        %add3A_172 = vector.broadcast %add3A_171 : i32 to vector<16xi32>
        %add3A_173 = arith.addi %add3A_172, %and3A_170 : vector<16xi32>
        %gather3A = arith.constant 0 : i32
        %gather3A_174 = tpu.memref_slice %arg5[%add3A_100, %gather3A] : memref<200x128xi32, #tpu.memory_space<vmem>> -> memref<1x128xi32, #tpu.memory_space<vmem>>
        %gather3A_175 = tpu.memref_squeeze %gather3A_174 : memref<1x128xi32, #tpu.memory_space<vmem>> -> memref<128xi32, #tpu.memory_space<vmem>>
        %gather3A_176 = tpu.vector_load_idx %gather3A_175[%add3A_173] : memref<128xi32, #tpu.memory_space<vmem>>[vector<16xi32>], vector<16xi32>,
        %and3A_177 = arith.constant 1 : i32
        %and3A_178 = vector.broadcast %and3A_177 : i32 to vector<16xi32>
        %and3A_179 = arith.andi %gather3A_176, %and3A_178 : vector<16xi32>
        %mul3A_180 = arith.constant 64 : i32
        %mul3A_181 = vector.broadcast %mul3A_180 : i32 to vector<16xi32>
        %mul3A_182 = arith.muli %and3A_179, %mul3A_181 : vector<16xi32>
        %add3A_183 = arith.constant 0 : i32
        %add3A_184 = vector.broadcast %add3A_183 : i32 to vector<16xi32>
        %add3A_185 = arith.addi %add3A_184, %iota3A : vector<16xi32>
        %add3A_186 = arith.addi %mul3A_182, %add3A_185 : vector<16xi32>
        %gather3A_187 = tpu.vector_load_idx %arg9[%add3A_173, %add3A_186] : memref<128x128xf32, #tpu.memory_space<vmem>>[vector<16xi32>, vector<16xi32>], vector<16xf32>,
        tpu.vector_store_idx %arg11[%add3A_185, %add3A_173], %gather3A_187 : memref<64x128xf32, #tpu.memory_space<vmem>>[vector<16xi32>, vector<16xi32>], vector<16xf32>,
        %add3A_188 = arith.constant 16 : i32
        %add3A_189 = vector.broadcast %add3A_188 : i32 to vector<16xi32>
        %add3A_190 = arith.addi %add3A_189, %iota3A : vector<16xi32>
        %add3A_191 = arith.addi %mul3A_182, %add3A_190 : vector<16xi32>
        %gather3A_192 = tpu.vector_load_idx %arg9[%add3A_173, %add3A_191] : memref<128x128xf32, #tpu.memory_space<vmem>>[vector<16xi32>, vector<16xi32>], vector<16xf32>,
        tpu.vector_store_idx %arg11[%add3A_190, %add3A_173], %gather3A_192 : memref<64x128xf32, #tpu.memory_space<vmem>>[vector<16xi32>, vector<16xi32>], vector<16xf32>,
        %add3A_193 = arith.constant 32 : i32
        %add3A_194 = vector.broadcast %add3A_193 : i32 to vector<16xi32>
        %add3A_195 = arith.addi %add3A_194, %iota3A : vector<16xi32>
        %add3A_196 = arith.addi %mul3A_182, %add3A_195 : vector<16xi32>
        %gather3A_197 = tpu.vector_load_idx %arg9[%add3A_173, %add3A_196] : memref<128x128xf32, #tpu.memory_space<vmem>>[vector<16xi32>, vector<16xi32>], vector<16xf32>,
        tpu.vector_store_idx %arg11[%add3A_195, %add3A_173], %gather3A_197 : memref<64x128xf32, #tpu.memory_space<vmem>>[vector<16xi32>, vector<16xi32>], vector<16xf32>,
        %add3A_198 = arith.constant 48 : i32
        %add3A_199 = vector.broadcast %add3A_198 : i32 to vector<16xi32>
        %add3A_200 = arith.addi %add3A_199, %iota3A : vector<16xi32>
        %add3A_201 = arith.addi %mul3A_182, %add3A_200 : vector<16xi32>
        %gather3A_202 = tpu.vector_load_idx %arg9[%add3A_173, %add3A_201] : memref<128x128xf32, #tpu.memory_space<vmem>>[vector<16xi32>, vector<16xi32>], vector<16xf32>,
        tpu.vector_store_idx %arg11[%add3A_200, %add3A_173], %gather3A_202 : memref<64x128xf32, #tpu.memory_space<vmem>>[vector<16xi32>, vector<16xi32>], vector<16xf32>,
      }
      %scan3A_138 = arith.constant 16 : i32
      %scan3A_139 = arith.constant 0 : i32
      %scan3A_140 = arith.constant 16 : i32
      %scan3A_141 = arith.addi %scan3A_139, %scan3A_140 : i32
      %scan3A_142 = arith.constant 1 : i32
      scf.for %scan3A_162 = %scan3A_139 to %scan3A_141 step %scan3A_142  : i32 {
        %mul3A_163 = arith.constant 1 : i32
        %mul3A_164 = arith.muli %scan3A_162, %mul3A_163 : i32
        %add3A_165 = arith.constant 0 : i32
        %add3A_166 = arith.addi %add3A_165, %mul3A_164 : i32
        %add3A_167 = vector.broadcast %add3A_166 : i32 to vector<16xi32>
        %add3A_168 = arith.addi %iota3A, %add3A_167 : vector<16xi32>
        %and3A = arith.constant 15 : i32
        %and3A_169 = vector.broadcast %and3A : i32 to vector<16xi32>
        %and3A_170 = arith.andi %add3A_168, %and3A_169 : vector<16xi32>
        %add3A_171 = arith.constant 96 : i32
        %add3A_172 = vector.broadcast %add3A_171 : i32 to vector<16xi32>
        %add3A_173 = arith.addi %add3A_172, %and3A_170 : vector<16xi32>
        %gather3A = arith.constant 0 : i32
        %gather3A_174 = tpu.memref_slice %arg5[%add3A_100, %gather3A] : memref<200x128xi32, #tpu.memory_space<vmem>> -> memref<1x128xi32, #tpu.memory_space<vmem>>
        %gather3A_175 = tpu.memref_squeeze %gather3A_174 : memref<1x128xi32, #tpu.memory_space<vmem>> -> memref<128xi32, #tpu.memory_space<vmem>>
        %gather3A_176 = tpu.vector_load_idx %gather3A_175[%add3A_173] : memref<128xi32, #tpu.memory_space<vmem>>[vector<16xi32>], vector<16xi32>,
        %and3A_177 = arith.constant 1 : i32
        %and3A_178 = vector.broadcast %and3A_177 : i32 to vector<16xi32>
        %and3A_179 = arith.andi %gather3A_176, %and3A_178 : vector<16xi32>
        %mul3A_180 = arith.constant 64 : i32
        %mul3A_181 = vector.broadcast %mul3A_180 : i32 to vector<16xi32>
        %mul3A_182 = arith.muli %and3A_179, %mul3A_181 : vector<16xi32>
        %add3A_183 = arith.constant 0 : i32
        %add3A_184 = vector.broadcast %add3A_183 : i32 to vector<16xi32>
        %add3A_185 = arith.addi %add3A_184, %iota3A : vector<16xi32>
        %add3A_186 = arith.addi %mul3A_182, %add3A_185 : vector<16xi32>
        %gather3A_187 = tpu.vector_load_idx %arg9[%add3A_173, %add3A_186] : memref<128x128xf32, #tpu.memory_space<vmem>>[vector<16xi32>, vector<16xi32>], vector<16xf32>,
        tpu.vector_store_idx %arg11[%add3A_185, %add3A_173], %gather3A_187 : memref<64x128xf32, #tpu.memory_space<vmem>>[vector<16xi32>, vector<16xi32>], vector<16xf32>,
        %add3A_188 = arith.constant 16 : i32
        %add3A_189 = vector.broadcast %add3A_188 : i32 to vector<16xi32>
        %add3A_190 = arith.addi %add3A_189, %iota3A : vector<16xi32>
        %add3A_191 = arith.addi %mul3A_182, %add3A_190 : vector<16xi32>
        %gather3A_192 = tpu.vector_load_idx %arg9[%add3A_173, %add3A_191] : memref<128x128xf32, #tpu.memory_space<vmem>>[vector<16xi32>, vector<16xi32>], vector<16xf32>,
        tpu.vector_store_idx %arg11[%add3A_190, %add3A_173], %gather3A_192 : memref<64x128xf32, #tpu.memory_space<vmem>>[vector<16xi32>, vector<16xi32>], vector<16xf32>,
        %add3A_193 = arith.constant 32 : i32
        %add3A_194 = vector.broadcast %add3A_193 : i32 to vector<16xi32>
        %add3A_195 = arith.addi %add3A_194, %iota3A : vector<16xi32>
        %add3A_196 = arith.addi %mul3A_182, %add3A_195 : vector<16xi32>
        %gather3A_197 = tpu.vector_load_idx %arg9[%add3A_173, %add3A_196] : memref<128x128xf32, #tpu.memory_space<vmem>>[vector<16xi32>, vector<16xi32>], vector<16xf32>,
        tpu.vector_store_idx %arg11[%add3A_195, %add3A_173], %gather3A_197 : memref<64x128xf32, #tpu.memory_space<vmem>>[vector<16xi32>, vector<16xi32>], vector<16xf32>,
        %add3A_198 = arith.constant 48 : i32
        %add3A_199 = vector.broadcast %add3A_198 : i32 to vector<16xi32>
        %add3A_200 = arith.addi %add3A_199, %iota3A : vector<16xi32>
        %add3A_201 = arith.addi %mul3A_182, %add3A_200 : vector<16xi32>
        %gather3A_202 = tpu.vector_load_idx %arg9[%add3A_173, %add3A_201] : memref<128x128xf32, #tpu.memory_space<vmem>>[vector<16xi32>, vector<16xi32>], vector<16xf32>,
        tpu.vector_store_idx %arg11[%add3A_200, %add3A_173], %gather3A_202 : memref<64x128xf32, #tpu.memory_space<vmem>>[vector<16xi32>, vector<16xi32>], vector<16xf32>,
      }
      %scan3A_143 = arith.constant 16 : i32
      %scan3A_144 = arith.constant 0 : i32
      %scan3A_145 = arith.constant 16 : i32
      %scan3A_146 = arith.addi %scan3A_144, %scan3A_145 : i32
      %scan3A_147 = arith.constant 1 : i32
      scf.for %scan3A_162 = %scan3A_144 to %scan3A_146 step %scan3A_147  : i32 {
        %mul3A_163 = arith.constant 1 : i32
        %mul3A_164 = arith.muli %scan3A_162, %mul3A_163 : i32
        %add3A_165 = arith.constant 0 : i32
        %add3A_166 = arith.addi %add3A_165, %mul3A_164 : i32
        %add3A_167 = vector.broadcast %add3A_166 : i32 to vector<16xi32>
        %add3A_168 = arith.addi %iota3A, %add3A_167 : vector<16xi32>
        %and3A = arith.constant 15 : i32
        %and3A_169 = vector.broadcast %and3A : i32 to vector<16xi32>
        %and3A_170 = arith.andi %add3A_168, %and3A_169 : vector<16xi32>
        %add3A_171 = arith.constant 112 : i32
        %add3A_172 = vector.broadcast %add3A_171 : i32 to vector<16xi32>
        %add3A_173 = arith.addi %add3A_172, %and3A_170 : vector<16xi32>
        %gather3A = arith.constant 0 : i32
        %gather3A_174 = tpu.memref_slice %arg5[%add3A_100, %gather3A] : memref<200x128xi32, #tpu.memory_space<vmem>> -> memref<1x128xi32, #tpu.memory_space<vmem>>
        %gather3A_175 = tpu.memref_squeeze %gather3A_174 : memref<1x128xi32, #tpu.memory_space<vmem>> -> memref<128xi32, #tpu.memory_space<vmem>>
        %gather3A_176 = tpu.vector_load_idx %gather3A_175[%add3A_173] : memref<128xi32, #tpu.memory_space<vmem>>[vector<16xi32>], vector<16xi32>,
        %and3A_177 = arith.constant 1 : i32
        %and3A_178 = vector.broadcast %and3A_177 : i32 to vector<16xi32>
        %and3A_179 = arith.andi %gather3A_176, %and3A_178 : vector<16xi32>
        %mul3A_180 = arith.constant 64 : i32
        %mul3A_181 = vector.broadcast %mul3A_180 : i32 to vector<16xi32>
        %mul3A_182 = arith.muli %and3A_179, %mul3A_181 : vector<16xi32>
        %add3A_183 = arith.constant 0 : i32
        %add3A_184 = vector.broadcast %add3A_183 : i32 to vector<16xi32>
        %add3A_185 = arith.addi %add3A_184, %iota3A : vector<16xi32>
        %add3A_186 = arith.addi %mul3A_182, %add3A_185 : vector<16xi32>
        %gather3A_187 = tpu.vector_load_idx %arg9[%add3A_173, %add3A_186] : memref<128x128xf32, #tpu.memory_space<vmem>>[vector<16xi32>, vector<16xi32>], vector<16xf32>,
        tpu.vector_store_idx %arg11[%add3A_185, %add3A_173], %gather3A_187 : memref<64x128xf32, #tpu.memory_space<vmem>>[vector<16xi32>, vector<16xi32>], vector<16xf32>,
        %add3A_188 = arith.constant 16 : i32
        %add3A_189 = vector.broadcast %add3A_188 : i32 to vector<16xi32>
        %add3A_190 = arith.addi %add3A_189, %iota3A : vector<16xi32>
        %add3A_191 = arith.addi %mul3A_182, %add3A_190 : vector<16xi32>
        %gather3A_192 = tpu.vector_load_idx %arg9[%add3A_173, %add3A_191] : memref<128x128xf32, #tpu.memory_space<vmem>>[vector<16xi32>, vector<16xi32>], vector<16xf32>,
        tpu.vector_store_idx %arg11[%add3A_190, %add3A_173], %gather3A_192 : memref<64x128xf32, #tpu.memory_space<vmem>>[vector<16xi32>, vector<16xi32>], vector<16xf32>,
        %add3A_193 = arith.constant 32 : i32
        %add3A_194 = vector.broadcast %add3A_193 : i32 to vector<16xi32>
        %add3A_195 = arith.addi %add3A_194, %iota3A : vector<16xi32>
        %add3A_196 = arith.addi %mul3A_182, %add3A_195 : vector<16xi32>
        %gather3A_197 = tpu.vector_load_idx %arg9[%add3A_173, %add3A_196] : memref<128x128xf32, #tpu.memory_space<vmem>>[vector<16xi32>, vector<16xi32>], vector<16xf32>,
        tpu.vector_store_idx %arg11[%add3A_195, %add3A_173], %gather3A_197 : memref<64x128xf32, #tpu.memory_space<vmem>>[vector<16xi32>, vector<16xi32>], vector<16xf32>,
        %add3A_198 = arith.constant 48 : i32
        %add3A_199 = vector.broadcast %add3A_198 : i32 to vector<16xi32>
        %add3A_200 = arith.addi %add3A_199, %iota3A : vector<16xi32>
        %add3A_201 = arith.addi %mul3A_182, %add3A_200 : vector<16xi32>
        %gather3A_202 = tpu.vector_load_idx %arg9[%add3A_173, %add3A_201] : memref<128x128xf32, #tpu.memory_space<vmem>>[vector<16xi32>, vector<16xi32>], vector<16xf32>,
        tpu.vector_store_idx %arg11[%add3A_200, %add3A_173], %gather3A_202 : memref<64x128xf32, #tpu.memory_space<vmem>>[vector<16xi32>, vector<16xi32>], vector<16xf32>,
      }
      %scan3A_148 = arith.constant 16 : i32
      %dma_start3A_149 = arith.constant 0 : i32
      %dma_start3A_150 = tpu.memref_slice %arg4[%add3A_100, %dma_start3A_149, %mul3A_2] : memref<200x64x4096xf32, #tpu.memory_space<hbm>> -> memref<1x64x128xf32, #tpu.memory_space<hbm>>
      %dma_start3A_151 = tpu.memref_squeeze %dma_start3A_150 : memref<1x64x128xf32, #tpu.memory_space<hbm>> -> memref<64x128xf32, #tpu.memory_space<hbm>>
      %dma_start3A_152 = arith.constant 0 : i32
      %dma_start3A_153 = tpu.memref_slice %arg4[%add3A_100, %dma_start3A_152, %mul3A_2] : memref<200x64x4096xf32, #tpu.memory_space<hbm>> -> memref<1x64x128xf32, #tpu.memory_space<hbm>>
      %dma_start3A_154 = tpu.memref_squeeze %dma_start3A_153 : memref<1x64x128xf32, #tpu.memory_space<hbm>> -> memref<64x128xf32, #tpu.memory_space<hbm>>
      tpu.enqueue_dma source(%arg11 : memref<64x128xf32, #tpu.memory_space<vmem>>) target(%dma_start3A_154 : memref<64x128xf32, #tpu.memory_space<hbm>>) target_semaphore(%arg15 : memref<!tpu.dma_semaphore, #tpu.memory_space<semaphore_mem>>)
      %add3A_155 = arith.constant 2 : i32
      %add3A_156 = arith.addi %add3A_100, %add3A_155 : i32
      %lt3A_157 = arith.constant 200 : i32
      %lt3A_158 = arith.cmpi slt, %add3A_156, %lt3A_157 : i32
      %convert_element_type3A_159 = arith.extui %lt3A_158 : i1 to i32
      %cond3A_160 = arith.constant 0 : i32
      %cond3A_161 = arith.cmpi ne, %convert_element_type3A_159, %cond3A_160 : i32
      scf.if %cond3A_161 {
        %add3A_162 = arith.constant 2 : i32
        %add3A_163 = arith.addi %add3A_100, %add3A_162 : i32
        %scan3A_164 = arith.constant 0 : i32
        %scan3A_165 = arith.constant 8 : i32
        %scan3A_166 = arith.addi %scan3A_164, %scan3A_165 : i32
        %scan3A_167 = arith.constant 1 : i32
        scf.for %scan3A_172 = %scan3A_164 to %scan3A_166 step %scan3A_167  : i32 {
          %mul3A_173 = arith.constant 1 : i32
          %mul3A_174 = arith.muli %scan3A_172, %mul3A_173 : i32
          %add3A_175 = arith.constant 0 : i32
          %add3A_176 = arith.addi %add3A_175, %mul3A_174 : i32
          %mul3A_177 = arith.constant 16 : i32
          %mul3A_178 = arith.muli %add3A_176, %mul3A_177 : i32
          %get3A = arith.index_cast %add3A_163 : i32 to index
          %get3A_179 = arith.index_cast %mul3A_178 : i32 to index
          %get3A_180 = tpu.vector_load %arg5[%get3A, %get3A_179] {strides = array<i32>} : memref<200x128xi32, #tpu.memory_space<vmem>>, vector<16xi32>,
          %shift_right_logical3A = arith.constant 1 : i32
          %shift_right_logical3A_181 = vector.broadcast %shift_right_logical3A : i32 to vector<16xi32>
          %shift_right_logical3A_182 = arith.shrui %get3A_180, %shift_right_logical3A_181 : vector<16xi32>
          %swap3A = arith.index_cast %mul3A_178 : i32 to index
          %swap3A_183 = tpu.vector_load %arg7[%swap3A] {strides = array<i32>} : memref<128xi32, #tpu.memory_space<vmem>>, vector<16xi32>,
          tpu.vector_store %arg7[%swap3A], %shift_right_logical3A_182 {strides = array<i32>} : memref<128xi32, #tpu.memory_space<vmem>>, vector<16xi32>,
        }
        %scan3A_168 = arith.constant 8 : i32
        %dma_start3A_169 = arith.constant 0 : i32
        %dma_start3A_170 = arith.constant 0 : i32
        %dma_start3A_171 = tpu.memref_slice %arg3[%dma_start3A_169, %dma_start3A_170] : memref<500000x128xf32, #tpu.memory_space<hbm>> -> memref<500000x128xf32, #tpu.memory_space<hbm>>
        tpu.enqueue_indirect_dma source(%dma_start3A_171 : memref<500000x128xf32, #tpu.memory_space<hbm>>) target(%arg9 : memref<128x128xf32, #tpu.memory_space<vmem>>) offsets(%arg7 : memref<128xi32, #tpu.memory_space<vmem>>) semaphore(%arg13 : memref<!tpu.dma_semaphore, #tpu.memory_space<semaphore_mem>>)
      } else {
      }
    }
    %scan3A_21 = arith.constant 100 : i32
    %dma_wait3A = arith.constant 198 : i32
    %dma_wait3A_22 = arith.constant 0 : i32
    %dma_wait3A_23 = tpu.memref_slice %arg4[%dma_wait3A, %dma_wait3A_22, %mul3A_2] : memref<200x64x4096xf32, #tpu.memory_space<hbm>> -> memref<1x64x128xf32, #tpu.memory_space<hbm>>
    %dma_wait3A_24 = tpu.memref_squeeze %dma_wait3A_23 : memref<1x64x128xf32, #tpu.memory_space<hbm>> -> memref<64x128xf32, #tpu.memory_space<hbm>>
    %dma_wait3A_25 = arith.constant 0 : i32
    %dma_wait3A_26 = tpu.memref_slice %arg4[%dma_wait3A, %dma_wait3A_25, %mul3A_2] : memref<200x64x4096xf32, #tpu.memory_space<hbm>> -> memref<1x64x128xf32, #tpu.memory_space<hbm>>
    %dma_wait3A_27 = tpu.memref_squeeze %dma_wait3A_26 : memref<1x64x128xf32, #tpu.memory_space<hbm>> -> memref<64x128xf32, #tpu.memory_space<hbm>>
    tpu.wait_dma2 semaphore(%arg14 : memref<!tpu.dma_semaphore, #tpu.memory_space<semaphore_mem>>) src(%arg10 : memref<64x128xf32, #tpu.memory_space<vmem>>) dst(%dma_wait3A_27 : memref<64x128xf32, #tpu.memory_space<hbm>>)
    %dma_wait3A_28 = arith.constant 199 : i32
    %dma_wait3A_29 = arith.constant 0 : i32
    %dma_wait3A_30 = tpu.memref_slice %arg4[%dma_wait3A_28, %dma_wait3A_29, %mul3A_2] : memref<200x64x4096xf32, #tpu.memory_space<hbm>> -> memref<1x64x128xf32, #tpu.memory_space<hbm>>
    %dma_wait3A_31 = tpu.memref_squeeze %dma_wait3A_30 : memref<1x64x128xf32, #tpu.memory_space<hbm>> -> memref<64x128xf32, #tpu.memory_space<hbm>>
    %dma_wait3A_32 = arith.constant 0 : i32
    %dma_wait3A_33 = tpu.memref_slice %arg4[%dma_wait3A_28, %dma_wait3A_32, %mul3A_2] : memref<200x64x4096xf32, #tpu.memory_space<hbm>> -> memref<1x64x128xf32, #tpu.memory_space<hbm>>
    %dma_wait3A_34 = tpu.memref_squeeze %dma_wait3A_33 : memref<1x64x128xf32, #tpu.memory_space<hbm>> -> memref<64x128xf32, #tpu.memory_space<hbm>>
    tpu.wait_dma2 semaphore(%arg15 : memref<!tpu.dma_semaphore, #tpu.memory_space<semaphore_mem>>) src(%arg11 : memref<64x128xf32, #tpu.memory_space<vmem>>) dst(%dma_wait3A_34 : memref<64x128xf32, #tpu.memory_space<hbm>>)
    return
  }
}

#map = affine_map<(d0, d1) -> (0, 0)>
module attributes {stable_mosaic.version = 14 : i64} {
  func.func @k(%arg0: i32, %arg1: i32, %arg2: memref<64x1000000xf32, #tpu.memory_space<hbm>>, %arg3: memref<32x128xf32, #tpu.memory_space<hbm>>, %arg4: memref<500000x128xf32, #tpu.memory_space<hbm>>, %arg5: memref<64x128xf32, #tpu.memory_space<vmem>>, %arg6: memref<64x128xf32, #tpu.memory_space<vmem>>, %arg7: memref<64x128xf32, #tpu.memory_space<vmem>>, %arg8: memref<64x128xf32, #tpu.memory_space<vmem>>, %arg9: memref<!tpu.dma_semaphore, #tpu.memory_space<semaphore_mem>>, %arg10: memref<!tpu.dma_semaphore, #tpu.memory_space<semaphore_mem>>, %arg11: memref<!tpu.dma_semaphore, #tpu.memory_space<semaphore_mem>>, %arg12: memref<!tpu.dma_semaphore, #tpu.memory_space<semaphore_mem>>) attributes {dimension_semantics = [#tpu.dimension_semantics<core_parallel>, #tpu.dimension_semantics<subcore_parallel>], iteration_bounds = array<i64: 2, 16>, scalar_prefetch = 0 : i64, scratch_operands = 8 : i64, tpu.core_type = #tpu.core_type<sc_vector_subcore>, window_params = [{transform_indices = #map}, {transform_indices = #map}, {transform_indices = #map}]} {
    %mul3A = arith.constant 2 : i32
    %mul3A_0 = arith.muli %arg1, %mul3A : i32
    %add3A = arith.addi %mul3A_0, %arg0 : i32
    %iota3A = tpu.iota {dimensions = array<i32: 0>} : vector<16xi32>
    %sub3A = arith.constant 7812 : i32
    %sub3A_1 = arith.subi %sub3A, %add3A : i32
    %add3A_2 = arith.constant 32 : i32
    %add3A_3 = arith.addi %sub3A_1, %add3A_2 : i32
    %sub3A_4 = arith.constant 1 : i32
    %sub3A_5 = arith.subi %add3A_3, %sub3A_4 : i32
    %div3A = arith.constant 32 : i32
    %div3A_6 = arith.divsi %sub3A_5, %div3A : i32
    %add3A_7 = arith.constant 0 : i32
    %add3A_8 = arith.addi %add3A, %add3A_7 : i32
    %mul3A_9 = arith.constant 128 : i32
    %mul3A_10 = arith.muli %add3A_8, %mul3A_9 : i32
    %dma_start3A = arith.constant 0 : i32
    %dma_start3A_11 = tpu.memref_slice %arg2[%dma_start3A, %mul3A_10] : memref<64x1000000xf32, #tpu.memory_space<hbm>> -> memref<64x128xf32, #tpu.memory_space<hbm>>
    %dma_start3A_12 = arith.constant 0 : i32
    %dma_start3A_13 = tpu.memref_slice %arg2[%dma_start3A_12, %mul3A_10] : memref<64x1000000xf32, #tpu.memory_space<hbm>> -> memref<64x128xf32, #tpu.memory_space<hbm>>
    tpu.enqueue_dma source(%dma_start3A_13 : memref<64x128xf32, #tpu.memory_space<hbm>>) target(%arg5 : memref<64x128xf32, #tpu.memory_space<vmem>>) target_semaphore(%arg9 : memref<!tpu.dma_semaphore, #tpu.memory_space<semaphore_mem>>)
    %add3A_14 = arith.constant 32 : i32
    %add3A_15 = arith.addi %add3A, %add3A_14 : i32
    %mul3A_16 = arith.constant 128 : i32
    %mul3A_17 = arith.muli %add3A_15, %mul3A_16 : i32
    %dma_start3A_18 = arith.constant 0 : i32
    %dma_start3A_19 = tpu.memref_slice %arg2[%dma_start3A_18, %mul3A_17] : memref<64x1000000xf32, #tpu.memory_space<hbm>> -> memref<64x128xf32, #tpu.memory_space<hbm>>
    %dma_start3A_20 = arith.constant 0 : i32
    %dma_start3A_21 = tpu.memref_slice %arg2[%dma_start3A_20, %mul3A_17] : memref<64x1000000xf32, #tpu.memory_space<hbm>> -> memref<64x128xf32, #tpu.memory_space<hbm>>
    tpu.enqueue_dma source(%dma_start3A_21 : memref<64x128xf32, #tpu.memory_space<hbm>>) target(%arg6 : memref<64x128xf32, #tpu.memory_space<vmem>>) target_semaphore(%arg10 : memref<!tpu.dma_semaphore, #tpu.memory_space<semaphore_mem>>)
    %scan3A = arith.constant 0 : i32
    %scan3A_22 = arith.constant 123 : i32
    %scan3A_23 = arith.addi %scan3A, %scan3A_22 : i32
    %scan3A_24 = arith.constant 1 : i32
    scf.for %scan3A_103 = %scan3A to %scan3A_23 step %scan3A_24  : i32 {
      %mul3A_104 = arith.constant 1 : i32
      %mul3A_105 = arith.muli %scan3A_103, %mul3A_104 : i32
      %add3A_106 = arith.constant 0 : i32
      %add3A_107 = arith.addi %add3A_106, %mul3A_105 : i32
      %mul3A_108 = arith.constant 2 : i32
      %mul3A_109 = arith.muli %add3A_107, %mul3A_108 : i32
      %add3A_110 = arith.constant 0 : i32
      %add3A_111 = arith.addi %mul3A_109, %add3A_110 : i32
      %mul3A_112 = arith.constant 32 : i32
      %mul3A_113 = arith.muli %add3A_111, %mul3A_112 : i32
      %add3A_114 = arith.addi %add3A, %mul3A_113 : i32
      %lt3A = arith.cmpi slt, %add3A_111, %div3A_6 : i32
      %convert_element_type3A_115 = arith.extui %lt3A : i1 to i32
      %cond3A_116 = arith.constant 0 : i32
      %cond3A_117 = arith.cmpi ne, %convert_element_type3A_115, %cond3A_116 : i32
      scf.if %cond3A_117 {
        %mul3A_129 = arith.constant 128 : i32
        %mul3A_130 = arith.muli %add3A_114, %mul3A_129 : i32
        %dma_wait3A_131 = arith.constant 0 : i32
        %dma_wait3A_132 = tpu.memref_slice %arg2[%dma_wait3A_131, %mul3A_130] : memref<64x1000000xf32, #tpu.memory_space<hbm>> -> memref<64x128xf32, #tpu.memory_space<hbm>>
        %dma_wait3A_133 = arith.constant 0 : i32
        %dma_wait3A_134 = tpu.memref_slice %arg2[%dma_wait3A_133, %mul3A_130] : memref<64x1000000xf32, #tpu.memory_space<hbm>> -> memref<64x128xf32, #tpu.memory_space<hbm>>
        tpu.wait_dma2 semaphore(%arg9 : memref<!tpu.dma_semaphore, #tpu.memory_space<semaphore_mem>>) src(%dma_wait3A_134 : memref<64x128xf32, #tpu.memory_space<hbm>>) dst(%arg5 : memref<64x128xf32, #tpu.memory_space<vmem>>)
        %ge3A = arith.constant 2 : i32
        %ge3A_135 = arith.cmpi sge, %add3A_111, %ge3A : i32
        %convert_element_type3A_136 = arith.extui %ge3A_135 : i1 to i32
        %cond3A_137 = arith.constant 0 : i32
        %cond3A_138 = arith.cmpi ne, %convert_element_type3A_136, %cond3A_137 : i32
        scf.if %cond3A_138 {
          %sub3A_286 = arith.constant 64 : i32
          %sub3A_287 = arith.subi %add3A_114, %sub3A_286 : i32
          %mul3A_288 = arith.constant 64 : i32
          %mul3A_289 = arith.muli %sub3A_287, %mul3A_288 : i32
          %dma_wait3A_290 = arith.constant 0 : i32
          %dma_wait3A_291 = tpu.memref_slice %arg4[%mul3A_289, %dma_wait3A_290] : memref<500000x128xf32, #tpu.memory_space<hbm>> -> memref<64x128xf32, #tpu.memory_space<hbm>>
          %dma_wait3A_292 = arith.constant 0 : i32
          %dma_wait3A_293 = tpu.memref_slice %arg4[%mul3A_289, %dma_wait3A_292] : memref<500000x128xf32, #tpu.memory_space<hbm>> -> memref<64x128xf32, #tpu.memory_space<hbm>>
          tpu.wait_dma2 semaphore(%arg11 : memref<!tpu.dma_semaphore, #tpu.memory_space<semaphore_mem>>) src(%arg7 : memref<64x128xf32, #tpu.memory_space<vmem>>) dst(%dma_wait3A_293 : memref<64x128xf32, #tpu.memory_space<hbm>>)
        } else {
        }
        %add3A_139 = arith.constant 0 : i32
        %add3A_140 = vector.broadcast %add3A_139 : i32 to vector<16xi32>
        %add3A_141 = arith.addi %add3A_140, %iota3A : vector<16xi32>
        %shift_right_logical3A = arith.constant 1 : i32
        %shift_right_logical3A_142 = vector.broadcast %shift_right_logical3A : i32 to vector<16xi32>
        %shift_right_logical3A_143 = arith.shrui %add3A_141, %shift_right_logical3A_142 : vector<16xi32>
        %and3A_144 = arith.constant 1 : i32
        %and3A_145 = vector.broadcast %and3A_144 : i32 to vector<16xi32>
        %and3A_146 = arith.andi %add3A_141, %and3A_145 : vector<16xi32>
        %mul3A_147 = arith.constant 64 : i32
        %mul3A_148 = vector.broadcast %mul3A_147 : i32 to vector<16xi32>
        %mul3A_149 = arith.muli %and3A_146, %mul3A_148 : vector<16xi32>
        %scan3A_150 = arith.constant 0 : i32
        %scan3A_151 = arith.constant 16 : i32
        %scan3A_152 = arith.addi %scan3A_150, %scan3A_151 : i32
        %scan3A_153 = arith.constant 1 : i32
        scf.for %scan3A_286 = %scan3A_150 to %scan3A_152 step %scan3A_153  : i32 {
          %mul3A_287 = arith.constant 1 : i32
          %mul3A_288 = arith.muli %scan3A_286, %mul3A_287 : i32
          %add3A_289 = arith.constant 0 : i32
          %add3A_290 = arith.addi %add3A_289, %mul3A_288 : i32
          %add3A_291 = vector.broadcast %add3A_290 : i32 to vector<16xi32>
          %add3A_292 = arith.addi %iota3A, %add3A_291 : vector<16xi32>
          %and3A_293 = arith.constant 15 : i32
          %and3A_294 = vector.broadcast %and3A_293 : i32 to vector<16xi32>
          %and3A_295 = arith.andi %add3A_292, %and3A_294 : vector<16xi32>
          %add3A_296 = arith.constant 0 : i32
          %add3A_297 = vector.broadcast %add3A_296 : i32 to vector<16xi32>
          %add3A_298 = arith.addi %add3A_297, %and3A_295 : vector<16xi32>
          %gather3A = tpu.vector_load_idx %arg5[%add3A_298, %add3A_141] : memref<64x128xf32, #tpu.memory_space<vmem>>[vector<16xi32>, vector<16xi32>], vector<16xf32>,
          %mul3A_299 = arith.constant 8.000000e+00 : f32
          %mul3A_300 = vector.broadcast %mul3A_299 : f32 to vector<16xf32>
          %mul3A_301 = arith.mulf %gather3A, %mul3A_300 : vector<16xf32>
          %add3A_302 = arith.addi %mul3A_149, %add3A_298 : vector<16xi32>
          tpu.vector_store_idx %arg7[%shift_right_logical3A_143, %add3A_302], %mul3A_301 : memref<64x128xf32, #tpu.memory_space<vmem>>[vector<16xi32>, vector<16xi32>], vector<16xf32>,
          %add3A_303 = arith.constant 16 : i32
          %add3A_304 = vector.broadcast %add3A_303 : i32 to vector<16xi32>
          %add3A_305 = arith.addi %add3A_304, %and3A_295 : vector<16xi32>
          %gather3A_306 = tpu.vector_load_idx %arg5[%add3A_305, %add3A_141] : memref<64x128xf32, #tpu.memory_space<vmem>>[vector<16xi32>, vector<16xi32>], vector<16xf32>,
          %mul3A_307 = arith.constant 8.000000e+00 : f32
          %mul3A_308 = vector.broadcast %mul3A_307 : f32 to vector<16xf32>
          %mul3A_309 = arith.mulf %gather3A_306, %mul3A_308 : vector<16xf32>
          %add3A_310 = arith.addi %mul3A_149, %add3A_305 : vector<16xi32>
          tpu.vector_store_idx %arg7[%shift_right_logical3A_143, %add3A_310], %mul3A_309 : memref<64x128xf32, #tpu.memory_space<vmem>>[vector<16xi32>, vector<16xi32>], vector<16xf32>,
          %add3A_311 = arith.constant 32 : i32
          %add3A_312 = vector.broadcast %add3A_311 : i32 to vector<16xi32>
          %add3A_313 = arith.addi %add3A_312, %and3A_295 : vector<16xi32>
          %gather3A_314 = tpu.vector_load_idx %arg5[%add3A_313, %add3A_141] : memref<64x128xf32, #tpu.memory_space<vmem>>[vector<16xi32>, vector<16xi32>], vector<16xf32>,
          %mul3A_315 = arith.constant 8.000000e+00 : f32
          %mul3A_316 = vector.broadcast %mul3A_315 : f32 to vector<16xf32>
          %mul3A_317 = arith.mulf %gather3A_314, %mul3A_316 : vector<16xf32>
          %add3A_318 = arith.addi %mul3A_149, %add3A_313 : vector<16xi32>
          tpu.vector_store_idx %arg7[%shift_right_logical3A_143, %add3A_318], %mul3A_317 : memref<64x128xf32, #tpu.memory_space<vmem>>[vector<16xi32>, vector<16xi32>], vector<16xf32>,
          %add3A_319 = arith.constant 48 : i32
          %add3A_320 = vector.broadcast %add3A_319 : i32 to vector<16xi32>
          %add3A_321 = arith.addi %add3A_320, %and3A_295 : vector<16xi32>
          %gather3A_322 = tpu.vector_load_idx %arg5[%add3A_321, %add3A_141] : memref<64x128xf32, #tpu.memory_space<vmem>>[vector<16xi32>, vector<16xi32>], vector<16xf32>,
          %mul3A_323 = arith.constant 8.000000e+00 : f32
          %mul3A_324 = vector.broadcast %mul3A_323 : f32 to vector<16xf32>
          %mul3A_325 = arith.mulf %gather3A_322, %mul3A_324 : vector<16xf32>
          %add3A_326 = arith.addi %mul3A_149, %add3A_321 : vector<16xi32>
          tpu.vector_store_idx %arg7[%shift_right_logical3A_143, %add3A_326], %mul3A_325 : memref<64x128xf32, #tpu.memory_space<vmem>>[vector<16xi32>, vector<16xi32>], vector<16xf32>,
        }
        %scan3A_154 = arith.constant 16 : i32
        %add3A_155 = arith.constant 16 : i32
        %add3A_156 = vector.broadcast %add3A_155 : i32 to vector<16xi32>
        %add3A_157 = arith.addi %add3A_156, %iota3A : vector<16xi32>
        %shift_right_logical3A_158 = arith.constant 1 : i32
        %shift_right_logical3A_159 = vector.broadcast %shift_right_logical3A_158 : i32 to vector<16xi32>
        %shift_right_logical3A_160 = arith.shrui %add3A_157, %shift_right_logical3A_159 : vector<16xi32>
        %and3A_161 = arith.constant 1 : i32
        %and3A_162 = vector.broadcast %and3A_161 : i32 to vector<16xi32>
        %and3A_163 = arith.andi %add3A_157, %and3A_162 : vector<16xi32>
        %mul3A_164 = arith.constant 64 : i32
        %mul3A_165 = vector.broadcast %mul3A_164 : i32 to vector<16xi32>
        %mul3A_166 = arith.muli %and3A_163, %mul3A_165 : vector<16xi32>
        %scan3A_167 = arith.constant 0 : i32
        %scan3A_168 = arith.constant 16 : i32
        %scan3A_169 = arith.addi %scan3A_167, %scan3A_168 : i32
        %scan3A_170 = arith.constant 1 : i32
        scf.for %scan3A_286 = %scan3A_167 to %scan3A_169 step %scan3A_170  : i32 {
          %mul3A_287 = arith.constant 1 : i32
          %mul3A_288 = arith.muli %scan3A_286, %mul3A_287 : i32
          %add3A_289 = arith.constant 0 : i32
          %add3A_290 = arith.addi %add3A_289, %mul3A_288 : i32
          %add3A_291 = vector.broadcast %add3A_290 : i32 to vector<16xi32>
          %add3A_292 = arith.addi %iota3A, %add3A_291 : vector<16xi32>
          %and3A_293 = arith.constant 15 : i32
          %and3A_294 = vector.broadcast %and3A_293 : i32 to vector<16xi32>
          %and3A_295 = arith.andi %add3A_292, %and3A_294 : vector<16xi32>
          %add3A_296 = arith.constant 0 : i32
          %add3A_297 = vector.broadcast %add3A_296 : i32 to vector<16xi32>
          %add3A_298 = arith.addi %add3A_297, %and3A_295 : vector<16xi32>
          %gather3A = tpu.vector_load_idx %arg5[%add3A_298, %add3A_157] : memref<64x128xf32, #tpu.memory_space<vmem>>[vector<16xi32>, vector<16xi32>], vector<16xf32>,
          %mul3A_299 = arith.constant 8.000000e+00 : f32
          %mul3A_300 = vector.broadcast %mul3A_299 : f32 to vector<16xf32>
          %mul3A_301 = arith.mulf %gather3A, %mul3A_300 : vector<16xf32>
          %add3A_302 = arith.addi %mul3A_166, %add3A_298 : vector<16xi32>
          tpu.vector_store_idx %arg7[%shift_right_logical3A_160, %add3A_302], %mul3A_301 : memref<64x128xf32, #tpu.memory_space<vmem>>[vector<16xi32>, vector<16xi32>], vector<16xf32>,
          %add3A_303 = arith.constant 16 : i32
          %add3A_304 = vector.broadcast %add3A_303 : i32 to vector<16xi32>
          %add3A_305 = arith.addi %add3A_304, %and3A_295 : vector<16xi32>
          %gather3A_306 = tpu.vector_load_idx %arg5[%add3A_305, %add3A_157] : memref<64x128xf32, #tpu.memory_space<vmem>>[vector<16xi32>, vector<16xi32>], vector<16xf32>,
          %mul3A_307 = arith.constant 8.000000e+00 : f32
          %mul3A_308 = vector.broadcast %mul3A_307 : f32 to vector<16xf32>
          %mul3A_309 = arith.mulf %gather3A_306, %mul3A_308 : vector<16xf32>
          %add3A_310 = arith.addi %mul3A_166, %add3A_305 : vector<16xi32>
          tpu.vector_store_idx %arg7[%shift_right_logical3A_160, %add3A_310], %mul3A_309 : memref<64x128xf32, #tpu.memory_space<vmem>>[vector<16xi32>, vector<16xi32>], vector<16xf32>,
          %add3A_311 = arith.constant 32 : i32
          %add3A_312 = vector.broadcast %add3A_311 : i32 to vector<16xi32>
          %add3A_313 = arith.addi %add3A_312, %and3A_295 : vector<16xi32>
          %gather3A_314 = tpu.vector_load_idx %arg5[%add3A_313, %add3A_157] : memref<64x128xf32, #tpu.memory_space<vmem>>[vector<16xi32>, vector<16xi32>], vector<16xf32>,
          %mul3A_315 = arith.constant 8.000000e+00 : f32
          %mul3A_316 = vector.broadcast %mul3A_315 : f32 to vector<16xf32>
          %mul3A_317 = arith.mulf %gather3A_314, %mul3A_316 : vector<16xf32>
          %add3A_318 = arith.addi %mul3A_166, %add3A_313 : vector<16xi32>
          tpu.vector_store_idx %arg7[%shift_right_logical3A_160, %add3A_318], %mul3A_317 : memref<64x128xf32, #tpu.memory_space<vmem>>[vector<16xi32>, vector<16xi32>], vector<16xf32>,
          %add3A_319 = arith.constant 48 : i32
          %add3A_320 = vector.broadcast %add3A_319 : i32 to vector<16xi32>
          %add3A_321 = arith.addi %add3A_320, %and3A_295 : vector<16xi32>
          %gather3A_322 = tpu.vector_load_idx %arg5[%add3A_321, %add3A_157] : memref<64x128xf32, #tpu.memory_space<vmem>>[vector<16xi32>, vector<16xi32>], vector<16xf32>,
          %mul3A_323 = arith.constant 8.000000e+00 : f32
          %mul3A_324 = vector.broadcast %mul3A_323 : f32 to vector<16xf32>
          %mul3A_325 = arith.mulf %gather3A_322, %mul3A_324 : vector<16xf32>
          %add3A_326 = arith.addi %mul3A_166, %add3A_321 : vector<16xi32>
          tpu.vector_store_idx %arg7[%shift_right_logical3A_160, %add3A_326], %mul3A_325 : memref<64x128xf32, #tpu.memory_space<vmem>>[vector<16xi32>, vector<16xi32>], vector<16xf32>,
        }
        %scan3A_171 = arith.constant 16 : i32
        %add3A_172 = arith.constant 32 : i32
        %add3A_173 = vector.broadcast %add3A_172 : i32 to vector<16xi32>
        %add3A_174 = arith.addi %add3A_173, %iota3A : vector<16xi32>
        %shift_right_logical3A_175 = arith.constant 1 : i32
        %shift_right_logical3A_176 = vector.broadcast %shift_right_logical3A_175 : i32 to vector<16xi32>
        %shift_right_logical3A_177 = arith.shrui %add3A_174, %shift_right_logical3A_176 : vector<16xi32>
        %and3A_178 = arith.constant 1 : i32
        %and3A_179 = vector.broadcast %and3A_178 : i32 to vector<16xi32>
        %and3A_180 = arith.andi %add3A_174, %and3A_179 : vector<16xi32>
        %mul3A_181 = arith.constant 64 : i32
        %mul3A_182 = vector.broadcast %mul3A_181 : i32 to vector<16xi32>
        %mul3A_183 = arith.muli %and3A_180, %mul3A_182 : vector<16xi32>
        %scan3A_184 = arith.constant 0 : i32
        %scan3A_185 = arith.constant 16 : i32
        %scan3A_186 = arith.addi %scan3A_184, %scan3A_185 : i32
        %scan3A_187 = arith.constant 1 : i32
        scf.for %scan3A_286 = %scan3A_184 to %scan3A_186 step %scan3A_187  : i32 {
          %mul3A_287 = arith.constant 1 : i32
          %mul3A_288 = arith.muli %scan3A_286, %mul3A_287 : i32
          %add3A_289 = arith.constant 0 : i32
          %add3A_290 = arith.addi %add3A_289, %mul3A_288 : i32
          %add3A_291 = vector.broadcast %add3A_290 : i32 to vector<16xi32>
          %add3A_292 = arith.addi %iota3A, %add3A_291 : vector<16xi32>
          %and3A_293 = arith.constant 15 : i32
          %and3A_294 = vector.broadcast %and3A_293 : i32 to vector<16xi32>
          %and3A_295 = arith.andi %add3A_292, %and3A_294 : vector<16xi32>
          %add3A_296 = arith.constant 0 : i32
          %add3A_297 = vector.broadcast %add3A_296 : i32 to vector<16xi32>
          %add3A_298 = arith.addi %add3A_297, %and3A_295 : vector<16xi32>
          %gather3A = tpu.vector_load_idx %arg5[%add3A_298, %add3A_174] : memref<64x128xf32, #tpu.memory_space<vmem>>[vector<16xi32>, vector<16xi32>], vector<16xf32>,
          %mul3A_299 = arith.constant 8.000000e+00 : f32
          %mul3A_300 = vector.broadcast %mul3A_299 : f32 to vector<16xf32>
          %mul3A_301 = arith.mulf %gather3A, %mul3A_300 : vector<16xf32>
          %add3A_302 = arith.addi %mul3A_183, %add3A_298 : vector<16xi32>
          tpu.vector_store_idx %arg7[%shift_right_logical3A_177, %add3A_302], %mul3A_301 : memref<64x128xf32, #tpu.memory_space<vmem>>[vector<16xi32>, vector<16xi32>], vector<16xf32>,
          %add3A_303 = arith.constant 16 : i32
          %add3A_304 = vector.broadcast %add3A_303 : i32 to vector<16xi32>
          %add3A_305 = arith.addi %add3A_304, %and3A_295 : vector<16xi32>
          %gather3A_306 = tpu.vector_load_idx %arg5[%add3A_305, %add3A_174] : memref<64x128xf32, #tpu.memory_space<vmem>>[vector<16xi32>, vector<16xi32>], vector<16xf32>,
          %mul3A_307 = arith.constant 8.000000e+00 : f32
          %mul3A_308 = vector.broadcast %mul3A_307 : f32 to vector<16xf32>
          %mul3A_309 = arith.mulf %gather3A_306, %mul3A_308 : vector<16xf32>
          %add3A_310 = arith.addi %mul3A_183, %add3A_305 : vector<16xi32>
          tpu.vector_store_idx %arg7[%shift_right_logical3A_177, %add3A_310], %mul3A_309 : memref<64x128xf32, #tpu.memory_space<vmem>>[vector<16xi32>, vector<16xi32>], vector<16xf32>,
          %add3A_311 = arith.constant 32 : i32
          %add3A_312 = vector.broadcast %add3A_311 : i32 to vector<16xi32>
          %add3A_313 = arith.addi %add3A_312, %and3A_295 : vector<16xi32>
          %gather3A_314 = tpu.vector_load_idx %arg5[%add3A_313, %add3A_174] : memref<64x128xf32, #tpu.memory_space<vmem>>[vector<16xi32>, vector<16xi32>], vector<16xf32>,
          %mul3A_315 = arith.constant 8.000000e+00 : f32
          %mul3A_316 = vector.broadcast %mul3A_315 : f32 to vector<16xf32>
          %mul3A_317 = arith.mulf %gather3A_314, %mul3A_316 : vector<16xf32>
          %add3A_318 = arith.addi %mul3A_183, %add3A_313 : vector<16xi32>
          tpu.vector_store_idx %arg7[%shift_right_logical3A_177, %add3A_318], %mul3A_317 : memref<64x128xf32, #tpu.memory_space<vmem>>[vector<16xi32>, vector<16xi32>], vector<16xf32>,
          %add3A_319 = arith.constant 48 : i32
          %add3A_320 = vector.broadcast %add3A_319 : i32 to vector<16xi32>
          %add3A_321 = arith.addi %add3A_320, %and3A_295 : vector<16xi32>
          %gather3A_322 = tpu.vector_load_idx %arg5[%add3A_321, %add3A_174] : memref<64x128xf32, #tpu.memory_space<vmem>>[vector<16xi32>, vector<16xi32>], vector<16xf32>,
          %mul3A_323 = arith.constant 8.000000e+00 : f32
          %mul3A_324 = vector.broadcast %mul3A_323 : f32 to vector<16xf32>
          %mul3A_325 = arith.mulf %gather3A_322, %mul3A_324 : vector<16xf32>
          %add3A_326 = arith.addi %mul3A_183, %add3A_321 : vector<16xi32>
          tpu.vector_store_idx %arg7[%shift_right_logical3A_177, %add3A_326], %mul3A_325 : memref<64x128xf32, #tpu.memory_space<vmem>>[vector<16xi32>, vector<16xi32>], vector<16xf32>,
        }
        %scan3A_188 = arith.constant 16 : i32
        %add3A_189 = arith.constant 48 : i32
        %add3A_190 = vector.broadcast %add3A_189 : i32 to vector<16xi32>
        %add3A_191 = arith.addi %add3A_190, %iota3A : vector<16xi32>
        %shift_right_logical3A_192 = arith.constant 1 : i32
        %shift_right_logical3A_193 = vector.broadcast %shift_right_logical3A_192 : i32 to vector<16xi32>
        %shift_right_logical3A_194 = arith.shrui %add3A_191, %shift_right_logical3A_193 : vector<16xi32>
        %and3A_195 = arith.constant 1 : i32
        %and3A_196 = vector.broadcast %and3A_195 : i32 to vector<16xi32>
        %and3A_197 = arith.andi %add3A_191, %and3A_196 : vector<16xi32>
        %mul3A_198 = arith.constant 64 : i32
        %mul3A_199 = vector.broadcast %mul3A_198 : i32 to vector<16xi32>
        %mul3A_200 = arith.muli %and3A_197, %mul3A_199 : vector<16xi32>
        %scan3A_201 = arith.constant 0 : i32
        %scan3A_202 = arith.constant 16 : i32
        %scan3A_203 = arith.addi %scan3A_201, %scan3A_202 : i32
        %scan3A_204 = arith.constant 1 : i32
        scf.for %scan3A_286 = %scan3A_201 to %scan3A_203 step %scan3A_204  : i32 {
          %mul3A_287 = arith.constant 1 : i32
          %mul3A_288 = arith.muli %scan3A_286, %mul3A_287 : i32
          %add3A_289 = arith.constant 0 : i32
          %add3A_290 = arith.addi %add3A_289, %mul3A_288 : i32
          %add3A_291 = vector.broadcast %add3A_290 : i32 to vector<16xi32>
          %add3A_292 = arith.addi %iota3A, %add3A_291 : vector<16xi32>
          %and3A_293 = arith.constant 15 : i32
          %and3A_294 = vector.broadcast %and3A_293 : i32 to vector<16xi32>
          %and3A_295 = arith.andi %add3A_292, %and3A_294 : vector<16xi32>
          %add3A_296 = arith.constant 0 : i32
          %add3A_297 = vector.broadcast %add3A_296 : i32 to vector<16xi32>
          %add3A_298 = arith.addi %add3A_297, %and3A_295 : vector<16xi32>
          %gather3A = tpu.vector_load_idx %arg5[%add3A_298, %add3A_191] : memref<64x128xf32, #tpu.memory_space<vmem>>[vector<16xi32>, vector<16xi32>], vector<16xf32>,
          %mul3A_299 = arith.constant 8.000000e+00 : f32
          %mul3A_300 = vector.broadcast %mul3A_299 : f32 to vector<16xf32>
          %mul3A_301 = arith.mulf %gather3A, %mul3A_300 : vector<16xf32>
          %add3A_302 = arith.addi %mul3A_200, %add3A_298 : vector<16xi32>
          tpu.vector_store_idx %arg7[%shift_right_logical3A_194, %add3A_302], %mul3A_301 : memref<64x128xf32, #tpu.memory_space<vmem>>[vector<16xi32>, vector<16xi32>], vector<16xf32>,
          %add3A_303 = arith.constant 16 : i32
          %add3A_304 = vector.broadcast %add3A_303 : i32 to vector<16xi32>
          %add3A_305 = arith.addi %add3A_304, %and3A_295 : vector<16xi32>
          %gather3A_306 = tpu.vector_load_idx %arg5[%add3A_305, %add3A_191] : memref<64x128xf32, #tpu.memory_space<vmem>>[vector<16xi32>, vector<16xi32>], vector<16xf32>,
          %mul3A_307 = arith.constant 8.000000e+00 : f32
          %mul3A_308 = vector.broadcast %mul3A_307 : f32 to vector<16xf32>
          %mul3A_309 = arith.mulf %gather3A_306, %mul3A_308 : vector<16xf32>
          %add3A_310 = arith.addi %mul3A_200, %add3A_305 : vector<16xi32>
          tpu.vector_store_idx %arg7[%shift_right_logical3A_194, %add3A_310], %mul3A_309 : memref<64x128xf32, #tpu.memory_space<vmem>>[vector<16xi32>, vector<16xi32>], vector<16xf32>,
          %add3A_311 = arith.constant 32 : i32
          %add3A_312 = vector.broadcast %add3A_311 : i32 to vector<16xi32>
          %add3A_313 = arith.addi %add3A_312, %and3A_295 : vector<16xi32>
          %gather3A_314 = tpu.vector_load_idx %arg5[%add3A_313, %add3A_191] : memref<64x128xf32, #tpu.memory_space<vmem>>[vector<16xi32>, vector<16xi32>], vector<16xf32>,
          %mul3A_315 = arith.constant 8.000000e+00 : f32
          %mul3A_316 = vector.broadcast %mul3A_315 : f32 to vector<16xf32>
          %mul3A_317 = arith.mulf %gather3A_314, %mul3A_316 : vector<16xf32>
          %add3A_318 = arith.addi %mul3A_200, %add3A_313 : vector<16xi32>
          tpu.vector_store_idx %arg7[%shift_right_logical3A_194, %add3A_318], %mul3A_317 : memref<64x128xf32, #tpu.memory_space<vmem>>[vector<16xi32>, vector<16xi32>], vector<16xf32>,
          %add3A_319 = arith.constant 48 : i32
          %add3A_320 = vector.broadcast %add3A_319 : i32 to vector<16xi32>
          %add3A_321 = arith.addi %add3A_320, %and3A_295 : vector<16xi32>
          %gather3A_322 = tpu.vector_load_idx %arg5[%add3A_321, %add3A_191] : memref<64x128xf32, #tpu.memory_space<vmem>>[vector<16xi32>, vector<16xi32>], vector<16xf32>,
          %mul3A_323 = arith.constant 8.000000e+00 : f32
          %mul3A_324 = vector.broadcast %mul3A_323 : f32 to vector<16xf32>
          %mul3A_325 = arith.mulf %gather3A_322, %mul3A_324 : vector<16xf32>
          %add3A_326 = arith.addi %mul3A_200, %add3A_321 : vector<16xi32>
          tpu.vector_store_idx %arg7[%shift_right_logical3A_194, %add3A_326], %mul3A_325 : memref<64x128xf32, #tpu.memory_space<vmem>>[vector<16xi32>, vector<16xi32>], vector<16xf32>,
        }
        %scan3A_205 = arith.constant 16 : i32
        %add3A_206 = arith.constant 64 : i32
        %add3A_207 = vector.broadcast %add3A_206 : i32 to vector<16xi32>
        %add3A_208 = arith.addi %add3A_207, %iota3A : vector<16xi32>
        %shift_right_logical3A_209 = arith.constant 1 : i32
        %shift_right_logical3A_210 = vector.broadcast %shift_right_logical3A_209 : i32 to vector<16xi32>
        %shift_right_logical3A_211 = arith.shrui %add3A_208, %shift_right_logical3A_210 : vector<16xi32>
        %and3A_212 = arith.constant 1 : i32
        %and3A_213 = vector.broadcast %and3A_212 : i32 to vector<16xi32>
        %and3A_214 = arith.andi %add3A_208, %and3A_213 : vector<16xi32>
        %mul3A_215 = arith.constant 64 : i32
        %mul3A_216 = vector.broadcast %mul3A_215 : i32 to vector<16xi32>
        %mul3A_217 = arith.muli %and3A_214, %mul3A_216 : vector<16xi32>
        %scan3A_218 = arith.constant 0 : i32
        %scan3A_219 = arith.constant 16 : i32
        %scan3A_220 = arith.addi %scan3A_218, %scan3A_219 : i32
        %scan3A_221 = arith.constant 1 : i32
        scf.for %scan3A_286 = %scan3A_218 to %scan3A_220 step %scan3A_221  : i32 {
          %mul3A_287 = arith.constant 1 : i32
          %mul3A_288 = arith.muli %scan3A_286, %mul3A_287 : i32
          %add3A_289 = arith.constant 0 : i32
          %add3A_290 = arith.addi %add3A_289, %mul3A_288 : i32
          %add3A_291 = vector.broadcast %add3A_290 : i32 to vector<16xi32>
          %add3A_292 = arith.addi %iota3A, %add3A_291 : vector<16xi32>
          %and3A_293 = arith.constant 15 : i32
          %and3A_294 = vector.broadcast %and3A_293 : i32 to vector<16xi32>
          %and3A_295 = arith.andi %add3A_292, %and3A_294 : vector<16xi32>
          %add3A_296 = arith.constant 0 : i32
          %add3A_297 = vector.broadcast %add3A_296 : i32 to vector<16xi32>
          %add3A_298 = arith.addi %add3A_297, %and3A_295 : vector<16xi32>
          %gather3A = tpu.vector_load_idx %arg5[%add3A_298, %add3A_208] : memref<64x128xf32, #tpu.memory_space<vmem>>[vector<16xi32>, vector<16xi32>], vector<16xf32>,
          %mul3A_299 = arith.constant 8.000000e+00 : f32
          %mul3A_300 = vector.broadcast %mul3A_299 : f32 to vector<16xf32>
          %mul3A_301 = arith.mulf %gather3A, %mul3A_300 : vector<16xf32>
          %add3A_302 = arith.addi %mul3A_217, %add3A_298 : vector<16xi32>
          tpu.vector_store_idx %arg7[%shift_right_logical3A_211, %add3A_302], %mul3A_301 : memref<64x128xf32, #tpu.memory_space<vmem>>[vector<16xi32>, vector<16xi32>], vector<16xf32>,
          %add3A_303 = arith.constant 16 : i32
          %add3A_304 = vector.broadcast %add3A_303 : i32 to vector<16xi32>
          %add3A_305 = arith.addi %add3A_304, %and3A_295 : vector<16xi32>
          %gather3A_306 = tpu.vector_load_idx %arg5[%add3A_305, %add3A_208] : memref<64x128xf32, #tpu.memory_space<vmem>>[vector<16xi32>, vector<16xi32>], vector<16xf32>,
          %mul3A_307 = arith.constant 8.000000e+00 : f32
          %mul3A_308 = vector.broadcast %mul3A_307 : f32 to vector<16xf32>
          %mul3A_309 = arith.mulf %gather3A_306, %mul3A_308 : vector<16xf32>
          %add3A_310 = arith.addi %mul3A_217, %add3A_305 : vector<16xi32>
          tpu.vector_store_idx %arg7[%shift_right_logical3A_211, %add3A_310], %mul3A_309 : memref<64x128xf32, #tpu.memory_space<vmem>>[vector<16xi32>, vector<16xi32>], vector<16xf32>,
          %add3A_311 = arith.constant 32 : i32
          %add3A_312 = vector.broadcast %add3A_311 : i32 to vector<16xi32>
          %add3A_313 = arith.addi %add3A_312, %and3A_295 : vector<16xi32>
          %gather3A_314 = tpu.vector_load_idx %arg5[%add3A_313, %add3A_208] : memref<64x128xf32, #tpu.memory_space<vmem>>[vector<16xi32>, vector<16xi32>], vector<16xf32>,
          %mul3A_315 = arith.constant 8.000000e+00 : f32
          %mul3A_316 = vector.broadcast %mul3A_315 : f32 to vector<16xf32>
          %mul3A_317 = arith.mulf %gather3A_314, %mul3A_316 : vector<16xf32>
          %add3A_318 = arith.addi %mul3A_217, %add3A_313 : vector<16xi32>
          tpu.vector_store_idx %arg7[%shift_right_logical3A_211, %add3A_318], %mul3A_317 : memref<64x128xf32, #tpu.memory_space<vmem>>[vector<16xi32>, vector<16xi32>], vector<16xf32>,
          %add3A_319 = arith.constant 48 : i32
          %add3A_320 = vector.broadcast %add3A_319 : i32 to vector<16xi32>
          %add3A_321 = arith.addi %add3A_320, %and3A_295 : vector<16xi32>
          %gather3A_322 = tpu.vector_load_idx %arg5[%add3A_321, %add3A_208] : memref<64x128xf32, #tpu.memory_space<vmem>>[vector<16xi32>, vector<16xi32>], vector<16xf32>,
          %mul3A_323 = arith.constant 8.000000e+00 : f32
          %mul3A_324 = vector.broadcast %mul3A_323 : f32 to vector<16xf32>
          %mul3A_325 = arith.mulf %gather3A_322, %mul3A_324 : vector<16xf32>
          %add3A_326 = arith.addi %mul3A_217, %add3A_321 : vector<16xi32>
          tpu.vector_store_idx %arg7[%shift_right_logical3A_211, %add3A_326], %mul3A_325 : memref<64x128xf32, #tpu.memory_space<vmem>>[vector<16xi32>, vector<16xi32>], vector<16xf32>,
        }
        %scan3A_222 = arith.constant 16 : i32
        %add3A_223 = arith.constant 80 : i32
        %add3A_224 = vector.broadcast %add3A_223 : i32 to vector<16xi32>
        %add3A_225 = arith.addi %add3A_224, %iota3A : vector<16xi32>
        %shift_right_logical3A_226 = arith.constant 1 : i32
        %shift_right_logical3A_227 = vector.broadcast %shift_right_logical3A_226 : i32 to vector<16xi32>
        %shift_right_logical3A_228 = arith.shrui %add3A_225, %shift_right_logical3A_227 : vector<16xi32>
        %and3A_229 = arith.constant 1 : i32
        %and3A_230 = vector.broadcast %and3A_229 : i32 to vector<16xi32>
        %and3A_231 = arith.andi %add3A_225, %and3A_230 : vector<16xi32>
        %mul3A_232 = arith.constant 64 : i32
        %mul3A_233 = vector.broadcast %mul3A_232 : i32 to vector<16xi32>
        %mul3A_234 = arith.muli %and3A_231, %mul3A_233 : vector<16xi32>
        %scan3A_235 = arith.constant 0 : i32
        %scan3A_236 = arith.constant 16 : i32
        %scan3A_237 = arith.addi %scan3A_235, %scan3A_236 : i32
        %scan3A_238 = arith.constant 1 : i32
        scf.for %scan3A_286 = %scan3A_235 to %scan3A_237 step %scan3A_238  : i32 {
          %mul3A_287 = arith.constant 1 : i32
          %mul3A_288 = arith.muli %scan3A_286, %mul3A_287 : i32
          %add3A_289 = arith.constant 0 : i32
          %add3A_290 = arith.addi %add3A_289, %mul3A_288 : i32
          %add3A_291 = vector.broadcast %add3A_290 : i32 to vector<16xi32>
          %add3A_292 = arith.addi %iota3A, %add3A_291 : vector<16xi32>
          %and3A_293 = arith.constant 15 : i32
          %and3A_294 = vector.broadcast %and3A_293 : i32 to vector<16xi32>
          %and3A_295 = arith.andi %add3A_292, %and3A_294 : vector<16xi32>
          %add3A_296 = arith.constant 0 : i32
          %add3A_297 = vector.broadcast %add3A_296 : i32 to vector<16xi32>
          %add3A_298 = arith.addi %add3A_297, %and3A_295 : vector<16xi32>
          %gather3A = tpu.vector_load_idx %arg5[%add3A_298, %add3A_225] : memref<64x128xf32, #tpu.memory_space<vmem>>[vector<16xi32>, vector<16xi32>], vector<16xf32>,
          %mul3A_299 = arith.constant 8.000000e+00 : f32
          %mul3A_300 = vector.broadcast %mul3A_299 : f32 to vector<16xf32>
          %mul3A_301 = arith.mulf %gather3A, %mul3A_300 : vector<16xf32>
          %add3A_302 = arith.addi %mul3A_234, %add3A_298 : vector<16xi32>
          tpu.vector_store_idx %arg7[%shift_right_logical3A_228, %add3A_302], %mul3A_301 : memref<64x128xf32, #tpu.memory_space<vmem>>[vector<16xi32>, vector<16xi32>], vector<16xf32>,
          %add3A_303 = arith.constant 16 : i32
          %add3A_304 = vector.broadcast %add3A_303 : i32 to vector<16xi32>
          %add3A_305 = arith.addi %add3A_304, %and3A_295 : vector<16xi32>
          %gather3A_306 = tpu.vector_load_idx %arg5[%add3A_305, %add3A_225] : memref<64x128xf32, #tpu.memory_space<vmem>>[vector<16xi32>, vector<16xi32>], vector<16xf32>,
          %mul3A_307 = arith.constant 8.000000e+00 : f32
          %mul3A_308 = vector.broadcast %mul3A_307 : f32 to vector<16xf32>
          %mul3A_309 = arith.mulf %gather3A_306, %mul3A_308 : vector<16xf32>
          %add3A_310 = arith.addi %mul3A_234, %add3A_305 : vector<16xi32>
          tpu.vector_store_idx %arg7[%shift_right_logical3A_228, %add3A_310], %mul3A_309 : memref<64x128xf32, #tpu.memory_space<vmem>>[vector<16xi32>, vector<16xi32>], vector<16xf32>,
          %add3A_311 = arith.constant 32 : i32
          %add3A_312 = vector.broadcast %add3A_311 : i32 to vector<16xi32>
          %add3A_313 = arith.addi %add3A_312, %and3A_295 : vector<16xi32>
          %gather3A_314 = tpu.vector_load_idx %arg5[%add3A_313, %add3A_225] : memref<64x128xf32, #tpu.memory_space<vmem>>[vector<16xi32>, vector<16xi32>], vector<16xf32>,
          %mul3A_315 = arith.constant 8.000000e+00 : f32
          %mul3A_316 = vector.broadcast %mul3A_315 : f32 to vector<16xf32>
          %mul3A_317 = arith.mulf %gather3A_314, %mul3A_316 : vector<16xf32>
          %add3A_318 = arith.addi %mul3A_234, %add3A_313 : vector<16xi32>
          tpu.vector_store_idx %arg7[%shift_right_logical3A_228, %add3A_318], %mul3A_317 : memref<64x128xf32, #tpu.memory_space<vmem>>[vector<16xi32>, vector<16xi32>], vector<16xf32>,
          %add3A_319 = arith.constant 48 : i32
          %add3A_320 = vector.broadcast %add3A_319 : i32 to vector<16xi32>
          %add3A_321 = arith.addi %add3A_320, %and3A_295 : vector<16xi32>
          %gather3A_322 = tpu.vector_load_idx %arg5[%add3A_321, %add3A_225] : memref<64x128xf32, #tpu.memory_space<vmem>>[vector<16xi32>, vector<16xi32>], vector<16xf32>,
          %mul3A_323 = arith.constant 8.000000e+00 : f32
          %mul3A_324 = vector.broadcast %mul3A_323 : f32 to vector<16xf32>
          %mul3A_325 = arith.mulf %gather3A_322, %mul3A_324 : vector<16xf32>
          %add3A_326 = arith.addi %mul3A_234, %add3A_321 : vector<16xi32>
          tpu.vector_store_idx %arg7[%shift_right_logical3A_228, %add3A_326], %mul3A_325 : memref<64x128xf32, #tpu.memory_space<vmem>>[vector<16xi32>, vector<16xi32>], vector<16xf32>,
        }
        %scan3A_239 = arith.constant 16 : i32
        %add3A_240 = arith.constant 96 : i32
        %add3A_241 = vector.broadcast %add3A_240 : i32 to vector<16xi32>
        %add3A_242 = arith.addi %add3A_241, %iota3A : vector<16xi32>
        %shift_right_logical3A_243 = arith.constant 1 : i32
        %shift_right_logical3A_244 = vector.broadcast %shift_right_logical3A_243 : i32 to vector<16xi32>
        %shift_right_logical3A_245 = arith.shrui %add3A_242, %shift_right_logical3A_244 : vector<16xi32>
        %and3A_246 = arith.constant 1 : i32
        %and3A_247 = vector.broadcast %and3A_246 : i32 to vector<16xi32>
        %and3A_248 = arith.andi %add3A_242, %and3A_247 : vector<16xi32>
        %mul3A_249 = arith.constant 64 : i32
        %mul3A_250 = vector.broadcast %mul3A_249 : i32 to vector<16xi32>
        %mul3A_251 = arith.muli %and3A_248, %mul3A_250 : vector<16xi32>
        %scan3A_252 = arith.constant 0 : i32
        %scan3A_253 = arith.constant 16 : i32
        %scan3A_254 = arith.addi %scan3A_252, %scan3A_253 : i32
        %scan3A_255 = arith.constant 1 : i32
        scf.for %scan3A_286 = %scan3A_252 to %scan3A_254 step %scan3A_255  : i32 {
          %mul3A_287 = arith.constant 1 : i32
          %mul3A_288 = arith.muli %scan3A_286, %mul3A_287 : i32
          %add3A_289 = arith.constant 0 : i32
          %add3A_290 = arith.addi %add3A_289, %mul3A_288 : i32
          %add3A_291 = vector.broadcast %add3A_290 : i32 to vector<16xi32>
          %add3A_292 = arith.addi %iota3A, %add3A_291 : vector<16xi32>
          %and3A_293 = arith.constant 15 : i32
          %and3A_294 = vector.broadcast %and3A_293 : i32 to vector<16xi32>
          %and3A_295 = arith.andi %add3A_292, %and3A_294 : vector<16xi32>
          %add3A_296 = arith.constant 0 : i32
          %add3A_297 = vector.broadcast %add3A_296 : i32 to vector<16xi32>
          %add3A_298 = arith.addi %add3A_297, %and3A_295 : vector<16xi32>
          %gather3A = tpu.vector_load_idx %arg5[%add3A_298, %add3A_242] : memref<64x128xf32, #tpu.memory_space<vmem>>[vector<16xi32>, vector<16xi32>], vector<16xf32>,
          %mul3A_299 = arith.constant 8.000000e+00 : f32
          %mul3A_300 = vector.broadcast %mul3A_299 : f32 to vector<16xf32>
          %mul3A_301 = arith.mulf %gather3A, %mul3A_300 : vector<16xf32>
          %add3A_302 = arith.addi %mul3A_251, %add3A_298 : vector<16xi32>
          tpu.vector_store_idx %arg7[%shift_right_logical3A_245, %add3A_302], %mul3A_301 : memref<64x128xf32, #tpu.memory_space<vmem>>[vector<16xi32>, vector<16xi32>], vector<16xf32>,
          %add3A_303 = arith.constant 16 : i32
          %add3A_304 = vector.broadcast %add3A_303 : i32 to vector<16xi32>
          %add3A_305 = arith.addi %add3A_304, %and3A_295 : vector<16xi32>
          %gather3A_306 = tpu.vector_load_idx %arg5[%add3A_305, %add3A_242] : memref<64x128xf32, #tpu.memory_space<vmem>>[vector<16xi32>, vector<16xi32>], vector<16xf32>,
          %mul3A_307 = arith.constant 8.000000e+00 : f32
          %mul3A_308 = vector.broadcast %mul3A_307 : f32 to vector<16xf32>
          %mul3A_309 = arith.mulf %gather3A_306, %mul3A_308 : vector<16xf32>
          %add3A_310 = arith.addi %mul3A_251, %add3A_305 : vector<16xi32>
          tpu.vector_store_idx %arg7[%shift_right_logical3A_245, %add3A_310], %mul3A_309 : memref<64x128xf32, #tpu.memory_space<vmem>>[vector<16xi32>, vector<16xi32>], vector<16xf32>,
          %add3A_311 = arith.constant 32 : i32
          %add3A_312 = vector.broadcast %add3A_311 : i32 to vector<16xi32>
          %add3A_313 = arith.addi %add3A_312, %and3A_295 : vector<16xi32>
          %gather3A_314 = tpu.vector_load_idx %arg5[%add3A_313, %add3A_242] : memref<64x128xf32, #tpu.memory_space<vmem>>[vector<16xi32>, vector<16xi32>], vector<16xf32>,
          %mul3A_315 = arith.constant 8.000000e+00 : f32
          %mul3A_316 = vector.broadcast %mul3A_315 : f32 to vector<16xf32>
          %mul3A_317 = arith.mulf %gather3A_314, %mul3A_316 : vector<16xf32>
          %add3A_318 = arith.addi %mul3A_251, %add3A_313 : vector<16xi32>
          tpu.vector_store_idx %arg7[%shift_right_logical3A_245, %add3A_318], %mul3A_317 : memref<64x128xf32, #tpu.memory_space<vmem>>[vector<16xi32>, vector<16xi32>], vector<16xf32>,
          %add3A_319 = arith.constant 48 : i32
          %add3A_320 = vector.broadcast %add3A_319 : i32 to vector<16xi32>
          %add3A_321 = arith.addi %add3A_320, %and3A_295 : vector<16xi32>
          %gather3A_322 = tpu.vector_load_idx %arg5[%add3A_321, %add3A_242] : memref<64x128xf32, #tpu.memory_space<vmem>>[vector<16xi32>, vector<16xi32>], vector<16xf32>,
          %mul3A_323 = arith.constant 8.000000e+00 : f32
          %mul3A_324 = vector.broadcast %mul3A_323 : f32 to vector<16xf32>
          %mul3A_325 = arith.mulf %gather3A_322, %mul3A_324 : vector<16xf32>
          %add3A_326 = arith.addi %mul3A_251, %add3A_321 : vector<16xi32>
          tpu.vector_store_idx %arg7[%shift_right_logical3A_245, %add3A_326], %mul3A_325 : memref<64x128xf32, #tpu.memory_space<vmem>>[vector<16xi32>, vector<16xi32>], vector<16xf32>,
        }
        %scan3A_256 = arith.constant 16 : i32
        %add3A_257 = arith.constant 112 : i32
        %add3A_258 = vector.broadcast %add3A_257 : i32 to vector<16xi32>
        %add3A_259 = arith.addi %add3A_258, %iota3A : vector<16xi32>
        %shift_right_logical3A_260 = arith.constant 1 : i32
        %shift_right_logical3A_261 = vector.broadcast %shift_right_logical3A_260 : i32 to vector<16xi32>
        %shift_right_logical3A_262 = arith.shrui %add3A_259, %shift_right_logical3A_261 : vector<16xi32>
        %and3A_263 = arith.constant 1 : i32
        %and3A_264 = vector.broadcast %and3A_263 : i32 to vector<16xi32>
        %and3A_265 = arith.andi %add3A_259, %and3A_264 : vector<16xi32>
        %mul3A_266 = arith.constant 64 : i32
        %mul3A_267 = vector.broadcast %mul3A_266 : i32 to vector<16xi32>
        %mul3A_268 = arith.muli %and3A_265, %mul3A_267 : vector<16xi32>
        %scan3A_269 = arith.constant 0 : i32
        %scan3A_270 = arith.constant 16 : i32
        %scan3A_271 = arith.addi %scan3A_269, %scan3A_270 : i32
        %scan3A_272 = arith.constant 1 : i32
        scf.for %scan3A_286 = %scan3A_269 to %scan3A_271 step %scan3A_272  : i32 {
          %mul3A_287 = arith.constant 1 : i32
          %mul3A_288 = arith.muli %scan3A_286, %mul3A_287 : i32
          %add3A_289 = arith.constant 0 : i32
          %add3A_290 = arith.addi %add3A_289, %mul3A_288 : i32
          %add3A_291 = vector.broadcast %add3A_290 : i32 to vector<16xi32>
          %add3A_292 = arith.addi %iota3A, %add3A_291 : vector<16xi32>
          %and3A_293 = arith.constant 15 : i32
          %and3A_294 = vector.broadcast %and3A_293 : i32 to vector<16xi32>
          %and3A_295 = arith.andi %add3A_292, %and3A_294 : vector<16xi32>
          %add3A_296 = arith.constant 0 : i32
          %add3A_297 = vector.broadcast %add3A_296 : i32 to vector<16xi32>
          %add3A_298 = arith.addi %add3A_297, %and3A_295 : vector<16xi32>
          %gather3A = tpu.vector_load_idx %arg5[%add3A_298, %add3A_259] : memref<64x128xf32, #tpu.memory_space<vmem>>[vector<16xi32>, vector<16xi32>], vector<16xf32>,
          %mul3A_299 = arith.constant 8.000000e+00 : f32
          %mul3A_300 = vector.broadcast %mul3A_299 : f32 to vector<16xf32>
          %mul3A_301 = arith.mulf %gather3A, %mul3A_300 : vector<16xf32>
          %add3A_302 = arith.addi %mul3A_268, %add3A_298 : vector<16xi32>
          tpu.vector_store_idx %arg7[%shift_right_logical3A_262, %add3A_302], %mul3A_301 : memref<64x128xf32, #tpu.memory_space<vmem>>[vector<16xi32>, vector<16xi32>], vector<16xf32>,
          %add3A_303 = arith.constant 16 : i32
          %add3A_304 = vector.broadcast %add3A_303 : i32 to vector<16xi32>
          %add3A_305 = arith.addi %add3A_304, %and3A_295 : vector<16xi32>
          %gather3A_306 = tpu.vector_load_idx %arg5[%add3A_305, %add3A_259] : memref<64x128xf32, #tpu.memory_space<vmem>>[vector<16xi32>, vector<16xi32>], vector<16xf32>,
          %mul3A_307 = arith.constant 8.000000e+00 : f32
          %mul3A_308 = vector.broadcast %mul3A_307 : f32 to vector<16xf32>
          %mul3A_309 = arith.mulf %gather3A_306, %mul3A_308 : vector<16xf32>
          %add3A_310 = arith.addi %mul3A_268, %add3A_305 : vector<16xi32>
          tpu.vector_store_idx %arg7[%shift_right_logical3A_262, %add3A_310], %mul3A_309 : memref<64x128xf32, #tpu.memory_space<vmem>>[vector<16xi32>, vector<16xi32>], vector<16xf32>,
          %add3A_311 = arith.constant 32 : i32
          %add3A_312 = vector.broadcast %add3A_311 : i32 to vector<16xi32>
          %add3A_313 = arith.addi %add3A_312, %and3A_295 : vector<16xi32>
          %gather3A_314 = tpu.vector_load_idx %arg5[%add3A_313, %add3A_259] : memref<64x128xf32, #tpu.memory_space<vmem>>[vector<16xi32>, vector<16xi32>], vector<16xf32>,
          %mul3A_315 = arith.constant 8.000000e+00 : f32
          %mul3A_316 = vector.broadcast %mul3A_315 : f32 to vector<16xf32>
          %mul3A_317 = arith.mulf %gather3A_314, %mul3A_316 : vector<16xf32>
          %add3A_318 = arith.addi %mul3A_268, %add3A_313 : vector<16xi32>
          tpu.vector_store_idx %arg7[%shift_right_logical3A_262, %add3A_318], %mul3A_317 : memref<64x128xf32, #tpu.memory_space<vmem>>[vector<16xi32>, vector<16xi32>], vector<16xf32>,
          %add3A_319 = arith.constant 48 : i32
          %add3A_320 = vector.broadcast %add3A_319 : i32 to vector<16xi32>
          %add3A_321 = arith.addi %add3A_320, %and3A_295 : vector<16xi32>
          %gather3A_322 = tpu.vector_load_idx %arg5[%add3A_321, %add3A_259] : memref<64x128xf32, #tpu.memory_space<vmem>>[vector<16xi32>, vector<16xi32>], vector<16xf32>,
          %mul3A_323 = arith.constant 8.000000e+00 : f32
          %mul3A_324 = vector.broadcast %mul3A_323 : f32 to vector<16xf32>
          %mul3A_325 = arith.mulf %gather3A_322, %mul3A_324 : vector<16xf32>
          %add3A_326 = arith.addi %mul3A_268, %add3A_321 : vector<16xi32>
          tpu.vector_store_idx %arg7[%shift_right_logical3A_262, %add3A_326], %mul3A_325 : memref<64x128xf32, #tpu.memory_space<vmem>>[vector<16xi32>, vector<16xi32>], vector<16xf32>,
        }
        %scan3A_273 = arith.constant 16 : i32
        %mul3A_274 = arith.constant 64 : i32
        %mul3A_275 = arith.muli %add3A_114, %mul3A_274 : i32
        %dma_start3A_276 = arith.constant 0 : i32
        %dma_start3A_277 = tpu.memref_slice %arg4[%mul3A_275, %dma_start3A_276] : memref<500000x128xf32, #tpu.memory_space<hbm>> -> memref<64x128xf32, #tpu.memory_space<hbm>>
        %dma_start3A_278 = arith.constant 0 : i32
        %dma_start3A_279 = tpu.memref_slice %arg4[%mul3A_275, %dma_start3A_278] : memref<500000x128xf32, #tpu.memory_space<hbm>> -> memref<64x128xf32, #tpu.memory_space<hbm>>
        tpu.enqueue_dma source(%arg7 : memref<64x128xf32, #tpu.memory_space<vmem>>) target(%dma_start3A_279 : memref<64x128xf32, #tpu.memory_space<hbm>>) target_semaphore(%arg11 : memref<!tpu.dma_semaphore, #tpu.memory_space<semaphore_mem>>)
        %add3A_280 = arith.constant 2 : i32
        %add3A_281 = arith.addi %add3A_111, %add3A_280 : i32
        %lt3A_282 = arith.cmpi slt, %add3A_281, %div3A_6 : i32
        %convert_element_type3A_283 = arith.extui %lt3A_282 : i1 to i32
        %cond3A_284 = arith.constant 0 : i32
        %cond3A_285 = arith.cmpi ne, %convert_element_type3A_283, %cond3A_284 : i32
        scf.if %cond3A_285 {
          %add3A_286 = arith.constant 64 : i32
          %add3A_287 = arith.addi %add3A_114, %add3A_286 : i32
          %mul3A_288 = arith.constant 128 : i32
          %mul3A_289 = arith.muli %add3A_287, %mul3A_288 : i32
          %dma_start3A_290 = arith.constant 0 : i32
          %dma_start3A_291 = tpu.memref_slice %arg2[%dma_start3A_290, %mul3A_289] : memref<64x1000000xf32, #tpu.memory_space<hbm>> -> memref<64x128xf32, #tpu.memory_space<hbm>>
          %dma_start3A_292 = arith.constant 0 : i32
          %dma_start3A_293 = tpu.memref_slice %arg2[%dma_start3A_292, %mul3A_289] : memref<64x1000000xf32, #tpu.memory_space<hbm>> -> memref<64x128xf32, #tpu.memory_space<hbm>>
          tpu.enqueue_dma source(%dma_start3A_293 : memref<64x128xf32, #tpu.memory_space<hbm>>) target(%arg5 : memref<64x128xf32, #tpu.memory_space<vmem>>) target_semaphore(%arg9 : memref<!tpu.dma_semaphore, #tpu.memory_space<semaphore_mem>>)
        } else {
        }
      } else {
      }
      %mul3A_118 = arith.constant 2 : i32
      %mul3A_119 = arith.muli %add3A_107, %mul3A_118 : i32
      %add3A_120 = arith.constant 1 : i32
      %add3A_121 = arith.addi %mul3A_119, %add3A_120 : i32
      %mul3A_122 = arith.constant 32 : i32
      %mul3A_123 = arith.muli %add3A_121, %mul3A_122 : i32
      %add3A_124 = arith.addi %add3A, %mul3A_123 : i32
      %lt3A_125 = arith.cmpi slt, %add3A_121, %div3A_6 : i32
      %convert_element_type3A_126 = arith.extui %lt3A_125 : i1 to i32
      %cond3A_127 = arith.constant 0 : i32
      %cond3A_128 = arith.cmpi ne, %convert_element_type3A_126, %cond3A_127 : i32
      scf.if %cond3A_128 {
        %mul3A_129 = arith.constant 128 : i32
        %mul3A_130 = arith.muli %add3A_124, %mul3A_129 : i32
        %dma_wait3A_131 = arith.constant 0 : i32
        %dma_wait3A_132 = tpu.memref_slice %arg2[%dma_wait3A_131, %mul3A_130] : memref<64x1000000xf32, #tpu.memory_space<hbm>> -> memref<64x128xf32, #tpu.memory_space<hbm>>
        %dma_wait3A_133 = arith.constant 0 : i32
        %dma_wait3A_134 = tpu.memref_slice %arg2[%dma_wait3A_133, %mul3A_130] : memref<64x1000000xf32, #tpu.memory_space<hbm>> -> memref<64x128xf32, #tpu.memory_space<hbm>>
        tpu.wait_dma2 semaphore(%arg10 : memref<!tpu.dma_semaphore, #tpu.memory_space<semaphore_mem>>) src(%dma_wait3A_134 : memref<64x128xf32, #tpu.memory_space<hbm>>) dst(%arg6 : memref<64x128xf32, #tpu.memory_space<vmem>>)
        %ge3A = arith.constant 2 : i32
        %ge3A_135 = arith.cmpi sge, %add3A_121, %ge3A : i32
        %convert_element_type3A_136 = arith.extui %ge3A_135 : i1 to i32
        %cond3A_137 = arith.constant 0 : i32
        %cond3A_138 = arith.cmpi ne, %convert_element_type3A_136, %cond3A_137 : i32
        scf.if %cond3A_138 {
          %sub3A_286 = arith.constant 64 : i32
          %sub3A_287 = arith.subi %add3A_124, %sub3A_286 : i32
          %mul3A_288 = arith.constant 64 : i32
          %mul3A_289 = arith.muli %sub3A_287, %mul3A_288 : i32
          %dma_wait3A_290 = arith.constant 0 : i32
          %dma_wait3A_291 = tpu.memref_slice %arg4[%mul3A_289, %dma_wait3A_290] : memref<500000x128xf32, #tpu.memory_space<hbm>> -> memref<64x128xf32, #tpu.memory_space<hbm>>
          %dma_wait3A_292 = arith.constant 0 : i32
          %dma_wait3A_293 = tpu.memref_slice %arg4[%mul3A_289, %dma_wait3A_292] : memref<500000x128xf32, #tpu.memory_space<hbm>> -> memref<64x128xf32, #tpu.memory_space<hbm>>
          tpu.wait_dma2 semaphore(%arg12 : memref<!tpu.dma_semaphore, #tpu.memory_space<semaphore_mem>>) src(%arg8 : memref<64x128xf32, #tpu.memory_space<vmem>>) dst(%dma_wait3A_293 : memref<64x128xf32, #tpu.memory_space<hbm>>)
        } else {
        }
        %add3A_139 = arith.constant 0 : i32
        %add3A_140 = vector.broadcast %add3A_139 : i32 to vector<16xi32>
        %add3A_141 = arith.addi %add3A_140, %iota3A : vector<16xi32>
        %shift_right_logical3A = arith.constant 1 : i32
        %shift_right_logical3A_142 = vector.broadcast %shift_right_logical3A : i32 to vector<16xi32>
        %shift_right_logical3A_143 = arith.shrui %add3A_141, %shift_right_logical3A_142 : vector<16xi32>
        %and3A_144 = arith.constant 1 : i32
        %and3A_145 = vector.broadcast %and3A_144 : i32 to vector<16xi32>
        %and3A_146 = arith.andi %add3A_141, %and3A_145 : vector<16xi32>
        %mul3A_147 = arith.constant 64 : i32
        %mul3A_148 = vector.broadcast %mul3A_147 : i32 to vector<16xi32>
        %mul3A_149 = arith.muli %and3A_146, %mul3A_148 : vector<16xi32>
        %scan3A_150 = arith.constant 0 : i32
        %scan3A_151 = arith.constant 16 : i32
        %scan3A_152 = arith.addi %scan3A_150, %scan3A_151 : i32
        %scan3A_153 = arith.constant 1 : i32
        scf.for %scan3A_286 = %scan3A_150 to %scan3A_152 step %scan3A_153  : i32 {
          %mul3A_287 = arith.constant 1 : i32
          %mul3A_288 = arith.muli %scan3A_286, %mul3A_287 : i32
          %add3A_289 = arith.constant 0 : i32
          %add3A_290 = arith.addi %add3A_289, %mul3A_288 : i32
          %add3A_291 = vector.broadcast %add3A_290 : i32 to vector<16xi32>
          %add3A_292 = arith.addi %iota3A, %add3A_291 : vector<16xi32>
          %and3A_293 = arith.constant 15 : i32
          %and3A_294 = vector.broadcast %and3A_293 : i32 to vector<16xi32>
          %and3A_295 = arith.andi %add3A_292, %and3A_294 : vector<16xi32>
          %add3A_296 = arith.constant 0 : i32
          %add3A_297 = vector.broadcast %add3A_296 : i32 to vector<16xi32>
          %add3A_298 = arith.addi %add3A_297, %and3A_295 : vector<16xi32>
          %gather3A = tpu.vector_load_idx %arg6[%add3A_298, %add3A_141] : memref<64x128xf32, #tpu.memory_space<vmem>>[vector<16xi32>, vector<16xi32>], vector<16xf32>,
          %mul3A_299 = arith.constant 8.000000e+00 : f32
          %mul3A_300 = vector.broadcast %mul3A_299 : f32 to vector<16xf32>
          %mul3A_301 = arith.mulf %gather3A, %mul3A_300 : vector<16xf32>
          %add3A_302 = arith.addi %mul3A_149, %add3A_298 : vector<16xi32>
          tpu.vector_store_idx %arg8[%shift_right_logical3A_143, %add3A_302], %mul3A_301 : memref<64x128xf32, #tpu.memory_space<vmem>>[vector<16xi32>, vector<16xi32>], vector<16xf32>,
          %add3A_303 = arith.constant 16 : i32
          %add3A_304 = vector.broadcast %add3A_303 : i32 to vector<16xi32>
          %add3A_305 = arith.addi %add3A_304, %and3A_295 : vector<16xi32>
          %gather3A_306 = tpu.vector_load_idx %arg6[%add3A_305, %add3A_141] : memref<64x128xf32, #tpu.memory_space<vmem>>[vector<16xi32>, vector<16xi32>], vector<16xf32>,
          %mul3A_307 = arith.constant 8.000000e+00 : f32
          %mul3A_308 = vector.broadcast %mul3A_307 : f32 to vector<16xf32>
          %mul3A_309 = arith.mulf %gather3A_306, %mul3A_308 : vector<16xf32>
          %add3A_310 = arith.addi %mul3A_149, %add3A_305 : vector<16xi32>
          tpu.vector_store_idx %arg8[%shift_right_logical3A_143, %add3A_310], %mul3A_309 : memref<64x128xf32, #tpu.memory_space<vmem>>[vector<16xi32>, vector<16xi32>], vector<16xf32>,
          %add3A_311 = arith.constant 32 : i32
          %add3A_312 = vector.broadcast %add3A_311 : i32 to vector<16xi32>
          %add3A_313 = arith.addi %add3A_312, %and3A_295 : vector<16xi32>
          %gather3A_314 = tpu.vector_load_idx %arg6[%add3A_313, %add3A_141] : memref<64x128xf32, #tpu.memory_space<vmem>>[vector<16xi32>, vector<16xi32>], vector<16xf32>,
          %mul3A_315 = arith.constant 8.000000e+00 : f32
          %mul3A_316 = vector.broadcast %mul3A_315 : f32 to vector<16xf32>
          %mul3A_317 = arith.mulf %gather3A_314, %mul3A_316 : vector<16xf32>
          %add3A_318 = arith.addi %mul3A_149, %add3A_313 : vector<16xi32>
          tpu.vector_store_idx %arg8[%shift_right_logical3A_143, %add3A_318], %mul3A_317 : memref<64x128xf32, #tpu.memory_space<vmem>>[vector<16xi32>, vector<16xi32>], vector<16xf32>,
          %add3A_319 = arith.constant 48 : i32
          %add3A_320 = vector.broadcast %add3A_319 : i32 to vector<16xi32>
          %add3A_321 = arith.addi %add3A_320, %and3A_295 : vector<16xi32>
          %gather3A_322 = tpu.vector_load_idx %arg6[%add3A_321, %add3A_141] : memref<64x128xf32, #tpu.memory_space<vmem>>[vector<16xi32>, vector<16xi32>], vector<16xf32>,
          %mul3A_323 = arith.constant 8.000000e+00 : f32
          %mul3A_324 = vector.broadcast %mul3A_323 : f32 to vector<16xf32>
          %mul3A_325 = arith.mulf %gather3A_322, %mul3A_324 : vector<16xf32>
          %add3A_326 = arith.addi %mul3A_149, %add3A_321 : vector<16xi32>
          tpu.vector_store_idx %arg8[%shift_right_logical3A_143, %add3A_326], %mul3A_325 : memref<64x128xf32, #tpu.memory_space<vmem>>[vector<16xi32>, vector<16xi32>], vector<16xf32>,
        }
        %scan3A_154 = arith.constant 16 : i32
        %add3A_155 = arith.constant 16 : i32
        %add3A_156 = vector.broadcast %add3A_155 : i32 to vector<16xi32>
        %add3A_157 = arith.addi %add3A_156, %iota3A : vector<16xi32>
        %shift_right_logical3A_158 = arith.constant 1 : i32
        %shift_right_logical3A_159 = vector.broadcast %shift_right_logical3A_158 : i32 to vector<16xi32>
        %shift_right_logical3A_160 = arith.shrui %add3A_157, %shift_right_logical3A_159 : vector<16xi32>
        %and3A_161 = arith.constant 1 : i32
        %and3A_162 = vector.broadcast %and3A_161 : i32 to vector<16xi32>
        %and3A_163 = arith.andi %add3A_157, %and3A_162 : vector<16xi32>
        %mul3A_164 = arith.constant 64 : i32
        %mul3A_165 = vector.broadcast %mul3A_164 : i32 to vector<16xi32>
        %mul3A_166 = arith.muli %and3A_163, %mul3A_165 : vector<16xi32>
        %scan3A_167 = arith.constant 0 : i32
        %scan3A_168 = arith.constant 16 : i32
        %scan3A_169 = arith.addi %scan3A_167, %scan3A_168 : i32
        %scan3A_170 = arith.constant 1 : i32
        scf.for %scan3A_286 = %scan3A_167 to %scan3A_169 step %scan3A_170  : i32 {
          %mul3A_287 = arith.constant 1 : i32
          %mul3A_288 = arith.muli %scan3A_286, %mul3A_287 : i32
          %add3A_289 = arith.constant 0 : i32
          %add3A_290 = arith.addi %add3A_289, %mul3A_288 : i32
          %add3A_291 = vector.broadcast %add3A_290 : i32 to vector<16xi32>
          %add3A_292 = arith.addi %iota3A, %add3A_291 : vector<16xi32>
          %and3A_293 = arith.constant 15 : i32
          %and3A_294 = vector.broadcast %and3A_293 : i32 to vector<16xi32>
          %and3A_295 = arith.andi %add3A_292, %and3A_294 : vector<16xi32>
          %add3A_296 = arith.constant 0 : i32
          %add3A_297 = vector.broadcast %add3A_296 : i32 to vector<16xi32>
          %add3A_298 = arith.addi %add3A_297, %and3A_295 : vector<16xi32>
          %gather3A = tpu.vector_load_idx %arg6[%add3A_298, %add3A_157] : memref<64x128xf32, #tpu.memory_space<vmem>>[vector<16xi32>, vector<16xi32>], vector<16xf32>,
          %mul3A_299 = arith.constant 8.000000e+00 : f32
          %mul3A_300 = vector.broadcast %mul3A_299 : f32 to vector<16xf32>
          %mul3A_301 = arith.mulf %gather3A, %mul3A_300 : vector<16xf32>
          %add3A_302 = arith.addi %mul3A_166, %add3A_298 : vector<16xi32>
          tpu.vector_store_idx %arg8[%shift_right_logical3A_160, %add3A_302], %mul3A_301 : memref<64x128xf32, #tpu.memory_space<vmem>>[vector<16xi32>, vector<16xi32>], vector<16xf32>,
          %add3A_303 = arith.constant 16 : i32
          %add3A_304 = vector.broadcast %add3A_303 : i32 to vector<16xi32>
          %add3A_305 = arith.addi %add3A_304, %and3A_295 : vector<16xi32>
          %gather3A_306 = tpu.vector_load_idx %arg6[%add3A_305, %add3A_157] : memref<64x128xf32, #tpu.memory_space<vmem>>[vector<16xi32>, vector<16xi32>], vector<16xf32>,
          %mul3A_307 = arith.constant 8.000000e+00 : f32
          %mul3A_308 = vector.broadcast %mul3A_307 : f32 to vector<16xf32>
          %mul3A_309 = arith.mulf %gather3A_306, %mul3A_308 : vector<16xf32>
          %add3A_310 = arith.addi %mul3A_166, %add3A_305 : vector<16xi32>
          tpu.vector_store_idx %arg8[%shift_right_logical3A_160, %add3A_310], %mul3A_309 : memref<64x128xf32, #tpu.memory_space<vmem>>[vector<16xi32>, vector<16xi32>], vector<16xf32>,
          %add3A_311 = arith.constant 32 : i32
          %add3A_312 = vector.broadcast %add3A_311 : i32 to vector<16xi32>
          %add3A_313 = arith.addi %add3A_312, %and3A_295 : vector<16xi32>
          %gather3A_314 = tpu.vector_load_idx %arg6[%add3A_313, %add3A_157] : memref<64x128xf32, #tpu.memory_space<vmem>>[vector<16xi32>, vector<16xi32>], vector<16xf32>,
          %mul3A_315 = arith.constant 8.000000e+00 : f32
          %mul3A_316 = vector.broadcast %mul3A_315 : f32 to vector<16xf32>
          %mul3A_317 = arith.mulf %gather3A_314, %mul3A_316 : vector<16xf32>
          %add3A_318 = arith.addi %mul3A_166, %add3A_313 : vector<16xi32>
          tpu.vector_store_idx %arg8[%shift_right_logical3A_160, %add3A_318], %mul3A_317 : memref<64x128xf32, #tpu.memory_space<vmem>>[vector<16xi32>, vector<16xi32>], vector<16xf32>,
          %add3A_319 = arith.constant 48 : i32
          %add3A_320 = vector.broadcast %add3A_319 : i32 to vector<16xi32>
          %add3A_321 = arith.addi %add3A_320, %and3A_295 : vector<16xi32>
          %gather3A_322 = tpu.vector_load_idx %arg6[%add3A_321, %add3A_157] : memref<64x128xf32, #tpu.memory_space<vmem>>[vector<16xi32>, vector<16xi32>], vector<16xf32>,
          %mul3A_323 = arith.constant 8.000000e+00 : f32
          %mul3A_324 = vector.broadcast %mul3A_323 : f32 to vector<16xf32>
          %mul3A_325 = arith.mulf %gather3A_322, %mul3A_324 : vector<16xf32>
          %add3A_326 = arith.addi %mul3A_166, %add3A_321 : vector<16xi32>
          tpu.vector_store_idx %arg8[%shift_right_logical3A_160, %add3A_326], %mul3A_325 : memref<64x128xf32, #tpu.memory_space<vmem>>[vector<16xi32>, vector<16xi32>], vector<16xf32>,
        }
        %scan3A_171 = arith.constant 16 : i32
        %add3A_172 = arith.constant 32 : i32
        %add3A_173 = vector.broadcast %add3A_172 : i32 to vector<16xi32>
        %add3A_174 = arith.addi %add3A_173, %iota3A : vector<16xi32>
        %shift_right_logical3A_175 = arith.constant 1 : i32
        %shift_right_logical3A_176 = vector.broadcast %shift_right_logical3A_175 : i32 to vector<16xi32>
        %shift_right_logical3A_177 = arith.shrui %add3A_174, %shift_right_logical3A_176 : vector<16xi32>
        %and3A_178 = arith.constant 1 : i32
        %and3A_179 = vector.broadcast %and3A_178 : i32 to vector<16xi32>
        %and3A_180 = arith.andi %add3A_174, %and3A_179 : vector<16xi32>
        %mul3A_181 = arith.constant 64 : i32
        %mul3A_182 = vector.broadcast %mul3A_181 : i32 to vector<16xi32>
        %mul3A_183 = arith.muli %and3A_180, %mul3A_182 : vector<16xi32>
        %scan3A_184 = arith.constant 0 : i32
        %scan3A_185 = arith.constant 16 : i32
        %scan3A_186 = arith.addi %scan3A_184, %scan3A_185 : i32
        %scan3A_187 = arith.constant 1 : i32
        scf.for %scan3A_286 = %scan3A_184 to %scan3A_186 step %scan3A_187  : i32 {
          %mul3A_287 = arith.constant 1 : i32
          %mul3A_288 = arith.muli %scan3A_286, %mul3A_287 : i32
          %add3A_289 = arith.constant 0 : i32
          %add3A_290 = arith.addi %add3A_289, %mul3A_288 : i32
          %add3A_291 = vector.broadcast %add3A_290 : i32 to vector<16xi32>
          %add3A_292 = arith.addi %iota3A, %add3A_291 : vector<16xi32>
          %and3A_293 = arith.constant 15 : i32
          %and3A_294 = vector.broadcast %and3A_293 : i32 to vector<16xi32>
          %and3A_295 = arith.andi %add3A_292, %and3A_294 : vector<16xi32>
          %add3A_296 = arith.constant 0 : i32
          %add3A_297 = vector.broadcast %add3A_296 : i32 to vector<16xi32>
          %add3A_298 = arith.addi %add3A_297, %and3A_295 : vector<16xi32>
          %gather3A = tpu.vector_load_idx %arg6[%add3A_298, %add3A_174] : memref<64x128xf32, #tpu.memory_space<vmem>>[vector<16xi32>, vector<16xi32>], vector<16xf32>,
          %mul3A_299 = arith.constant 8.000000e+00 : f32
          %mul3A_300 = vector.broadcast %mul3A_299 : f32 to vector<16xf32>
          %mul3A_301 = arith.mulf %gather3A, %mul3A_300 : vector<16xf32>
          %add3A_302 = arith.addi %mul3A_183, %add3A_298 : vector<16xi32>
          tpu.vector_store_idx %arg8[%shift_right_logical3A_177, %add3A_302], %mul3A_301 : memref<64x128xf32, #tpu.memory_space<vmem>>[vector<16xi32>, vector<16xi32>], vector<16xf32>,
          %add3A_303 = arith.constant 16 : i32
          %add3A_304 = vector.broadcast %add3A_303 : i32 to vector<16xi32>
          %add3A_305 = arith.addi %add3A_304, %and3A_295 : vector<16xi32>
          %gather3A_306 = tpu.vector_load_idx %arg6[%add3A_305, %add3A_174] : memref<64x128xf32, #tpu.memory_space<vmem>>[vector<16xi32>, vector<16xi32>], vector<16xf32>,
          %mul3A_307 = arith.constant 8.000000e+00 : f32
          %mul3A_308 = vector.broadcast %mul3A_307 : f32 to vector<16xf32>
          %mul3A_309 = arith.mulf %gather3A_306, %mul3A_308 : vector<16xf32>
          %add3A_310 = arith.addi %mul3A_183, %add3A_305 : vector<16xi32>
          tpu.vector_store_idx %arg8[%shift_right_logical3A_177, %add3A_310], %mul3A_309 : memref<64x128xf32, #tpu.memory_space<vmem>>[vector<16xi32>, vector<16xi32>], vector<16xf32>,
          %add3A_311 = arith.constant 32 : i32
          %add3A_312 = vector.broadcast %add3A_311 : i32 to vector<16xi32>
          %add3A_313 = arith.addi %add3A_312, %and3A_295 : vector<16xi32>
          %gather3A_314 = tpu.vector_load_idx %arg6[%add3A_313, %add3A_174] : memref<64x128xf32, #tpu.memory_space<vmem>>[vector<16xi32>, vector<16xi32>], vector<16xf32>,
          %mul3A_315 = arith.constant 8.000000e+00 : f32
          %mul3A_316 = vector.broadcast %mul3A_315 : f32 to vector<16xf32>
          %mul3A_317 = arith.mulf %gather3A_314, %mul3A_316 : vector<16xf32>
          %add3A_318 = arith.addi %mul3A_183, %add3A_313 : vector<16xi32>
          tpu.vector_store_idx %arg8[%shift_right_logical3A_177, %add3A_318], %mul3A_317 : memref<64x128xf32, #tpu.memory_space<vmem>>[vector<16xi32>, vector<16xi32>], vector<16xf32>,
          %add3A_319 = arith.constant 48 : i32
          %add3A_320 = vector.broadcast %add3A_319 : i32 to vector<16xi32>
          %add3A_321 = arith.addi %add3A_320, %and3A_295 : vector<16xi32>
          %gather3A_322 = tpu.vector_load_idx %arg6[%add3A_321, %add3A_174] : memref<64x128xf32, #tpu.memory_space<vmem>>[vector<16xi32>, vector<16xi32>], vector<16xf32>,
          %mul3A_323 = arith.constant 8.000000e+00 : f32
          %mul3A_324 = vector.broadcast %mul3A_323 : f32 to vector<16xf32>
          %mul3A_325 = arith.mulf %gather3A_322, %mul3A_324 : vector<16xf32>
          %add3A_326 = arith.addi %mul3A_183, %add3A_321 : vector<16xi32>
          tpu.vector_store_idx %arg8[%shift_right_logical3A_177, %add3A_326], %mul3A_325 : memref<64x128xf32, #tpu.memory_space<vmem>>[vector<16xi32>, vector<16xi32>], vector<16xf32>,
        }
        %scan3A_188 = arith.constant 16 : i32
        %add3A_189 = arith.constant 48 : i32
        %add3A_190 = vector.broadcast %add3A_189 : i32 to vector<16xi32>
        %add3A_191 = arith.addi %add3A_190, %iota3A : vector<16xi32>
        %shift_right_logical3A_192 = arith.constant 1 : i32
        %shift_right_logical3A_193 = vector.broadcast %shift_right_logical3A_192 : i32 to vector<16xi32>
        %shift_right_logical3A_194 = arith.shrui %add3A_191, %shift_right_logical3A_193 : vector<16xi32>
        %and3A_195 = arith.constant 1 : i32
        %and3A_196 = vector.broadcast %and3A_195 : i32 to vector<16xi32>
        %and3A_197 = arith.andi %add3A_191, %and3A_196 : vector<16xi32>
        %mul3A_198 = arith.constant 64 : i32
        %mul3A_199 = vector.broadcast %mul3A_198 : i32 to vector<16xi32>
        %mul3A_200 = arith.muli %and3A_197, %mul3A_199 : vector<16xi32>
        %scan3A_201 = arith.constant 0 : i32
        %scan3A_202 = arith.constant 16 : i32
        %scan3A_203 = arith.addi %scan3A_201, %scan3A_202 : i32
        %scan3A_204 = arith.constant 1 : i32
        scf.for %scan3A_286 = %scan3A_201 to %scan3A_203 step %scan3A_204  : i32 {
          %mul3A_287 = arith.constant 1 : i32
          %mul3A_288 = arith.muli %scan3A_286, %mul3A_287 : i32
          %add3A_289 = arith.constant 0 : i32
          %add3A_290 = arith.addi %add3A_289, %mul3A_288 : i32
          %add3A_291 = vector.broadcast %add3A_290 : i32 to vector<16xi32>
          %add3A_292 = arith.addi %iota3A, %add3A_291 : vector<16xi32>
          %and3A_293 = arith.constant 15 : i32
          %and3A_294 = vector.broadcast %and3A_293 : i32 to vector<16xi32>
          %and3A_295 = arith.andi %add3A_292, %and3A_294 : vector<16xi32>
          %add3A_296 = arith.constant 0 : i32
          %add3A_297 = vector.broadcast %add3A_296 : i32 to vector<16xi32>
          %add3A_298 = arith.addi %add3A_297, %and3A_295 : vector<16xi32>
          %gather3A = tpu.vector_load_idx %arg6[%add3A_298, %add3A_191] : memref<64x128xf32, #tpu.memory_space<vmem>>[vector<16xi32>, vector<16xi32>], vector<16xf32>,
          %mul3A_299 = arith.constant 8.000000e+00 : f32
          %mul3A_300 = vector.broadcast %mul3A_299 : f32 to vector<16xf32>
          %mul3A_301 = arith.mulf %gather3A, %mul3A_300 : vector<16xf32>
          %add3A_302 = arith.addi %mul3A_200, %add3A_298 : vector<16xi32>
          tpu.vector_store_idx %arg8[%shift_right_logical3A_194, %add3A_302], %mul3A_301 : memref<64x128xf32, #tpu.memory_space<vmem>>[vector<16xi32>, vector<16xi32>], vector<16xf32>,
          %add3A_303 = arith.constant 16 : i32
          %add3A_304 = vector.broadcast %add3A_303 : i32 to vector<16xi32>
          %add3A_305 = arith.addi %add3A_304, %and3A_295 : vector<16xi32>
          %gather3A_306 = tpu.vector_load_idx %arg6[%add3A_305, %add3A_191] : memref<64x128xf32, #tpu.memory_space<vmem>>[vector<16xi32>, vector<16xi32>], vector<16xf32>,
          %mul3A_307 = arith.constant 8.000000e+00 : f32
          %mul3A_308 = vector.broadcast %mul3A_307 : f32 to vector<16xf32>
          %mul3A_309 = arith.mulf %gather3A_306, %mul3A_308 : vector<16xf32>
          %add3A_310 = arith.addi %mul3A_200, %add3A_305 : vector<16xi32>
          tpu.vector_store_idx %arg8[%shift_right_logical3A_194, %add3A_310], %mul3A_309 : memref<64x128xf32, #tpu.memory_space<vmem>>[vector<16xi32>, vector<16xi32>], vector<16xf32>,
          %add3A_311 = arith.constant 32 : i32
          %add3A_312 = vector.broadcast %add3A_311 : i32 to vector<16xi32>
          %add3A_313 = arith.addi %add3A_312, %and3A_295 : vector<16xi32>
          %gather3A_314 = tpu.vector_load_idx %arg6[%add3A_313, %add3A_191] : memref<64x128xf32, #tpu.memory_space<vmem>>[vector<16xi32>, vector<16xi32>], vector<16xf32>,
          %mul3A_315 = arith.constant 8.000000e+00 : f32
          %mul3A_316 = vector.broadcast %mul3A_315 : f32 to vector<16xf32>
          %mul3A_317 = arith.mulf %gather3A_314, %mul3A_316 : vector<16xf32>
          %add3A_318 = arith.addi %mul3A_200, %add3A_313 : vector<16xi32>
          tpu.vector_store_idx %arg8[%shift_right_logical3A_194, %add3A_318], %mul3A_317 : memref<64x128xf32, #tpu.memory_space<vmem>>[vector<16xi32>, vector<16xi32>], vector<16xf32>,
          %add3A_319 = arith.constant 48 : i32
          %add3A_320 = vector.broadcast %add3A_319 : i32 to vector<16xi32>
          %add3A_321 = arith.addi %add3A_320, %and3A_295 : vector<16xi32>
          %gather3A_322 = tpu.vector_load_idx %arg6[%add3A_321, %add3A_191] : memref<64x128xf32, #tpu.memory_space<vmem>>[vector<16xi32>, vector<16xi32>], vector<16xf32>,
          %mul3A_323 = arith.constant 8.000000e+00 : f32
          %mul3A_324 = vector.broadcast %mul3A_323 : f32 to vector<16xf32>
          %mul3A_325 = arith.mulf %gather3A_322, %mul3A_324 : vector<16xf32>
          %add3A_326 = arith.addi %mul3A_200, %add3A_321 : vector<16xi32>
          tpu.vector_store_idx %arg8[%shift_right_logical3A_194, %add3A_326], %mul3A_325 : memref<64x128xf32, #tpu.memory_space<vmem>>[vector<16xi32>, vector<16xi32>], vector<16xf32>,
        }
        %scan3A_205 = arith.constant 16 : i32
        %add3A_206 = arith.constant 64 : i32
        %add3A_207 = vector.broadcast %add3A_206 : i32 to vector<16xi32>
        %add3A_208 = arith.addi %add3A_207, %iota3A : vector<16xi32>
        %shift_right_logical3A_209 = arith.constant 1 : i32
        %shift_right_logical3A_210 = vector.broadcast %shift_right_logical3A_209 : i32 to vector<16xi32>
        %shift_right_logical3A_211 = arith.shrui %add3A_208, %shift_right_logical3A_210 : vector<16xi32>
        %and3A_212 = arith.constant 1 : i32
        %and3A_213 = vector.broadcast %and3A_212 : i32 to vector<16xi32>
        %and3A_214 = arith.andi %add3A_208, %and3A_213 : vector<16xi32>
        %mul3A_215 = arith.constant 64 : i32
        %mul3A_216 = vector.broadcast %mul3A_215 : i32 to vector<16xi32>
        %mul3A_217 = arith.muli %and3A_214, %mul3A_216 : vector<16xi32>
        %scan3A_218 = arith.constant 0 : i32
        %scan3A_219 = arith.constant 16 : i32
        %scan3A_220 = arith.addi %scan3A_218, %scan3A_219 : i32
        %scan3A_221 = arith.constant 1 : i32
        scf.for %scan3A_286 = %scan3A_218 to %scan3A_220 step %scan3A_221  : i32 {
          %mul3A_287 = arith.constant 1 : i32
          %mul3A_288 = arith.muli %scan3A_286, %mul3A_287 : i32
          %add3A_289 = arith.constant 0 : i32
          %add3A_290 = arith.addi %add3A_289, %mul3A_288 : i32
          %add3A_291 = vector.broadcast %add3A_290 : i32 to vector<16xi32>
          %add3A_292 = arith.addi %iota3A, %add3A_291 : vector<16xi32>
          %and3A_293 = arith.constant 15 : i32
          %and3A_294 = vector.broadcast %and3A_293 : i32 to vector<16xi32>
          %and3A_295 = arith.andi %add3A_292, %and3A_294 : vector<16xi32>
          %add3A_296 = arith.constant 0 : i32
          %add3A_297 = vector.broadcast %add3A_296 : i32 to vector<16xi32>
          %add3A_298 = arith.addi %add3A_297, %and3A_295 : vector<16xi32>
          %gather3A = tpu.vector_load_idx %arg6[%add3A_298, %add3A_208] : memref<64x128xf32, #tpu.memory_space<vmem>>[vector<16xi32>, vector<16xi32>], vector<16xf32>,
          %mul3A_299 = arith.constant 8.000000e+00 : f32
          %mul3A_300 = vector.broadcast %mul3A_299 : f32 to vector<16xf32>
          %mul3A_301 = arith.mulf %gather3A, %mul3A_300 : vector<16xf32>
          %add3A_302 = arith.addi %mul3A_217, %add3A_298 : vector<16xi32>
          tpu.vector_store_idx %arg8[%shift_right_logical3A_211, %add3A_302], %mul3A_301 : memref<64x128xf32, #tpu.memory_space<vmem>>[vector<16xi32>, vector<16xi32>], vector<16xf32>,
          %add3A_303 = arith.constant 16 : i32
          %add3A_304 = vector.broadcast %add3A_303 : i32 to vector<16xi32>
          %add3A_305 = arith.addi %add3A_304, %and3A_295 : vector<16xi32>
          %gather3A_306 = tpu.vector_load_idx %arg6[%add3A_305, %add3A_208] : memref<64x128xf32, #tpu.memory_space<vmem>>[vector<16xi32>, vector<16xi32>], vector<16xf32>,
          %mul3A_307 = arith.constant 8.000000e+00 : f32
          %mul3A_308 = vector.broadcast %mul3A_307 : f32 to vector<16xf32>
          %mul3A_309 = arith.mulf %gather3A_306, %mul3A_308 : vector<16xf32>
          %add3A_310 = arith.addi %mul3A_217, %add3A_305 : vector<16xi32>
          tpu.vector_store_idx %arg8[%shift_right_logical3A_211, %add3A_310], %mul3A_309 : memref<64x128xf32, #tpu.memory_space<vmem>>[vector<16xi32>, vector<16xi32>], vector<16xf32>,
          %add3A_311 = arith.constant 32 : i32
          %add3A_312 = vector.broadcast %add3A_311 : i32 to vector<16xi32>
          %add3A_313 = arith.addi %add3A_312, %and3A_295 : vector<16xi32>
          %gather3A_314 = tpu.vector_load_idx %arg6[%add3A_313, %add3A_208] : memref<64x128xf32, #tpu.memory_space<vmem>>[vector<16xi32>, vector<16xi32>], vector<16xf32>,
          %mul3A_315 = arith.constant 8.000000e+00 : f32
          %mul3A_316 = vector.broadcast %mul3A_315 : f32 to vector<16xf32>
          %mul3A_317 = arith.mulf %gather3A_314, %mul3A_316 : vector<16xf32>
          %add3A_318 = arith.addi %mul3A_217, %add3A_313 : vector<16xi32>
          tpu.vector_store_idx %arg8[%shift_right_logical3A_211, %add3A_318], %mul3A_317 : memref<64x128xf32, #tpu.memory_space<vmem>>[vector<16xi32>, vector<16xi32>], vector<16xf32>,
          %add3A_319 = arith.constant 48 : i32
          %add3A_320 = vector.broadcast %add3A_319 : i32 to vector<16xi32>
          %add3A_321 = arith.addi %add3A_320, %and3A_295 : vector<16xi32>
          %gather3A_322 = tpu.vector_load_idx %arg6[%add3A_321, %add3A_208] : memref<64x128xf32, #tpu.memory_space<vmem>>[vector<16xi32>, vector<16xi32>], vector<16xf32>,
          %mul3A_323 = arith.constant 8.000000e+00 : f32
          %mul3A_324 = vector.broadcast %mul3A_323 : f32 to vector<16xf32>
          %mul3A_325 = arith.mulf %gather3A_322, %mul3A_324 : vector<16xf32>
          %add3A_326 = arith.addi %mul3A_217, %add3A_321 : vector<16xi32>
          tpu.vector_store_idx %arg8[%shift_right_logical3A_211, %add3A_326], %mul3A_325 : memref<64x128xf32, #tpu.memory_space<vmem>>[vector<16xi32>, vector<16xi32>], vector<16xf32>,
        }
        %scan3A_222 = arith.constant 16 : i32
        %add3A_223 = arith.constant 80 : i32
        %add3A_224 = vector.broadcast %add3A_223 : i32 to vector<16xi32>
        %add3A_225 = arith.addi %add3A_224, %iota3A : vector<16xi32>
        %shift_right_logical3A_226 = arith.constant 1 : i32
        %shift_right_logical3A_227 = vector.broadcast %shift_right_logical3A_226 : i32 to vector<16xi32>
        %shift_right_logical3A_228 = arith.shrui %add3A_225, %shift_right_logical3A_227 : vector<16xi32>
        %and3A_229 = arith.constant 1 : i32
        %and3A_230 = vector.broadcast %and3A_229 : i32 to vector<16xi32>
        %and3A_231 = arith.andi %add3A_225, %and3A_230 : vector<16xi32>
        %mul3A_232 = arith.constant 64 : i32
        %mul3A_233 = vector.broadcast %mul3A_232 : i32 to vector<16xi32>
        %mul3A_234 = arith.muli %and3A_231, %mul3A_233 : vector<16xi32>
        %scan3A_235 = arith.constant 0 : i32
        %scan3A_236 = arith.constant 16 : i32
        %scan3A_237 = arith.addi %scan3A_235, %scan3A_236 : i32
        %scan3A_238 = arith.constant 1 : i32
        scf.for %scan3A_286 = %scan3A_235 to %scan3A_237 step %scan3A_238  : i32 {
          %mul3A_287 = arith.constant 1 : i32
          %mul3A_288 = arith.muli %scan3A_286, %mul3A_287 : i32
          %add3A_289 = arith.constant 0 : i32
          %add3A_290 = arith.addi %add3A_289, %mul3A_288 : i32
          %add3A_291 = vector.broadcast %add3A_290 : i32 to vector<16xi32>
          %add3A_292 = arith.addi %iota3A, %add3A_291 : vector<16xi32>
          %and3A_293 = arith.constant 15 : i32
          %and3A_294 = vector.broadcast %and3A_293 : i32 to vector<16xi32>
          %and3A_295 = arith.andi %add3A_292, %and3A_294 : vector<16xi32>
          %add3A_296 = arith.constant 0 : i32
          %add3A_297 = vector.broadcast %add3A_296 : i32 to vector<16xi32>
          %add3A_298 = arith.addi %add3A_297, %and3A_295 : vector<16xi32>
          %gather3A = tpu.vector_load_idx %arg6[%add3A_298, %add3A_225] : memref<64x128xf32, #tpu.memory_space<vmem>>[vector<16xi32>, vector<16xi32>], vector<16xf32>,
          %mul3A_299 = arith.constant 8.000000e+00 : f32
          %mul3A_300 = vector.broadcast %mul3A_299 : f32 to vector<16xf32>
          %mul3A_301 = arith.mulf %gather3A, %mul3A_300 : vector<16xf32>
          %add3A_302 = arith.addi %mul3A_234, %add3A_298 : vector<16xi32>
          tpu.vector_store_idx %arg8[%shift_right_logical3A_228, %add3A_302], %mul3A_301 : memref<64x128xf32, #tpu.memory_space<vmem>>[vector<16xi32>, vector<16xi32>], vector<16xf32>,
          %add3A_303 = arith.constant 16 : i32
          %add3A_304 = vector.broadcast %add3A_303 : i32 to vector<16xi32>
          %add3A_305 = arith.addi %add3A_304, %and3A_295 : vector<16xi32>
          %gather3A_306 = tpu.vector_load_idx %arg6[%add3A_305, %add3A_225] : memref<64x128xf32, #tpu.memory_space<vmem>>[vector<16xi32>, vector<16xi32>], vector<16xf32>,
          %mul3A_307 = arith.constant 8.000000e+00 : f32
          %mul3A_308 = vector.broadcast %mul3A_307 : f32 to vector<16xf32>
          %mul3A_309 = arith.mulf %gather3A_306, %mul3A_308 : vector<16xf32>
          %add3A_310 = arith.addi %mul3A_234, %add3A_305 : vector<16xi32>
          tpu.vector_store_idx %arg8[%shift_right_logical3A_228, %add3A_310], %mul3A_309 : memref<64x128xf32, #tpu.memory_space<vmem>>[vector<16xi32>, vector<16xi32>], vector<16xf32>,
          %add3A_311 = arith.constant 32 : i32
          %add3A_312 = vector.broadcast %add3A_311 : i32 to vector<16xi32>
          %add3A_313 = arith.addi %add3A_312, %and3A_295 : vector<16xi32>
          %gather3A_314 = tpu.vector_load_idx %arg6[%add3A_313, %add3A_225] : memref<64x128xf32, #tpu.memory_space<vmem>>[vector<16xi32>, vector<16xi32>], vector<16xf32>,
          %mul3A_315 = arith.constant 8.000000e+00 : f32
          %mul3A_316 = vector.broadcast %mul3A_315 : f32 to vector<16xf32>
          %mul3A_317 = arith.mulf %gather3A_314, %mul3A_316 : vector<16xf32>
          %add3A_318 = arith.addi %mul3A_234, %add3A_313 : vector<16xi32>
          tpu.vector_store_idx %arg8[%shift_right_logical3A_228, %add3A_318], %mul3A_317 : memref<64x128xf32, #tpu.memory_space<vmem>>[vector<16xi32>, vector<16xi32>], vector<16xf32>,
          %add3A_319 = arith.constant 48 : i32
          %add3A_320 = vector.broadcast %add3A_319 : i32 to vector<16xi32>
          %add3A_321 = arith.addi %add3A_320, %and3A_295 : vector<16xi32>
          %gather3A_322 = tpu.vector_load_idx %arg6[%add3A_321, %add3A_225] : memref<64x128xf32, #tpu.memory_space<vmem>>[vector<16xi32>, vector<16xi32>], vector<16xf32>,
          %mul3A_323 = arith.constant 8.000000e+00 : f32
          %mul3A_324 = vector.broadcast %mul3A_323 : f32 to vector<16xf32>
          %mul3A_325 = arith.mulf %gather3A_322, %mul3A_324 : vector<16xf32>
          %add3A_326 = arith.addi %mul3A_234, %add3A_321 : vector<16xi32>
          tpu.vector_store_idx %arg8[%shift_right_logical3A_228, %add3A_326], %mul3A_325 : memref<64x128xf32, #tpu.memory_space<vmem>>[vector<16xi32>, vector<16xi32>], vector<16xf32>,
        }
        %scan3A_239 = arith.constant 16 : i32
        %add3A_240 = arith.constant 96 : i32
        %add3A_241 = vector.broadcast %add3A_240 : i32 to vector<16xi32>
        %add3A_242 = arith.addi %add3A_241, %iota3A : vector<16xi32>
        %shift_right_logical3A_243 = arith.constant 1 : i32
        %shift_right_logical3A_244 = vector.broadcast %shift_right_logical3A_243 : i32 to vector<16xi32>
        %shift_right_logical3A_245 = arith.shrui %add3A_242, %shift_right_logical3A_244 : vector<16xi32>
        %and3A_246 = arith.constant 1 : i32
        %and3A_247 = vector.broadcast %and3A_246 : i32 to vector<16xi32>
        %and3A_248 = arith.andi %add3A_242, %and3A_247 : vector<16xi32>
        %mul3A_249 = arith.constant 64 : i32
        %mul3A_250 = vector.broadcast %mul3A_249 : i32 to vector<16xi32>
        %mul3A_251 = arith.muli %and3A_248, %mul3A_250 : vector<16xi32>
        %scan3A_252 = arith.constant 0 : i32
        %scan3A_253 = arith.constant 16 : i32
        %scan3A_254 = arith.addi %scan3A_252, %scan3A_253 : i32
        %scan3A_255 = arith.constant 1 : i32
        scf.for %scan3A_286 = %scan3A_252 to %scan3A_254 step %scan3A_255  : i32 {
          %mul3A_287 = arith.constant 1 : i32
          %mul3A_288 = arith.muli %scan3A_286, %mul3A_287 : i32
          %add3A_289 = arith.constant 0 : i32
          %add3A_290 = arith.addi %add3A_289, %mul3A_288 : i32
          %add3A_291 = vector.broadcast %add3A_290 : i32 to vector<16xi32>
          %add3A_292 = arith.addi %iota3A, %add3A_291 : vector<16xi32>
          %and3A_293 = arith.constant 15 : i32
          %and3A_294 = vector.broadcast %and3A_293 : i32 to vector<16xi32>
          %and3A_295 = arith.andi %add3A_292, %and3A_294 : vector<16xi32>
          %add3A_296 = arith.constant 0 : i32
          %add3A_297 = vector.broadcast %add3A_296 : i32 to vector<16xi32>
          %add3A_298 = arith.addi %add3A_297, %and3A_295 : vector<16xi32>
          %gather3A = tpu.vector_load_idx %arg6[%add3A_298, %add3A_242] : memref<64x128xf32, #tpu.memory_space<vmem>>[vector<16xi32>, vector<16xi32>], vector<16xf32>,
          %mul3A_299 = arith.constant 8.000000e+00 : f32
          %mul3A_300 = vector.broadcast %mul3A_299 : f32 to vector<16xf32>
          %mul3A_301 = arith.mulf %gather3A, %mul3A_300 : vector<16xf32>
          %add3A_302 = arith.addi %mul3A_251, %add3A_298 : vector<16xi32>
          tpu.vector_store_idx %arg8[%shift_right_logical3A_245, %add3A_302], %mul3A_301 : memref<64x128xf32, #tpu.memory_space<vmem>>[vector<16xi32>, vector<16xi32>], vector<16xf32>,
          %add3A_303 = arith.constant 16 : i32
          %add3A_304 = vector.broadcast %add3A_303 : i32 to vector<16xi32>
          %add3A_305 = arith.addi %add3A_304, %and3A_295 : vector<16xi32>
          %gather3A_306 = tpu.vector_load_idx %arg6[%add3A_305, %add3A_242] : memref<64x128xf32, #tpu.memory_space<vmem>>[vector<16xi32>, vector<16xi32>], vector<16xf32>,
          %mul3A_307 = arith.constant 8.000000e+00 : f32
          %mul3A_308 = vector.broadcast %mul3A_307 : f32 to vector<16xf32>
          %mul3A_309 = arith.mulf %gather3A_306, %mul3A_308 : vector<16xf32>
          %add3A_310 = arith.addi %mul3A_251, %add3A_305 : vector<16xi32>
          tpu.vector_store_idx %arg8[%shift_right_logical3A_245, %add3A_310], %mul3A_309 : memref<64x128xf32, #tpu.memory_space<vmem>>[vector<16xi32>, vector<16xi32>], vector<16xf32>,
          %add3A_311 = arith.constant 32 : i32
          %add3A_312 = vector.broadcast %add3A_311 : i32 to vector<16xi32>
          %add3A_313 = arith.addi %add3A_312, %and3A_295 : vector<16xi32>
          %gather3A_314 = tpu.vector_load_idx %arg6[%add3A_313, %add3A_242] : memref<64x128xf32, #tpu.memory_space<vmem>>[vector<16xi32>, vector<16xi32>], vector<16xf32>,
          %mul3A_315 = arith.constant 8.000000e+00 : f32
          %mul3A_316 = vector.broadcast %mul3A_315 : f32 to vector<16xf32>
          %mul3A_317 = arith.mulf %gather3A_314, %mul3A_316 : vector<16xf32>
          %add3A_318 = arith.addi %mul3A_251, %add3A_313 : vector<16xi32>
          tpu.vector_store_idx %arg8[%shift_right_logical3A_245, %add3A_318], %mul3A_317 : memref<64x128xf32, #tpu.memory_space<vmem>>[vector<16xi32>, vector<16xi32>], vector<16xf32>,
          %add3A_319 = arith.constant 48 : i32
          %add3A_320 = vector.broadcast %add3A_319 : i32 to vector<16xi32>
          %add3A_321 = arith.addi %add3A_320, %and3A_295 : vector<16xi32>
          %gather3A_322 = tpu.vector_load_idx %arg6[%add3A_321, %add3A_242] : memref<64x128xf32, #tpu.memory_space<vmem>>[vector<16xi32>, vector<16xi32>], vector<16xf32>,
          %mul3A_323 = arith.constant 8.000000e+00 : f32
          %mul3A_324 = vector.broadcast %mul3A_323 : f32 to vector<16xf32>
          %mul3A_325 = arith.mulf %gather3A_322, %mul3A_324 : vector<16xf32>
          %add3A_326 = arith.addi %mul3A_251, %add3A_321 : vector<16xi32>
          tpu.vector_store_idx %arg8[%shift_right_logical3A_245, %add3A_326], %mul3A_325 : memref<64x128xf32, #tpu.memory_space<vmem>>[vector<16xi32>, vector<16xi32>], vector<16xf32>,
        }
        %scan3A_256 = arith.constant 16 : i32
        %add3A_257 = arith.constant 112 : i32
        %add3A_258 = vector.broadcast %add3A_257 : i32 to vector<16xi32>
        %add3A_259 = arith.addi %add3A_258, %iota3A : vector<16xi32>
        %shift_right_logical3A_260 = arith.constant 1 : i32
        %shift_right_logical3A_261 = vector.broadcast %shift_right_logical3A_260 : i32 to vector<16xi32>
        %shift_right_logical3A_262 = arith.shrui %add3A_259, %shift_right_logical3A_261 : vector<16xi32>
        %and3A_263 = arith.constant 1 : i32
        %and3A_264 = vector.broadcast %and3A_263 : i32 to vector<16xi32>
        %and3A_265 = arith.andi %add3A_259, %and3A_264 : vector<16xi32>
        %mul3A_266 = arith.constant 64 : i32
        %mul3A_267 = vector.broadcast %mul3A_266 : i32 to vector<16xi32>
        %mul3A_268 = arith.muli %and3A_265, %mul3A_267 : vector<16xi32>
        %scan3A_269 = arith.constant 0 : i32
        %scan3A_270 = arith.constant 16 : i32
        %scan3A_271 = arith.addi %scan3A_269, %scan3A_270 : i32
        %scan3A_272 = arith.constant 1 : i32
        scf.for %scan3A_286 = %scan3A_269 to %scan3A_271 step %scan3A_272  : i32 {
          %mul3A_287 = arith.constant 1 : i32
          %mul3A_288 = arith.muli %scan3A_286, %mul3A_287 : i32
          %add3A_289 = arith.constant 0 : i32
          %add3A_290 = arith.addi %add3A_289, %mul3A_288 : i32
          %add3A_291 = vector.broadcast %add3A_290 : i32 to vector<16xi32>
          %add3A_292 = arith.addi %iota3A, %add3A_291 : vector<16xi32>
          %and3A_293 = arith.constant 15 : i32
          %and3A_294 = vector.broadcast %and3A_293 : i32 to vector<16xi32>
          %and3A_295 = arith.andi %add3A_292, %and3A_294 : vector<16xi32>
          %add3A_296 = arith.constant 0 : i32
          %add3A_297 = vector.broadcast %add3A_296 : i32 to vector<16xi32>
          %add3A_298 = arith.addi %add3A_297, %and3A_295 : vector<16xi32>
          %gather3A = tpu.vector_load_idx %arg6[%add3A_298, %add3A_259] : memref<64x128xf32, #tpu.memory_space<vmem>>[vector<16xi32>, vector<16xi32>], vector<16xf32>,
          %mul3A_299 = arith.constant 8.000000e+00 : f32
          %mul3A_300 = vector.broadcast %mul3A_299 : f32 to vector<16xf32>
          %mul3A_301 = arith.mulf %gather3A, %mul3A_300 : vector<16xf32>
          %add3A_302 = arith.addi %mul3A_268, %add3A_298 : vector<16xi32>
          tpu.vector_store_idx %arg8[%shift_right_logical3A_262, %add3A_302], %mul3A_301 : memref<64x128xf32, #tpu.memory_space<vmem>>[vector<16xi32>, vector<16xi32>], vector<16xf32>,
          %add3A_303 = arith.constant 16 : i32
          %add3A_304 = vector.broadcast %add3A_303 : i32 to vector<16xi32>
          %add3A_305 = arith.addi %add3A_304, %and3A_295 : vector<16xi32>
          %gather3A_306 = tpu.vector_load_idx %arg6[%add3A_305, %add3A_259] : memref<64x128xf32, #tpu.memory_space<vmem>>[vector<16xi32>, vector<16xi32>], vector<16xf32>,
          %mul3A_307 = arith.constant 8.000000e+00 : f32
          %mul3A_308 = vector.broadcast %mul3A_307 : f32 to vector<16xf32>
          %mul3A_309 = arith.mulf %gather3A_306, %mul3A_308 : vector<16xf32>
          %add3A_310 = arith.addi %mul3A_268, %add3A_305 : vector<16xi32>
          tpu.vector_store_idx %arg8[%shift_right_logical3A_262, %add3A_310], %mul3A_309 : memref<64x128xf32, #tpu.memory_space<vmem>>[vector<16xi32>, vector<16xi32>], vector<16xf32>,
          %add3A_311 = arith.constant 32 : i32
          %add3A_312 = vector.broadcast %add3A_311 : i32 to vector<16xi32>
          %add3A_313 = arith.addi %add3A_312, %and3A_295 : vector<16xi32>
          %gather3A_314 = tpu.vector_load_idx %arg6[%add3A_313, %add3A_259] : memref<64x128xf32, #tpu.memory_space<vmem>>[vector<16xi32>, vector<16xi32>], vector<16xf32>,
          %mul3A_315 = arith.constant 8.000000e+00 : f32
          %mul3A_316 = vector.broadcast %mul3A_315 : f32 to vector<16xf32>
          %mul3A_317 = arith.mulf %gather3A_314, %mul3A_316 : vector<16xf32>
          %add3A_318 = arith.addi %mul3A_268, %add3A_313 : vector<16xi32>
          tpu.vector_store_idx %arg8[%shift_right_logical3A_262, %add3A_318], %mul3A_317 : memref<64x128xf32, #tpu.memory_space<vmem>>[vector<16xi32>, vector<16xi32>], vector<16xf32>,
          %add3A_319 = arith.constant 48 : i32
          %add3A_320 = vector.broadcast %add3A_319 : i32 to vector<16xi32>
          %add3A_321 = arith.addi %add3A_320, %and3A_295 : vector<16xi32>
          %gather3A_322 = tpu.vector_load_idx %arg6[%add3A_321, %add3A_259] : memref<64x128xf32, #tpu.memory_space<vmem>>[vector<16xi32>, vector<16xi32>], vector<16xf32>,
          %mul3A_323 = arith.constant 8.000000e+00 : f32
          %mul3A_324 = vector.broadcast %mul3A_323 : f32 to vector<16xf32>
          %mul3A_325 = arith.mulf %gather3A_322, %mul3A_324 : vector<16xf32>
          %add3A_326 = arith.addi %mul3A_268, %add3A_321 : vector<16xi32>
          tpu.vector_store_idx %arg8[%shift_right_logical3A_262, %add3A_326], %mul3A_325 : memref<64x128xf32, #tpu.memory_space<vmem>>[vector<16xi32>, vector<16xi32>], vector<16xf32>,
        }
        %scan3A_273 = arith.constant 16 : i32
        %mul3A_274 = arith.constant 64 : i32
        %mul3A_275 = arith.muli %add3A_124, %mul3A_274 : i32
        %dma_start3A_276 = arith.constant 0 : i32
        %dma_start3A_277 = tpu.memref_slice %arg4[%mul3A_275, %dma_start3A_276] : memref<500000x128xf32, #tpu.memory_space<hbm>> -> memref<64x128xf32, #tpu.memory_space<hbm>>
        %dma_start3A_278 = arith.constant 0 : i32
        %dma_start3A_279 = tpu.memref_slice %arg4[%mul3A_275, %dma_start3A_278] : memref<500000x128xf32, #tpu.memory_space<hbm>> -> memref<64x128xf32, #tpu.memory_space<hbm>>
        tpu.enqueue_dma source(%arg8 : memref<64x128xf32, #tpu.memory_space<vmem>>) target(%dma_start3A_279 : memref<64x128xf32, #tpu.memory_space<hbm>>) target_semaphore(%arg12 : memref<!tpu.dma_semaphore, #tpu.memory_space<semaphore_mem>>)
        %add3A_280 = arith.constant 2 : i32
        %add3A_281 = arith.addi %add3A_121, %add3A_280 : i32
        %lt3A_282 = arith.cmpi slt, %add3A_281, %div3A_6 : i32
        %convert_element_type3A_283 = arith.extui %lt3A_282 : i1 to i32
        %cond3A_284 = arith.constant 0 : i32
        %cond3A_285 = arith.cmpi ne, %convert_element_type3A_283, %cond3A_284 : i32
        scf.if %cond3A_285 {
          %add3A_286 = arith.constant 64 : i32
          %add3A_287 = arith.addi %add3A_124, %add3A_286 : i32
          %mul3A_288 = arith.constant 128 : i32
          %mul3A_289 = arith.muli %add3A_287, %mul3A_288 : i32
          %dma_start3A_290 = arith.constant 0 : i32
          %dma_start3A_291 = tpu.memref_slice %arg2[%dma_start3A_290, %mul3A_289] : memref<64x1000000xf32, #tpu.memory_space<hbm>> -> memref<64x128xf32, #tpu.memory_space<hbm>>
          %dma_start3A_292 = arith.constant 0 : i32
          %dma_start3A_293 = tpu.memref_slice %arg2[%dma_start3A_292, %mul3A_289] : memref<64x1000000xf32, #tpu.memory_space<hbm>> -> memref<64x128xf32, #tpu.memory_space<hbm>>
          tpu.enqueue_dma source(%dma_start3A_293 : memref<64x128xf32, #tpu.memory_space<hbm>>) target(%arg6 : memref<64x128xf32, #tpu.memory_space<vmem>>) target_semaphore(%arg10 : memref<!tpu.dma_semaphore, #tpu.memory_space<semaphore_mem>>)
        } else {
        }
      } else {
      }
    }
    %scan3A_25 = arith.constant 123 : i32
    %sub3A_26 = arith.constant 1 : i32
    %sub3A_27 = arith.subi %div3A_6, %sub3A_26 : i32
    %sub3A_28 = arith.constant 0 : i32
    %sub3A_29 = arith.subi %sub3A_27, %sub3A_28 : i32
    %jit3A = arith.constant 2 : i32
    %div3A_30 = arith.divsi %sub3A_29, %jit3A : i32
    %sign3A = arith.constant 0 : i32
    %sign3A_31 = arith.cmpi sgt, %sub3A_29, %sign3A : i32
    %sign3A_32 = arith.extui %sign3A_31 : i1 to i32
    %sign3A_33 = arith.constant 0 : i32
    %sign3A_34 = arith.cmpi slt, %sub3A_29, %sign3A_33 : i32
    %sign3A_35 = arith.extui %sign3A_34 : i1 to i32
    %sign3A_36 = arith.subi %sign3A_32, %sign3A_35 : i32
    %sign3A_37 = arith.constant 0 : i32
    %sign3A_38 = arith.cmpi sgt, %jit3A, %sign3A_37 : i32
    %sign3A_39 = arith.extui %sign3A_38 : i1 to i32
    %sign3A_40 = arith.constant 0 : i32
    %sign3A_41 = arith.cmpi slt, %jit3A, %sign3A_40 : i32
    %sign3A_42 = arith.extui %sign3A_41 : i1 to i32
    %sign3A_43 = arith.subi %sign3A_39, %sign3A_42 : i32
    %ne3A = arith.cmpi ne, %sign3A_36, %sign3A_43 : i32
    %rem3A = arith.remsi %sub3A_29, %jit3A : i32
    %ne3A_44 = arith.constant 0 : i32
    %ne3A_45 = arith.cmpi ne, %rem3A, %ne3A_44 : i32
    %and3A = arith.andi %ne3A, %ne3A_45 : i1
    %sub3A_46 = arith.constant 1 : i32
    %sub3A_47 = arith.subi %div3A_30, %sub3A_46 : i32
    %select_n3A = arith.select %and3A, %sub3A_47, %div3A_30 : i32
    %mul3A_48 = arith.constant 2 : i32
    %mul3A_49 = arith.muli %select_n3A, %mul3A_48 : i32
    %add3A_50 = arith.constant 0 : i32
    %add3A_51 = arith.addi %mul3A_49, %add3A_50 : i32
    %mul3A_52 = arith.constant 32 : i32
    %mul3A_53 = arith.muli %add3A_51, %mul3A_52 : i32
    %add3A_54 = arith.addi %add3A, %mul3A_53 : i32
    %mul3A_55 = arith.constant 64 : i32
    %mul3A_56 = arith.muli %add3A_54, %mul3A_55 : i32
    %dma_wait3A = arith.constant 0 : i32
    %dma_wait3A_57 = tpu.memref_slice %arg4[%mul3A_56, %dma_wait3A] : memref<500000x128xf32, #tpu.memory_space<hbm>> -> memref<64x128xf32, #tpu.memory_space<hbm>>
    %dma_wait3A_58 = arith.constant 0 : i32
    %dma_wait3A_59 = tpu.memref_slice %arg4[%mul3A_56, %dma_wait3A_58] : memref<500000x128xf32, #tpu.memory_space<hbm>> -> memref<64x128xf32, #tpu.memory_space<hbm>>
    tpu.wait_dma2 semaphore(%arg11 : memref<!tpu.dma_semaphore, #tpu.memory_space<semaphore_mem>>) src(%arg7 : memref<64x128xf32, #tpu.memory_space<vmem>>) dst(%dma_wait3A_59 : memref<64x128xf32, #tpu.memory_space<hbm>>)
    %sub3A_60 = arith.constant 1 : i32
    %sub3A_61 = arith.subi %div3A_6, %sub3A_60 : i32
    %sub3A_62 = arith.constant 1 : i32
    %sub3A_63 = arith.subi %sub3A_61, %sub3A_62 : i32
    %jit3A_64 = arith.constant 2 : i32
    %div3A_65 = arith.divsi %sub3A_63, %jit3A_64 : i32
    %sign3A_66 = arith.constant 0 : i32
    %sign3A_67 = arith.cmpi sgt, %sub3A_63, %sign3A_66 : i32
    %sign3A_68 = arith.extui %sign3A_67 : i1 to i32
    %sign3A_69 = arith.constant 0 : i32
    %sign3A_70 = arith.cmpi slt, %sub3A_63, %sign3A_69 : i32
    %sign3A_71 = arith.extui %sign3A_70 : i1 to i32
    %sign3A_72 = arith.subi %sign3A_68, %sign3A_71 : i32
    %sign3A_73 = arith.constant 0 : i32
    %sign3A_74 = arith.cmpi sgt, %jit3A_64, %sign3A_73 : i32
    %sign3A_75 = arith.extui %sign3A_74 : i1 to i32
    %sign3A_76 = arith.constant 0 : i32
    %sign3A_77 = arith.cmpi slt, %jit3A_64, %sign3A_76 : i32
    %sign3A_78 = arith.extui %sign3A_77 : i1 to i32
    %sign3A_79 = arith.subi %sign3A_75, %sign3A_78 : i32
    %ne3A_80 = arith.cmpi ne, %sign3A_72, %sign3A_79 : i32
    %rem3A_81 = arith.remsi %sub3A_63, %jit3A_64 : i32
    %ne3A_82 = arith.constant 0 : i32
    %ne3A_83 = arith.cmpi ne, %rem3A_81, %ne3A_82 : i32
    %and3A_84 = arith.andi %ne3A_80, %ne3A_83 : i1
    %sub3A_85 = arith.constant 1 : i32
    %sub3A_86 = arith.subi %div3A_65, %sub3A_85 : i32
    %select_n3A_87 = arith.select %and3A_84, %sub3A_86, %div3A_65 : i32
    %mul3A_88 = arith.constant 2 : i32
    %mul3A_89 = arith.muli %select_n3A_87, %mul3A_88 : i32
    %add3A_90 = arith.constant 1 : i32
    %add3A_91 = arith.addi %mul3A_89, %add3A_90 : i32
    %mul3A_92 = arith.constant 32 : i32
    %mul3A_93 = arith.muli %add3A_91, %mul3A_92 : i32
    %add3A_94 = arith.addi %add3A, %mul3A_93 : i32
    %mul3A_95 = arith.constant 64 : i32
    %mul3A_96 = arith.muli %add3A_94, %mul3A_95 : i32
    %dma_wait3A_97 = arith.constant 0 : i32
    %dma_wait3A_98 = tpu.memref_slice %arg4[%mul3A_96, %dma_wait3A_97] : memref<500000x128xf32, #tpu.memory_space<hbm>> -> memref<64x128xf32, #tpu.memory_space<hbm>>
    %dma_wait3A_99 = arith.constant 0 : i32
    %dma_wait3A_100 = tpu.memref_slice %arg4[%mul3A_96, %dma_wait3A_99] : memref<500000x128xf32, #tpu.memory_space<hbm>> -> memref<64x128xf32, #tpu.memory_space<hbm>>
    tpu.wait_dma2 semaphore(%arg12 : memref<!tpu.dma_semaphore, #tpu.memory_space<semaphore_mem>>) src(%arg8 : memref<64x128xf32, #tpu.memory_space<vmem>>) dst(%dma_wait3A_100 : memref<64x128xf32, #tpu.memory_space<hbm>>)
    %eq3A = arith.constant 0 : i32
    %eq3A_101 = arith.cmpi eq, %add3A, %eq3A : i32
    %convert_element_type3A = arith.extui %eq3A_101 : i1 to i32
    %cond3A = arith.constant 0 : i32
    %cond3A_102 = arith.cmpi ne, %convert_element_type3A, %cond3A : i32
    scf.if %cond3A_102 {
      "tpu.region"() ({
        %run_scoped3A = tpu.sem_alloc : memref<!tpu.dma_semaphore, #tpu.memory_space<semaphore_mem>>
        %dma_start3A_103 = arith.constant 0 : i32
        %dma_start3A_104 = arith.constant 0 : i32
        %dma_start3A_105 = tpu.memref_slice %arg7[%dma_start3A_103, %dma_start3A_104] : memref<64x128xf32, #tpu.memory_space<vmem>> -> memref<32x128xf32, #tpu.memory_space<vmem>>
        %dma_start3A_106 = arith.constant 0 : i32
        %dma_start3A_107 = arith.constant 0 : i32
        %dma_start3A_108 = tpu.memref_slice %arg7[%dma_start3A_106, %dma_start3A_107] : memref<64x128xf32, #tpu.memory_space<vmem>> -> memref<32x128xf32, #tpu.memory_space<vmem>>
        tpu.enqueue_dma source(%arg3 : memref<32x128xf32, #tpu.memory_space<hbm>>) target(%dma_start3A_108 : memref<32x128xf32, #tpu.memory_space<vmem>>) target_semaphore(%run_scoped3A : memref<!tpu.dma_semaphore, #tpu.memory_space<semaphore_mem>>)
        %dma_wait3A_109 = arith.constant 0 : i32
        %dma_wait3A_110 = arith.constant 0 : i32
        %dma_wait3A_111 = tpu.memref_slice %arg7[%dma_wait3A_109, %dma_wait3A_110] : memref<64x128xf32, #tpu.memory_space<vmem>> -> memref<32x128xf32, #tpu.memory_space<vmem>>
        %dma_wait3A_112 = arith.constant 0 : i32
        %dma_wait3A_113 = arith.constant 0 : i32
        %dma_wait3A_114 = tpu.memref_slice %arg7[%dma_wait3A_112, %dma_wait3A_113] : memref<64x128xf32, #tpu.memory_space<vmem>> -> memref<32x128xf32, #tpu.memory_space<vmem>>
        tpu.wait_dma2 semaphore(%run_scoped3A : memref<!tpu.dma_semaphore, #tpu.memory_space<semaphore_mem>>) src(%arg3 : memref<32x128xf32, #tpu.memory_space<hbm>>) dst(%dma_wait3A_114 : memref<32x128xf32, #tpu.memory_space<vmem>>)
        tpu.yield
      }) : () -> ()
      "tpu.region"() ({
        %run_scoped3A = tpu.sem_alloc : memref<!tpu.dma_semaphore, #tpu.memory_space<semaphore_mem>>
        %dma_start3A_103 = arith.constant 0 : i32
        %dma_start3A_104 = arith.constant 0 : i32
        %dma_start3A_105 = tpu.memref_slice %arg7[%dma_start3A_103, %dma_start3A_104] : memref<64x128xf32, #tpu.memory_space<vmem>> -> memref<32x128xf32, #tpu.memory_space<vmem>>
        %dma_start3A_106 = arith.constant 499968 : i32
        %dma_start3A_107 = arith.constant 0 : i32
        %dma_start3A_108 = tpu.memref_slice %arg4[%dma_start3A_106, %dma_start3A_107] : memref<500000x128xf32, #tpu.memory_space<hbm>> -> memref<32x128xf32, #tpu.memory_space<hbm>>
        %dma_start3A_109 = arith.constant 499968 : i32
        %dma_start3A_110 = arith.constant 0 : i32
        %dma_start3A_111 = tpu.memref_slice %arg4[%dma_start3A_109, %dma_start3A_110] : memref<500000x128xf32, #tpu.memory_space<hbm>> -> memref<32x128xf32, #tpu.memory_space<hbm>>
        %dma_start3A_112 = arith.constant 0 : i32
        %dma_start3A_113 = arith.constant 0 : i32
        %dma_start3A_114 = tpu.memref_slice %arg7[%dma_start3A_112, %dma_start3A_113] : memref<64x128xf32, #tpu.memory_space<vmem>> -> memref<32x128xf32, #tpu.memory_space<vmem>>
        tpu.enqueue_dma source(%dma_start3A_114 : memref<32x128xf32, #tpu.memory_space<vmem>>) target(%dma_start3A_111 : memref<32x128xf32, #tpu.memory_space<hbm>>) target_semaphore(%run_scoped3A : memref<!tpu.dma_semaphore, #tpu.memory_space<semaphore_mem>>)
        %dma_wait3A_115 = arith.constant 0 : i32
        %dma_wait3A_116 = arith.constant 0 : i32
        %dma_wait3A_117 = tpu.memref_slice %arg7[%dma_wait3A_115, %dma_wait3A_116] : memref<64x128xf32, #tpu.memory_space<vmem>> -> memref<32x128xf32, #tpu.memory_space<vmem>>
        %dma_wait3A_118 = arith.constant 499968 : i32
        %dma_wait3A_119 = arith.constant 0 : i32
        %dma_wait3A_120 = tpu.memref_slice %arg4[%dma_wait3A_118, %dma_wait3A_119] : memref<500000x128xf32, #tpu.memory_space<hbm>> -> memref<32x128xf32, #tpu.memory_space<hbm>>
        %dma_wait3A_121 = arith.constant 499968 : i32
        %dma_wait3A_122 = arith.constant 0 : i32
        %dma_wait3A_123 = tpu.memref_slice %arg4[%dma_wait3A_121, %dma_wait3A_122] : memref<500000x128xf32, #tpu.memory_space<hbm>> -> memref<32x128xf32, #tpu.memory_space<hbm>>
        %dma_wait3A_124 = arith.constant 0 : i32
        %dma_wait3A_125 = arith.constant 0 : i32
        %dma_wait3A_126 = tpu.memref_slice %arg7[%dma_wait3A_124, %dma_wait3A_125] : memref<64x128xf32, #tpu.memory_space<vmem>> -> memref<32x128xf32, #tpu.memory_space<vmem>>
        tpu.wait_dma2 semaphore(%run_scoped3A : memref<!tpu.dma_semaphore, #tpu.memory_space<semaphore_mem>>) src(%dma_wait3A_126 : memref<32x128xf32, #tpu.memory_space<vmem>>) dst(%dma_wait3A_123 : memref<32x128xf32, #tpu.memory_space<hbm>>)
        tpu.yield
      }) : () -> ()
    } else {
    }
    return
  }
}

</mosaic_0001>

<sc_bundles>
// kernel: kernel.4.cloned.1.call-start
scs
__scs_entry_jumppad:
0x0: {  	(pc) =	sbr.rel $0x88, $3  }
0x1: {  	(tag) =	ssettag $0x0;
	lr =	simm.s32 $0x1  }
0x2: {  	[smem:$0x3F9F] =	sst lr;
	_ =	strace $0xD0000000  }
0x3: {  	_ = 	snop  }
0x4: {  	_ = 	snop  }
0x5: {  	_ = 	snop  }
0x6: {  	_ = 	snop  }
0x7: {  	_ = 	snop  }
__scs_overlays_trampoline_lowered:
0x8: {  	[smem:$0x3FAE] =	sst s0  }
0x9: {  	[smem:$0x3FAF] =	sst s1  }
0xa: {  	[smem:$0x3FB0] =	sst s2  }
0xb: {  	[smem:$0x3FB1] =	sst s3  }
0xc: {  	[smem:$0x3FB2] =	sst s4  }
0xd: {  	[smem:$0x3FB3] =	sst s5  }
0xe: {  	[smem:$0x3FB4] =	sst s6  }
0xf: {  	[smem:$0x3FB5] =	sst s7  }
0x10: {  	[smem:$0x3FB6] =	sst s8  }
0x11: {  	[smem:$0x3FB7] =	sst s9;
	s0 =	simm.s32 @!p0 $0x0  }
0x12: {  	s1 =	sld [smem:$0x3F9D];
	s0 =	simm.s32 @p0 $0x1  }
0x13: {  	[smem:$0x3FB8] =	sst s0;
	s0 =	simm.s32 @!p1 $0x0  }
0x14: {  	s2 =	sld [smem:$0x3F9C];
	s0 =	simm.s32 @p1 $0x1  }
0x15: {  	[smem:$0x3FB9] =	sst s0;
	s0 =	simm.s32 @!p2 $0x0  }
0x16: {  	s3 =	sld [smem:$0x3FDB];
	s0 =	simm.s32 @p2 $0x1  }
0x17: {  	s4 =	simm.s32 $0x1BF5;
	[smem:$0x3FBB] =	sst s0  }
0x18: {  	s0 =	sld [smem:$0x3F9E];
	_ =	swait.ge [sflag:s4], $0x0  }
0x19: {  	s7 =	sld [smem:$0x3F9F]  }
0x1a: {  	s8 =	sadd.s32 $0xFFFFE003, lr  }
0x1b: {  	s9 =	sadd.s32 $0xFFFFFEF7, lr;
	s5 =	simm.s32 $0xFFFFFFFF;
	p2 =	slt.u32 s8, $0xFFFFF086  }
0x1c: {  	p1 =	slt.u32 s9, $0xF7A;
	s5 =	simm.s32 @!p2 $0x0  }
0x1d: {  	s5 =	simm.s32 @p1 $0x1;
	p0 =	seq.s32 s7, s2  }
0x1e: {  	s7 =	smul.u32 @!p0 $0xF7A, s2;
	p2 =	seq.s32 @!p0 s5, $0x0  }
0x1f: {  	s9 =	smul.u32 $0xF7A, s1;
	s8 =	simm.s32 @!p0 $0x1BF5;
	p2 =	por !p2, p0  }
0x20: {  	[sflag:s8] =	ssyncset.s32 @!p0 $0xFFFFF086;
	s6 =	sadd.s32 @!p0 s3, s7;
	s7 =	simm.s32 @!p0 $0x108  }
0x21: {  	s3 =	sadd.s32 s3, s9;
	s6 =	sadd.s32 @!p0 $0x88, s6;
	s7 =	simm.s32 @p2 $0x1082  }
0x22: {  	[simem:s7], [sflag:s8] =	dma.local @!p0 [hbm:s6], $0xF7A  }
0x23: {  	s9 =	sor.u32 $0xD0000000, s2;
	s6 =	simm.s32 $0x108;
	_ =	swait.ge @!p0 [sflag:s8], $0x0  }
0x24: {  	s3 =	sadd.s32 $0x88, s3;
	s6 =	simm.s32 @!p1 $0x1082;
	[sflag:s4] =	ssyncset.s32 $0xFFFFF086  }
0x25: {  	[simem:s6], [sflag:s4] =	dma.local [hbm:s3], $0xF7A  }
0x26: {  	[smem:$0x3F9F] =	sst s1;
	(tag) =	ssettag s2;
	_ =	strace s9  }
0x27: {  	s1 =	sld [smem:$0x3FAF]  }
0x28: {  	s2 =	sld [smem:$0x3FB0]  }
0x29: {  	s4 =	sld [smem:$0x3FB2]  }
0x2a: {  	p0 =	seq.s32 s5, $0x0;
	s5 =	sld [smem:$0x3FB3]  }
0x2b: {  	s6 =	sld [smem:$0x3FB4]  }
0x2c: {  	s7 =	sld [smem:$0x3FB5]  }
0x2d: {  	s3 =	simm.s32 $0x108;
	s8 =	sld [smem:$0x3FB6]  }
0x2e: {  	s3 =	simm.s32 @!p0 $0x1082;
	s9 =	sld [smem:$0x3FB7]  }
0x2f: {  	lr =	sadd.s32 s0, s3;
	s0 =	sld [smem:$0x3FAE]  }
0x30: {  	s3 =	sld [smem:$0x3FB1]  }
0x31: {  	[smem:$0x3FBA] =	sst s10  }
0x32: {  	s10 =	sld [smem:$0x3FB8];
	_ =	sdelay $0x3  }
0x33: {  	p0 =	seq.s32 s10, $0x1;
	s10 =	sld [smem:$0x3FBA];
	_ =	sdelay $0x3  }
0x34: {  	[smem:$0x3FBA] =	sst s10  }
0x35: {  	s10 =	sld [smem:$0x3FB9];
	_ =	sdelay $0x3  }
0x36: {  	p1 =	seq.s32 s10, $0x1;
	s10 =	sld [smem:$0x3FBA];
	_ =	sdelay $0x3  }
0x37: {  	[smem:$0x3FBA] =	sst s10  }
0x38: {  	s10 =	sld [smem:$0x3FBB]  }
0x39: {  	_ = 	snop;
	(pc) =	sbr.ind lr, $3  }
0x3a: {  	_ = 	snop  }
0x3b: {  	_ = 	snop  }
0x3c: {  	p2 =	seq.s32 s10, $0x1;
	s10 =	sld [smem:$0x3FBA]  }
0x3d: {  	_ =	shalt  }
0x3e: {  	_ =	shalt  }
0x3f: {  	_ =	shalt  }
0x40: {  	_ =	shalt  }
0x41: {  	_ =	shalt  }
0x42: {  	_ =	shalt  }
0x43: {  	_ =	shalt  }
0x44: {  	_ =	shalt  }
0x45: {  	_ =	shalt  }
0x46: {  	_ =	shalt  }
0x47: {  	_ =	shalt  }
0x48: {  	_ =	shalt  }
0x49: {  	_ =	shalt  }
0x4a: {  	_ =	shalt  }
0x4b: {  	_ =	shalt  }
0x4c: {  	_ =	shalt  }
0x4d: {  	_ =	shalt  }
0x4e: {  	_ =	shalt  }
0x4f: {  	_ =	shalt  }
0x50: {  	_ =	shalt  }
0x51: {  	_ =	shalt  }
0x52: {  	_ =	shalt  }
0x53: {  	_ =	shalt  }
0x54: {  	_ =	shalt  }
0x55: {  	_ =	shalt  }
0x56: {  	_ =	shalt  }
0x57: {  	_ =	shalt  }
0x58: {  	_ =	shalt  }
0x59: {  	_ =	shalt  }
0x5a: {  	_ =	shalt  }
0x5b: {  	_ =	shalt  }
0x5c: {  	_ =	shalt  }
0x5d: {  	_ =	shalt  }
0x5e: {  	_ =	shalt  }
0x5f: {  	_ =	shalt  }
0x60: {  	_ =	shalt  }
0x61: {  	_ =	shalt  }
0x62: {  	_ =	shalt  }
0x63: {  	_ =	shalt  }
0x64: {  	_ =	shalt  }
0x65: {  	_ =	shalt  }
0x66: {  	_ =	shalt  }
0x67: {  	_ =	shalt  }
0x68: {  	_ =	shalt  }
0x69: {  	_ =	shalt  }
0x6a: {  	_ =	shalt  }
0x6b: {  	_ =	shalt  }
0x6c: {  	_ =	shalt  }
0x6d: {  	_ =	shalt  }
0x6e: {  	_ =	shalt  }
0x6f: {  	_ =	shalt  }
0x70: {  	_ =	shalt  }
0x71: {  	_ =	shalt  }
0x72: {  	_ =	shalt  }
0x73: {  	_ =	shalt  }
0x74: {  	_ =	shalt  }
0x75: {  	_ =	shalt  }
0x76: {  	_ =	shalt  }
0x77: {  	_ =	shalt  }
0x78: {  	_ =	shalt  }
0x79: {  	_ =	shalt  }
0x7a: {  	_ =	shalt  }
0x7b: {  	_ =	shalt  }
0x7c: {  	_ =	shalt  }
0x7d: {  	_ =	shalt  }
0x7e: {  	_ =	shalt  }
0x7f: {  	_ =	shalt  }
0x80: {  	_ =	shalt  }
0x81: {  	_ =	shalt  }
0x82: {  	_ =	shalt  }
0x83: {  	_ =	shalt  }
0x84: {  	_ =	shalt  }
0x85: {  	_ =	shalt  }
0x86: {  	_ =	shalt  }
0x87: {  	_ =	shalt  }
.Lfunc_end0:
.L_simem_size_0:
called_computation_lowered:
.L_overlay_start_0:
0x88: {  	s2 =	sld [smem:$0x3FD9]  }
0x89: {  	s3 =	sld [smem:$0x3FFE];
	_ =	sdelay $0x1  }
0x8a: {  	s1 =	srdreg.scid  }
0x8b: {  	s0 =	sand.u32 $0x1, s1  }
0x8c: {  	s17 =	sshll.u32 s0, $0xA;
	s2 =	sadd.s32 s3, s2  }
0x8d: {  	s2 =	sadd.s32 s2, s17  }
0x8e: {  	[smem:$0x3FC6] =	sst s2  }
0x8f: {  	_ = 	snop  }
0x90: {  	s2 =	sld [smem:$0x3FC8]  }
0x91: {  	s18 =	sld [smem:$0x3FD0];
	(tm) =	ssettm $0x1  }
0x92: {  	s4 =	sld [smem:$0x3FFB];
	_ =	sdelay $0x3  }
0x93: {  	_ =	strace s4  }
0x94: {  	s4 =	sld [smem:$0x3FFC];
	_ =	sdelay $0x3  }
0x95: {  	_ =	strace s4  }
0x96: {  	s4 =	sld [smem:$0x3FFD];
	_ =	sdelay $0x3  }
0x97: {  	_ =	strace s4  }
0x98: {  	_ =	strace $0x8FFFFFFF  }
0x99: {  	s19 =	sld [smem:$0x3FDB];
	_ =	sdelay $0x1  }
0x9a: {  	s5 =	simm.s32 $_scs_section_size  }
0x9b: {  	s6 =	simm.s32 $_size__tile_overlayer_lowered;
	s7 =	simm.s32 $_tile_overlayer_lowered  }
0x9c: {  	s22 =	simm.s32 $0x1BFF;
	s21 =	sshll.u32 s7, $0x1;
	s4 =	sadd.s32 s5, s19  }
0x9d: {  	s8 =	simm.s32 $0x0;
	s20 =	sshll.u32 s6, $0x1;
	s6 =	sadd.s32 s21, s4  }
0x9e: {  	[timem:s8], [sflag:s22] =	dma.local [hbm:s6], s20  }
0x9f: {  	_ =	swait.ge [sflag:s22], s20  }
0xa0: {  	s5 =	ssub.s32 $0x0, s20;
	[sflag:s22] =	ssyncset.done $0x0  }
0xa1: {  	[sflag:s22] =	ssyncadd.s32 s5;
	_ =	sdelay $0x1  }
0xa2: {  	s23 =	simm.s32 $0x1B8B  }
0xa3: {  	_ =	swait.ge [sflag:s23], $0x1  }
0xa4: {  	[sflag:s23] =	ssyncset.done $0x0  }
0xa5: {  	s25 =	simm.s32 $0x1B8E;
	s24 =	sld [smem:$0x3FFE];
	[sflag:s23] =	ssyncadd.s32 $0xFFFFFFFF  }
0xa6: {  	s26 =	simm.s32 $execute0_lowered;
	[smem:$0x3FD2] =	sst s25  }
0xa7: {  	s6 =	sshll.u32 s26, $0x1;
	_ =	strace $0x80000046;
	[dreg:$0x1] =	wrdreg $0xFFFFFFFF  }
0xa8: {  	s28 =	simm.s32 $_size_execute0_lowered;
	s4 =	sadd.s32 s4, s6;
	[dreg:$0x0] =	wrdreg $0x0  }
0xa9: {  	s6 =	sshll.u32 s28, $0x1;
	[dreg:$0x2] =	wrdreg s4  }
0xaa: {  	[dreg:$0x3] =	wrdreg s6  }
0xab: {  	[dreg:$0x4] =	wrdreg $0xC0  }
0xac: {  	_ =	task [dreg:s8], $0x5FFFF  }
0xad: {  	[dreg:$0x1] =	wrdreg $0xFFFFFFFF  }
0xae: {  	[dreg:$0x0] =	wrdreg $0x60  }
0xaf: {  	[dreg:$0x2] =	wrdreg s2  }
0xb0: {  	[dreg:$0x3] =	wrdreg s18  }
0xb1: {  	[dreg:$0x4] =	wrdreg s24  }
0xb2: {  	[dreg:$0x5] =	wrdreg $0x9  }
0xb3: {  	_ =	task.clear_ibuf [dreg:s8], $0x6FFFF;
	_ =	strace $0x90000046  }
0xb4: {  	s29 =	simm.s32 $0x9;
	_ =	strace $0x80000048  }
0xb5: {  	_ =	swait.ge [sflag:s29], $0x1  }
0xb6: {  	[sflag:s29] =	ssyncadd.s32 $0xFFFFFFFF  }
0xb7: {  	_ =	strace $0x90000048  }
0xb8: {  	_ =	sfence  }
0xb9: {  	s30 =	sld [smem:$0x0];
	_ =	sdelay $0x2  }
0xba: {  	s31 =	sshll.u32 s1, $0xD;
	s1 =	sshrl.u32 s1, $0x2  }
0xbb: {  	s3 =	sand.u32 $0x4000, s31;
	s1 =	sadd.s32 s1, s30  }
0xbc: {  	s0 =	sor.u32 s3, s0;
	s1 =	sshll.u32 s1, $0x11  }
0xbd: {  	s0 =	sor.u32 s1, s0  }
0xbe: {  	s0 =	sadd.s32 $0x8F2B, s0  }
0xbf: {  	[sflag:s0] =	ssyncadd.remote.s32 $0x1  }
0xc0: {  	_ =	sfence.sel $0xFFFF  }
0xc1: {  	[dreg:$0x0] =	wrdreg $0xFFFFFFFF;
	(pc) =	sbr.abs _section_cstart, $3  }
0xc2: {  	[dreg:$0x1] =	wrdreg $0xFFFFFFFF  }
0xc3: {  	_ =	task.clear_ibuf [dreg:s8], $0x2FFFF;
	_ =	strace $0x9FFFFFFF  }
0xc4: {  	(tm) =	ssettm $0x7FFFFFFF  }
0xc5: {  	_ =	shalt  }
tec
execute0_lowered:
.L_overlay_start_1:
0x0: {  	(tag) =	ssettag $0x1  }
0x1: {  	v0 =	vlaneseq.u32  }
0x2: {  	v9 =	vmul.u32 $0x40, v0;
	v10 =	vor.u32 $0x800, v0;
	v12 =	vor.u32 $0x1000, v0  }
0x3: {  	v14 =	vor.u32 $0x1800, v0;
	v1 =	vor.u32 $0x10, v0;
	v16 =	vor.u32 $0x20, v0  }
0x4: {  	v18 =	vor.u32 $0x820, v0;
	v20 =	vor.u32 $0x1020, v0;
	v22 =	vor.u32 $0x1820, v0  }
0x5: {  	v24 =	vor.u32 $0x30, v0;
	v26 =	vor.u32 $0x830, v0;
	v28 =	vor.u32 $0x1030, v0  }
0x6: {  	v30 =	vor.u32 $0x1830, v0;
	v32 =	vor.u32 $0x40, v0;
	v34 =	vor.u32 $0x840, v0  }
0x7: {  	v36 =	vor.u32 $0x1040, v0;
	v38 =	vor.u32 $0x1840, v0;
	v40 =	vor.u32 $0x50, v0  }
0x8: {  	s11 =	rddreg [dreg:$0x0];
	v42 =	vor.u32 $0x850, v0;
	v44 =	vor.u32 $0x1050, v0;
	[tilespmem:$0x1FF10] =	vst v1;
	v1 =	vor.u32 $0x400, v9  }
0x9: {  	s0 =	rddreg [dreg:$0x1];
	v46 =	vor.u32 $0x1850, v0;
	v48 =	vor.u32 $0x60, v0;
	[tilespmem:$0x1FF20] =	vst v1;
	v1 =	vor.u32 $0x810, v0  }
0xa: {  	s12 =	rddreg [dreg:$0x2];
	v50 =	vor.u32 $0x860, v0;
	v52 =	vor.u32 $0x1060, v0;
	[tilespmem:$0x1FF30] =	vst v1;
	v1 =	vor.u32 $0x410, v9  }
0xb: {  	s1 =	rddreg [dreg:$0x3];
	s3 =	simm.s32 $0x0;
	v54 =	vor.u32 $0x1860, v0;
	v56 =	vor.u32 $0x70, v0;
	[tilespmem:$0x1FF40] =	vst v1;
	v1 =	vor.u32 $0x1010, v0  }
0xc: {  	s4 =	srdreg.scid;
	s2 =	stileid.u32;
	s15 =	simm.s32 $0x7A1400;
	v58 =	vor.u32 $0x870, v0;
	v60 =	vor.u32 $0x1070, v0;
	[tilespmem:$0x1FF50] =	vst v1;
	v1 =	vor.u32 $0x420, v9  }
0xd: {  	s16 =	simm.s32 $0x2000;
	s17 =	simm.s32 $0x1;
	s18 =	simm.s32 $0x4000;
	v62 =	vor.u32 $0x1870, v0;
	v4 =	vor.u32 $0x10, v9;
	[tilespmem:$0x1FF60] =	vst v1;
	v1 =	vor.u32 $0x1810, v0  }
0xe: {  	s19 =	simm.s32 $0x2;
	s20 =	simm.s32 $0x6000;
	s21 =	simm.s32 $0x3;
	v5 =	vor.u32 $0x20, v9;
	v15 =	vor.u32 $0x30, v9;
	[tilespmem:$0x1FF70] =	vst v1;
	v1 =	vor.u32 $0x430, v9  }
0xf: {  	[smem:$0x7FF] =	sst s3;
	s6 =	sand.u32 $0x1, s4;
	s4 =	sadd.s32 $0xA00, s12;
	v17 =	vor.u32 $0x800, v9;
	v19 =	vor.u32 $0x810, v9;
	v21 =	vor.u32 $0x820, v9;
	[tilespmem:$0x1FF80] =	vst v1  }
0x10: {  	s22 =	simm.s32 $0x4;
	s5 =	sshll.u32 s2, $0x1;
	v23 =	vor.u32 $0x830, v9;
	v25 =	vor.u32 $0xC00, v9;
	v27 =	vor.u32 $0xC10, v9;
	_ =	strace $0x80000047;
	[tilespmem:$0x1FF90] =	vst v9  }
0x11: {  	s23 =	simm.s32 $0x0;
	s12 =	sadd.s32 $0x7A1A00, s12;
	s5 =	sor.u32 s6, s5;
	v29 =	vor.u32 $0xC20, v9;
	v31 =	vor.u32 $0xC30, v9;
	v35 =	vor.u32 $0x1010, v9;
	[tilespmem:$0x1FFA0] =	vst v10  }
.Ltmp0:
0x12: {  	s13 =	ssub.s32 $0x2, s6;
	v37 =	vor.u32 $0x1020, v9;
	v39 =	vor.u32 $0x1030, v9;
	s31 =	ssub.s32 $0x1EA3, s5;
	v41 =	vor.u32 $0x1400, v9;
	[tilespmem:$0x1FFB0] =	vst v4;
	(pc) =	sbr.rel .LBB2_1-.Ltmp0, $4  }
0x13: {  	s7 =	sshll.u32 s5, $0x7;
	s14 =	sshrl.u32 s13, $0x1;
	v43 =	vor.u32 $0x1410, v9;
	v45 =	vor.u32 $0x1420, v9;
	v47 =	vor.u32 $0x1430, v9;
	p0 =	sne.s32 s5, $0x0;
	[tilespmem:$0x1FFC0] =	vst v5  }
0x14: {  	v49 =	vor.u32 $0x1800, v9;
	v51 =	vor.u32 $0x1810, v9;
	v53 =	vor.u32 $0x1820, v9;
	s6 =	sshrl.u32 s31, $0x5;
	s7 =	sadd.s32 s11, s7;
	s13 =	ssub.s32 s13, s14;
	[tilespmem:$0x1FFD0] =	vst v15  }
0x15: {  	v33 =	vor.u32 $0x1000, v9;
	v55 =	vor.u32 $0x1830, v9;
	v57 =	vor.u32 $0x1C00, v9;
	s11 =	sadd.s32 $0x2000, s11;
	s14 =	simm.s32 $0x400;
	s8 =	sadd.s32 $0x1000, s7;
	[tilespmem:$0x1FFE0] =	vst v12  }
0x16: {  	v59 =	vor.u32 $0x1C10, v9;
	v61 =	vor.u32 $0x1C20, v9;
	v63 =	vor.u32 $0x1C30, v9;
	s9 =	sadd.s32 $0xFFFFFFFE, s6;
	s10 =	sadd.s32 $0xFFFFFFFD, s6;
	s13 =	smax.u32 s13, $0x1;
	[tilespmem:$0x1FFF0] =	vst v14  }
.LBB2_39:
0x17: {  	_ =	swait.ge [sflag:s21], $0x2000  }
0x18: {  	[sflag:s21] =	ssyncset.done $0x0  }
0x19: {  	[sflag:s21] =	ssyncadd.s32 $0xFFFFE000  }
0x1a: {  	_ =	swait.ge [sflag:s22], $0x2000  }
0x1b: {  	s24 =	simm.s32 @!p0 $0x0;
	[sflag:s22] =	ssyncset.done $0x0  }
0x1c: {  	s25 =	simm.s32 @!p0 $0x4000;
	s26 =	simm.s32 @!p0 $0x5;
	[sflag:s22] =	ssyncadd.s32 $0xFFFFE000  }
0x1d: {  	[tilespmem:s25], [sflag:$0x5] =	stream.linear.gather @!p0 [hbm4b:s0+s24], $0x1000, $0x38;
	[tilespmem:$0x8000] =	vst v63  }
0x1e: {  	s23 =	sadd.s32 $0x1, s23;
	_ =	swait.ge @!p0 [sflag:s26], $0x1000  }
0x1f: {  	p1 =	sne.s32 s23, s13;
	[sflag:s26] =	ssyncset.done @!p0 $0x0  }
.Ltmp1:
0x20: {  	[sflag:s26] =	ssyncadd.s32 @!p0 $0xFFFFF000;
	(pc) =	sbr.rel @!p1 .LBB2_40-.Ltmp1, $4  }
0x21: {  	[hbm4b:s12+s24] =	stream.linear.scatter @!p0 [tilespmem:s25], [sflag:$0x5], $0x1000, $0x38;
	[tilespmem:$0x8000] =	vst v63  }
0x22: {  	_ =	swait.ge @!p0 [sflag:s26], $0x1000  }
0x23: {  	[sflag:s26] =	ssyncset.done @!p0 $0x0  }
0x24: {  	[sflag:s26] =	ssyncadd.s32 @!p0 $0xFFFFF000  }
.LBB2_1:
.Ltmp2:
0x25: {  	(pc) =	sbr.rel .LBB2_2-.Ltmp2, $4  }
0x26: {  	_ = 	snop  }
0x27: {  	[tilespmem:s3], [sflag:$0x1] =	stream.strided.gather [hbm4b:s7+s14], $0x2000, s15, s14, $0x38;
	[tilespmem:$0x8000] =	vst v63  }
0x28: {  	s24 =	simm.s32 $0x0  }
0x29: {  	[tilespmem:s16], [sflag:$0x2] =	stream.strided.gather [hbm4b:s8+s14], $0x2000, s15, s14, $0x38;
	[tilespmem:$0x8000] =	vst v63  }
.LBB2_38:
0x2a: {  	s24 =	sadd.s32 $0x1, s24  }
0x2b: {  	p1 =	sne.s32 s24, $0x7B  }
.Ltmp3:
0x2c: {  	_ = 	snop;
	(pc) =	sbr.rel @!p1 .LBB2_39-.Ltmp3, $1  }
0x2d: {  	_ =	sdelay $0x3  }
.LBB2_2:
0x2e: {  	s25 =	sshll.u32 s24, $0x1  }
0x2f: {  	p2 =	sge.u32 s25, s6  }
.Ltmp4:
0x30: {  	_ = 	snop;
	(pc) =	sbr.rel @p2 .LBB2_20-.Ltmp4, $2  }
0x31: {  	_ =	sdelay $0x2  }
0x32: {  	p1 =	seq.s32 s24, $0x0  }
0x33: {  	s28 =	simm.s32 $0x0  }
0x34: {  	v7 =	vadd.s32 s28, v0  }
0x35: {  	v8 =	vand.u32 $0xF, v7  }
0x36: {  	_ =	swait.ge [sflag:s17], $0x2000;
	v11 =	vshll.u32 v8, $0x7  }
0x37: {  	[sflag:s17] =	ssyncset.done $0x0;
	v1 =	vor.u32 v0, v11  }
0x38: {  	s26 =	simm.s32 @!p1 $0x3;
	[sflag:s17] =	ssyncadd.s32 $0xFFFFE000  }
0x39: {  	_ =	swait.ge @!p1 [sflag:s26], $0x2000  }
0x3a: {  	[sflag:s26] =	ssyncset.done @!p1 $0x0  }
0x3b: {  	[sflag:s26] =	ssyncadd.s32 @!p1 $0xFFFFE000  }
0x3c: {  	v1 =	vld.idx.msk [tilespmem:v1+s28+$0x0], $0xffff;
	_ =	sdelay $0x1  }
0x3d: {  	v13 =	vshll.u32 v7, $0x7;
	v2 =	vor.u32 v9, v8  }
0x3e: {  	v3 =	vor.u32 v10, v13;
	_ =	sdelay $0x1  }
0x3f: {  	v1 =	vmul.f32 $8.000000000e+00, v1;
	_ =	sdelay $0x1  }
0x40: {  	[tilespmem:v2+s18+$0x0] =	vst.idx.msk $0xffff, v1  }
0x41: {  	v1 =	vld.idx.msk [tilespmem:v3+s28+$0x0], $0xffff;
	_ =	sdelay $0x1  }
0x42: {  	v2 =	vor.u32 v4, v7  }
0x43: {  	v3 =	vor.u32 v12, v11;
	_ =	sdelay $0x1  }
0x44: {  	v1 =	vmul.f32 $8.000000000e+00, v1;
	_ =	sdelay $0x1  }
0x45: {  	[tilespmem:v2+s18+$0x0] =	vst.idx.msk $0xffff, v1  }
0x46: {  	v1 =	vld.idx.msk [tilespmem:v3+s28+$0x0], $0xffff;
	_ =	sdelay $0x1  }
0x47: {  	v2 =	vor.u32 v5, v8  }
0x48: {  	v3 =	vor.u32 v14, v13;
	_ =	sdelay $0x1  }
0x49: {  	v1 =	vmul.f32 $8.000000000e+00, v1;
	_ =	sdelay $0x1  }
0x4a: {  	s30 =	simm.s32 $0x1;
	[tilespmem:v2+s18+$0x0] =	vst.idx.msk $0xffff, v1  }
0x4b: {  	v2 =	vadd.s32 s30, v0;
	v1 =	vld.idx.msk [tilespmem:v3+s28+$0x0], $0xffff  }
0x4c: {  	[tilespmem:$0x1FEF0] =	vst v13;
	v3 =	vand.u32 $0xF, v2  }
0x4d: {  	[tilespmem:$0x1FF00] =	vst v7;
	v7 =	vor.u32 v15, v7;
	v13 =	vmov v5;
	v5 =	vshll.u32 v3, $0x7  }
0x4e: {  	v6 =	vor.u32 v0, v5  }
0x4f: {  	s31 =	sshll.u32 s24, $0x6;
	[tilespmem:$0x1FED0] =	vst v11  }
0x50: {  	s29 =	simm.s32 $0x2;
	[tilespmem:$0x1FEE0] =	vst v8;
	s26 =	sor.u32 s5, s31;
	v11 =	vmovc v4;
	v4 =	vshll.u32 v2, $0x7;
	v8 =	vmul.f32 $8.000000000e+00, v1;
	v1 =	vmov v2  }
.LBB2_4:
0x51: {  	_ = 	snop  }
0x52: {  	p2 =	sne.s32 s29, $0xF;
	s30 =	smov.u32 s29;
	s29 =	sadd.s32 $0x1, s29;
	[tilespmem:v7+s18+$0x0] =	vst.idx.msk $0xffff, v8  }
0x53: {  	v6 =	vld.idx.msk [tilespmem:v6+s28+$0x0], $0xffff;
	_ =	sdelay $0x2  }
0x54: {  	v7 =	vor.u32 v9, v3  }
0x55: {  	v8 =	vor.u32 v10, v4;
	_ =	sdelay $0x1  }
0x56: {  	v6 =	vmul.f32 $8.000000000e+00, v6;
	_ =	sdelay $0x1  }
0x57: {  	[tilespmem:v7+s18+$0x0] =	vst.idx.msk $0xffff, v6  }
0x58: {  	v6 =	vld.idx.msk [tilespmem:v8+s28+$0x0], $0xffff;
	_ =	sdelay $0x2  }
0x59: {  	v7 =	vor.u32 v11, v1  }
0x5a: {  	v5 =	vor.u32 v12, v5;
	_ =	sdelay $0x1  }
0x5b: {  	v6 =	vmul.f32 $8.000000000e+00, v6;
	_ =	sdelay $0x1  }
0x5c: {  	[tilespmem:v7+s18+$0x0] =	vst.idx.msk $0xffff, v6  }
0x5d: {  	v5 =	vld.idx.msk [tilespmem:v5+s28+$0x0], $0xffff;
	_ =	sdelay $0x2  }
0x5e: {  	v3 =	vor.u32 v13, v3  }
0x5f: {  	v4 =	vor.u32 v14, v4;
	_ =	sdelay $0x1  }
0x60: {  	v5 =	vmul.f32 $8.000000000e+00, v5;
	_ =	sdelay $0x1  }
0x61: {  	[tilespmem:v3+s18+$0x0] =	vst.idx.msk $0xffff, v5  }
0x62: {  	v8 =	vld.idx.msk [tilespmem:v4+s28+$0x0], $0xffff  }
0x63: {  	v6 =	vadd.s32 s30, v0  }
.Ltmp5:
0x64: {  	v3 =	vand.u32 $0xF, v6;
	v4 =	vshll.u32 v6, $0x7;
	(pc) =	sbr.rel @p2 .LBB2_4-.Ltmp5, $3  }
0x65: {  	v7 =	vor.u32 v15, v1;
	v1 =	vmov v6;
	v5 =	vshll.u32 v3, $0x7  }
0x66: {  	v6 =	vor.u32 v0, v5;
	_ =	sdelay $0x1  }
0x67: {  	v8 =	vmul.f32 $8.000000000e+00, v8  }
0x68: {  	_ =	sdelay $0x3  }
0x69: {  	[tilespmem:v7+s18+$0x0] =	vst.idx.msk $0xffff, v8  }
0x6a: {  	v6 =	vld.idx.msk [tilespmem:v6+s28+$0x0], $0xffff;
	_ =	sdelay $0x1  }
0x6b: {  	v7 =	vor.u32 v9, v3  }
0x6c: {  	v8 =	vor.u32 v10, v4;
	_ =	sdelay $0x1  }
0x6d: {  	v6 =	vmul.f32 $8.000000000e+00, v6;
	_ =	sdelay $0x1  }
0x6e: {  	[tilespmem:v7+s18+$0x0] =	vst.idx.msk $0xffff, v6  }
0x6f: {  	v6 =	vld.idx.msk [tilespmem:v8+s28+$0x0], $0xffff;
	_ =	sdelay $0x1  }
0x70: {  	v7 =	vor.u32 v11, v1  }
0x71: {  	v5 =	vor.u32 v12, v5;
	_ =	sdelay $0x1  }
0x72: {  	v6 =	vmul.f32 $8.000000000e+00, v6;
	_ =	sdelay $0x1  }
0x73: {  	[tilespmem:v7+s18+$0x0] =	vst.idx.msk $0xffff, v6  }
0x74: {  	v5 =	vld.idx.msk [tilespmem:v5+s28+$0x0], $0xffff;
	_ =	sdelay $0x1  }
0x75: {  	v3 =	vor.u32 v13, v3  }
0x76: {  	v4 =	vor.u32 v14, v4;
	_ =	sdelay $0x1  }
0x77: {  	v8 =	vld [tilespmem:$0x1FF10];
	v5 =	vmul.f32 $8.000000000e+00, v5  }
0x78: {  	v7 =	vld [tilespmem:$0x1FED0]  }
0x79: {  	[tilespmem:v3+s18+$0x0] =	vst.idx.msk $0xffff, v5  }
0x7a: {  	v3 =	vld.idx.msk [tilespmem:v4+s28+$0x0], $0xffff;
	_ =	sdelay $0x1  }
0x7b: {  	v1 =	vor.u32 v15, v1  }
0x7c: {  	v9 =	vld [tilespmem:$0x1FF20];
	v4 =	vor.u32 v8, v7  }
0x7d: {  	v10 =	vld [tilespmem:$0x1FF30]  }
0x7e: {  	v6 =	vld [tilespmem:$0x1FEE0];
	v3 =	vmul.f32 $8.000000000e+00, v3  }
0x7f: {  	v13 =	vld [tilespmem:$0x1FEF0]  }
0x80: {  	s28 =	simm.s32 $0x0;
	[tilespmem:v1+s18+$0x0] =	vst.idx.msk $0xffff, v3  }
0x81: {  	v1 =	vld.idx.msk [tilespmem:v4+s28+$0x0], $0xffff;
	_ =	sdelay $0x1  }
0x82: {  	v3 =	vor.u32 v9, v6  }
0x83: {  	v4 =	vor.u32 v10, v13;
	_ =	sdelay $0x1  }
0x84: {  	v15 =	vld [tilespmem:$0x1FF40];
	v1 =	vmul.f32 $8.000000000e+00, v1  }
0x85: {  	v5 =	vld [tilespmem:$0x1FF00]  }
0x86: {  	[tilespmem:v3+s18+$0x0] =	vst.idx.msk $0xffff, v1  }
0x87: {  	v1 =	vld.idx.msk [tilespmem:v4+s28+$0x0], $0xffff  }
0x88: {  	v4 =	vld [tilespmem:$0x1FF50];
	_ =	sdelay $0x1  }
0x89: {  	v3 =	vor.u32 v15, v5;
	_ =	sdelay $0x2  }
0x8a: {  	v4 =	vor.u32 v4, v7;
	v1 =	vmul.f32 $8.000000000e+00, v1;
	_ =	sdelay $0x1  }
0x8b: {  	[tilespmem:v3+s18+$0x0] =	vst.idx.msk $0xffff, v1;
	v3 =	vld [tilespmem:$0x1FF60]  }
0x8c: {  	v11 =	vld [tilespmem:$0x1FF70];
	_ =	sdelay $0x1  }
0x8d: {  	v1 =	vld.idx.msk [tilespmem:v4+s28+$0x0], $0xffff;
	_ =	sdelay $0x1  }
0x8e: {  	v3 =	vor.u32 v3, v6  }
0x8f: {  	v4 =	vor.u32 v11, v13;
	_ =	sdelay $0x1  }
0x90: {  	v13 =	vld [tilespmem:$0x1FF80];
	v1 =	vmul.f32 $8.000000000e+00, v1;
	_ =	sdelay $0x1  }
0x91: {  	[tilespmem:v3+s18+$0x0] =	vst.idx.msk $0xffff, v1  }
0x92: {  	v7 =	vld.idx.msk [tilespmem:v4+s28+$0x0], $0xffff  }
0x93: {  	v3 =	vand.u32 $0xF, v2  }
0x94: {  	v6 =	vor.u32 v13, v5;
	v4 =	vshll.u32 v3, $0x7  }
0x95: {  	v5 =	vor.u32 v8, v4  }
0x96: {  	v12 =	vld [tilespmem:$0x1FF50]  }
0x97: {  	s30 =	simm.s32 $0x2;
	s29 =	simm.s32 $0x0;
	v14 =	vld [tilespmem:$0x1FF60];
	v1 =	vshll.u32 v2, $0x7;
	v7 =	vmul.f32 $8.000000000e+00, v7  }
.LBB2_6:
0x98: {  	_ = 	snop  }
0x99: {  	p2 =	sne.s32 s30, $0xF;
	s31 =	smov.u32 s30;
	s30 =	sadd.s32 $0x1, s30;
	[tilespmem:v6+s18+$0x0] =	vst.idx.msk $0xffff, v7  }
0x9a: {  	v5 =	vld.idx.msk [tilespmem:v5+s29+$0x0], $0xffff;
	_ =	sdelay $0x2  }
0x9b: {  	v6 =	vor.u32 v9, v3  }
0x9c: {  	v7 =	vor.u32 v10, v1;
	_ =	sdelay $0x1  }
0x9d: {  	v5 =	vmul.f32 $8.000000000e+00, v5;
	_ =	sdelay $0x1  }
0x9e: {  	[tilespmem:v6+s18+$0x0] =	vst.idx.msk $0xffff, v5  }
0x9f: {  	v5 =	vld.idx.msk [tilespmem:v7+s29+$0x0], $0xffff;
	_ =	sdelay $0x2  }
0xa0: {  	v6 =	vor.u32 v15, v2  }
0xa1: {  	v4 =	vor.u32 v12, v4;
	_ =	sdelay $0x1  }
0xa2: {  	v5 =	vmul.f32 $8.000000000e+00, v5;
	_ =	sdelay $0x1  }
0xa3: {  	[tilespmem:v6+s18+$0x0] =	vst.idx.msk $0xffff, v5  }
0xa4: {  	v4 =	vld.idx.msk [tilespmem:v4+s29+$0x0], $0xffff;
	_ =	sdelay $0x2  }
0xa5: {  	v3 =	vor.u32 v14, v3  }
0xa6: {  	v1 =	vor.u32 v11, v1;
	_ =	sdelay $0x1  }
0xa7: {  	v4 =	vmul.f32 $8.000000000e+00, v4;
	_ =	sdelay $0x1  }
0xa8: {  	[tilespmem:v3+s18+$0x0] =	vst.idx.msk $0xffff, v4  }
0xa9: {  	v7 =	vld.idx.msk [tilespmem:v1+s29+$0x0], $0xffff;
	s29 =	smov.u32 s28  }
0xaa: {  	v5 =	vadd.s32 s31, v0  }
.Ltmp6:
0xab: {  	v3 =	vand.u32 $0xF, v5;
	v1 =	vshll.u32 v5, $0x7;
	(pc) =	sbr.rel @p2 .LBB2_6-.Ltmp6, $3  }
0xac: {  	v6 =	vor.u32 v13, v2;
	v2 =	vmov v5;
	v4 =	vshll.u32 v3, $0x7  }
0xad: {  	v5 =	vor.u32 v8, v4;
	_ =	sdelay $0x1  }
0xae: {  	v7 =	vmul.f32 $8.000000000e+00, v7  }
0xaf: {  	_ =	sdelay $0x3  }
0xb0: {  	[tilespmem:v6+s18+$0x0] =	vst.idx.msk $0xffff, v7  }
0xb1: {  	v5 =	vld.idx.msk [tilespmem:v5+s29+$0x0], $0xffff;
	_ =	sdelay $0x1  }
0xb2: {  	v6 =	vor.u32 v9, v3  }
0xb3: {  	v7 =	vor.u32 v10, v1;
	_ =	sdelay $0x1  }
0xb4: {  	v5 =	vmul.f32 $8.000000000e+00, v5;
	_ =	sdelay $0x1  }
0xb5: {  	[tilespmem:v6+s18+$0x0] =	vst.idx.msk $0xffff, v5  }
0xb6: {  	v5 =	vld.idx.msk [tilespmem:v7+s29+$0x0], $0xffff;
	_ =	sdelay $0x1  }
0xb7: {  	v6 =	vor.u32 v15, v2  }
0xb8: {  	v4 =	vor.u32 v12, v4;
	_ =	sdelay $0x1  }
0xb9: {  	v5 =	vmul.f32 $8.000000000e+00, v5;
	_ =	sdelay $0x1  }
0xba: {  	[tilespmem:v6+s18+$0x0] =	vst.idx.msk $0xffff, v5  }
0xbb: {  	v4 =	vld.idx.msk [tilespmem:v4+s29+$0x0], $0xffff;
	_ =	sdelay $0x1  }
0xbc: {  	v3 =	vor.u32 v14, v3  }
0xbd: {  	v1 =	vor.u32 v11, v1;
	_ =	sdelay $0x1  }
0xbe: {  	v4 =	vmul.f32 $8.000000000e+00, v4;
	_ =	sdelay $0x1  }
0xbf: {  	[tilespmem:v3+s18+$0x0] =	vst.idx.msk $0xffff, v4  }
0xc0: {  	v9 =	vadd.s32 s28, v0;
	v1 =	vld.idx.msk [tilespmem:v1+s29+$0x0], $0xffff  }
0xc1: {  	v10 =	vand.u32 $0xF, v9  }
0xc2: {  	v12 =	vshll.u32 v10, $0x7;
	v2 =	vor.u32 v13, v2  }
0xc3: {  	v3 =	vor.u32 v16, v12;
	_ =	sdelay $0x1  }
0xc4: {  	v1 =	vmul.f32 $8.000000000e+00, v1;
	_ =	sdelay $0x1  }
0xc5: {  	[tilespmem:v2+s18+$0x0] =	vst.idx.msk $0xffff, v1  }
0xc6: {  	v1 =	vld.idx.msk [tilespmem:v3+s28+$0x0], $0xffff;
	_ =	sdelay $0x1  }
0xc7: {  	v11 =	vshll.u32 v9, $0x7;
	v2 =	vor.u32 v17, v10  }
0xc8: {  	v3 =	vor.u32 v18, v11;
	_ =	sdelay $0x1  }
0xc9: {  	v1 =	vmul.f32 $8.000000000e+00, v1;
	_ =	sdelay $0x1  }
0xca: {  	[tilespmem:v2+s18+$0x0] =	vst.idx.msk $0xffff, v1  }
0xcb: {  	v1 =	vld.idx.msk [tilespmem:v3+s28+$0x0], $0xffff;
	_ =	sdelay $0x1  }
0xcc: {  	v2 =	vor.u32 v19, v9  }
0xcd: {  	v3 =	vor.u32 v20, v12;
	_ =	sdelay $0x1  }
0xce: {  	v1 =	vmul.f32 $8.000000000e+00, v1;
	_ =	sdelay $0x1  }
0xcf: {  	[tilespmem:v2+s18+$0x0] =	vst.idx.msk $0xffff, v1  }
0xd0: {  	v1 =	vld.idx.msk [tilespmem:v3+s28+$0x0], $0xffff;
	_ =	sdelay $0x1  }
0xd1: {  	v2 =	vor.u32 v21, v10  }
0xd2: {  	v3 =	vor.u32 v22, v11;
	_ =	sdelay $0x1  }
0xd3: {  	v1 =	vmul.f32 $8.000000000e+00, v1;
	_ =	sdelay $0x1  }
0xd4: {  	s29 =	simm.s32 $0x1;
	[tilespmem:v2+s18+$0x0] =	vst.idx.msk $0xffff, v1  }
0xd5: {  	v1 =	vadd.s32 s29, v0;
	v2 =	vld.idx.msk [tilespmem:v3+s28+$0x0], $0xffff  }
0xd6: {  	v4 =	vand.u32 $0xF, v1  }
0xd7: {  	v7 =	vor.u32 v23, v9;
	v5 =	vshll.u32 v4, $0x7  }
0xd8: {  	v6 =	vor.u32 v16, v5;
	_ =	sdelay $0x1  }
0xd9: {  	s29 =	simm.s32 $0x2;
	v3 =	vshll.u32 v1, $0x7;
	v8 =	vmul.f32 $8.000000000e+00, v2;
	v2 =	vmov v1  }
.LBB2_8:
0xda: {  	_ = 	snop  }
0xdb: {  	p2 =	sne.s32 s29, $0xF;
	s30 =	smov.u32 s29;
	s29 =	sadd.s32 $0x1, s29;
	[tilespmem:v7+s18+$0x0] =	vst.idx.msk $0xffff, v8  }
0xdc: {  	v6 =	vld.idx.msk [tilespmem:v6+s28+$0x0], $0xffff;
	_ =	sdelay $0x2  }
0xdd: {  	v7 =	vor.u32 v17, v4  }
0xde: {  	v8 =	vor.u32 v18, v3;
	_ =	sdelay $0x1  }
0xdf: {  	v6 =	vmul.f32 $8.000000000e+00, v6;
	_ =	sdelay $0x1  }
0xe0: {  	[tilespmem:v7+s18+$0x0] =	vst.idx.msk $0xffff, v6  }
0xe1: {  	v6 =	vld.idx.msk [tilespmem:v8+s28+$0x0], $0xffff;
	_ =	sdelay $0x2  }
0xe2: {  	v7 =	vor.u32 v19, v2  }
0xe3: {  	v5 =	vor.u32 v20, v5;
	_ =	sdelay $0x1  }
0xe4: {  	v6 =	vmul.f32 $8.000000000e+00, v6;
	_ =	sdelay $0x1  }
0xe5: {  	[tilespmem:v7+s18+$0x0] =	vst.idx.msk $0xffff, v6  }
0xe6: {  	v5 =	vld.idx.msk [tilespmem:v5+s28+$0x0], $0xffff;
	_ =	sdelay $0x2  }
0xe7: {  	v4 =	vor.u32 v21, v4  }
0xe8: {  	v3 =	vor.u32 v22, v3;
	_ =	sdelay $0x1  }
0xe9: {  	v5 =	vmul.f32 $8.000000000e+00, v5;
	_ =	sdelay $0x1  }
0xea: {  	[tilespmem:v4+s18+$0x0] =	vst.idx.msk $0xffff, v5  }
0xeb: {  	v8 =	vld.idx.msk [tilespmem:v3+s28+$0x0], $0xffff  }
0xec: {  	v6 =	vadd.s32 s30, v0  }
.Ltmp7:
0xed: {  	v4 =	vand.u32 $0xF, v6;
	v3 =	vshll.u32 v6, $0x7;
	(pc) =	sbr.rel @p2 .LBB2_8-.Ltmp7, $3  }
0xee: {  	v7 =	vor.u32 v23, v2;
	v2 =	vmov v6;
	v5 =	vshll.u32 v4, $0x7  }
0xef: {  	v6 =	vor.u32 v16, v5;
	_ =	sdelay $0x1  }
0xf0: {  	v8 =	vmul.f32 $8.000000000e+00, v8  }
0xf1: {  	_ =	sdelay $0x3  }
0xf2: {  	[tilespmem:v7+s18+$0x0] =	vst.idx.msk $0xffff, v8  }
0xf3: {  	v6 =	vld.idx.msk [tilespmem:v6+s28+$0x0], $0xffff;
	_ =	sdelay $0x1  }
0xf4: {  	v7 =	vor.u32 v17, v4  }
0xf5: {  	v8 =	vor.u32 v18, v3;
	_ =	sdelay $0x1  }
0xf6: {  	v6 =	vmul.f32 $8.000000000e+00, v6;
	_ =	sdelay $0x1  }
0xf7: {  	[tilespmem:v7+s18+$0x0] =	vst.idx.msk $0xffff, v6  }
0xf8: {  	v6 =	vld.idx.msk [tilespmem:v8+s28+$0x0], $0xffff;
	_ =	sdelay $0x1  }
0xf9: {  	v7 =	vor.u32 v19, v2  }
0xfa: {  	v5 =	vor.u32 v20, v5;
	_ =	sdelay $0x1  }
0xfb: {  	v6 =	vmul.f32 $8.000000000e+00, v6;
	_ =	sdelay $0x1  }
0xfc: {  	[tilespmem:v7+s18+$0x0] =	vst.idx.msk $0xffff, v6  }
0xfd: {  	v5 =	vld.idx.msk [tilespmem:v5+s28+$0x0], $0xffff;
	_ =	sdelay $0x1  }
0xfe: {  	v4 =	vor.u32 v21, v4  }
0xff: {  	v3 =	vor.u32 v22, v3;
	_ =	sdelay $0x1  }
0x100: {  	v5 =	vmul.f32 $8.000000000e+00, v5;
	_ =	sdelay $0x1  }
0x101: {  	[tilespmem:v4+s18+$0x0] =	vst.idx.msk $0xffff, v5  }
0x102: {  	v3 =	vld.idx.msk [tilespmem:v3+s28+$0x0], $0xffff;
	_ =	sdelay $0x1  }
0x103: {  	v2 =	vor.u32 v23, v2  }
0x104: {  	v4 =	vor.u32 v24, v12;
	_ =	sdelay $0x1  }
0x105: {  	v3 =	vmul.f32 $8.000000000e+00, v3;
	_ =	sdelay $0x1  }
0x106: {  	s28 =	simm.s32 $0x0;
	[tilespmem:v2+s18+$0x0] =	vst.idx.msk $0xffff, v3  }
0x107: {  	v2 =	vld.idx.msk [tilespmem:v4+s28+$0x0], $0xffff;
	_ =	sdelay $0x1  }
0x108: {  	v3 =	vor.u32 v25, v10  }
0x109: {  	v4 =	vor.u32 v26, v11;
	_ =	sdelay $0x1  }
0x10a: {  	v2 =	vmul.f32 $8.000000000e+00, v2;
	_ =	sdelay $0x1  }
0x10b: {  	[tilespmem:v3+s18+$0x0] =	vst.idx.msk $0xffff, v2  }
0x10c: {  	v2 =	vld.idx.msk [tilespmem:v4+s28+$0x0], $0xffff;
	_ =	sdelay $0x1  }
0x10d: {  	v3 =	vor.u32 v27, v9  }
0x10e: {  	v4 =	vor.u32 v28, v12;
	_ =	sdelay $0x1  }
0x10f: {  	v2 =	vmul.f32 $8.000000000e+00, v2;
	_ =	sdelay $0x1  }
0x110: {  	[tilespmem:v3+s18+$0x0] =	vst.idx.msk $0xffff, v2  }
0x111: {  	v2 =	vld.idx.msk [tilespmem:v4+s28+$0x0], $0xffff;
	_ =	sdelay $0x1  }
0x112: {  	v3 =	vor.u32 v29, v10  }
0x113: {  	v4 =	vor.u32 v30, v11;
	_ =	sdelay $0x1  }
0x114: {  	v2 =	vmul.f32 $8.000000000e+00, v2;
	_ =	sdelay $0x1  }
0x115: {  	[tilespmem:v3+s18+$0x0] =	vst.idx.msk $0xffff, v2  }
0x116: {  	v7 =	vld.idx.msk [tilespmem:v4+s28+$0x0], $0xffff  }
0x117: {  	v3 =	vand.u32 $0xF, v1  }
0x118: {  	v6 =	vor.u32 v31, v9;
	v4 =	vshll.u32 v3, $0x7  }
0x119: {  	v5 =	vor.u32 v24, v4  }
0x11a: {  	v14 =	vld [tilespmem:$0x1FFF0]  }
0x11b: {  	s30 =	simm.s32 $0x2;
	s29 =	simm.s32 $0x0;
	v12 =	vld [tilespmem:$0x1FFE0];
	v2 =	vshll.u32 v1, $0x7;
	v7 =	vmul.f32 $8.000000000e+00, v7  }
.LBB2_10:
0x11c: {  	_ = 	snop  }
0x11d: {  	p2 =	sne.s32 s30, $0xF;
	s31 =	smov.u32 s30;
	s30 =	sadd.s32 $0x1, s30;
	[tilespmem:v6+s18+$0x0] =	vst.idx.msk $0xffff, v7  }
0x11e: {  	v5 =	vld.idx.msk [tilespmem:v5+s29+$0x0], $0xffff;
	_ =	sdelay $0x2  }
0x11f: {  	v6 =	vor.u32 v25, v3  }
0x120: {  	v7 =	vor.u32 v26, v2;
	_ =	sdelay $0x1  }
0x121: {  	v5 =	vmul.f32 $8.000000000e+00, v5;
	_ =	sdelay $0x1  }
0x122: {  	[tilespmem:v6+s18+$0x0] =	vst.idx.msk $0xffff, v5  }
0x123: {  	v5 =	vld.idx.msk [tilespmem:v7+s29+$0x0], $0xffff;
	_ =	sdelay $0x2  }
0x124: {  	v6 =	vor.u32 v27, v1  }
0x125: {  	v4 =	vor.u32 v28, v4;
	_ =	sdelay $0x1  }
0x126: {  	v5 =	vmul.f32 $8.000000000e+00, v5;
	_ =	sdelay $0x1  }
0x127: {  	[tilespmem:v6+s18+$0x0] =	vst.idx.msk $0xffff, v5  }
0x128: {  	v4 =	vld.idx.msk [tilespmem:v4+s29+$0x0], $0xffff;
	_ =	sdelay $0x2  }
0x129: {  	v3 =	vor.u32 v29, v3  }
0x12a: {  	v2 =	vor.u32 v30, v2;
	_ =	sdelay $0x1  }
0x12b: {  	v4 =	vmul.f32 $8.000000000e+00, v4;
	_ =	sdelay $0x1  }
0x12c: {  	[tilespmem:v3+s18+$0x0] =	vst.idx.msk $0xffff, v4  }
0x12d: {  	v7 =	vld.idx.msk [tilespmem:v2+s29+$0x0], $0xffff;
	s29 =	smov.u32 s28  }
0x12e: {  	v5 =	vadd.s32 s31, v0  }
.Ltmp8:
0x12f: {  	v3 =	vand.u32 $0xF, v5;
	v2 =	vshll.u32 v5, $0x7;
	(pc) =	sbr.rel @p2 .LBB2_10-.Ltmp8, $3  }
0x130: {  	v6 =	vor.u32 v31, v1;
	v1 =	vmov v5;
	v4 =	vshll.u32 v3, $0x7  }
0x131: {  	v5 =	vor.u32 v24, v4;
	_ =	sdelay $0x1  }
0x132: {  	v7 =	vmul.f32 $8.000000000e+00, v7  }
0x133: {  	_ =	sdelay $0x3  }
0x134: {  	[tilespmem:v6+s18+$0x0] =	vst.idx.msk $0xffff, v7  }
0x135: {  	v5 =	vld.idx.msk [tilespmem:v5+s29+$0x0], $0xffff;
	_ =	sdelay $0x1  }
0x136: {  	v6 =	vor.u32 v25, v3  }
0x137: {  	v7 =	vor.u32 v26, v2;
	_ =	sdelay $0x1  }
0x138: {  	v5 =	vmul.f32 $8.000000000e+00, v5;
	_ =	sdelay $0x1  }
0x139: {  	[tilespmem:v6+s18+$0x0] =	vst.idx.msk $0xffff, v5  }
0x13a: {  	v5 =	vld.idx.msk [tilespmem:v7+s29+$0x0], $0xffff;
	_ =	sdelay $0x1  }
0x13b: {  	v6 =	vor.u32 v27, v1  }
0x13c: {  	v4 =	vor.u32 v28, v4;
	_ =	sdelay $0x1  }
0x13d: {  	v5 =	vmul.f32 $8.000000000e+00, v5;
	_ =	sdelay $0x1  }
0x13e: {  	[tilespmem:v6+s18+$0x0] =	vst.idx.msk $0xffff, v5  }
0x13f: {  	v4 =	vld.idx.msk [tilespmem:v4+s29+$0x0], $0xffff;
	_ =	sdelay $0x1  }
0x140: {  	v3 =	vor.u32 v29, v3  }
0x141: {  	v2 =	vor.u32 v30, v2;
	_ =	sdelay $0x1  }
0x142: {  	v4 =	vmul.f32 $8.000000000e+00, v4;
	_ =	sdelay $0x1  }
0x143: {  	[tilespmem:v3+s18+$0x0] =	vst.idx.msk $0xffff, v4  }
0x144: {  	v9 =	vadd.s32 s28, v0;
	v2 =	vld.idx.msk [tilespmem:v2+s29+$0x0], $0xffff  }
0x145: {  	v10 =	vand.u32 $0xF, v9  }
0x146: {  	v13 =	vshll.u32 v10, $0x7;
	v1 =	vor.u32 v31, v1  }
0x147: {  	v3 =	vor.u32 v32, v13;
	_ =	sdelay $0x1  }
0x148: {  	v2 =	vmul.f32 $8.000000000e+00, v2;
	_ =	sdelay $0x1  }
0x149: {  	[tilespmem:v1+s18+$0x0] =	vst.idx.msk $0xffff, v2  }
0x14a: {  	v1 =	vld.idx.msk [tilespmem:v3+s28+$0x0], $0xffff;
	_ =	sdelay $0x1  }
0x14b: {  	v11 =	vshll.u32 v9, $0x7;
	v2 =	vor.u32 v33, v10  }
0x14c: {  	v3 =	vor.u32 v34, v11;
	_ =	sdelay $0x1  }
0x14d: {  	v1 =	vmul.f32 $8.000000000e+00, v1;
	_ =	sdelay $0x1  }
0x14e: {  	[tilespmem:v2+s18+$0x0] =	vst.idx.msk $0xffff, v1  }
0x14f: {  	v1 =	vld.idx.msk [tilespmem:v3+s28+$0x0], $0xffff;
	_ =	sdelay $0x1  }
0x150: {  	v2 =	vor.u32 v35, v9  }
0x151: {  	v3 =	vor.u32 v36, v13;
	_ =	sdelay $0x1  }
0x152: {  	v1 =	vmul.f32 $8.000000000e+00, v1;
	_ =	sdelay $0x1  }
0x153: {  	[tilespmem:v2+s18+$0x0] =	vst.idx.msk $0xffff, v1  }
0x154: {  	v1 =	vld.idx.msk [tilespmem:v3+s28+$0x0], $0xffff;
	_ =	sdelay $0x1  }
0x155: {  	v2 =	vor.u32 v37, v10  }
0x156: {  	v3 =	vor.u32 v38, v11;
	_ =	sdelay $0x1  }
0x157: {  	v1 =	vmul.f32 $8.000000000e+00, v1;
	_ =	sdelay $0x1  }
0x158: {  	s29 =	simm.s32 $0x1;
	[tilespmem:v2+s18+$0x0] =	vst.idx.msk $0xffff, v1  }
0x159: {  	v1 =	vadd.s32 s29, v0;
	v2 =	vld.idx.msk [tilespmem:v3+s28+$0x0], $0xffff  }
0x15a: {  	v4 =	vand.u32 $0xF, v1  }
0x15b: {  	v7 =	vor.u32 v39, v9;
	v5 =	vshll.u32 v4, $0x7  }
0x15c: {  	v6 =	vor.u32 v32, v5;
	_ =	sdelay $0x1  }
0x15d: {  	s29 =	simm.s32 $0x2;
	v3 =	vshll.u32 v1, $0x7;
	v8 =	vmul.f32 $8.000000000e+00, v2;
	v2 =	vmov v1  }
.LBB2_12:
0x15e: {  	_ = 	snop  }
0x15f: {  	p2 =	sne.s32 s29, $0xF;
	s30 =	smov.u32 s29;
	s29 =	sadd.s32 $0x1, s29;
	[tilespmem:v7+s18+$0x0] =	vst.idx.msk $0xffff, v8  }
0x160: {  	v6 =	vld.idx.msk [tilespmem:v6+s28+$0x0], $0xffff;
	_ =	sdelay $0x2  }
0x161: {  	v7 =	vor.u32 v33, v4  }
0x162: {  	v8 =	vor.u32 v34, v3;
	_ =	sdelay $0x1  }
0x163: {  	v6 =	vmul.f32 $8.000000000e+00, v6;
	_ =	sdelay $0x1  }
0x164: {  	[tilespmem:v7+s18+$0x0] =	vst.idx.msk $0xffff, v6  }
0x165: {  	v6 =	vld.idx.msk [tilespmem:v8+s28+$0x0], $0xffff;
	_ =	sdelay $0x2  }
0x166: {  	v7 =	vor.u32 v35, v2  }
0x167: {  	v5 =	vor.u32 v36, v5;
	_ =	sdelay $0x1  }
0x168: {  	v6 =	vmul.f32 $8.000000000e+00, v6;
	_ =	sdelay $0x1  }
0x169: {  	[tilespmem:v7+s18+$0x0] =	vst.idx.msk $0xffff, v6  }
0x16a: {  	v5 =	vld.idx.msk [tilespmem:v5+s28+$0x0], $0xffff;
	_ =	sdelay $0x2  }
0x16b: {  	v4 =	vor.u32 v37, v4  }
0x16c: {  	v3 =	vor.u32 v38, v3;
	_ =	sdelay $0x1  }
0x16d: {  	v5 =	vmul.f32 $8.000000000e+00, v5;
	_ =	sdelay $0x1  }
0x16e: {  	[tilespmem:v4+s18+$0x0] =	vst.idx.msk $0xffff, v5  }
0x16f: {  	v8 =	vld.idx.msk [tilespmem:v3+s28+$0x0], $0xffff  }
0x170: {  	v6 =	vadd.s32 s30, v0  }
.Ltmp9:
0x171: {  	v4 =	vand.u32 $0xF, v6;
	v3 =	vshll.u32 v6, $0x7;
	(pc) =	sbr.rel @p2 .LBB2_12-.Ltmp9, $3  }
0x172: {  	v7 =	vor.u32 v39, v2;
	v2 =	vmov v6;
	v5 =	vshll.u32 v4, $0x7  }
0x173: {  	v6 =	vor.u32 v32, v5;
	_ =	sdelay $0x1  }
0x174: {  	v8 =	vmul.f32 $8.000000000e+00, v8  }
0x175: {  	_ =	sdelay $0x3  }
0x176: {  	[tilespmem:v7+s18+$0x0] =	vst.idx.msk $0xffff, v8  }
0x177: {  	v6 =	vld.idx.msk [tilespmem:v6+s28+$0x0], $0xffff;
	_ =	sdelay $0x1  }
0x178: {  	v7 =	vor.u32 v33, v4  }
0x179: {  	v8 =	vor.u32 v34, v3;
	_ =	sdelay $0x1  }
0x17a: {  	v6 =	vmul.f32 $8.000000000e+00, v6;
	_ =	sdelay $0x1  }
0x17b: {  	[tilespmem:v7+s18+$0x0] =	vst.idx.msk $0xffff, v6  }
0x17c: {  	v6 =	vld.idx.msk [tilespmem:v8+s28+$0x0], $0xffff;
	_ =	sdelay $0x1  }
0x17d: {  	v7 =	vor.u32 v35, v2  }
0x17e: {  	v5 =	vor.u32 v36, v5;
	_ =	sdelay $0x1  }
0x17f: {  	v6 =	vmul.f32 $8.000000000e+00, v6;
	_ =	sdelay $0x1  }
0x180: {  	[tilespmem:v7+s18+$0x0] =	vst.idx.msk $0xffff, v6  }
0x181: {  	v5 =	vld.idx.msk [tilespmem:v5+s28+$0x0], $0xffff;
	_ =	sdelay $0x1  }
0x182: {  	v4 =	vor.u32 v37, v4  }
0x183: {  	v3 =	vor.u32 v38, v3;
	_ =	sdelay $0x1  }
0x184: {  	v5 =	vmul.f32 $8.000000000e+00, v5;
	_ =	sdelay $0x1  }
0x185: {  	[tilespmem:v4+s18+$0x0] =	vst.idx.msk $0xffff, v5  }
0x186: {  	v3 =	vld.idx.msk [tilespmem:v3+s28+$0x0], $0xffff;
	_ =	sdelay $0x1  }
0x187: {  	v2 =	vor.u32 v39, v2  }
0x188: {  	v4 =	vor.u32 v40, v13;
	_ =	sdelay $0x1  }
0x189: {  	v3 =	vmul.f32 $8.000000000e+00, v3;
	_ =	sdelay $0x1  }
0x18a: {  	s28 =	simm.s32 $0x0;
	[tilespmem:v2+s18+$0x0] =	vst.idx.msk $0xffff, v3  }
0x18b: {  	v2 =	vld.idx.msk [tilespmem:v4+s28+$0x0], $0xffff;
	_ =	sdelay $0x1  }
0x18c: {  	v3 =	vor.u32 v41, v10  }
0x18d: {  	v4 =	vor.u32 v42, v11;
	_ =	sdelay $0x1  }
0x18e: {  	v2 =	vmul.f32 $8.000000000e+00, v2;
	_ =	sdelay $0x1  }
0x18f: {  	[tilespmem:v3+s18+$0x0] =	vst.idx.msk $0xffff, v2  }
0x190: {  	v2 =	vld.idx.msk [tilespmem:v4+s28+$0x0], $0xffff;
	_ =	sdelay $0x1  }
0x191: {  	v3 =	vor.u32 v43, v9  }
0x192: {  	v4 =	vor.u32 v44, v13;
	_ =	sdelay $0x1  }
0x193: {  	v2 =	vmul.f32 $8.000000000e+00, v2;
	_ =	sdelay $0x1  }
0x194: {  	[tilespmem:v3+s18+$0x0] =	vst.idx.msk $0xffff, v2  }
0x195: {  	v2 =	vld.idx.msk [tilespmem:v4+s28+$0x0], $0xffff;
	_ =	sdelay $0x1  }
0x196: {  	v3 =	vor.u32 v45, v10  }
0x197: {  	v4 =	vor.u32 v46, v11;
	_ =	sdelay $0x1  }
0x198: {  	v2 =	vmul.f32 $8.000000000e+00, v2;
	_ =	sdelay $0x1  }
0x199: {  	[tilespmem:v3+s18+$0x0] =	vst.idx.msk $0xffff, v2  }
0x19a: {  	v7 =	vld.idx.msk [tilespmem:v4+s28+$0x0], $0xffff  }
0x19b: {  	v3 =	vand.u32 $0xF, v1  }
0x19c: {  	v6 =	vor.u32 v47, v9;
	v4 =	vshll.u32 v3, $0x7  }
0x19d: {  	v5 =	vor.u32 v40, v4;
	_ =	sdelay $0x1  }
0x19e: {  	s30 =	simm.s32 $0x2;
	s29 =	simm.s32 $0x0;
	v2 =	vshll.u32 v1, $0x7;
	v7 =	vmul.f32 $8.000000000e+00, v7  }
.LBB2_14:
0x19f: {  	_ = 	snop  }
0x1a0: {  	p2 =	sne.s32 s30, $0xF;
	s31 =	smov.u32 s30;
	s30 =	sadd.s32 $0x1, s30;
	[tilespmem:v6+s18+$0x0] =	vst.idx.msk $0xffff, v7  }
0x1a1: {  	v5 =	vld.idx.msk [tilespmem:v5+s29+$0x0], $0xffff;
	_ =	sdelay $0x2  }
0x1a2: {  	v6 =	vor.u32 v41, v3  }
0x1a3: {  	v7 =	vor.u32 v42, v2;
	_ =	sdelay $0x1  }
0x1a4: {  	v5 =	vmul.f32 $8.000000000e+00, v5;
	_ =	sdelay $0x1  }
0x1a5: {  	[tilespmem:v6+s18+$0x0] =	vst.idx.msk $0xffff, v5  }
0x1a6: {  	v5 =	vld.idx.msk [tilespmem:v7+s29+$0x0], $0xffff;
	_ =	sdelay $0x2  }
0x1a7: {  	v6 =	vor.u32 v43, v1  }
0x1a8: {  	v4 =	vor.u32 v44, v4;
	_ =	sdelay $0x1  }
0x1a9: {  	v5 =	vmul.f32 $8.000000000e+00, v5;
	_ =	sdelay $0x1  }
0x1aa: {  	[tilespmem:v6+s18+$0x0] =	vst.idx.msk $0xffff, v5  }
0x1ab: {  	v4 =	vld.idx.msk [tilespmem:v4+s29+$0x0], $0xffff;
	_ =	sdelay $0x2  }
0x1ac: {  	v3 =	vor.u32 v45, v3  }
0x1ad: {  	v2 =	vor.u32 v46, v2;
	_ =	sdelay $0x1  }
0x1ae: {  	v4 =	vmul.f32 $8.000000000e+00, v4;
	_ =	sdelay $0x1  }
0x1af: {  	[tilespmem:v3+s18+$0x0] =	vst.idx.msk $0xffff, v4  }
0x1b0: {  	v7 =	vld.idx.msk [tilespmem:v2+s29+$0x0], $0xffff;
	s29 =	smov.u32 s28  }
0x1b1: {  	v5 =	vadd.s32 s31, v0  }
.Ltmp10:
0x1b2: {  	v3 =	vand.u32 $0xF, v5;
	v2 =	vshll.u32 v5, $0x7;
	(pc) =	sbr.rel @p2 .LBB2_14-.Ltmp10, $3  }
0x1b3: {  	v6 =	vor.u32 v47, v1;
	v1 =	vmov v5;
	v4 =	vshll.u32 v3, $0x7  }
0x1b4: {  	v5 =	vor.u32 v40, v4;
	_ =	sdelay $0x1  }
0x1b5: {  	v7 =	vmul.f32 $8.000000000e+00, v7  }
0x1b6: {  	_ =	sdelay $0x3  }
0x1b7: {  	[tilespmem:v6+s18+$0x0] =	vst.idx.msk $0xffff, v7  }
0x1b8: {  	v5 =	vld.idx.msk [tilespmem:v5+s29+$0x0], $0xffff;
	_ =	sdelay $0x1  }
0x1b9: {  	v6 =	vor.u32 v41, v3  }
0x1ba: {  	v7 =	vor.u32 v42, v2;
	_ =	sdelay $0x1  }
0x1bb: {  	v5 =	vmul.f32 $8.000000000e+00, v5;
	_ =	sdelay $0x1  }
0x1bc: {  	[tilespmem:v6+s18+$0x0] =	vst.idx.msk $0xffff, v5  }
0x1bd: {  	v5 =	vld.idx.msk [tilespmem:v7+s29+$0x0], $0xffff;
	_ =	sdelay $0x1  }
0x1be: {  	v6 =	vor.u32 v43, v1  }
0x1bf: {  	v4 =	vor.u32 v44, v4;
	_ =	sdelay $0x1  }
0x1c0: {  	v5 =	vmul.f32 $8.000000000e+00, v5;
	_ =	sdelay $0x1  }
0x1c1: {  	[tilespmem:v6+s18+$0x0] =	vst.idx.msk $0xffff, v5  }
0x1c2: {  	v4 =	vld.idx.msk [tilespmem:v4+s29+$0x0], $0xffff;
	_ =	sdelay $0x1  }
0x1c3: {  	v3 =	vor.u32 v45, v3  }
0x1c4: {  	v2 =	vor.u32 v46, v2;
	_ =	sdelay $0x1  }
0x1c5: {  	v4 =	vmul.f32 $8.000000000e+00, v4;
	_ =	sdelay $0x1  }
0x1c6: {  	[tilespmem:v3+s18+$0x0] =	vst.idx.msk $0xffff, v4  }
0x1c7: {  	v9 =	vadd.s32 s28, v0;
	v2 =	vld.idx.msk [tilespmem:v2+s29+$0x0], $0xffff  }
0x1c8: {  	v10 =	vand.u32 $0xF, v9  }
0x1c9: {  	v13 =	vshll.u32 v10, $0x7;
	v1 =	vor.u32 v47, v1  }
0x1ca: {  	v3 =	vor.u32 v48, v13;
	_ =	sdelay $0x1  }
0x1cb: {  	v2 =	vmul.f32 $8.000000000e+00, v2;
	_ =	sdelay $0x1  }
0x1cc: {  	[tilespmem:v1+s18+$0x0] =	vst.idx.msk $0xffff, v2  }
0x1cd: {  	v1 =	vld.idx.msk [tilespmem:v3+s28+$0x0], $0xffff;
	_ =	sdelay $0x1  }
0x1ce: {  	v11 =	vshll.u32 v9, $0x7;
	v2 =	vor.u32 v49, v10  }
0x1cf: {  	v3 =	vor.u32 v50, v11;
	_ =	sdelay $0x1  }
0x1d0: {  	v1 =	vmul.f32 $8.000000000e+00, v1;
	_ =	sdelay $0x1  }
0x1d1: {  	[tilespmem:v2+s18+$0x0] =	vst.idx.msk $0xffff, v1  }
0x1d2: {  	v1 =	vld.idx.msk [tilespmem:v3+s28+$0x0], $0xffff;
	_ =	sdelay $0x1  }
0x1d3: {  	v2 =	vor.u32 v51, v9  }
0x1d4: {  	v3 =	vor.u32 v52, v13;
	_ =	sdelay $0x1  }
0x1d5: {  	v1 =	vmul.f32 $8.000000000e+00, v1;
	_ =	sdelay $0x1  }
0x1d6: {  	[tilespmem:v2+s18+$0x0] =	vst.idx.msk $0xffff, v1  }
0x1d7: {  	v1 =	vld.idx.msk [tilespmem:v3+s28+$0x0], $0xffff;
	_ =	sdelay $0x1  }
0x1d8: {  	v2 =	vor.u32 v53, v10  }
0x1d9: {  	v3 =	vor.u32 v54, v11;
	_ =	sdelay $0x1  }
0x1da: {  	v1 =	vmul.f32 $8.000000000e+00, v1;
	_ =	sdelay $0x1  }
0x1db: {  	s29 =	simm.s32 $0x1;
	[tilespmem:v2+s18+$0x0] =	vst.idx.msk $0xffff, v1  }
0x1dc: {  	v1 =	vadd.s32 s29, v0;
	v2 =	vld.idx.msk [tilespmem:v3+s28+$0x0], $0xffff  }
0x1dd: {  	v4 =	vand.u32 $0xF, v1  }
0x1de: {  	v7 =	vor.u32 v55, v9;
	v5 =	vshll.u32 v4, $0x7  }
0x1df: {  	v6 =	vor.u32 v48, v5;
	_ =	sdelay $0x1  }
0x1e0: {  	s29 =	simm.s32 $0x2;
	v3 =	vshll.u32 v1, $0x7;
	v8 =	vmul.f32 $8.000000000e+00, v2;
	v2 =	vmov v1  }
.LBB2_16:
0x1e1: {  	_ = 	snop  }
0x1e2: {  	p2 =	sne.s32 s29, $0xF;
	s30 =	smov.u32 s29;
	s29 =	sadd.s32 $0x1, s29;
	[tilespmem:v7+s18+$0x0] =	vst.idx.msk $0xffff, v8  }
0x1e3: {  	v6 =	vld.idx.msk [tilespmem:v6+s28+$0x0], $0xffff;
	_ =	sdelay $0x2  }
0x1e4: {  	v7 =	vor.u32 v49, v4  }
0x1e5: {  	v8 =	vor.u32 v50, v3;
	_ =	sdelay $0x1  }
0x1e6: {  	v6 =	vmul.f32 $8.000000000e+00, v6;
	_ =	sdelay $0x1  }
0x1e7: {  	[tilespmem:v7+s18+$0x0] =	vst.idx.msk $0xffff, v6  }
0x1e8: {  	v6 =	vld.idx.msk [tilespmem:v8+s28+$0x0], $0xffff;
	_ =	sdelay $0x2  }
0x1e9: {  	v7 =	vor.u32 v51, v2  }
0x1ea: {  	v5 =	vor.u32 v52, v5;
	_ =	sdelay $0x1  }
0x1eb: {  	v6 =	vmul.f32 $8.000000000e+00, v6;
	_ =	sdelay $0x1  }
0x1ec: {  	[tilespmem:v7+s18+$0x0] =	vst.idx.msk $0xffff, v6  }
0x1ed: {  	v5 =	vld.idx.msk [tilespmem:v5+s28+$0x0], $0xffff;
	_ =	sdelay $0x2  }
0x1ee: {  	v4 =	vor.u32 v53, v4  }
0x1ef: {  	v3 =	vor.u32 v54, v3;
	_ =	sdelay $0x1  }
0x1f0: {  	v5 =	vmul.f32 $8.000000000e+00, v5;
	_ =	sdelay $0x1  }
0x1f1: {  	[tilespmem:v4+s18+$0x0] =	vst.idx.msk $0xffff, v5  }
0x1f2: {  	v8 =	vld.idx.msk [tilespmem:v3+s28+$0x0], $0xffff  }
0x1f3: {  	v6 =	vadd.s32 s30, v0  }
.Ltmp11:
0x1f4: {  	v4 =	vand.u32 $0xF, v6;
	v3 =	vshll.u32 v6, $0x7;
	(pc) =	sbr.rel @p2 .LBB2_16-.Ltmp11, $3  }
0x1f5: {  	v7 =	vor.u32 v55, v2;
	v2 =	vmov v6;
	v5 =	vshll.u32 v4, $0x7  }
0x1f6: {  	v6 =	vor.u32 v48, v5;
	_ =	sdelay $0x1  }
0x1f7: {  	v8 =	vmul.f32 $8.000000000e+00, v8  }
0x1f8: {  	_ =	sdelay $0x3  }
0x1f9: {  	[tilespmem:v7+s18+$0x0] =	vst.idx.msk $0xffff, v8  }
0x1fa: {  	v6 =	vld.idx.msk [tilespmem:v6+s28+$0x0], $0xffff;
	_ =	sdelay $0x1  }
0x1fb: {  	v7 =	vor.u32 v49, v4  }
0x1fc: {  	v8 =	vor.u32 v50, v3;
	_ =	sdelay $0x1  }
0x1fd: {  	v6 =	vmul.f32 $8.000000000e+00, v6;
	_ =	sdelay $0x1  }
0x1fe: {  	[tilespmem:v7+s18+$0x0] =	vst.idx.msk $0xffff, v6  }
0x1ff: {  	v6 =	vld.idx.msk [tilespmem:v8+s28+$0x0], $0xffff;
	_ =	sdelay $0x1  }
0x200: {  	v7 =	vor.u32 v51, v2  }
0x201: {  	v5 =	vor.u32 v52, v5;
	_ =	sdelay $0x1  }
0x202: {  	v6 =	vmul.f32 $8.000000000e+00, v6;
	_ =	sdelay $0x1  }
0x203: {  	[tilespmem:v7+s18+$0x0] =	vst.idx.msk $0xffff, v6  }
0x204: {  	v5 =	vld.idx.msk [tilespmem:v5+s28+$0x0], $0xffff;
	_ =	sdelay $0x1  }
0x205: {  	v4 =	vor.u32 v53, v4  }
0x206: {  	v3 =	vor.u32 v54, v3;
	_ =	sdelay $0x1  }
0x207: {  	v5 =	vmul.f32 $8.000000000e+00, v5;
	_ =	sdelay $0x1  }
0x208: {  	[tilespmem:v4+s18+$0x0] =	vst.idx.msk $0xffff, v5  }
0x209: {  	v3 =	vld.idx.msk [tilespmem:v3+s28+$0x0], $0xffff;
	_ =	sdelay $0x1  }
0x20a: {  	v2 =	vor.u32 v55, v2  }
0x20b: {  	v4 =	vor.u32 v56, v13;
	_ =	sdelay $0x1  }
0x20c: {  	v3 =	vmul.f32 $8.000000000e+00, v3;
	_ =	sdelay $0x1  }
0x20d: {  	[tilespmem:v2+s18+$0x0] =	vst.idx.msk $0xffff, v3  }
0x20e: {  	v2 =	vld.idx.msk [tilespmem:v4+s3+$0x0], $0xffff;
	_ =	sdelay $0x1  }
0x20f: {  	v3 =	vor.u32 v57, v10  }
0x210: {  	v4 =	vor.u32 v58, v11;
	_ =	sdelay $0x1  }
0x211: {  	v2 =	vmul.f32 $8.000000000e+00, v2;
	_ =	sdelay $0x1  }
0x212: {  	[tilespmem:v3+s18+$0x0] =	vst.idx.msk $0xffff, v2  }
0x213: {  	v2 =	vld.idx.msk [tilespmem:v4+s3+$0x0], $0xffff;
	_ =	sdelay $0x1  }
0x214: {  	v3 =	vor.u32 v59, v9  }
0x215: {  	v4 =	vor.u32 v60, v13;
	_ =	sdelay $0x1  }
0x216: {  	v2 =	vmul.f32 $8.000000000e+00, v2;
	_ =	sdelay $0x1  }
0x217: {  	[tilespmem:v3+s18+$0x0] =	vst.idx.msk $0xffff, v2  }
0x218: {  	v2 =	vld.idx.msk [tilespmem:v4+s3+$0x0], $0xffff;
	_ =	sdelay $0x1  }
0x219: {  	v3 =	vor.u32 v61, v10  }
0x21a: {  	v4 =	vor.u32 v62, v11;
	_ =	sdelay $0x1  }
0x21b: {  	v2 =	vmul.f32 $8.000000000e+00, v2;
	_ =	sdelay $0x1  }
0x21c: {  	[tilespmem:v3+s18+$0x0] =	vst.idx.msk $0xffff, v2  }
0x21d: {  	v7 =	vld.idx.msk [tilespmem:v4+s3+$0x0], $0xffff  }
0x21e: {  	v3 =	vand.u32 $0xF, v1  }
0x21f: {  	v6 =	vor.u32 v63, v9;
	v4 =	vshll.u32 v3, $0x7  }
0x220: {  	v5 =	vor.u32 v56, v4;
	_ =	sdelay $0x1  }
0x221: {  	s28 =	simm.s32 $0x2;
	v2 =	vshll.u32 v1, $0x7;
	v7 =	vmul.f32 $8.000000000e+00, v7  }
.LBB2_18:
0x222: {  	_ = 	snop  }
0x223: {  	p2 =	sne.s32 s28, $0xF;
	s29 =	smov.u32 s28;
	s28 =	sadd.s32 $0x1, s28;
	[tilespmem:v6+s18+$0x0] =	vst.idx.msk $0xffff, v7  }
0x224: {  	v5 =	vld.idx.msk [tilespmem:v5+s3+$0x0], $0xffff;
	_ =	sdelay $0x2  }
0x225: {  	v6 =	vor.u32 v57, v3  }
0x226: {  	v7 =	vor.u32 v58, v2;
	_ =	sdelay $0x1  }
0x227: {  	v5 =	vmul.f32 $8.000000000e+00, v5;
	_ =	sdelay $0x1  }
0x228: {  	[tilespmem:v6+s18+$0x0] =	vst.idx.msk $0xffff, v5  }
0x229: {  	v5 =	vld.idx.msk [tilespmem:v7+s3+$0x0], $0xffff;
	_ =	sdelay $0x2  }
0x22a: {  	v6 =	vor.u32 v59, v1  }
0x22b: {  	v4 =	vor.u32 v60, v4;
	_ =	sdelay $0x1  }
0x22c: {  	v5 =	vmul.f32 $8.000000000e+00, v5;
	_ =	sdelay $0x1  }
0x22d: {  	[tilespmem:v6+s18+$0x0] =	vst.idx.msk $0xffff, v5  }
0x22e: {  	v4 =	vld.idx.msk [tilespmem:v4+s3+$0x0], $0xffff;
	_ =	sdelay $0x2  }
0x22f: {  	v3 =	vor.u32 v61, v3  }
0x230: {  	v2 =	vor.u32 v62, v2;
	_ =	sdelay $0x1  }
0x231: {  	v4 =	vmul.f32 $8.000000000e+00, v4;
	_ =	sdelay $0x1  }
0x232: {  	[tilespmem:v3+s18+$0x0] =	vst.idx.msk $0xffff, v4  }
0x233: {  	v7 =	vld.idx.msk [tilespmem:v2+s3+$0x0], $0xffff  }
0x234: {  	v5 =	vadd.s32 s29, v0  }
.Ltmp12:
0x235: {  	v3 =	vand.u32 $0xF, v5;
	v2 =	vshll.u32 v5, $0x7;
	(pc) =	sbr.rel @p2 .LBB2_18-.Ltmp12, $3  }
0x236: {  	v6 =	vor.u32 v63, v1;
	v1 =	vmov v5;
	v4 =	vshll.u32 v3, $0x7  }
0x237: {  	v5 =	vor.u32 v56, v4;
	_ =	sdelay $0x1  }
0x238: {  	v7 =	vmul.f32 $8.000000000e+00, v7  }
0x239: {  	_ =	sdelay $0x3  }
0x23a: {  	[tilespmem:v6+s18+$0x0] =	vst.idx.msk $0xffff, v7  }
0x23b: {  	v5 =	vld.idx.msk [tilespmem:v5+s3+$0x0], $0xffff;
	_ =	sdelay $0x1  }
0x23c: {  	v6 =	vor.u32 v57, v3  }
0x23d: {  	v7 =	vor.u32 v58, v2;
	_ =	sdelay $0x1  }
0x23e: {  	v5 =	vmul.f32 $8.000000000e+00, v5;
	_ =	sdelay $0x1  }
0x23f: {  	[tilespmem:v6+s18+$0x0] =	vst.idx.msk $0xffff, v5  }
0x240: {  	v5 =	vld.idx.msk [tilespmem:v7+s3+$0x0], $0xffff;
	_ =	sdelay $0x1  }
0x241: {  	v6 =	vor.u32 v59, v1  }
0x242: {  	v4 =	vor.u32 v60, v4;
	_ =	sdelay $0x1  }
0x243: {  	v5 =	vmul.f32 $8.000000000e+00, v5;
	_ =	sdelay $0x1  }
0x244: {  	[tilespmem:v6+s18+$0x0] =	vst.idx.msk $0xffff, v5  }
0x245: {  	v4 =	vld.idx.msk [tilespmem:v4+s3+$0x0], $0xffff;
	_ =	sdelay $0x1  }
0x246: {  	v3 =	vor.u32 v61, v3  }
0x247: {  	v2 =	vor.u32 v62, v2;
	_ =	sdelay $0x1  }
0x248: {  	v4 =	vmul.f32 $8.000000000e+00, v4;
	_ =	sdelay $0x1  }
0x249: {  	[tilespmem:v3+s18+$0x0] =	vst.idx.msk $0xffff, v4  }
0x24a: {  	v2 =	vld.idx.msk [tilespmem:v2+s3+$0x0], $0xffff;
	_ =	sdelay $0x1  }
0x24b: {  	v1 =	vor.u32 v63, v1;
	_ =	sdelay $0x2  }
0x24c: {  	v2 =	vmul.f32 $8.000000000e+00, v2  }
0x24d: {  	s28 =	sshll.u32 s26, $0xA;
	p2 =	sge.u32 s25, s9;
	v9 =	vld [tilespmem:$0x1FF90]  }
0x24e: {  	v10 =	vld [tilespmem:$0x1FFA0];
	s28 =	sadd.s32 s4, s28;
	s26 =	sshll.u32 @!p2 s26, $0x7;
	s29 =	simm.s32 @!p2 $0x7A1400;
	[tilespmem:v1+s18+$0x0] =	vst.idx.msk $0xffff, v2  }
0x24f: {  	v15 =	vld [tilespmem:$0x1FFD0];
	[hbm4b:s28+s3] =	stream.linear.scatter [tilespmem:s18], [sflag:$0x3], $0x2000, $0x38  }
0x250: {  	s30 =	simm.s32 @!p2 $0x0;
	s26 =	sadd.s32 @!p2 s26, s11;
	v5 =	vld [tilespmem:$0x1FFC0];
	s28 =	simm.s32 @!p2 $0x400  }
0x251: {  	v4 =	vld [tilespmem:$0x1FFB0];
	[tilespmem:s30], [sflag:$0x1] =	stream.strided.gather @!p2 [hbm4b:s26+s28], $0x2000, s29, s28, $0x38  }
.LBB2_20:
0x252: {  	s26 =	sor.u32 $0x1, s25  }
0x253: {  	p2 =	sge.u32 s26, s6  }
.Ltmp13:
0x254: {  	_ = 	snop;
	(pc) =	sbr.rel @p2 .LBB2_38-.Ltmp13, $1  }
0x255: {  	_ =	sdelay $0x3  }
0x256: {  	s28 =	simm.s32 $0x0  }
0x257: {  	v7 =	vadd.s32 s28, v0  }
0x258: {  	v8 =	vand.u32 $0xF, v7  }
0x259: {  	_ =	swait.ge [sflag:s19], $0x2000;
	v11 =	vshll.u32 v8, $0x7  }
0x25a: {  	[sflag:s19] =	ssyncset.done $0x0;
	v1 =	vor.u32 v0, v11  }
0x25b: {  	s28 =	simm.s32 @!p1 $0x4;
	[sflag:s19] =	ssyncadd.s32 $0xFFFFE000  }
0x25c: {  	_ =	swait.ge @!p1 [sflag:s28], $0x2000  }
0x25d: {  	[sflag:s28] =	ssyncset.done @!p1 $0x0  }
0x25e: {  	[sflag:s28] =	ssyncadd.s32 @!p1 $0xFFFFE000  }
0x25f: {  	v1 =	vld.idx.msk [tilespmem:v1+s16+$0x0], $0xffff;
	_ =	sdelay $0x1  }
0x260: {  	v13 =	vshll.u32 v7, $0x7;
	v2 =	vor.u32 v9, v8  }
0x261: {  	v3 =	vor.u32 v10, v13;
	_ =	sdelay $0x1  }
0x262: {  	v1 =	vmul.f32 $8.000000000e+00, v1;
	_ =	sdelay $0x1  }
0x263: {  	[tilespmem:v2+s20+$0x0] =	vst.idx.msk $0xffff, v1  }
0x264: {  	v1 =	vld.idx.msk [tilespmem:v3+s16+$0x0], $0xffff;
	_ =	sdelay $0x1  }
0x265: {  	v2 =	vor.u32 v4, v7  }
0x266: {  	v3 =	vor.u32 v12, v11;
	_ =	sdelay $0x1  }
0x267: {  	v1 =	vmul.f32 $8.000000000e+00, v1;
	_ =	sdelay $0x1  }
0x268: {  	[tilespmem:v2+s20+$0x0] =	vst.idx.msk $0xffff, v1  }
0x269: {  	v1 =	vld.idx.msk [tilespmem:v3+s16+$0x0], $0xffff;
	_ =	sdelay $0x1  }
0x26a: {  	v2 =	vor.u32 v5, v8  }
0x26b: {  	v3 =	vor.u32 v14, v13;
	_ =	sdelay $0x1  }
0x26c: {  	v1 =	vmul.f32 $8.000000000e+00, v1;
	_ =	sdelay $0x1  }
0x26d: {  	s28 =	simm.s32 $0x1;
	[tilespmem:v2+s20+$0x0] =	vst.idx.msk $0xffff, v1  }
0x26e: {  	v1 =	vadd.s32 s28, v0;
	v2 =	vld.idx.msk [tilespmem:v3+s16+$0x0], $0xffff  }
0x26f: {  	[tilespmem:$0x1FEB0] =	vst v13;
	v3 =	vand.u32 $0xF, v1  }
0x270: {  	[tilespmem:$0x1FEC0] =	vst v7;
	v7 =	vor.u32 v15, v7;
	v13 =	vmov v5;
	v5 =	vshll.u32 v3, $0x7  }
0x271: {  	v6 =	vor.u32 v0, v5  }
0x272: {  	s26 =	sshll.u32 s26, $0x5;
	[tilespmem:$0x1FE90] =	vst v11  }
0x273: {  	s26 =	sor.u32 s5, s26;
	[tilespmem:$0x1FEA0] =	vst v8;
	v11 =	vmovc v4;
	s28 =	simm.s32 $0x2;
	v4 =	vshll.u32 v1, $0x7;
	v8 =	vmul.f32 $8.000000000e+00, v2;
	v2 =	vmov v1  }
.LBB2_22:
0x274: {  	_ = 	snop  }
0x275: {  	p1 =	sne.s32 s28, $0xF;
	s29 =	smov.u32 s28;
	s28 =	sadd.s32 $0x1, s28;
	[tilespmem:v7+s20+$0x0] =	vst.idx.msk $0xffff, v8  }
0x276: {  	v6 =	vld.idx.msk [tilespmem:v6+s16+$0x0], $0xffff;
	_ =	sdelay $0x2  }
0x277: {  	v7 =	vor.u32 v9, v3  }
0x278: {  	v8 =	vor.u32 v10, v4;
	_ =	sdelay $0x1  }
0x279: {  	v6 =	vmul.f32 $8.000000000e+00, v6;
	_ =	sdelay $0x1  }
0x27a: {  	[tilespmem:v7+s20+$0x0] =	vst.idx.msk $0xffff, v6  }
0x27b: {  	v6 =	vld.idx.msk [tilespmem:v8+s16+$0x0], $0xffff;
	_ =	sdelay $0x2  }
0x27c: {  	v7 =	vor.u32 v11, v2  }
0x27d: {  	v5 =	vor.u32 v12, v5;
	_ =	sdelay $0x1  }
0x27e: {  	v6 =	vmul.f32 $8.000000000e+00, v6;
	_ =	sdelay $0x1  }
0x27f: {  	[tilespmem:v7+s20+$0x0] =	vst.idx.msk $0xffff, v6  }
0x280: {  	v5 =	vld.idx.msk [tilespmem:v5+s16+$0x0], $0xffff;
	_ =	sdelay $0x2  }
0x281: {  	v3 =	vor.u32 v13, v3  }
0x282: {  	v4 =	vor.u32 v14, v4;
	_ =	sdelay $0x1  }
0x283: {  	v5 =	vmul.f32 $8.000000000e+00, v5;
	_ =	sdelay $0x1  }
0x284: {  	[tilespmem:v3+s20+$0x0] =	vst.idx.msk $0xffff, v5  }
0x285: {  	v8 =	vld.idx.msk [tilespmem:v4+s16+$0x0], $0xffff  }
0x286: {  	v6 =	vadd.s32 s29, v0  }
.Ltmp14:
0x287: {  	v3 =	vand.u32 $0xF, v6;
	v4 =	vshll.u32 v6, $0x7;
	(pc) =	sbr.rel @p1 .LBB2_22-.Ltmp14, $3  }
0x288: {  	v7 =	vor.u32 v15, v2;
	v2 =	vmov v6;
	v5 =	vshll.u32 v3, $0x7  }
0x289: {  	v6 =	vor.u32 v0, v5;
	_ =	sdelay $0x1  }
0x28a: {  	v8 =	vmul.f32 $8.000000000e+00, v8  }
0x28b: {  	_ =	sdelay $0x3  }
0x28c: {  	[tilespmem:v7+s20+$0x0] =	vst.idx.msk $0xffff, v8  }
0x28d: {  	v6 =	vld.idx.msk [tilespmem:v6+s16+$0x0], $0xffff;
	_ =	sdelay $0x1  }
0x28e: {  	v7 =	vor.u32 v9, v3  }
0x28f: {  	v8 =	vor.u32 v10, v4;
	_ =	sdelay $0x1  }
0x290: {  	v6 =	vmul.f32 $8.000000000e+00, v6;
	_ =	sdelay $0x1  }
0x291: {  	[tilespmem:v7+s20+$0x0] =	vst.idx.msk $0xffff, v6  }
0x292: {  	v6 =	vld.idx.msk [tilespmem:v8+s16+$0x0], $0xffff;
	_ =	sdelay $0x1  }
0x293: {  	v7 =	vor.u32 v11, v2  }
0x294: {  	v5 =	vor.u32 v12, v5;
	_ =	sdelay $0x1  }
0x295: {  	v6 =	vmul.f32 $8.000000000e+00, v6;
	_ =	sdelay $0x1  }
0x296: {  	[tilespmem:v7+s20+$0x0] =	vst.idx.msk $0xffff, v6  }
0x297: {  	v5 =	vld.idx.msk [tilespmem:v5+s16+$0x0], $0xffff;
	_ =	sdelay $0x1  }
0x298: {  	v3 =	vor.u32 v13, v3  }
0x299: {  	v4 =	vor.u32 v14, v4;
	_ =	sdelay $0x1  }
0x29a: {  	v8 =	vld [tilespmem:$0x1FF10];
	v5 =	vmul.f32 $8.000000000e+00, v5  }
0x29b: {  	v7 =	vld [tilespmem:$0x1FE90]  }
0x29c: {  	[tilespmem:v3+s20+$0x0] =	vst.idx.msk $0xffff, v5  }
0x29d: {  	v3 =	vld.idx.msk [tilespmem:v4+s16+$0x0], $0xffff;
	_ =	sdelay $0x1  }
0x29e: {  	v2 =	vor.u32 v15, v2  }
0x29f: {  	v9 =	vld [tilespmem:$0x1FF20];
	v4 =	vor.u32 v8, v7  }
0x2a0: {  	v10 =	vld [tilespmem:$0x1FF30]  }
0x2a1: {  	v6 =	vld [tilespmem:$0x1FEA0];
	v3 =	vmul.f32 $8.000000000e+00, v3  }
0x2a2: {  	v13 =	vld [tilespmem:$0x1FEB0]  }
0x2a3: {  	[tilespmem:v2+s20+$0x0] =	vst.idx.msk $0xffff, v3  }
0x2a4: {  	v2 =	vld.idx.msk [tilespmem:v4+s16+$0x0], $0xffff;
	_ =	sdelay $0x1  }
0x2a5: {  	v3 =	vor.u32 v9, v6  }
0x2a6: {  	v4 =	vor.u32 v10, v13;
	_ =	sdelay $0x1  }
0x2a7: {  	v15 =	vld [tilespmem:$0x1FF40];
	v2 =	vmul.f32 $8.000000000e+00, v2  }
0x2a8: {  	v5 =	vld [tilespmem:$0x1FEC0]  }
0x2a9: {  	[tilespmem:v3+s20+$0x0] =	vst.idx.msk $0xffff, v2  }
0x2aa: {  	v2 =	vld.idx.msk [tilespmem:v4+s16+$0x0], $0xffff  }
0x2ab: {  	v4 =	vld [tilespmem:$0x1FF50];
	_ =	sdelay $0x1  }
0x2ac: {  	v3 =	vor.u32 v15, v5;
	_ =	sdelay $0x2  }
0x2ad: {  	v4 =	vor.u32 v4, v7;
	v2 =	vmul.f32 $8.000000000e+00, v2;
	_ =	sdelay $0x1  }
0x2ae: {  	[tilespmem:v3+s20+$0x0] =	vst.idx.msk $0xffff, v2;
	v3 =	vld [tilespmem:$0x1FF60]  }
0x2af: {  	v11 =	vld [tilespmem:$0x1FF70];
	_ =	sdelay $0x1  }
0x2b0: {  	v2 =	vld.idx.msk [tilespmem:v4+s16+$0x0], $0xffff;
	_ =	sdelay $0x1  }
0x2b1: {  	v3 =	vor.u32 v3, v6  }
0x2b2: {  	v4 =	vor.u32 v11, v13;
	_ =	sdelay $0x1  }
0x2b3: {  	v13 =	vld [tilespmem:$0x1FF80];
	v2 =	vmul.f32 $8.000000000e+00, v2;
	_ =	sdelay $0x1  }
0x2b4: {  	[tilespmem:v3+s20+$0x0] =	vst.idx.msk $0xffff, v2  }
0x2b5: {  	v7 =	vld.idx.msk [tilespmem:v4+s16+$0x0], $0xffff  }
0x2b6: {  	v3 =	vand.u32 $0xF, v1  }
0x2b7: {  	v6 =	vor.u32 v13, v5;
	v4 =	vshll.u32 v3, $0x7  }
0x2b8: {  	v5 =	vor.u32 v8, v4  }
0x2b9: {  	v12 =	vld [tilespmem:$0x1FF50]  }
0x2ba: {  	s28 =	simm.s32 $0x2;
	v14 =	vld [tilespmem:$0x1FF60];
	v2 =	vshll.u32 v1, $0x7;
	v7 =	vmul.f32 $8.000000000e+00, v7  }
.LBB2_24:
0x2bb: {  	_ = 	snop  }
0x2bc: {  	p1 =	sne.s32 s28, $0xF;
	s29 =	smov.u32 s28;
	s28 =	sadd.s32 $0x1, s28;
	[tilespmem:v6+s20+$0x0] =	vst.idx.msk $0xffff, v7  }
0x2bd: {  	v5 =	vld.idx.msk [tilespmem:v5+s16+$0x0], $0xffff;
	_ =	sdelay $0x2  }
0x2be: {  	v6 =	vor.u32 v9, v3  }
0x2bf: {  	v7 =	vor.u32 v10, v2;
	_ =	sdelay $0x1  }
0x2c0: {  	v5 =	vmul.f32 $8.000000000e+00, v5;
	_ =	sdelay $0x1  }
0x2c1: {  	[tilespmem:v6+s20+$0x0] =	vst.idx.msk $0xffff, v5  }
0x2c2: {  	v5 =	vld.idx.msk [tilespmem:v7+s16+$0x0], $0xffff;
	_ =	sdelay $0x2  }
0x2c3: {  	v6 =	vor.u32 v15, v1  }
0x2c4: {  	v4 =	vor.u32 v12, v4;
	_ =	sdelay $0x1  }
0x2c5: {  	v5 =	vmul.f32 $8.000000000e+00, v5;
	_ =	sdelay $0x1  }
0x2c6: {  	[tilespmem:v6+s20+$0x0] =	vst.idx.msk $0xffff, v5  }
0x2c7: {  	v4 =	vld.idx.msk [tilespmem:v4+s16+$0x0], $0xffff;
	_ =	sdelay $0x2  }
0x2c8: {  	v3 =	vor.u32 v14, v3  }
0x2c9: {  	v2 =	vor.u32 v11, v2;
	_ =	sdelay $0x1  }
0x2ca: {  	v4 =	vmul.f32 $8.000000000e+00, v4;
	_ =	sdelay $0x1  }
0x2cb: {  	[tilespmem:v3+s20+$0x0] =	vst.idx.msk $0xffff, v4  }
0x2cc: {  	v7 =	vld.idx.msk [tilespmem:v2+s16+$0x0], $0xffff  }
0x2cd: {  	v5 =	vadd.s32 s29, v0  }
.Ltmp15:
0x2ce: {  	v3 =	vand.u32 $0xF, v5;
	v2 =	vshll.u32 v5, $0x7;
	(pc) =	sbr.rel @p1 .LBB2_24-.Ltmp15, $3  }
0x2cf: {  	v6 =	vor.u32 v13, v1;
	v1 =	vmov v5;
	v4 =	vshll.u32 v3, $0x7  }
0x2d0: {  	v5 =	vor.u32 v8, v4;
	_ =	sdelay $0x1  }
0x2d1: {  	v7 =	vmul.f32 $8.000000000e+00, v7  }
0x2d2: {  	_ =	sdelay $0x3  }
0x2d3: {  	[tilespmem:v6+s20+$0x0] =	vst.idx.msk $0xffff, v7  }
0x2d4: {  	v5 =	vld.idx.msk [tilespmem:v5+s16+$0x0], $0xffff;
	_ =	sdelay $0x1  }
0x2d5: {  	v6 =	vor.u32 v9, v3  }
0x2d6: {  	v7 =	vor.u32 v10, v2;
	_ =	sdelay $0x1  }
0x2d7: {  	v5 =	vmul.f32 $8.000000000e+00, v5;
	_ =	sdelay $0x1  }
0x2d8: {  	[tilespmem:v6+s20+$0x0] =	vst.idx.msk $0xffff, v5  }
0x2d9: {  	v5 =	vld.idx.msk [tilespmem:v7+s16+$0x0], $0xffff;
	_ =	sdelay $0x1  }
0x2da: {  	v6 =	vor.u32 v15, v1  }
0x2db: {  	v4 =	vor.u32 v12, v4;
	_ =	sdelay $0x1  }
0x2dc: {  	v5 =	vmul.f32 $8.000000000e+00, v5;
	_ =	sdelay $0x1  }
0x2dd: {  	[tilespmem:v6+s20+$0x0] =	vst.idx.msk $0xffff, v5  }
0x2de: {  	v4 =	vld.idx.msk [tilespmem:v4+s16+$0x0], $0xffff;
	_ =	sdelay $0x1  }
0x2df: {  	v3 =	vor.u32 v14, v3  }
0x2e0: {  	v2 =	vor.u32 v11, v2;
	_ =	sdelay $0x1  }
0x2e1: {  	v4 =	vmul.f32 $8.000000000e+00, v4;
	_ =	sdelay $0x1  }
0x2e2: {  	s28 =	simm.s32 $0x0;
	[tilespmem:v3+s20+$0x0] =	vst.idx.msk $0xffff, v4  }
0x2e3: {  	v9 =	vadd.s32 s28, v0;
	v2 =	vld.idx.msk [tilespmem:v2+s16+$0x0], $0xffff  }
0x2e4: {  	v10 =	vand.u32 $0xF, v9  }
0x2e5: {  	v12 =	vshll.u32 v10, $0x7;
	v1 =	vor.u32 v13, v1  }
0x2e6: {  	v3 =	vor.u32 v16, v12;
	_ =	sdelay $0x1  }
0x2e7: {  	v2 =	vmul.f32 $8.000000000e+00, v2;
	_ =	sdelay $0x1  }
0x2e8: {  	[tilespmem:v1+s20+$0x0] =	vst.idx.msk $0xffff, v2  }
0x2e9: {  	v1 =	vld.idx.msk [tilespmem:v3+s16+$0x0], $0xffff;
	_ =	sdelay $0x1  }
0x2ea: {  	v11 =	vshll.u32 v9, $0x7;
	v2 =	vor.u32 v17, v10  }
0x2eb: {  	v3 =	vor.u32 v18, v11;
	_ =	sdelay $0x1  }
0x2ec: {  	v1 =	vmul.f32 $8.000000000e+00, v1;
	_ =	sdelay $0x1  }
0x2ed: {  	[tilespmem:v2+s20+$0x0] =	vst.idx.msk $0xffff, v1  }
0x2ee: {  	v1 =	vld.idx.msk [tilespmem:v3+s16+$0x0], $0xffff;
	_ =	sdelay $0x1  }
0x2ef: {  	v2 =	vor.u32 v19, v9  }
0x2f0: {  	v3 =	vor.u32 v20, v12;
	_ =	sdelay $0x1  }
0x2f1: {  	v1 =	vmul.f32 $8.000000000e+00, v1;
	_ =	sdelay $0x1  }
0x2f2: {  	[tilespmem:v2+s20+$0x0] =	vst.idx.msk $0xffff, v1  }
0x2f3: {  	v1 =	vld.idx.msk [tilespmem:v3+s16+$0x0], $0xffff;
	_ =	sdelay $0x1  }
0x2f4: {  	v2 =	vor.u32 v21, v10  }
0x2f5: {  	v3 =	vor.u32 v22, v11;
	_ =	sdelay $0x1  }
0x2f6: {  	v1 =	vmul.f32 $8.000000000e+00, v1;
	_ =	sdelay $0x1  }
0x2f7: {  	s28 =	simm.s32 $0x1;
	[tilespmem:v2+s20+$0x0] =	vst.idx.msk $0xffff, v1  }
0x2f8: {  	v1 =	vadd.s32 s28, v0;
	v2 =	vld.idx.msk [tilespmem:v3+s16+$0x0], $0xffff  }
0x2f9: {  	v4 =	vand.u32 $0xF, v1  }
0x2fa: {  	v7 =	vor.u32 v23, v9;
	v5 =	vshll.u32 v4, $0x7  }
0x2fb: {  	v6 =	vor.u32 v16, v5;
	_ =	sdelay $0x1  }
0x2fc: {  	s28 =	simm.s32 $0x2;
	v3 =	vshll.u32 v1, $0x7;
	v8 =	vmul.f32 $8.000000000e+00, v2;
	v2 =	vmov v1  }
.LBB2_26:
0x2fd: {  	_ = 	snop  }
0x2fe: {  	p1 =	sne.s32 s28, $0xF;
	s29 =	smov.u32 s28;
	s28 =	sadd.s32 $0x1, s28;
	[tilespmem:v7+s20+$0x0] =	vst.idx.msk $0xffff, v8  }
0x2ff: {  	v6 =	vld.idx.msk [tilespmem:v6+s16+$0x0], $0xffff;
	_ =	sdelay $0x2  }
0x300: {  	v7 =	vor.u32 v17, v4  }
0x301: {  	v8 =	vor.u32 v18, v3;
	_ =	sdelay $0x1  }
0x302: {  	v6 =	vmul.f32 $8.000000000e+00, v6;
	_ =	sdelay $0x1  }
0x303: {  	[tilespmem:v7+s20+$0x0] =	vst.idx.msk $0xffff, v6  }
0x304: {  	v6 =	vld.idx.msk [tilespmem:v8+s16+$0x0], $0xffff;
	_ =	sdelay $0x2  }
0x305: {  	v7 =	vor.u32 v19, v2  }
0x306: {  	v5 =	vor.u32 v20, v5;
	_ =	sdelay $0x1  }
0x307: {  	v6 =	vmul.f32 $8.000000000e+00, v6;
	_ =	sdelay $0x1  }
0x308: {  	[tilespmem:v7+s20+$0x0] =	vst.idx.msk $0xffff, v6  }
0x309: {  	v5 =	vld.idx.msk [tilespmem:v5+s16+$0x0], $0xffff;
	_ =	sdelay $0x2  }
0x30a: {  	v4 =	vor.u32 v21, v4  }
0x30b: {  	v3 =	vor.u32 v22, v3;
	_ =	sdelay $0x1  }
0x30c: {  	v5 =	vmul.f32 $8.000000000e+00, v5;
	_ =	sdelay $0x1  }
0x30d: {  	[tilespmem:v4+s20+$0x0] =	vst.idx.msk $0xffff, v5  }
0x30e: {  	v8 =	vld.idx.msk [tilespmem:v3+s16+$0x0], $0xffff  }
0x30f: {  	v6 =	vadd.s32 s29, v0  }
.Ltmp16:
0x310: {  	v4 =	vand.u32 $0xF, v6;
	v3 =	vshll.u32 v6, $0x7;
	(pc) =	sbr.rel @p1 .LBB2_26-.Ltmp16, $3  }
0x311: {  	v7 =	vor.u32 v23, v2;
	v2 =	vmov v6;
	v5 =	vshll.u32 v4, $0x7  }
0x312: {  	v6 =	vor.u32 v16, v5;
	_ =	sdelay $0x1  }
0x313: {  	v8 =	vmul.f32 $8.000000000e+00, v8  }
0x314: {  	_ =	sdelay $0x3  }
0x315: {  	[tilespmem:v7+s20+$0x0] =	vst.idx.msk $0xffff, v8  }
0x316: {  	v6 =	vld.idx.msk [tilespmem:v6+s16+$0x0], $0xffff;
	_ =	sdelay $0x1  }
0x317: {  	v7 =	vor.u32 v17, v4  }
0x318: {  	v8 =	vor.u32 v18, v3;
	_ =	sdelay $0x1  }
0x319: {  	v6 =	vmul.f32 $8.000000000e+00, v6;
	_ =	sdelay $0x1  }
0x31a: {  	[tilespmem:v7+s20+$0x0] =	vst.idx.msk $0xffff, v6  }
0x31b: {  	v6 =	vld.idx.msk [tilespmem:v8+s16+$0x0], $0xffff;
	_ =	sdelay $0x1  }
0x31c: {  	v7 =	vor.u32 v19, v2  }
0x31d: {  	v5 =	vor.u32 v20, v5;
	_ =	sdelay $0x1  }
0x31e: {  	v6 =	vmul.f32 $8.000000000e+00, v6;
	_ =	sdelay $0x1  }
0x31f: {  	[tilespmem:v7+s20+$0x0] =	vst.idx.msk $0xffff, v6  }
0x320: {  	v5 =	vld.idx.msk [tilespmem:v5+s16+$0x0], $0xffff;
	_ =	sdelay $0x1  }
0x321: {  	v4 =	vor.u32 v21, v4  }
0x322: {  	v3 =	vor.u32 v22, v3;
	_ =	sdelay $0x1  }
0x323: {  	v5 =	vmul.f32 $8.000000000e+00, v5;
	_ =	sdelay $0x1  }
0x324: {  	[tilespmem:v4+s20+$0x0] =	vst.idx.msk $0xffff, v5  }
0x325: {  	v3 =	vld.idx.msk [tilespmem:v3+s16+$0x0], $0xffff;
	_ =	sdelay $0x1  }
0x326: {  	v2 =	vor.u32 v23, v2  }
0x327: {  	v4 =	vor.u32 v24, v12;
	_ =	sdelay $0x1  }
0x328: {  	v3 =	vmul.f32 $8.000000000e+00, v3;
	_ =	sdelay $0x1  }
0x329: {  	[tilespmem:v2+s20+$0x0] =	vst.idx.msk $0xffff, v3  }
0x32a: {  	v2 =	vld.idx.msk [tilespmem:v4+s16+$0x0], $0xffff;
	_ =	sdelay $0x1  }
0x32b: {  	v3 =	vor.u32 v25, v10  }
0x32c: {  	v4 =	vor.u32 v26, v11;
	_ =	sdelay $0x1  }
0x32d: {  	v2 =	vmul.f32 $8.000000000e+00, v2;
	_ =	sdelay $0x1  }
0x32e: {  	[tilespmem:v3+s20+$0x0] =	vst.idx.msk $0xffff, v2  }
0x32f: {  	v2 =	vld.idx.msk [tilespmem:v4+s16+$0x0], $0xffff;
	_ =	sdelay $0x1  }
0x330: {  	v3 =	vor.u32 v27, v9  }
0x331: {  	v4 =	vor.u32 v28, v12;
	_ =	sdelay $0x1  }
0x332: {  	v2 =	vmul.f32 $8.000000000e+00, v2;
	_ =	sdelay $0x1  }
0x333: {  	[tilespmem:v3+s20+$0x0] =	vst.idx.msk $0xffff, v2  }
0x334: {  	v2 =	vld.idx.msk [tilespmem:v4+s16+$0x0], $0xffff;
	_ =	sdelay $0x1  }
0x335: {  	v3 =	vor.u32 v29, v10  }
0x336: {  	v4 =	vor.u32 v30, v11;
	_ =	sdelay $0x1  }
0x337: {  	v2 =	vmul.f32 $8.000000000e+00, v2;
	_ =	sdelay $0x1  }
0x338: {  	[tilespmem:v3+s20+$0x0] =	vst.idx.msk $0xffff, v2  }
0x339: {  	v7 =	vld.idx.msk [tilespmem:v4+s16+$0x0], $0xffff  }
0x33a: {  	v3 =	vand.u32 $0xF, v1  }
0x33b: {  	v6 =	vor.u32 v31, v9;
	v4 =	vshll.u32 v3, $0x7  }
0x33c: {  	v5 =	vor.u32 v24, v4  }
0x33d: {  	v14 =	vld [tilespmem:$0x1FFF0]  }
0x33e: {  	s28 =	simm.s32 $0x2;
	v12 =	vld [tilespmem:$0x1FFE0];
	v2 =	vshll.u32 v1, $0x7;
	v7 =	vmul.f32 $8.000000000e+00, v7  }
.LBB2_28:
0x33f: {  	_ = 	snop  }
0x340: {  	p1 =	sne.s32 s28, $0xF;
	s29 =	smov.u32 s28;
	s28 =	sadd.s32 $0x1, s28;
	[tilespmem:v6+s20+$0x0] =	vst.idx.msk $0xffff, v7  }
0x341: {  	v5 =	vld.idx.msk [tilespmem:v5+s16+$0x0], $0xffff;
	_ =	sdelay $0x2  }
0x342: {  	v6 =	vor.u32 v25, v3  }
0x343: {  	v7 =	vor.u32 v26, v2;
	_ =	sdelay $0x1  }
0x344: {  	v5 =	vmul.f32 $8.000000000e+00, v5;
	_ =	sdelay $0x1  }
0x345: {  	[tilespmem:v6+s20+$0x0] =	vst.idx.msk $0xffff, v5  }
0x346: {  	v5 =	vld.idx.msk [tilespmem:v7+s16+$0x0], $0xffff;
	_ =	sdelay $0x2  }
0x347: {  	v6 =	vor.u32 v27, v1  }
0x348: {  	v4 =	vor.u32 v28, v4;
	_ =	sdelay $0x1  }
0x349: {  	v5 =	vmul.f32 $8.000000000e+00, v5;
	_ =	sdelay $0x1  }
0x34a: {  	[tilespmem:v6+s20+$0x0] =	vst.idx.msk $0xffff, v5  }
0x34b: {  	v4 =	vld.idx.msk [tilespmem:v4+s16+$0x0], $0xffff;
	_ =	sdelay $0x2  }
0x34c: {  	v3 =	vor.u32 v29, v3  }
0x34d: {  	v2 =	vor.u32 v30, v2;
	_ =	sdelay $0x1  }
0x34e: {  	v4 =	vmul.f32 $8.000000000e+00, v4;
	_ =	sdelay $0x1  }
0x34f: {  	[tilespmem:v3+s20+$0x0] =	vst.idx.msk $0xffff, v4  }
0x350: {  	v7 =	vld.idx.msk [tilespmem:v2+s16+$0x0], $0xffff  }
0x351: {  	v5 =	vadd.s32 s29, v0  }
.Ltmp17:
0x352: {  	v3 =	vand.u32 $0xF, v5;
	v2 =	vshll.u32 v5, $0x7;
	(pc) =	sbr.rel @p1 .LBB2_28-.Ltmp17, $3  }
0x353: {  	v6 =	vor.u32 v31, v1;
	v1 =	vmov v5;
	v4 =	vshll.u32 v3, $0x7  }
0x354: {  	v5 =	vor.u32 v24, v4;
	_ =	sdelay $0x1  }
0x355: {  	v7 =	vmul.f32 $8.000000000e+00, v7  }
0x356: {  	_ =	sdelay $0x3  }
0x357: {  	[tilespmem:v6+s20+$0x0] =	vst.idx.msk $0xffff, v7  }
0x358: {  	v5 =	vld.idx.msk [tilespmem:v5+s16+$0x0], $0xffff;
	_ =	sdelay $0x1  }
0x359: {  	v6 =	vor.u32 v25, v3  }
0x35a: {  	v7 =	vor.u32 v26, v2;
	_ =	sdelay $0x1  }
0x35b: {  	v5 =	vmul.f32 $8.000000000e+00, v5;
	_ =	sdelay $0x1  }
0x35c: {  	[tilespmem:v6+s20+$0x0] =	vst.idx.msk $0xffff, v5  }
0x35d: {  	v5 =	vld.idx.msk [tilespmem:v7+s16+$0x0], $0xffff;
	_ =	sdelay $0x1  }
0x35e: {  	v6 =	vor.u32 v27, v1  }
0x35f: {  	v4 =	vor.u32 v28, v4;
	_ =	sdelay $0x1  }
0x360: {  	v5 =	vmul.f32 $8.000000000e+00, v5;
	_ =	sdelay $0x1  }
0x361: {  	[tilespmem:v6+s20+$0x0] =	vst.idx.msk $0xffff, v5  }
0x362: {  	v4 =	vld.idx.msk [tilespmem:v4+s16+$0x0], $0xffff;
	_ =	sdelay $0x1  }
0x363: {  	v3 =	vor.u32 v29, v3  }
0x364: {  	v2 =	vor.u32 v30, v2;
	_ =	sdelay $0x1  }
0x365: {  	v4 =	vmul.f32 $8.000000000e+00, v4;
	_ =	sdelay $0x1  }
0x366: {  	s28 =	simm.s32 $0x0;
	[tilespmem:v3+s20+$0x0] =	vst.idx.msk $0xffff, v4  }
0x367: {  	v9 =	vadd.s32 s28, v0;
	v2 =	vld.idx.msk [tilespmem:v2+s16+$0x0], $0xffff  }
0x368: {  	v10 =	vand.u32 $0xF, v9  }
0x369: {  	v13 =	vshll.u32 v10, $0x7;
	v1 =	vor.u32 v31, v1  }
0x36a: {  	v3 =	vor.u32 v32, v13;
	_ =	sdelay $0x1  }
0x36b: {  	v2 =	vmul.f32 $8.000000000e+00, v2;
	_ =	sdelay $0x1  }
0x36c: {  	[tilespmem:v1+s20+$0x0] =	vst.idx.msk $0xffff, v2  }
0x36d: {  	v1 =	vld.idx.msk [tilespmem:v3+s16+$0x0], $0xffff;
	_ =	sdelay $0x1  }
0x36e: {  	v11 =	vshll.u32 v9, $0x7;
	v2 =	vor.u32 v33, v10  }
0x36f: {  	v3 =	vor.u32 v34, v11;
	_ =	sdelay $0x1  }
0x370: {  	v1 =	vmul.f32 $8.000000000e+00, v1;
	_ =	sdelay $0x1  }
0x371: {  	[tilespmem:v2+s20+$0x0] =	vst.idx.msk $0xffff, v1  }
0x372: {  	v1 =	vld.idx.msk [tilespmem:v3+s16+$0x0], $0xffff;
	_ =	sdelay $0x1  }
0x373: {  	v2 =	vor.u32 v35, v9  }
0x374: {  	v3 =	vor.u32 v36, v13;
	_ =	sdelay $0x1  }
0x375: {  	v1 =	vmul.f32 $8.000000000e+00, v1;
	_ =	sdelay $0x1  }
0x376: {  	[tilespmem:v2+s20+$0x0] =	vst.idx.msk $0xffff, v1  }
0x377: {  	v1 =	vld.idx.msk [tilespmem:v3+s16+$0x0], $0xffff;
	_ =	sdelay $0x1  }
0x378: {  	v2 =	vor.u32 v37, v10  }
0x379: {  	v3 =	vor.u32 v38, v11;
	_ =	sdelay $0x1  }
0x37a: {  	v1 =	vmul.f32 $8.000000000e+00, v1;
	_ =	sdelay $0x1  }
0x37b: {  	s28 =	simm.s32 $0x1;
	[tilespmem:v2+s20+$0x0] =	vst.idx.msk $0xffff, v1  }
0x37c: {  	v1 =	vadd.s32 s28, v0;
	v2 =	vld.idx.msk [tilespmem:v3+s16+$0x0], $0xffff  }
0x37d: {  	v4 =	vand.u32 $0xF, v1  }
0x37e: {  	v7 =	vor.u32 v39, v9;
	v5 =	vshll.u32 v4, $0x7  }
0x37f: {  	v6 =	vor.u32 v32, v5;
	_ =	sdelay $0x1  }
0x380: {  	s28 =	simm.s32 $0x2;
	v3 =	vshll.u32 v1, $0x7;
	v8 =	vmul.f32 $8.000000000e+00, v2;
	v2 =	vmov v1  }
.LBB2_30:
0x381: {  	_ = 	snop  }
0x382: {  	p1 =	sne.s32 s28, $0xF;
	s29 =	smov.u32 s28;
	s28 =	sadd.s32 $0x1, s28;
	[tilespmem:v7+s20+$0x0] =	vst.idx.msk $0xffff, v8  }
0x383: {  	v6 =	vld.idx.msk [tilespmem:v6+s16+$0x0], $0xffff;
	_ =	sdelay $0x2  }
0x384: {  	v7 =	vor.u32 v33, v4  }
0x385: {  	v8 =	vor.u32 v34, v3;
	_ =	sdelay $0x1  }
0x386: {  	v6 =	vmul.f32 $8.000000000e+00, v6;
	_ =	sdelay $0x1  }
0x387: {  	[tilespmem:v7+s20+$0x0] =	vst.idx.msk $0xffff, v6  }
0x388: {  	v6 =	vld.idx.msk [tilespmem:v8+s16+$0x0], $0xffff;
	_ =	sdelay $0x2  }
0x389: {  	v7 =	vor.u32 v35, v2  }
0x38a: {  	v5 =	vor.u32 v36, v5;
	_ =	sdelay $0x1  }
0x38b: {  	v6 =	vmul.f32 $8.000000000e+00, v6;
	_ =	sdelay $0x1  }
0x38c: {  	[tilespmem:v7+s20+$0x0] =	vst.idx.msk $0xffff, v6  }
0x38d: {  	v5 =	vld.idx.msk [tilespmem:v5+s16+$0x0], $0xffff;
	_ =	sdelay $0x2  }
0x38e: {  	v4 =	vor.u32 v37, v4  }
0x38f: {  	v3 =	vor.u32 v38, v3;
	_ =	sdelay $0x1  }
0x390: {  	v5 =	vmul.f32 $8.000000000e+00, v5;
	_ =	sdelay $0x1  }
0x391: {  	[tilespmem:v4+s20+$0x0] =	vst.idx.msk $0xffff, v5  }
0x392: {  	v8 =	vld.idx.msk [tilespmem:v3+s16+$0x0], $0xffff  }
0x393: {  	v6 =	vadd.s32 s29, v0  }
.Ltmp18:
0x394: {  	v4 =	vand.u32 $0xF, v6;
	v3 =	vshll.u32 v6, $0x7;
	(pc) =	sbr.rel @p1 .LBB2_30-.Ltmp18, $3  }
0x395: {  	v7 =	vor.u32 v39, v2;
	v2 =	vmov v6;
	v5 =	vshll.u32 v4, $0x7  }
0x396: {  	v6 =	vor.u32 v32, v5;
	_ =	sdelay $0x1  }
0x397: {  	v8 =	vmul.f32 $8.000000000e+00, v8  }
0x398: {  	_ =	sdelay $0x3  }
0x399: {  	[tilespmem:v7+s20+$0x0] =	vst.idx.msk $0xffff, v8  }
0x39a: {  	v6 =	vld.idx.msk [tilespmem:v6+s16+$0x0], $0xffff;
	_ =	sdelay $0x1  }
0x39b: {  	v7 =	vor.u32 v33, v4  }
0x39c: {  	v8 =	vor.u32 v34, v3;
	_ =	sdelay $0x1  }
0x39d: {  	v6 =	vmul.f32 $8.000000000e+00, v6;
	_ =	sdelay $0x1  }
0x39e: {  	[tilespmem:v7+s20+$0x0] =	vst.idx.msk $0xffff, v6  }
0x39f: {  	v6 =	vld.idx.msk [tilespmem:v8+s16+$0x0], $0xffff;
	_ =	sdelay $0x1  }
0x3a0: {  	v7 =	vor.u32 v35, v2  }
0x3a1: {  	v5 =	vor.u32 v36, v5;
	_ =	sdelay $0x1  }
0x3a2: {  	v6 =	vmul.f32 $8.000000000e+00, v6;
	_ =	sdelay $0x1  }
0x3a3: {  	[tilespmem:v7+s20+$0x0] =	vst.idx.msk $0xffff, v6  }
0x3a4: {  	v5 =	vld.idx.msk [tilespmem:v5+s16+$0x0], $0xffff;
	_ =	sdelay $0x1  }
0x3a5: {  	v4 =	vor.u32 v37, v4  }
0x3a6: {  	v3 =	vor.u32 v38, v3;
	_ =	sdelay $0x1  }
0x3a7: {  	v5 =	vmul.f32 $8.000000000e+00, v5;
	_ =	sdelay $0x1  }
0x3a8: {  	[tilespmem:v4+s20+$0x0] =	vst.idx.msk $0xffff, v5  }
0x3a9: {  	v3 =	vld.idx.msk [tilespmem:v3+s16+$0x0], $0xffff;
	_ =	sdelay $0x1  }
0x3aa: {  	v2 =	vor.u32 v39, v2  }
0x3ab: {  	v4 =	vor.u32 v40, v13;
	_ =	sdelay $0x1  }
0x3ac: {  	v3 =	vmul.f32 $8.000000000e+00, v3;
	_ =	sdelay $0x1  }
0x3ad: {  	[tilespmem:v2+s20+$0x0] =	vst.idx.msk $0xffff, v3  }
0x3ae: {  	v2 =	vld.idx.msk [tilespmem:v4+s16+$0x0], $0xffff;
	_ =	sdelay $0x1  }
0x3af: {  	v3 =	vor.u32 v41, v10  }
0x3b0: {  	v4 =	vor.u32 v42, v11;
	_ =	sdelay $0x1  }
0x3b1: {  	v2 =	vmul.f32 $8.000000000e+00, v2;
	_ =	sdelay $0x1  }
0x3b2: {  	[tilespmem:v3+s20+$0x0] =	vst.idx.msk $0xffff, v2  }
0x3b3: {  	v2 =	vld.idx.msk [tilespmem:v4+s16+$0x0], $0xffff;
	_ =	sdelay $0x1  }
0x3b4: {  	v3 =	vor.u32 v43, v9  }
0x3b5: {  	v4 =	vor.u32 v44, v13;
	_ =	sdelay $0x1  }
0x3b6: {  	v2 =	vmul.f32 $8.000000000e+00, v2;
	_ =	sdelay $0x1  }
0x3b7: {  	[tilespmem:v3+s20+$0x0] =	vst.idx.msk $0xffff, v2  }
0x3b8: {  	v2 =	vld.idx.msk [tilespmem:v4+s16+$0x0], $0xffff;
	_ =	sdelay $0x1  }
0x3b9: {  	v3 =	vor.u32 v45, v10  }
0x3ba: {  	v4 =	vor.u32 v46, v11;
	_ =	sdelay $0x1  }
0x3bb: {  	v2 =	vmul.f32 $8.000000000e+00, v2;
	_ =	sdelay $0x1  }
0x3bc: {  	[tilespmem:v3+s20+$0x0] =	vst.idx.msk $0xffff, v2  }
0x3bd: {  	v7 =	vld.idx.msk [tilespmem:v4+s16+$0x0], $0xffff  }
0x3be: {  	v3 =	vand.u32 $0xF, v1  }
0x3bf: {  	v6 =	vor.u32 v47, v9;
	v4 =	vshll.u32 v3, $0x7  }
0x3c0: {  	v5 =	vor.u32 v40, v4;
	_ =	sdelay $0x1  }
0x3c1: {  	s28 =	simm.s32 $0x2;
	v2 =	vshll.u32 v1, $0x7;
	v7 =	vmul.f32 $8.000000000e+00, v7  }
.LBB2_32:
0x3c2: {  	_ = 	snop  }
0x3c3: {  	p1 =	sne.s32 s28, $0xF;
	s29 =	smov.u32 s28;
	s28 =	sadd.s32 $0x1, s28;
	[tilespmem:v6+s20+$0x0] =	vst.idx.msk $0xffff, v7  }
0x3c4: {  	v5 =	vld.idx.msk [tilespmem:v5+s16+$0x0], $0xffff;
	_ =	sdelay $0x2  }
0x3c5: {  	v6 =	vor.u32 v41, v3  }
0x3c6: {  	v7 =	vor.u32 v42, v2;
	_ =	sdelay $0x1  }
0x3c7: {  	v5 =	vmul.f32 $8.000000000e+00, v5;
	_ =	sdelay $0x1  }
0x3c8: {  	[tilespmem:v6+s20+$0x0] =	vst.idx.msk $0xffff, v5  }
0x3c9: {  	v5 =	vld.idx.msk [tilespmem:v7+s16+$0x0], $0xffff;
	_ =	sdelay $0x2  }
0x3ca: {  	v6 =	vor.u32 v43, v1  }
0x3cb: {  	v4 =	vor.u32 v44, v4;
	_ =	sdelay $0x1  }
0x3cc: {  	v5 =	vmul.f32 $8.000000000e+00, v5;
	_ =	sdelay $0x1  }
0x3cd: {  	[tilespmem:v6+s20+$0x0] =	vst.idx.msk $0xffff, v5  }
0x3ce: {  	v4 =	vld.idx.msk [tilespmem:v4+s16+$0x0], $0xffff;
	_ =	sdelay $0x2  }
0x3cf: {  	v3 =	vor.u32 v45, v3  }
0x3d0: {  	v2 =	vor.u32 v46, v2;
	_ =	sdelay $0x1  }
0x3d1: {  	v4 =	vmul.f32 $8.000000000e+00, v4;
	_ =	sdelay $0x1  }
0x3d2: {  	[tilespmem:v3+s20+$0x0] =	vst.idx.msk $0xffff, v4  }
0x3d3: {  	v7 =	vld.idx.msk [tilespmem:v2+s16+$0x0], $0xffff  }
0x3d4: {  	v5 =	vadd.s32 s29, v0  }
.Ltmp19:
0x3d5: {  	v3 =	vand.u32 $0xF, v5;
	v2 =	vshll.u32 v5, $0x7;
	(pc) =	sbr.rel @p1 .LBB2_32-.Ltmp19, $3  }
0x3d6: {  	v6 =	vor.u32 v47, v1;
	v1 =	vmov v5;
	v4 =	vshll.u32 v3, $0x7  }
0x3d7: {  	v5 =	vor.u32 v40, v4;
	_ =	sdelay $0x1  }
0x3d8: {  	v7 =	vmul.f32 $8.000000000e+00, v7  }
0x3d9: {  	_ =	sdelay $0x3  }
0x3da: {  	[tilespmem:v6+s20+$0x0] =	vst.idx.msk $0xffff, v7  }
0x3db: {  	v5 =	vld.idx.msk [tilespmem:v5+s16+$0x0], $0xffff;
	_ =	sdelay $0x1  }
0x3dc: {  	v6 =	vor.u32 v41, v3  }
0x3dd: {  	v7 =	vor.u32 v42, v2;
	_ =	sdelay $0x1  }
0x3de: {  	v5 =	vmul.f32 $8.000000000e+00, v5;
	_ =	sdelay $0x1  }
0x3df: {  	[tilespmem:v6+s20+$0x0] =	vst.idx.msk $0xffff, v5  }
0x3e0: {  	v5 =	vld.idx.msk [tilespmem:v7+s16+$0x0], $0xffff;
	_ =	sdelay $0x1  }
0x3e1: {  	v6 =	vor.u32 v43, v1  }
0x3e2: {  	v4 =	vor.u32 v44, v4;
	_ =	sdelay $0x1  }
0x3e3: {  	v5 =	vmul.f32 $8.000000000e+00, v5;
	_ =	sdelay $0x1  }
0x3e4: {  	[tilespmem:v6+s20+$0x0] =	vst.idx.msk $0xffff, v5  }
0x3e5: {  	v4 =	vld.idx.msk [tilespmem:v4+s16+$0x0], $0xffff;
	_ =	sdelay $0x1  }
0x3e6: {  	v3 =	vor.u32 v45, v3  }
0x3e7: {  	v2 =	vor.u32 v46, v2;
	_ =	sdelay $0x1  }
0x3e8: {  	v4 =	vmul.f32 $8.000000000e+00, v4;
	_ =	sdelay $0x1  }
0x3e9: {  	s28 =	simm.s32 $0x0;
	[tilespmem:v3+s20+$0x0] =	vst.idx.msk $0xffff, v4  }
0x3ea: {  	v9 =	vadd.s32 s28, v0;
	v2 =	vld.idx.msk [tilespmem:v2+s16+$0x0], $0xffff  }
0x3eb: {  	v10 =	vand.u32 $0xF, v9  }
0x3ec: {  	v13 =	vshll.u32 v10, $0x7;
	v1 =	vor.u32 v47, v1  }
0x3ed: {  	v3 =	vor.u32 v48, v13;
	_ =	sdelay $0x1  }
0x3ee: {  	v2 =	vmul.f32 $8.000000000e+00, v2;
	_ =	sdelay $0x1  }
0x3ef: {  	[tilespmem:v1+s20+$0x0] =	vst.idx.msk $0xffff, v2  }
0x3f0: {  	v1 =	vld.idx.msk [tilespmem:v3+s16+$0x0], $0xffff;
	_ =	sdelay $0x1  }
0x3f1: {  	v11 =	vshll.u32 v9, $0x7;
	v2 =	vor.u32 v49, v10  }
0x3f2: {  	v3 =	vor.u32 v50, v11;
	_ =	sdelay $0x1  }
0x3f3: {  	v1 =	vmul.f32 $8.000000000e+00, v1;
	_ =	sdelay $0x1  }
0x3f4: {  	[tilespmem:v2+s20+$0x0] =	vst.idx.msk $0xffff, v1  }
0x3f5: {  	v1 =	vld.idx.msk [tilespmem:v3+s16+$0x0], $0xffff;
	_ =	sdelay $0x1  }
0x3f6: {  	v2 =	vor.u32 v51, v9  }
0x3f7: {  	v3 =	vor.u32 v52, v13;
	_ =	sdelay $0x1  }
0x3f8: {  	v1 =	vmul.f32 $8.000000000e+00, v1;
	_ =	sdelay $0x1  }
0x3f9: {  	[tilespmem:v2+s20+$0x0] =	vst.idx.msk $0xffff, v1  }
0x3fa: {  	v1 =	vld.idx.msk [tilespmem:v3+s16+$0x0], $0xffff;
	_ =	sdelay $0x1  }
0x3fb: {  	v2 =	vor.u32 v53, v10  }
0x3fc: {  	v3 =	vor.u32 v54, v11;
	_ =	sdelay $0x1  }
0x3fd: {  	v1 =	vmul.f32 $8.000000000e+00, v1;
	_ =	sdelay $0x1  }
0x3fe: {  	s28 =	simm.s32 $0x1;
	[tilespmem:v2+s20+$0x0] =	vst.idx.msk $0xffff, v1  }
0x3ff: {  	v1 =	vadd.s32 s28, v0;
	v2 =	vld.idx.msk [tilespmem:v3+s16+$0x0], $0xffff  }
0x400: {  	v4 =	vand.u32 $0xF, v1  }
0x401: {  	v7 =	vor.u32 v55, v9;
	v5 =	vshll.u32 v4, $0x7  }
0x402: {  	v6 =	vor.u32 v48, v5;
	_ =	sdelay $0x1  }
0x403: {  	s28 =	simm.s32 $0x2;
	v3 =	vshll.u32 v1, $0x7;
	v8 =	vmul.f32 $8.000000000e+00, v2;
	v2 =	vmov v1  }
.LBB2_34:
0x404: {  	_ = 	snop  }
0x405: {  	p1 =	sne.s32 s28, $0xF;
	s29 =	smov.u32 s28;
	s28 =	sadd.s32 $0x1, s28;
	[tilespmem:v7+s20+$0x0] =	vst.idx.msk $0xffff, v8  }
0x406: {  	v6 =	vld.idx.msk [tilespmem:v6+s16+$0x0], $0xffff;
	_ =	sdelay $0x2  }
0x407: {  	v7 =	vor.u32 v49, v4  }
0x408: {  	v8 =	vor.u32 v50, v3;
	_ =	sdelay $0x1  }
0x409: {  	v6 =	vmul.f32 $8.000000000e+00, v6;
	_ =	sdelay $0x1  }
0x40a: {  	[tilespmem:v7+s20+$0x0] =	vst.idx.msk $0xffff, v6  }
0x40b: {  	v6 =	vld.idx.msk [tilespmem:v8+s16+$0x0], $0xffff;
	_ =	sdelay $0x2  }
0x40c: {  	v7 =	vor.u32 v51, v2  }
0x40d: {  	v5 =	vor.u32 v52, v5;
	_ =	sdelay $0x1  }
0x40e: {  	v6 =	vmul.f32 $8.000000000e+00, v6;
	_ =	sdelay $0x1  }
0x40f: {  	[tilespmem:v7+s20+$0x0] =	vst.idx.msk $0xffff, v6  }
0x410: {  	v5 =	vld.idx.msk [tilespmem:v5+s16+$0x0], $0xffff;
	_ =	sdelay $0x2  }
0x411: {  	v4 =	vor.u32 v53, v4  }
0x412: {  	v3 =	vor.u32 v54, v3;
	_ =	sdelay $0x1  }
0x413: {  	v5 =	vmul.f32 $8.000000000e+00, v5;
	_ =	sdelay $0x1  }
0x414: {  	[tilespmem:v4+s20+$0x0] =	vst.idx.msk $0xffff, v5  }
0x415: {  	v8 =	vld.idx.msk [tilespmem:v3+s16+$0x0], $0xffff  }
0x416: {  	v6 =	vadd.s32 s29, v0  }
.Ltmp20:
0x417: {  	v4 =	vand.u32 $0xF, v6;
	v3 =	vshll.u32 v6, $0x7;
	(pc) =	sbr.rel @p1 .LBB2_34-.Ltmp20, $3  }
0x418: {  	v7 =	vor.u32 v55, v2;
	v2 =	vmov v6;
	v5 =	vshll.u32 v4, $0x7  }
0x419: {  	v6 =	vor.u32 v48, v5;
	_ =	sdelay $0x1  }
0x41a: {  	v8 =	vmul.f32 $8.000000000e+00, v8  }
0x41b: {  	_ =	sdelay $0x3  }
0x41c: {  	[tilespmem:v7+s20+$0x0] =	vst.idx.msk $0xffff, v8  }
0x41d: {  	v6 =	vld.idx.msk [tilespmem:v6+s16+$0x0], $0xffff;
	_ =	sdelay $0x1  }
0x41e: {  	v7 =	vor.u32 v49, v4  }
0x41f: {  	v8 =	vor.u32 v50, v3;
	_ =	sdelay $0x1  }
0x420: {  	v6 =	vmul.f32 $8.000000000e+00, v6;
	_ =	sdelay $0x1  }
0x421: {  	[tilespmem:v7+s20+$0x0] =	vst.idx.msk $0xffff, v6  }
0x422: {  	v6 =	vld.idx.msk [tilespmem:v8+s16+$0x0], $0xffff;
	_ =	sdelay $0x1  }
0x423: {  	v7 =	vor.u32 v51, v2  }
0x424: {  	v5 =	vor.u32 v52, v5;
	_ =	sdelay $0x1  }
0x425: {  	v6 =	vmul.f32 $8.000000000e+00, v6;
	_ =	sdelay $0x1  }
0x426: {  	[tilespmem:v7+s20+$0x0] =	vst.idx.msk $0xffff, v6  }
0x427: {  	v5 =	vld.idx.msk [tilespmem:v5+s16+$0x0], $0xffff;
	_ =	sdelay $0x1  }
0x428: {  	v4 =	vor.u32 v53, v4  }
0x429: {  	v3 =	vor.u32 v54, v3;
	_ =	sdelay $0x1  }
0x42a: {  	v5 =	vmul.f32 $8.000000000e+00, v5;
	_ =	sdelay $0x1  }
0x42b: {  	[tilespmem:v4+s20+$0x0] =	vst.idx.msk $0xffff, v5  }
0x42c: {  	v3 =	vld.idx.msk [tilespmem:v3+s16+$0x0], $0xffff;
	_ =	sdelay $0x1  }
0x42d: {  	v2 =	vor.u32 v55, v2  }
0x42e: {  	v4 =	vor.u32 v56, v13;
	_ =	sdelay $0x1  }
0x42f: {  	v3 =	vmul.f32 $8.000000000e+00, v3;
	_ =	sdelay $0x1  }
0x430: {  	[tilespmem:v2+s20+$0x0] =	vst.idx.msk $0xffff, v3  }
0x431: {  	v2 =	vld.idx.msk [tilespmem:v4+s16+$0x0], $0xffff;
	_ =	sdelay $0x1  }
0x432: {  	v3 =	vor.u32 v57, v10  }
0x433: {  	v4 =	vor.u32 v58, v11;
	_ =	sdelay $0x1  }
0x434: {  	v2 =	vmul.f32 $8.000000000e+00, v2;
	_ =	sdelay $0x1  }
0x435: {  	[tilespmem:v3+s20+$0x0] =	vst.idx.msk $0xffff, v2  }
0x436: {  	v2 =	vld.idx.msk [tilespmem:v4+s16+$0x0], $0xffff;
	_ =	sdelay $0x1  }
0x437: {  	v3 =	vor.u32 v59, v9  }
0x438: {  	v4 =	vor.u32 v60, v13;
	_ =	sdelay $0x1  }
0x439: {  	v2 =	vmul.f32 $8.000000000e+00, v2;
	_ =	sdelay $0x1  }
0x43a: {  	[tilespmem:v3+s20+$0x0] =	vst.idx.msk $0xffff, v2  }
0x43b: {  	v2 =	vld.idx.msk [tilespmem:v4+s16+$0x0], $0xffff;
	_ =	sdelay $0x1  }
0x43c: {  	v3 =	vor.u32 v61, v10  }
0x43d: {  	v4 =	vor.u32 v62, v11;
	_ =	sdelay $0x1  }
0x43e: {  	v2 =	vmul.f32 $8.000000000e+00, v2;
	_ =	sdelay $0x1  }
0x43f: {  	[tilespmem:v3+s20+$0x0] =	vst.idx.msk $0xffff, v2  }
0x440: {  	v7 =	vld.idx.msk [tilespmem:v4+s16+$0x0], $0xffff  }
0x441: {  	v3 =	vand.u32 $0xF, v1  }
0x442: {  	v6 =	vor.u32 v63, v9;
	v4 =	vshll.u32 v3, $0x7  }
0x443: {  	v5 =	vor.u32 v56, v4;
	_ =	sdelay $0x1  }
0x444: {  	s28 =	simm.s32 $0x2;
	v2 =	vshll.u32 v1, $0x7;
	v7 =	vmul.f32 $8.000000000e+00, v7  }
.LBB2_36:
0x445: {  	_ = 	snop  }
0x446: {  	p1 =	sne.s32 s28, $0xF;
	s29 =	smov.u32 s28;
	s28 =	sadd.s32 $0x1, s28;
	[tilespmem:v6+s20+$0x0] =	vst.idx.msk $0xffff, v7  }
0x447: {  	v5 =	vld.idx.msk [tilespmem:v5+s16+$0x0], $0xffff;
	_ =	sdelay $0x2  }
0x448: {  	v6 =	vor.u32 v57, v3  }
0x449: {  	v7 =	vor.u32 v58, v2;
	_ =	sdelay $0x1  }
0x44a: {  	v5 =	vmul.f32 $8.000000000e+00, v5;
	_ =	sdelay $0x1  }
0x44b: {  	[tilespmem:v6+s20+$0x0] =	vst.idx.msk $0xffff, v5  }
0x44c: {  	v5 =	vld.idx.msk [tilespmem:v7+s16+$0x0], $0xffff;
	_ =	sdelay $0x2  }
0x44d: {  	v6 =	vor.u32 v59, v1  }
0x44e: {  	v4 =	vor.u32 v60, v4;
	_ =	sdelay $0x1  }
0x44f: {  	v5 =	vmul.f32 $8.000000000e+00, v5;
	_ =	sdelay $0x1  }
0x450: {  	[tilespmem:v6+s20+$0x0] =	vst.idx.msk $0xffff, v5  }
0x451: {  	v4 =	vld.idx.msk [tilespmem:v4+s16+$0x0], $0xffff;
	_ =	sdelay $0x2  }
0x452: {  	v3 =	vor.u32 v61, v3  }
0x453: {  	v2 =	vor.u32 v62, v2;
	_ =	sdelay $0x1  }
0x454: {  	v4 =	vmul.f32 $8.000000000e+00, v4;
	_ =	sdelay $0x1  }
0x455: {  	[tilespmem:v3+s20+$0x0] =	vst.idx.msk $0xffff, v4  }
0x456: {  	v7 =	vld.idx.msk [tilespmem:v2+s16+$0x0], $0xffff  }
0x457: {  	v5 =	vadd.s32 s29, v0  }
.Ltmp21:
0x458: {  	v3 =	vand.u32 $0xF, v5;
	v2 =	vshll.u32 v5, $0x7;
	(pc) =	sbr.rel @p1 .LBB2_36-.Ltmp21, $3  }
0x459: {  	v6 =	vor.u32 v63, v1;
	v1 =	vmov v5;
	v4 =	vshll.u32 v3, $0x7  }
0x45a: {  	v5 =	vor.u32 v56, v4;
	_ =	sdelay $0x1  }
0x45b: {  	v7 =	vmul.f32 $8.000000000e+00, v7  }
0x45c: {  	_ =	sdelay $0x3  }
0x45d: {  	[tilespmem:v6+s20+$0x0] =	vst.idx.msk $0xffff, v7  }
0x45e: {  	v5 =	vld.idx.msk [tilespmem:v5+s16+$0x0], $0xffff;
	_ =	sdelay $0x1  }
0x45f: {  	v6 =	vor.u32 v57, v3  }
0x460: {  	v7 =	vor.u32 v58, v2;
	_ =	sdelay $0x1  }
0x461: {  	v5 =	vmul.f32 $8.000000000e+00, v5;
	_ =	sdelay $0x1  }
0x462: {  	[tilespmem:v6+s20+$0x0] =	vst.idx.msk $0xffff, v5  }
0x463: {  	v5 =	vld.idx.msk [tilespmem:v7+s16+$0x0], $0xffff;
	_ =	sdelay $0x1  }
0x464: {  	v6 =	vor.u32 v59, v1  }
0x465: {  	v4 =	vor.u32 v60, v4;
	_ =	sdelay $0x1  }
0x466: {  	v5 =	vmul.f32 $8.000000000e+00, v5;
	_ =	sdelay $0x1  }
0x467: {  	[tilespmem:v6+s20+$0x0] =	vst.idx.msk $0xffff, v5  }
0x468: {  	v4 =	vld.idx.msk [tilespmem:v4+s16+$0x0], $0xffff;
	_ =	sdelay $0x1  }
0x469: {  	v3 =	vor.u32 v61, v3  }
0x46a: {  	v2 =	vor.u32 v62, v2;
	_ =	sdelay $0x1  }
0x46b: {  	v4 =	vmul.f32 $8.000000000e+00, v4;
	_ =	sdelay $0x1  }
0x46c: {  	[tilespmem:v3+s20+$0x0] =	vst.idx.msk $0xffff, v4  }
0x46d: {  	v2 =	vld.idx.msk [tilespmem:v2+s16+$0x0], $0xffff;
	_ =	sdelay $0x1  }
0x46e: {  	v1 =	vor.u32 v63, v1;
	_ =	sdelay $0x2  }
0x46f: {  	s28 =	sshll.u32 s26, $0xA;
	v2 =	vmul.f32 $8.000000000e+00, v2  }
.Ltmp22:
0x470: {  	p1 =	sge.u32 s25, s10;
	v9 =	vld [tilespmem:$0x1FF90];
	s28 =	sand.u32 $0x1FFFFC00, s28;
	(pc) =	sbr.rel .LBB2_38-.Ltmp22, $4  }
0x471: {  	v10 =	vld [tilespmem:$0x1FFA0];
	s25 =	sshll.u32 @!p1 s26, $0x7;
	s26 =	simm.s32 @!p1 $0x400;
	s28 =	sadd.s32 s4, s28;
	[tilespmem:v1+s20+$0x0] =	vst.idx.msk $0xffff, v2  }
0x472: {  	v15 =	vld [tilespmem:$0x1FFD0];
	[hbm4b:s28+s3] =	stream.linear.scatter [tilespmem:s20], [sflag:$0x4], $0x2000, $0x38  }
0x473: {  	s29 =	simm.s32 @!p1 $0x2000;
	s25 =	sadd.s32 @!p1 s25, s11;
	v5 =	vld [tilespmem:$0x1FFC0];
	s28 =	simm.s32 @!p1 $0x7A1400  }
0x474: {  	v4 =	vld [tilespmem:$0x1FFB0];
	[tilespmem:s29], [sflag:$0x2] =	stream.strided.gather @!p1 [hbm4b:s25+s26], $0x2000, s28, s26, $0x38  }
.LBB2_40:
0x475: {  	_ =	sfence.sel $0x180000  }
0x476: {  	[bflag:$0x0] =	sbarrier.arrive $0xFFFF  }
0x477: {  	p0 =	sne.s32 s2, $0x0;
	_ =	strace $0x90000047  }
0x478: {  	s0 =	sadd.s32 @!p0 $0x100000, s1;
	[bflag:$0x2] =	sbarrier.arrive $0xFFFF  }
0x479: {  	[sflag:s0] =	ssyncadd.tile.s32 @!p0 $0x1;
	_ =	shalt  }
.Lfunc_end2:
_tile_overlayer_lowered:
.L_overlay_start_2:
0x47a: {  	(tag) =	ssettag $0x2  }
0x47b: {  	s0 =	rddreg [dreg:$0x0];
	s2 =	stileid.u32  }
0x47c: {  	s1 =	rddreg [dreg:$0x1];
	p0 =	sne.s32 s2, $0x0  }
0x47d: {  	s3 =	rddreg [dreg:$0x2];
	[bflag:$0x3] =	sbarrier.arrive $0xFFFF;
	s2 =	simm.s32 @!p0 $0x1C05  }
0x47e: {  	[timem:s3], [sflag:s2] =	dma.local @!p0 [hbm:s0], s1  }
0x47f: {  	s0 =	simm.s32 @!p0 $0x5  }
0x480: {  	_ =	swait.ge @!p0 [sflag:s0], s1  }
0x481: {  	s1 =	ssub.s32 @!p0 $0x0, s1;
	[sflag:s0] =	ssyncset.done @!p0 $0x0  }
0x482: {  	[sflag:s0] =	ssyncadd.s32 @!p0 s1  }
0x483: {  	[bflag:$0x3] =	sbarrier.arrive $0xFFFF  }
0x484: {  	_ =	shalt  }

// kernel: kernel.7.cloned.1.call-start
scs
__scs_entry_jumppad:
0x0: {  	(pc) =	sbr.rel $0x88, $3  }
0x1: {  	(tag) =	ssettag $0x0;
	lr =	simm.s32 $0x1  }
0x2: {  	[smem:$0x3F9F] =	sst lr;
	_ =	strace $0xD0000000  }
0x3: {  	_ = 	snop  }
0x4: {  	_ = 	snop  }
0x5: {  	_ = 	snop  }
0x6: {  	_ = 	snop  }
0x7: {  	_ = 	snop  }
__scs_overlays_trampoline_lowered:
0x8: {  	[smem:$0x3FAE] =	sst s0  }
0x9: {  	[smem:$0x3FAF] =	sst s1  }
0xa: {  	[smem:$0x3FB0] =	sst s2  }
0xb: {  	[smem:$0x3FB1] =	sst s3  }
0xc: {  	[smem:$0x3FB2] =	sst s4  }
0xd: {  	[smem:$0x3FB3] =	sst s5  }
0xe: {  	[smem:$0x3FB4] =	sst s6  }
0xf: {  	[smem:$0x3FB5] =	sst s7  }
0x10: {  	[smem:$0x3FB6] =	sst s8  }
0x11: {  	[smem:$0x3FB7] =	sst s9;
	s0 =	simm.s32 @!p0 $0x0  }
0x12: {  	s1 =	sld [smem:$0x3F9D];
	s0 =	simm.s32 @p0 $0x1  }
0x13: {  	[smem:$0x3FB8] =	sst s0;
	s0 =	simm.s32 @!p1 $0x0  }
0x14: {  	s2 =	sld [smem:$0x3F9C];
	s0 =	simm.s32 @p1 $0x1  }
0x15: {  	[smem:$0x3FB9] =	sst s0;
	s0 =	simm.s32 @!p2 $0x0  }
0x16: {  	s3 =	sld [smem:$0x3FDB];
	s0 =	simm.s32 @p2 $0x1  }
0x17: {  	s4 =	simm.s32 $0x1BF5;
	[smem:$0x3FBB] =	sst s0  }
0x18: {  	s0 =	sld [smem:$0x3F9E];
	_ =	swait.ge [sflag:s4], $0x0  }
0x19: {  	s7 =	sld [smem:$0x3F9F]  }
0x1a: {  	s8 =	sadd.s32 $0xFFFFE003, lr  }
0x1b: {  	s9 =	sadd.s32 $0xFFFFFEF7, lr;
	s5 =	simm.s32 $0xFFFFFFFF;
	p2 =	slt.u32 s8, $0xFFFFF086  }
0x1c: {  	p1 =	slt.u32 s9, $0xF7A;
	s5 =	simm.s32 @!p2 $0x0  }
0x1d: {  	s5 =	simm.s32 @p1 $0x1;
	p0 =	seq.s32 s7, s2  }
0x1e: {  	s7 =	smul.u32 @!p0 $0xF7A, s2;
	p2 =	seq.s32 @!p0 s5, $0x0  }
0x1f: {  	s9 =	smul.u32 $0xF7A, s1;
	s8 =	simm.s32 @!p0 $0x1BF5;
	p2 =	por !p2, p0  }
0x20: {  	[sflag:s8] =	ssyncset.s32 @!p0 $0xFFFFF086;
	s6 =	sadd.s32 @!p0 s3, s7;
	s7 =	simm.s32 @!p0 $0x108  }
0x21: {  	s3 =	sadd.s32 s3, s9;
	s6 =	sadd.s32 @!p0 $0x88, s6;
	s7 =	simm.s32 @p2 $0x1082  }
0x22: {  	[simem:s7], [sflag:s8] =	dma.local @!p0 [hbm:s6], $0xF7A  }
0x23: {  	s9 =	sor.u32 $0xD0000000, s2;
	s6 =	simm.s32 $0x108;
	_ =	swait.ge @!p0 [sflag:s8], $0x0  }
0x24: {  	s3 =	sadd.s32 $0x88, s3;
	s6 =	simm.s32 @!p1 $0x1082;
	[sflag:s4] =	ssyncset.s32 $0xFFFFF086  }
0x25: {  	[simem:s6], [sflag:s4] =	dma.local [hbm:s3], $0xF7A  }
0x26: {  	[smem:$0x3F9F] =	sst s1;
	(tag) =	ssettag s2;
	_ =	strace s9  }
0x27: {  	s1 =	sld [smem:$0x3FAF]  }
0x28: {  	s2 =	sld [smem:$0x3FB0]  }
0x29: {  	s4 =	sld [smem:$0x3FB2]  }
0x2a: {  	p0 =	seq.s32 s5, $0x0;
	s5 =	sld [smem:$0x3FB3]  }
0x2b: {  	s6 =	sld [smem:$0x3FB4]  }
0x2c: {  	s7 =	sld [smem:$0x3FB5]  }
0x2d: {  	s3 =	simm.s32 $0x108;
	s8 =	sld [smem:$0x3FB6]  }
0x2e: {  	s3 =	simm.s32 @!p0 $0x1082;
	s9 =	sld [smem:$0x3FB7]  }
0x2f: {  	lr =	sadd.s32 s0, s3;
	s0 =	sld [smem:$0x3FAE]  }
0x30: {  	s3 =	sld [smem:$0x3FB1]  }
0x31: {  	[smem:$0x3FBA] =	sst s10  }
0x32: {  	s10 =	sld [smem:$0x3FB8];
	_ =	sdelay $0x3  }
0x33: {  	p0 =	seq.s32 s10, $0x1;
	s10 =	sld [smem:$0x3FBA];
	_ =	sdelay $0x3  }
0x34: {  	[smem:$0x3FBA] =	sst s10  }
0x35: {  	s10 =	sld [smem:$0x3FB9];
	_ =	sdelay $0x3  }
0x36: {  	p1 =	seq.s32 s10, $0x1;
	s10 =	sld [smem:$0x3FBA];
	_ =	sdelay $0x3  }
0x37: {  	[smem:$0x3FBA] =	sst s10  }
0x38: {  	s10 =	sld [smem:$0x3FBB]  }
0x39: {  	_ = 	snop;
	(pc) =	sbr.ind lr, $3  }
0x3a: {  	_ = 	snop  }
0x3b: {  	_ = 	snop  }
0x3c: {  	p2 =	seq.s32 s10, $0x1;
	s10 =	sld [smem:$0x3FBA]  }
0x3d: {  	_ =	shalt  }
0x3e: {  	_ =	shalt  }
0x3f: {  	_ =	shalt  }
0x40: {  	_ =	shalt  }
0x41: {  	_ =	shalt  }
0x42: {  	_ =	shalt  }
0x43: {  	_ =	shalt  }
0x44: {  	_ =	shalt  }
0x45: {  	_ =	shalt  }
0x46: {  	_ =	shalt  }
0x47: {  	_ =	shalt  }
0x48: {  	_ =	shalt  }
0x49: {  	_ =	shalt  }
0x4a: {  	_ =	shalt  }
0x4b: {  	_ =	shalt  }
0x4c: {  	_ =	shalt  }
0x4d: {  	_ =	shalt  }
0x4e: {  	_ =	shalt  }
0x4f: {  	_ =	shalt  }
0x50: {  	_ =	shalt  }
0x51: {  	_ =	shalt  }
0x52: {  	_ =	shalt  }
0x53: {  	_ =	shalt  }
0x54: {  	_ =	shalt  }
0x55: {  	_ =	shalt  }
0x56: {  	_ =	shalt  }
0x57: {  	_ =	shalt  }
0x58: {  	_ =	shalt  }
0x59: {  	_ =	shalt  }
0x5a: {  	_ =	shalt  }
0x5b: {  	_ =	shalt  }
0x5c: {  	_ =	shalt  }
0x5d: {  	_ =	shalt  }
0x5e: {  	_ =	shalt  }
0x5f: {  	_ =	shalt  }
0x60: {  	_ =	shalt  }
0x61: {  	_ =	shalt  }
0x62: {  	_ =	shalt  }
0x63: {  	_ =	shalt  }
0x64: {  	_ =	shalt  }
0x65: {  	_ =	shalt  }
0x66: {  	_ =	shalt  }
0x67: {  	_ =	shalt  }
0x68: {  	_ =	shalt  }
0x69: {  	_ =	shalt  }
0x6a: {  	_ =	shalt  }
0x6b: {  	_ =	shalt  }
0x6c: {  	_ =	shalt  }
0x6d: {  	_ =	shalt  }
0x6e: {  	_ =	shalt  }
0x6f: {  	_ =	shalt  }
0x70: {  	_ =	shalt  }
0x71: {  	_ =	shalt  }
0x72: {  	_ =	shalt  }
0x73: {  	_ =	shalt  }
0x74: {  	_ =	shalt  }
0x75: {  	_ =	shalt  }
0x76: {  	_ =	shalt  }
0x77: {  	_ =	shalt  }
0x78: {  	_ =	shalt  }
0x79: {  	_ =	shalt  }
0x7a: {  	_ =	shalt  }
0x7b: {  	_ =	shalt  }
0x7c: {  	_ =	shalt  }
0x7d: {  	_ =	shalt  }
0x7e: {  	_ =	shalt  }
0x7f: {  	_ =	shalt  }
0x80: {  	_ =	shalt  }
0x81: {  	_ =	shalt  }
0x82: {  	_ =	shalt  }
0x83: {  	_ =	shalt  }
0x84: {  	_ =	shalt  }
0x85: {  	_ =	shalt  }
0x86: {  	_ =	shalt  }
0x87: {  	_ =	shalt  }
.Lfunc_end0:
.L_simem_size_0:
called_computation.1_lowered:
.L_overlay_start_0:
0x88: {  	s2 =	sld [smem:$0x3FD9]  }
0x89: {  	s3 =	sld [smem:$0x3FFE];
	_ =	sdelay $0x1  }
0x8a: {  	s1 =	srdreg.scid  }
0x8b: {  	s0 =	sand.u32 $0x1, s1  }
0x8c: {  	s17 =	sshll.u32 s0, $0xA;
	s2 =	sadd.s32 s3, s2  }
0x8d: {  	s2 =	sadd.s32 s2, s17  }
0x8e: {  	[smem:$0x3FC6] =	sst s2  }
0x8f: {  	_ = 	snop  }
0x90: {  	s2 =	sld [smem:$0x3FC9]  }
0x91: {  	s18 =	sld [smem:$0x3FD0];
	(tm) =	ssettm $0x1  }
0x92: {  	s4 =	sld [smem:$0x3FFB];
	_ =	sdelay $0x3  }
0x93: {  	_ =	strace s4  }
0x94: {  	s4 =	sld [smem:$0x3FFC];
	_ =	sdelay $0x3  }
0x95: {  	_ =	strace s4  }
0x96: {  	s4 =	sld [smem:$0x3FFD];
	_ =	sdelay $0x3  }
0x97: {  	_ =	strace s4  }
0x98: {  	_ =	strace $0x8FFFFFFF  }
0x99: {  	s19 =	sld [smem:$0x3FDB];
	_ =	sdelay $0x1  }
0x9a: {  	s5 =	simm.s32 $_scs_section_size  }
0x9b: {  	s6 =	simm.s32 $_size__tile_overlayer_lowered;
	s7 =	simm.s32 $_tile_overlayer_lowered  }
0x9c: {  	s22 =	simm.s32 $0x1BFF;
	s21 =	sshll.u32 s7, $0x1;
	s4 =	sadd.s32 s5, s19  }
0x9d: {  	s8 =	simm.s32 $0x0;
	s20 =	sshll.u32 s6, $0x1;
	s6 =	sadd.s32 s21, s4  }
0x9e: {  	[timem:s8], [sflag:s22] =	dma.local [hbm:s6], s20  }
0x9f: {  	_ =	swait.ge [sflag:s22], s20  }
0xa0: {  	s5 =	ssub.s32 $0x0, s20;
	[sflag:s22] =	ssyncset.done $0x0  }
0xa1: {  	[sflag:s22] =	ssyncadd.s32 s5;
	_ =	sdelay $0x1  }
0xa2: {  	s23 =	simm.s32 $0x1B8B  }
0xa3: {  	_ =	swait.ge [sflag:s23], $0x1  }
0xa4: {  	[sflag:s23] =	ssyncset.done $0x0  }
0xa5: {  	s25 =	simm.s32 $0x1B8E;
	s24 =	sld [smem:$0x3FFE];
	[sflag:s23] =	ssyncadd.s32 $0xFFFFFFFF  }
0xa6: {  	s26 =	simm.s32 $execute0_lowered;
	[smem:$0x3FD2] =	sst s25  }
0xa7: {  	s6 =	sshll.u32 s26, $0x1;
	_ =	strace $0x80000049;
	[dreg:$0x1] =	wrdreg $0xFFFFFFFF  }
0xa8: {  	s28 =	simm.s32 $_size_execute0_lowered;
	s4 =	sadd.s32 s4, s6;
	[dreg:$0x0] =	wrdreg $0x0  }
0xa9: {  	s6 =	sshll.u32 s28, $0x1;
	[dreg:$0x2] =	wrdreg s4  }
0xaa: {  	[dreg:$0x3] =	wrdreg s6  }
0xab: {  	[dreg:$0x4] =	wrdreg $0xC0  }
0xac: {  	_ =	task [dreg:s8], $0x5FFFF  }
0xad: {  	[dreg:$0x1] =	wrdreg $0xFFFFFFFF  }
0xae: {  	[dreg:$0x0] =	wrdreg $0x60  }
0xaf: {  	[dreg:$0x2] =	wrdreg s2  }
0xb0: {  	[dreg:$0x3] =	wrdreg s24  }
0xb1: {  	[dreg:$0x4] =	wrdreg s18  }
0xb2: {  	[dreg:$0x5] =	wrdreg $0x9  }
0xb3: {  	_ =	task.clear_ibuf [dreg:s8], $0x6FFFF;
	_ =	strace $0x90000049  }
0xb4: {  	s29 =	simm.s32 $0x9;
	_ =	strace $0x8000004B  }
0xb5: {  	_ =	swait.ge [sflag:s29], $0x1  }
0xb6: {  	[sflag:s29] =	ssyncadd.s32 $0xFFFFFFFF  }
0xb7: {  	_ =	strace $0x9000004B  }
0xb8: {  	_ =	sfence  }
0xb9: {  	s30 =	sld [smem:$0x0];
	_ =	sdelay $0x2  }
0xba: {  	s31 =	sshll.u32 s1, $0xD;
	s1 =	sshrl.u32 s1, $0x2  }
0xbb: {  	s3 =	sand.u32 $0x4000, s31;
	s1 =	sadd.s32 s1, s30  }
0xbc: {  	s0 =	sor.u32 s3, s0;
	s1 =	sshll.u32 s1, $0x11  }
0xbd: {  	s0 =	sor.u32 s1, s0  }
0xbe: {  	s0 =	sadd.s32 $0x8F2B, s0  }
0xbf: {  	[sflag:s0] =	ssyncadd.remote.s32 $0x1  }
0xc0: {  	_ =	sfence.sel $0xFFFF  }
0xc1: {  	[dreg:$0x0] =	wrdreg $0xFFFFFFFF;
	(pc) =	sbr.abs _section_cstart, $3  }
0xc2: {  	[dreg:$0x1] =	wrdreg $0xFFFFFFFF  }
0xc3: {  	_ =	task.clear_ibuf [dreg:s8], $0x2FFFF;
	_ =	strace $0x9FFFFFFF  }
0xc4: {  	(tm) =	ssettm $0x7FFFFFFF  }
0xc5: {  	_ =	shalt  }
tec
execute0_lowered:
.L_overlay_start_1:
0x0: {  	(tag) =	ssettag $0x1  }
0x1: {  	s6 =	rddreg [dreg:$0x0];
	v0 =	vlaneseq.u32  }
0x2: {  	s5 =	rddreg [dreg:$0x1];
	v1 =	vmul.u32 $0x80, v0  }
0x3: {  	s1 =	rddreg [dreg:$0x2];
	v2 =	vor.u32 $0x10, v0  }
0x4: {  	s0 =	rddreg [dreg:$0x3];
	s4 =	srdreg.scid;
	s3 =	simm.s32 $0x0;
	v4 =	vor.u32 $0x20, v0;
	v6 =	vor.u32 $0x30, v0;
	v3 =	vor.u32 $0x800, v1  }
0x5: {  	s2 =	stileid.u32;
	s10 =	simm.s32 $0x5;
	s11 =	simm.s32 $0x80;
	v5 =	vor.u32 $0x1000, v1;
	v7 =	vor.u32 $0x1800, v1;
	v8 =	vor.u32 $0x10, v1  }
0x6: {  	s12 =	simm.s32 $0x6400;
	s13 =	simm.s32 $0x6500;
	s14 =	simm.s32 $0x6480;
	v9 =	vor.u32 $0x810, v1;
	v10 =	vor.u32 $0x1010, v1;
	v11 =	vor.u32 $0x1810, v1  }
0x7: {  	s15 =	simm.s32 $0xA500;
	s16 =	simm.s32 $0x1;
	s17 =	simm.s32 $0xE500;
	v12 =	vor.u32 $0x20, v1;
	v13 =	vor.u32 $0x820, v1;
	v14 =	vor.u32 $0x1020, v1  }
0x8: {  	s18 =	simm.s32 $0x2;
	s19 =	simm.s32 $0x10500;
	s20 =	simm.s32 $0x3;
	v15 =	vor.u32 $0x1820, v1;
	v16 =	vor.u32 $0x30, v1;
	v17 =	vor.u32 $0x830, v1  }
0x9: {  	s21 =	simm.s32 $0x4;
	s22 =	simm.s32 $0x0;
	s4 =	sand.u32 $0x1, s4;
	v18 =	vor.u32 $0x1030, v1;
	v19 =	vor.u32 $0x1830, v1;
	v20 =	vor.u32 $0x40, v1  }
.Ltmp0:
0xa: {  	s8 =	sshll.u32 s2, $0xB;
	[smem:$0x7FF] =	sst s3;
	v21 =	vor.u32 $0x840, v1;
	v22 =	vor.u32 $0x1040, v1;
	v23 =	vor.u32 $0x1840, v1;
	(pc) =	sbr.rel .LBB2_1-.Ltmp0, $4  }
0xb: {  	s5 =	sadd.s32 $0xA00, s5;
	s7 =	ssub.s32 $0x2, s4;
	s4 =	sshll.u32 s4, $0xA;
	v24 =	vor.u32 $0x50, v1;
	v25 =	vor.u32 $0x850, v1;
	v26 =	vor.u32 $0x1050, v1  }
0xc: {  	_ =	strace $0x8000004A;
	s9 =	sshrl.u32 s7, $0x1;
	s4 =	sor.u32 s4, s8;
	v27 =	vor.u32 $0x1850, v1;
	v28 =	vor.u32 $0x60, v1;
	v29 =	vor.u32 $0x860, v1  }
0xd: {  	v30 =	vor.u32 $0x1060, v1;
	v31 =	vor.u32 $0x1860, v1;
	v32 =	vor.u32 $0x70, v1;
	s7 =	ssub.s32 s7, s9;
	s8 =	sshrl.u32 s4, $0x3;
	s9 =	simm.s32 $0x8000  }
0xe: {  	v33 =	vor.u32 $0x870, v1;
	v34 =	vor.u32 $0x1070, v1;
	v35 =	vor.u32 $0x1870, v1;
	s6 =	sadd.s32 s6, s8;
	s7 =	smax.u32 s7, $0x1;
	s8 =	simm.s32 $0x400  }
.LBB2_36:
0xf: {  	s22 =	sadd.s32 $0x1, s22  }
0x10: {  	_ =	swait.ge [sflag:s20], $0x2000;
	p0 =	sne.s32 s22, s7  }
.Ltmp1:
0x11: {  	[sflag:s20] =	ssyncset.done $0x0;
	(pc) =	sbr.rel @!p0 .LBB2_37-.Ltmp1, $4  }
0x12: {  	[sflag:s20] =	ssyncadd.s32 $0xFFFFE000  }
0x13: {  	_ =	swait.ge [sflag:s21], $0x2000  }
0x14: {  	[sflag:s21] =	ssyncset.done $0x0  }
0x15: {  	[sflag:s21] =	ssyncadd.s32 $0xFFFFE000  }
.LBB2_1:
0x16: {  	[tilespmem:s3], [sflag:$0x5] =	stream.strided.gather [hbm4b:s6+s8], $0x6400, s9, s8, $0x38;
	[tilespmem:$0x12500] =	vst v63  }
0x17: {  	_ =	swait.ge [sflag:s10], $0x6400  }
0x18: {  	[sflag:s10] =	ssyncset.done $0x0  }
0x19: {  	[sflag:s10] =	ssyncadd.s32 $0xFFFF9C00  }
0x1a: {  	v36 =	vld [tilespmem:$0x0]  }
0x1b: {  	v37 =	vld [tilespmem:$0x10]  }
0x1c: {  	v38 =	vld [tilespmem:$0x20]  }
0x1d: {  	v39 =	vld [tilespmem:$0x30]  }
0x1e: {  	v40 =	vld [tilespmem:$0x40]  }
0x1f: {  	v41 =	vld [tilespmem:$0x50];
	v36 =	vshrl.u32 v36, $0x1  }
0x20: {  	v63 =	vld [tilespmem:$0x60];
	v62 =	vshrl.u32 v37, $0x1;
	[tilespmem:$0x6400] =	vst v36  }
0x21: {  	v43 =	vld [tilespmem:$0x70];
	v42 =	vshrl.u32 v38, $0x1;
	[tilespmem:$0x6410] =	vst v62  }
0x22: {  	v44 =	vshrl.u32 v39, $0x1;
	[tilespmem:$0x6420] =	vst v42  }
0x23: {  	v45 =	vshrl.u32 v40, $0x1;
	[tilespmem:$0x6430] =	vst v44  }
0x24: {  	v46 =	vshrl.u32 v41, $0x1;
	[tilespmem:$0x6440] =	vst v45  }
0x25: {  	v47 =	vshrl.u32 v63, $0x1;
	[tilespmem:$0x6450] =	vst v46  }
0x26: {  	v48 =	vshrl.u32 v43, $0x1;
	[tilespmem:$0x6460] =	vst v47  }
0x27: {  	[tilespmem:$0x6470] =	vst v48  }
0x28: {  	[tilespmem:s13], [sflag:$0x1] =	stream.indirect.gather [hbm4b:s5+s11], $0x80, s12, s11, $0xb8;
	[tilespmem:$0x12500] =	vst v63  }
0x29: {  	v49 =	vld [tilespmem:$0x80]  }
0x2a: {  	v50 =	vld [tilespmem:$0x90]  }
0x2b: {  	v51 =	vld [tilespmem:$0xA0]  }
0x2c: {  	v52 =	vld [tilespmem:$0xB0]  }
0x2d: {  	v53 =	vld [tilespmem:$0xC0]  }
0x2e: {  	v54 =	vld [tilespmem:$0xD0];
	v36 =	vshrl.u32 v49, $0x1  }
0x2f: {  	v56 =	vld [tilespmem:$0xE0];
	v55 =	vshrl.u32 v50, $0x1;
	[tilespmem:$0x6480] =	vst v36  }
0x30: {  	v58 =	vld [tilespmem:$0xF0];
	v57 =	vshrl.u32 v51, $0x1;
	[tilespmem:$0x6490] =	vst v55  }
0x31: {  	v59 =	vshrl.u32 v52, $0x1;
	[tilespmem:$0x64A0] =	vst v57  }
0x32: {  	v60 =	vshrl.u32 v53, $0x1;
	[tilespmem:$0x64B0] =	vst v59  }
0x33: {  	v61 =	vshrl.u32 v54, $0x1;
	[tilespmem:$0x64C0] =	vst v60  }
0x34: {  	v62 =	vshrl.u32 v56, $0x1;
	[tilespmem:$0x64D0] =	vst v61  }
0x35: {  	v63 =	vshrl.u32 v58, $0x1;
	[tilespmem:$0x64E0] =	vst v62  }
0x36: {  	s23 =	simm.s32 $0x0;
	[tilespmem:$0x64F0] =	vst v63  }
0x37: {  	[tilespmem:s15], [sflag:$0x2] =	stream.indirect.gather [hbm4b:s5+s11], $0x80, s14, s11, $0xb8;
	[tilespmem:$0x12500] =	vst v63  }
.LBB2_2:
0x38: {  	s24 =	simm.s32 $0x0  }
0x39: {  	_ =	swait.ge [sflag:s16], $0x4000;
	v37 =	vadd.s32 s24, v0  }
0x3a: {  	p0 =	seq.s32 s23, $0x0;
	[sflag:s16] =	ssyncset.done $0x0;
	v38 =	vand.u32 $0xF, v37  }
0x3b: {  	s24 =	simm.s32 @!p0 $0x3;
	[sflag:s16] =	ssyncadd.s32 $0xFFFFC000  }
0x3c: {  	_ =	swait.ge @!p0 [sflag:s24], $0x2000  }
0x3d: {  	s25 =	sshll.u32 s23, $0x8;
	[sflag:s24] =	ssyncset.done @!p0 $0x0  }
0x3e: {  	[sflag:s24] =	ssyncadd.s32 @!p0 $0xFFFFE000;
	s24 =	sand.u32 $0x3FFFFF00, s25  }
0x3f: {  	v36 =	vld.idx.msk [tilespmem:v38+s24+$0x0], $0xffff;
	_ =	sdelay $0x4  }
0x40: {  	v36 =	vshll.u32 v36, $0x6  }
0x41: {  	v39 =	vshll.u32 v38, $0x7;
	v36 =	vand.u32 $0x40, v36  }
0x42: {  	v36 =	vor.u32 v39, v36  }
0x43: {  	v39 =	vor.u32 v0, v36;
	_ =	sdelay $0x4  }
0x44: {  	v40 =	vor.u32 v1, v38;
	v39 =	vld.idx.msk [tilespmem:v39+s13+$0x0], $0xffff  }
0x45: {  	v41 =	vor.u32 v2, v36;
	_ =	sdelay $0x3  }
0x46: {  	[tilespmem:v40+s17+$0x0] =	vst.idx.msk $0xffff, v39  }
0x47: {  	v60 =	vor.u32 v3, v38;
	v39 =	vld.idx.msk [tilespmem:v41+s13+$0x0], $0xffff  }
0x48: {  	v61 =	vor.u32 v4, v36;
	_ =	sdelay $0x3  }
0x49: {  	[tilespmem:v60+s17+$0x0] =	vst.idx.msk $0xffff, v39  }
0x4a: {  	v62 =	vor.u32 v5, v38;
	v39 =	vld.idx.msk [tilespmem:v61+s13+$0x0], $0xffff  }
0x4b: {  	v63 =	vor.u32 v6, v36;
	_ =	sdelay $0x3  }
0x4c: {  	s31 =	simm.s32 $0x1;
	[tilespmem:v62+s17+$0x0] =	vst.idx.msk $0xffff, v39  }
0x4d: {  	v36 =	vadd.s32 s31, v0;
	v40 =	vor.u32 v7, v38;
	v39 =	vld.idx.msk [tilespmem:v63+s13+$0x0], $0xffff  }
0x4e: {  	s26 =	simm.s32 $0x2;
	s25 =	sshll.u32 s23, $0x1;
	v38 =	vand.u32 $0xF, v36  }
.LBB2_3:
0x4f: {  	_ =	sdelay $0x2  }
0x50: {  	p1 =	sne.s32 s26, $0xF;
	s28 =	smov.u32 s26;
	s26 =	sadd.s32 $0x1, s26;
	[tilespmem:v40+s17+$0x0] =	vst.idx.msk $0xffff, v39  }
0x51: {  	v39 =	vld.idx.msk [tilespmem:v38+s24+$0x0], $0xffff;
	_ =	sdelay $0x5  }
0x52: {  	v39 =	vshll.u32 v39, $0x6  }
0x53: {  	v40 =	vshll.u32 v38, $0x7;
	v39 =	vand.u32 $0x40, v39  }
0x54: {  	v39 =	vor.u32 v40, v39  }
0x55: {  	v40 =	vor.u32 v0, v39;
	_ =	sdelay $0x4  }
0x56: {  	v40 =	vld.idx.msk [tilespmem:v40+s13+$0x0], $0xffff  }
0x57: {  	v41 =	vor.u32 v1, v38  }
0x58: {  	v42 =	vor.u32 v2, v39;
	_ =	sdelay $0x3  }
0x59: {  	[tilespmem:v41+s17+$0x0] =	vst.idx.msk $0xffff, v40  }
0x5a: {  	v40 =	vld.idx.msk [tilespmem:v42+s13+$0x0], $0xffff  }
0x5b: {  	v41 =	vor.u32 v3, v38  }
0x5c: {  	v42 =	vor.u32 v4, v39;
	_ =	sdelay $0x3  }
0x5d: {  	[tilespmem:v41+s17+$0x0] =	vst.idx.msk $0xffff, v40  }
0x5e: {  	v40 =	vld.idx.msk [tilespmem:v42+s13+$0x0], $0xffff  }
0x5f: {  	v41 =	vor.u32 v5, v38  }
0x60: {  	v39 =	vor.u32 v6, v39;
	_ =	sdelay $0x2  }
.Ltmp2:
0x61: {  	(pc) =	sbr.rel @p1 .LBB2_3-.Ltmp2, $4  }
0x62: {  	[tilespmem:v41+s17+$0x0] =	vst.idx.msk $0xffff, v40  }
0x63: {  	v39 =	vld.idx.msk [tilespmem:v39+s13+$0x0], $0xffff  }
0x64: {  	v41 =	vadd.s32 s28, v0;
	v40 =	vor.u32 v7, v38  }
0x65: {  	v38 =	vand.u32 $0xF, v41  }
0x66: {  	_ =	sdelay $0x3  }
0x67: {  	[tilespmem:v40+s17+$0x0] =	vst.idx.msk $0xffff, v39  }
0x68: {  	v39 =	vld.idx.msk [tilespmem:v38+s24+$0x0], $0xffff;
	_ =	sdelay $0x4  }
0x69: {  	v39 =	vshll.u32 v39, $0x6  }
0x6a: {  	v52 =	vshll.u32 v38, $0x7;
	v39 =	vand.u32 $0x40, v39  }
0x6b: {  	v39 =	vor.u32 v52, v39  }
0x6c: {  	v40 =	vor.u32 v0, v39;
	_ =	sdelay $0x4  }
0x6d: {  	v41 =	vor.u32 v1, v38;
	v40 =	vld.idx.msk [tilespmem:v40+s13+$0x0], $0xffff  }
0x6e: {  	v42 =	vor.u32 v2, v39;
	_ =	sdelay $0x3  }
0x6f: {  	[tilespmem:v41+s17+$0x0] =	vst.idx.msk $0xffff, v40  }
0x70: {  	v53 =	vor.u32 v3, v38;
	v40 =	vld.idx.msk [tilespmem:v42+s13+$0x0], $0xffff  }
0x71: {  	v54 =	vor.u32 v4, v39;
	_ =	sdelay $0x3  }
0x72: {  	[tilespmem:v53+s17+$0x0] =	vst.idx.msk $0xffff, v40  }
0x73: {  	v55 =	vor.u32 v5, v38;
	v40 =	vld.idx.msk [tilespmem:v54+s13+$0x0], $0xffff  }
0x74: {  	v39 =	vor.u32 v6, v39;
	_ =	sdelay $0x3  }
0x75: {  	[tilespmem:v55+s17+$0x0] =	vst.idx.msk $0xffff, v40  }
0x76: {  	v56 =	vor.u32 v7, v38;
	v39 =	vld.idx.msk [tilespmem:v39+s13+$0x0], $0xffff  }
0x77: {  	v57 =	vor.u32 $0x10, v37;
	_ =	sdelay $0x3  }
0x78: {  	[tilespmem:v56+s17+$0x0] =	vst.idx.msk $0xffff, v39  }
0x79: {  	v38 =	vld.idx.msk [tilespmem:v57+s24+$0x0], $0xffff;
	_ =	sdelay $0x4  }
0x7a: {  	v38 =	vshll.u32 v38, $0x6  }
0x7b: {  	v58 =	vshll.u32 v57, $0x7;
	v38 =	vand.u32 $0x40, v38  }
0x7c: {  	v38 =	vor.u32 v58, v38  }
0x7d: {  	v39 =	vor.u32 v0, v38;
	_ =	sdelay $0x4  }
0x7e: {  	v59 =	vor.u32 v8, v37;
	v39 =	vld.idx.msk [tilespmem:v39+s13+$0x0], $0xffff  }
0x7f: {  	v60 =	vor.u32 v2, v38;
	_ =	sdelay $0x3  }
0x80: {  	[tilespmem:v59+s17+$0x0] =	vst.idx.msk $0xffff, v39  }
0x81: {  	v61 =	vor.u32 v9, v37;
	v39 =	vld.idx.msk [tilespmem:v60+s13+$0x0], $0xffff  }
0x82: {  	v62 =	vor.u32 v4, v38;
	_ =	sdelay $0x3  }
0x83: {  	[tilespmem:v61+s17+$0x0] =	vst.idx.msk $0xffff, v39  }
0x84: {  	v63 =	vor.u32 v10, v37;
	v39 =	vld.idx.msk [tilespmem:v62+s13+$0x0], $0xffff  }
0x85: {  	v38 =	vor.u32 v6, v38;
	_ =	sdelay $0x3  }
0x86: {  	[tilespmem:v63+s17+$0x0] =	vst.idx.msk $0xffff, v39  }
0x87: {  	v39 =	vor.u32 v11, v37;
	v38 =	vld.idx.msk [tilespmem:v38+s13+$0x0], $0xffff  }
0x88: {  	s26 =	simm.s32 $0x2;
	v37 =	vor.u32 $0x10, v36  }
.LBB2_5:
0x89: {  	_ =	sdelay $0x2  }
0x8a: {  	p1 =	sne.s32 s26, $0xF;
	s28 =	smov.u32 s26;
	s26 =	sadd.s32 $0x1, s26;
	[tilespmem:v39+s17+$0x0] =	vst.idx.msk $0xffff, v38  }
0x8b: {  	v38 =	vld.idx.msk [tilespmem:v37+s24+$0x0], $0xffff;
	_ =	sdelay $0x5  }
0x8c: {  	v38 =	vshll.u32 v38, $0x6  }
0x8d: {  	v37 =	vshll.u32 v37, $0x7;
	v38 =	vand.u32 $0x40, v38  }
0x8e: {  	v37 =	vor.u32 v37, v38  }
0x8f: {  	v38 =	vor.u32 v0, v37;
	_ =	sdelay $0x4  }
0x90: {  	v38 =	vld.idx.msk [tilespmem:v38+s13+$0x0], $0xffff  }
0x91: {  	v39 =	vor.u32 v8, v36  }
0x92: {  	v40 =	vor.u32 v2, v37;
	_ =	sdelay $0x3  }
0x93: {  	[tilespmem:v39+s17+$0x0] =	vst.idx.msk $0xffff, v38  }
0x94: {  	v38 =	vld.idx.msk [tilespmem:v40+s13+$0x0], $0xffff  }
0x95: {  	v39 =	vor.u32 v9, v36  }
0x96: {  	v40 =	vor.u32 v4, v37;
	_ =	sdelay $0x3  }
0x97: {  	[tilespmem:v39+s17+$0x0] =	vst.idx.msk $0xffff, v38  }
0x98: {  	v38 =	vld.idx.msk [tilespmem:v40+s13+$0x0], $0xffff  }
0x99: {  	v39 =	vor.u32 v10, v36  }
0x9a: {  	v37 =	vor.u32 v6, v37;
	_ =	sdelay $0x2  }
.Ltmp3:
0x9b: {  	(pc) =	sbr.rel @p1 .LBB2_5-.Ltmp3, $4  }
0x9c: {  	[tilespmem:v39+s17+$0x0] =	vst.idx.msk $0xffff, v38  }
0x9d: {  	v38 =	vld.idx.msk [tilespmem:v37+s13+$0x0], $0xffff  }
0x9e: {  	v39 =	vor.u32 v11, v36;
	v36 =	vadd.s32 s28, v0  }
0x9f: {  	v37 =	vor.u32 $0x10, v36  }
0xa0: {  	_ =	sdelay $0x3  }
0xa1: {  	[tilespmem:v39+s17+$0x0] =	vst.idx.msk $0xffff, v38  }
0xa2: {  	v38 =	vld.idx.msk [tilespmem:v37+s24+$0x0], $0xffff;
	_ =	sdelay $0x4  }
0xa3: {  	v38 =	vshll.u32 v38, $0x6  }
0xa4: {  	v49 =	vshll.u32 v37, $0x7;
	v38 =	vand.u32 $0x40, v38  }
0xa5: {  	v37 =	vor.u32 v49, v38  }
0xa6: {  	v38 =	vor.u32 v0, v37;
	_ =	sdelay $0x4  }
0xa7: {  	v50 =	vor.u32 v8, v36;
	v38 =	vld.idx.msk [tilespmem:v38+s13+$0x0], $0xffff  }
0xa8: {  	v40 =	vor.u32 v2, v37;
	_ =	sdelay $0x3  }
0xa9: {  	[tilespmem:v50+s17+$0x0] =	vst.idx.msk $0xffff, v38  }
0xaa: {  	v51 =	vor.u32 v9, v36;
	v38 =	vld.idx.msk [tilespmem:v40+s13+$0x0], $0xffff  }
0xab: {  	v52 =	vor.u32 v4, v37;
	_ =	sdelay $0x3  }
0xac: {  	[tilespmem:v51+s17+$0x0] =	vst.idx.msk $0xffff, v38  }
0xad: {  	v53 =	vor.u32 v10, v36;
	v38 =	vld.idx.msk [tilespmem:v52+s13+$0x0], $0xffff  }
0xae: {  	v54 =	vor.u32 v6, v37;
	_ =	sdelay $0x2  }
0xaf: {  	s26 =	simm.s32 $0x0  }
0xb0: {  	v37 =	vadd.s32 s26, v0;
	[tilespmem:v53+s17+$0x0] =	vst.idx.msk $0xffff, v38  }
0xb1: {  	v55 =	vor.u32 v11, v36;
	v56 =	vand.u32 $0xF, v37;
	v38 =	vld.idx.msk [tilespmem:v54+s13+$0x0], $0xffff  }
0xb2: {  	v57 =	vor.u32 $0x20, v56;
	_ =	sdelay $0x3  }
0xb3: {  	[tilespmem:v55+s17+$0x0] =	vst.idx.msk $0xffff, v38  }
0xb4: {  	v36 =	vld.idx.msk [tilespmem:v57+s24+$0x0], $0xffff;
	_ =	sdelay $0x4  }
0xb5: {  	v36 =	vshll.u32 v36, $0x6  }
0xb6: {  	v58 =	vshll.u32 v57, $0x7;
	v36 =	vand.u32 $0x40, v36  }
0xb7: {  	v36 =	vor.u32 v58, v36  }
0xb8: {  	v38 =	vor.u32 v0, v36;
	_ =	sdelay $0x4  }
0xb9: {  	v59 =	vor.u32 v12, v56;
	v38 =	vld.idx.msk [tilespmem:v38+s13+$0x0], $0xffff  }
0xba: {  	v41 =	vor.u32 v2, v36;
	_ =	sdelay $0x3  }
0xbb: {  	[tilespmem:v59+s17+$0x0] =	vst.idx.msk $0xffff, v38  }
0xbc: {  	v60 =	vor.u32 v13, v56;
	v38 =	vld.idx.msk [tilespmem:v41+s13+$0x0], $0xffff  }
0xbd: {  	v61 =	vor.u32 v4, v36;
	_ =	sdelay $0x3  }
0xbe: {  	[tilespmem:v60+s17+$0x0] =	vst.idx.msk $0xffff, v38  }
0xbf: {  	v62 =	vor.u32 v14, v56;
	v38 =	vld.idx.msk [tilespmem:v61+s13+$0x0], $0xffff  }
0xc0: {  	v63 =	vor.u32 v6, v36;
	_ =	sdelay $0x2  }
0xc1: {  	s31 =	simm.s32 $0x1  }
0xc2: {  	v36 =	vadd.s32 s31, v0;
	[tilespmem:v62+s17+$0x0] =	vst.idx.msk $0xffff, v38  }
0xc3: {  	v41 =	vor.u32 v15, v56;
	v38 =	vand.u32 $0xF, v36;
	v40 =	vld.idx.msk [tilespmem:v63+s13+$0x0], $0xffff  }
0xc4: {  	s26 =	simm.s32 $0x2;
	v39 =	vor.u32 $0x20, v38  }
.LBB2_7:
0xc5: {  	_ =	sdelay $0x2  }
0xc6: {  	p1 =	sne.s32 s26, $0xF;
	s28 =	smov.u32 s26;
	s26 =	sadd.s32 $0x1, s26;
	[tilespmem:v41+s17+$0x0] =	vst.idx.msk $0xffff, v40  }
0xc7: {  	v40 =	vld.idx.msk [tilespmem:v39+s24+$0x0], $0xffff;
	_ =	sdelay $0x5  }
0xc8: {  	v40 =	vshll.u32 v40, $0x6  }
0xc9: {  	v39 =	vshll.u32 v39, $0x7;
	v40 =	vand.u32 $0x40, v40  }
0xca: {  	v39 =	vor.u32 v39, v40  }
0xcb: {  	v40 =	vor.u32 v0, v39;
	_ =	sdelay $0x4  }
0xcc: {  	v40 =	vld.idx.msk [tilespmem:v40+s13+$0x0], $0xffff  }
0xcd: {  	v41 =	vor.u32 v12, v38  }
0xce: {  	v42 =	vor.u32 v2, v39;
	_ =	sdelay $0x3  }
0xcf: {  	[tilespmem:v41+s17+$0x0] =	vst.idx.msk $0xffff, v40  }
0xd0: {  	v40 =	vld.idx.msk [tilespmem:v42+s13+$0x0], $0xffff  }
0xd1: {  	v41 =	vor.u32 v13, v38  }
0xd2: {  	v42 =	vor.u32 v4, v39;
	_ =	sdelay $0x3  }
0xd3: {  	[tilespmem:v41+s17+$0x0] =	vst.idx.msk $0xffff, v40  }
0xd4: {  	v40 =	vld.idx.msk [tilespmem:v42+s13+$0x0], $0xffff  }
0xd5: {  	v41 =	vor.u32 v14, v38  }
0xd6: {  	v39 =	vor.u32 v6, v39;
	_ =	sdelay $0x2  }
.Ltmp4:
0xd7: {  	(pc) =	sbr.rel @p1 .LBB2_7-.Ltmp4, $4  }
0xd8: {  	[tilespmem:v41+s17+$0x0] =	vst.idx.msk $0xffff, v40  }
0xd9: {  	v42 =	vadd.s32 s28, v0;
	v40 =	vld.idx.msk [tilespmem:v39+s13+$0x0], $0xffff  }
0xda: {  	v41 =	vor.u32 v15, v38;
	v38 =	vand.u32 $0xF, v42  }
0xdb: {  	v39 =	vor.u32 $0x20, v38  }
0xdc: {  	_ =	sdelay $0x3  }
0xdd: {  	[tilespmem:v41+s17+$0x0] =	vst.idx.msk $0xffff, v40  }
0xde: {  	v40 =	vld.idx.msk [tilespmem:v39+s24+$0x0], $0xffff;
	_ =	sdelay $0x4  }
0xdf: {  	v40 =	vshll.u32 v40, $0x6  }
0xe0: {  	v51 =	vshll.u32 v39, $0x7;
	v40 =	vand.u32 $0x40, v40  }
0xe1: {  	v39 =	vor.u32 v51, v40  }
0xe2: {  	v40 =	vor.u32 v0, v39;
	_ =	sdelay $0x4  }
0xe3: {  	v52 =	vor.u32 v12, v38;
	v40 =	vld.idx.msk [tilespmem:v40+s13+$0x0], $0xffff  }
0xe4: {  	v42 =	vor.u32 v2, v39;
	_ =	sdelay $0x3  }
0xe5: {  	[tilespmem:v52+s17+$0x0] =	vst.idx.msk $0xffff, v40  }
0xe6: {  	v53 =	vor.u32 v13, v38;
	v40 =	vld.idx.msk [tilespmem:v42+s13+$0x0], $0xffff  }
0xe7: {  	v54 =	vor.u32 v4, v39;
	_ =	sdelay $0x3  }
0xe8: {  	[tilespmem:v53+s17+$0x0] =	vst.idx.msk $0xffff, v40  }
0xe9: {  	v55 =	vor.u32 v14, v38;
	v40 =	vld.idx.msk [tilespmem:v54+s13+$0x0], $0xffff  }
0xea: {  	v39 =	vor.u32 v6, v39;
	_ =	sdelay $0x3  }
0xeb: {  	[tilespmem:v55+s17+$0x0] =	vst.idx.msk $0xffff, v40  }
0xec: {  	v56 =	vor.u32 v15, v38;
	v39 =	vld.idx.msk [tilespmem:v39+s13+$0x0], $0xffff  }
0xed: {  	v57 =	vor.u32 $0x30, v37;
	_ =	sdelay $0x3  }
0xee: {  	[tilespmem:v56+s17+$0x0] =	vst.idx.msk $0xffff, v39  }
0xef: {  	v38 =	vld.idx.msk [tilespmem:v57+s24+$0x0], $0xffff;
	_ =	sdelay $0x4  }
0xf0: {  	v38 =	vshll.u32 v38, $0x6  }
0xf1: {  	v58 =	vshll.u32 v57, $0x7;
	v38 =	vand.u32 $0x40, v38  }
0xf2: {  	v38 =	vor.u32 v58, v38  }
0xf3: {  	v39 =	vor.u32 v0, v38;
	_ =	sdelay $0x4  }
0xf4: {  	v59 =	vor.u32 v16, v37;
	v39 =	vld.idx.msk [tilespmem:v39+s13+$0x0], $0xffff  }
0xf5: {  	v60 =	vor.u32 v2, v38;
	_ =	sdelay $0x3  }
0xf6: {  	[tilespmem:v59+s17+$0x0] =	vst.idx.msk $0xffff, v39  }
0xf7: {  	v61 =	vor.u32 v17, v37;
	v39 =	vld.idx.msk [tilespmem:v60+s13+$0x0], $0xffff  }
0xf8: {  	v62 =	vor.u32 v4, v38;
	_ =	sdelay $0x3  }
0xf9: {  	[tilespmem:v61+s17+$0x0] =	vst.idx.msk $0xffff, v39  }
0xfa: {  	v63 =	vor.u32 v18, v37;
	v39 =	vld.idx.msk [tilespmem:v62+s13+$0x0], $0xffff  }
0xfb: {  	v38 =	vor.u32 v6, v38;
	_ =	sdelay $0x3  }
0xfc: {  	[tilespmem:v63+s17+$0x0] =	vst.idx.msk $0xffff, v39  }
0xfd: {  	v39 =	vor.u32 v19, v37;
	v38 =	vld.idx.msk [tilespmem:v38+s13+$0x0], $0xffff  }
0xfe: {  	s26 =	simm.s32 $0x2;
	v37 =	vor.u32 $0x30, v36  }
.LBB2_9:
0xff: {  	_ =	sdelay $0x2  }
0x100: {  	p1 =	sne.s32 s26, $0xF;
	s28 =	smov.u32 s26;
	s26 =	sadd.s32 $0x1, s26;
	[tilespmem:v39+s17+$0x0] =	vst.idx.msk $0xffff, v38  }
0x101: {  	v38 =	vld.idx.msk [tilespmem:v37+s24+$0x0], $0xffff;
	_ =	sdelay $0x5  }
0x102: {  	v38 =	vshll.u32 v38, $0x6  }
0x103: {  	v37 =	vshll.u32 v37, $0x7;
	v38 =	vand.u32 $0x40, v38  }
0x104: {  	v37 =	vor.u32 v37, v38  }
0x105: {  	v38 =	vor.u32 v0, v37;
	_ =	sdelay $0x4  }
0x106: {  	v38 =	vld.idx.msk [tilespmem:v38+s13+$0x0], $0xffff  }
0x107: {  	v39 =	vor.u32 v16, v36  }
0x108: {  	v40 =	vor.u32 v2, v37;
	_ =	sdelay $0x3  }
0x109: {  	[tilespmem:v39+s17+$0x0] =	vst.idx.msk $0xffff, v38  }
0x10a: {  	v38 =	vld.idx.msk [tilespmem:v40+s13+$0x0], $0xffff  }
0x10b: {  	v39 =	vor.u32 v17, v36  }
0x10c: {  	v40 =	vor.u32 v4, v37;
	_ =	sdelay $0x3  }
0x10d: {  	[tilespmem:v39+s17+$0x0] =	vst.idx.msk $0xffff, v38  }
0x10e: {  	v38 =	vld.idx.msk [tilespmem:v40+s13+$0x0], $0xffff  }
0x10f: {  	v39 =	vor.u32 v18, v36  }
0x110: {  	v37 =	vor.u32 v6, v37;
	_ =	sdelay $0x2  }
.Ltmp5:
0x111: {  	(pc) =	sbr.rel @p1 .LBB2_9-.Ltmp5, $4  }
0x112: {  	[tilespmem:v39+s17+$0x0] =	vst.idx.msk $0xffff, v38  }
0x113: {  	v38 =	vld.idx.msk [tilespmem:v37+s13+$0x0], $0xffff  }
0x114: {  	v39 =	vor.u32 v19, v36;
	v36 =	vadd.s32 s28, v0  }
0x115: {  	v37 =	vor.u32 $0x30, v36  }
0x116: {  	_ =	sdelay $0x3  }
0x117: {  	[tilespmem:v39+s17+$0x0] =	vst.idx.msk $0xffff, v38  }
0x118: {  	v38 =	vld.idx.msk [tilespmem:v37+s24+$0x0], $0xffff;
	_ =	sdelay $0x4  }
0x119: {  	v38 =	vshll.u32 v38, $0x6  }
0x11a: {  	v49 =	vshll.u32 v37, $0x7;
	v38 =	vand.u32 $0x40, v38  }
0x11b: {  	v37 =	vor.u32 v49, v38  }
0x11c: {  	v38 =	vor.u32 v0, v37;
	_ =	sdelay $0x4  }
0x11d: {  	v50 =	vor.u32 v16, v36;
	v38 =	vld.idx.msk [tilespmem:v38+s13+$0x0], $0xffff  }
0x11e: {  	v40 =	vor.u32 v2, v37;
	_ =	sdelay $0x3  }
0x11f: {  	[tilespmem:v50+s17+$0x0] =	vst.idx.msk $0xffff, v38  }
0x120: {  	v51 =	vor.u32 v17, v36;
	v38 =	vld.idx.msk [tilespmem:v40+s13+$0x0], $0xffff  }
0x121: {  	v52 =	vor.u32 v4, v37;
	_ =	sdelay $0x3  }
0x122: {  	[tilespmem:v51+s17+$0x0] =	vst.idx.msk $0xffff, v38  }
0x123: {  	v53 =	vor.u32 v18, v36;
	v38 =	vld.idx.msk [tilespmem:v52+s13+$0x0], $0xffff  }
0x124: {  	v54 =	vor.u32 v6, v37;
	_ =	sdelay $0x2  }
0x125: {  	s26 =	simm.s32 $0x0  }
0x126: {  	v37 =	vadd.s32 s26, v0;
	[tilespmem:v53+s17+$0x0] =	vst.idx.msk $0xffff, v38  }
0x127: {  	v55 =	vor.u32 v19, v36;
	v56 =	vand.u32 $0xF, v37;
	v38 =	vld.idx.msk [tilespmem:v54+s13+$0x0], $0xffff  }
0x128: {  	v57 =	vor.u32 $0x40, v56;
	_ =	sdelay $0x3  }
0x129: {  	[tilespmem:v55+s17+$0x0] =	vst.idx.msk $0xffff, v38  }
0x12a: {  	v36 =	vld.idx.msk [tilespmem:v57+s24+$0x0], $0xffff;
	_ =	sdelay $0x4  }
0x12b: {  	v36 =	vshll.u32 v36, $0x6  }
0x12c: {  	v58 =	vshll.u32 v57, $0x7;
	v36 =	vand.u32 $0x40, v36  }
0x12d: {  	v36 =	vor.u32 v58, v36  }
0x12e: {  	v38 =	vor.u32 v0, v36;
	_ =	sdelay $0x4  }
0x12f: {  	v59 =	vor.u32 v20, v56;
	v38 =	vld.idx.msk [tilespmem:v38+s13+$0x0], $0xffff  }
0x130: {  	v41 =	vor.u32 v2, v36;
	_ =	sdelay $0x3  }
0x131: {  	[tilespmem:v59+s17+$0x0] =	vst.idx.msk $0xffff, v38  }
0x132: {  	v60 =	vor.u32 v21, v56;
	v38 =	vld.idx.msk [tilespmem:v41+s13+$0x0], $0xffff  }
0x133: {  	v61 =	vor.u32 v4, v36;
	_ =	sdelay $0x3  }
0x134: {  	[tilespmem:v60+s17+$0x0] =	vst.idx.msk $0xffff, v38  }
0x135: {  	v62 =	vor.u32 v22, v56;
	v38 =	vld.idx.msk [tilespmem:v61+s13+$0x0], $0xffff  }
0x136: {  	v63 =	vor.u32 v6, v36;
	_ =	sdelay $0x2  }
0x137: {  	s31 =	simm.s32 $0x1  }
0x138: {  	v36 =	vadd.s32 s31, v0;
	[tilespmem:v62+s17+$0x0] =	vst.idx.msk $0xffff, v38  }
0x139: {  	v41 =	vor.u32 v23, v56;
	v38 =	vand.u32 $0xF, v36;
	v40 =	vld.idx.msk [tilespmem:v63+s13+$0x0], $0xffff  }
0x13a: {  	s26 =	simm.s32 $0x2;
	v39 =	vor.u32 $0x40, v38  }
.LBB2_11:
0x13b: {  	_ =	sdelay $0x2  }
0x13c: {  	p1 =	sne.s32 s26, $0xF;
	s28 =	smov.u32 s26;
	s26 =	sadd.s32 $0x1, s26;
	[tilespmem:v41+s17+$0x0] =	vst.idx.msk $0xffff, v40  }
0x13d: {  	v40 =	vld.idx.msk [tilespmem:v39+s24+$0x0], $0xffff;
	_ =	sdelay $0x5  }
0x13e: {  	v40 =	vshll.u32 v40, $0x6  }
0x13f: {  	v39 =	vshll.u32 v39, $0x7;
	v40 =	vand.u32 $0x40, v40  }
0x140: {  	v39 =	vor.u32 v39, v40  }
0x141: {  	v40 =	vor.u32 v0, v39;
	_ =	sdelay $0x4  }
0x142: {  	v40 =	vld.idx.msk [tilespmem:v40+s13+$0x0], $0xffff  }
0x143: {  	v41 =	vor.u32 v20, v38  }
0x144: {  	v42 =	vor.u32 v2, v39;
	_ =	sdelay $0x3  }
0x145: {  	[tilespmem:v41+s17+$0x0] =	vst.idx.msk $0xffff, v40  }
0x146: {  	v40 =	vld.idx.msk [tilespmem:v42+s13+$0x0], $0xffff  }
0x147: {  	v41 =	vor.u32 v21, v38  }
0x148: {  	v42 =	vor.u32 v4, v39;
	_ =	sdelay $0x3  }
0x149: {  	[tilespmem:v41+s17+$0x0] =	vst.idx.msk $0xffff, v40  }
0x14a: {  	v40 =	vld.idx.msk [tilespmem:v42+s13+$0x0], $0xffff  }
0x14b: {  	v41 =	vor.u32 v22, v38  }
0x14c: {  	v39 =	vor.u32 v6, v39;
	_ =	sdelay $0x2  }
.Ltmp6:
0x14d: {  	(pc) =	sbr.rel @p1 .LBB2_11-.Ltmp6, $4  }
0x14e: {  	[tilespmem:v41+s17+$0x0] =	vst.idx.msk $0xffff, v40  }
0x14f: {  	v42 =	vadd.s32 s28, v0;
	v40 =	vld.idx.msk [tilespmem:v39+s13+$0x0], $0xffff  }
0x150: {  	v41 =	vor.u32 v23, v38;
	v38 =	vand.u32 $0xF, v42  }
0x151: {  	v39 =	vor.u32 $0x40, v38  }
0x152: {  	_ =	sdelay $0x3  }
0x153: {  	[tilespmem:v41+s17+$0x0] =	vst.idx.msk $0xffff, v40  }
0x154: {  	v40 =	vld.idx.msk [tilespmem:v39+s24+$0x0], $0xffff;
	_ =	sdelay $0x4  }
0x155: {  	v40 =	vshll.u32 v40, $0x6  }
0x156: {  	v51 =	vshll.u32 v39, $0x7;
	v40 =	vand.u32 $0x40, v40  }
0x157: {  	v39 =	vor.u32 v51, v40  }
0x158: {  	v40 =	vor.u32 v0, v39;
	_ =	sdelay $0x4  }
0x159: {  	v52 =	vor.u32 v20, v38;
	v40 =	vld.idx.msk [tilespmem:v40+s13+$0x0], $0xffff  }
0x15a: {  	v42 =	vor.u32 v2, v39;
	_ =	sdelay $0x3  }
0x15b: {  	[tilespmem:v52+s17+$0x0] =	vst.idx.msk $0xffff, v40  }
0x15c: {  	v53 =	vor.u32 v21, v38;
	v40 =	vld.idx.msk [tilespmem:v42+s13+$0x0], $0xffff  }
0x15d: {  	v54 =	vor.u32 v4, v39;
	_ =	sdelay $0x3  }
0x15e: {  	[tilespmem:v53+s17+$0x0] =	vst.idx.msk $0xffff, v40  }
0x15f: {  	v55 =	vor.u32 v22, v38;
	v40 =	vld.idx.msk [tilespmem:v54+s13+$0x0], $0xffff  }
0x160: {  	v39 =	vor.u32 v6, v39;
	_ =	sdelay $0x3  }
0x161: {  	[tilespmem:v55+s17+$0x0] =	vst.idx.msk $0xffff, v40  }
0x162: {  	v56 =	vor.u32 v23, v38;
	v39 =	vld.idx.msk [tilespmem:v39+s13+$0x0], $0xffff  }
0x163: {  	v57 =	vor.u32 $0x50, v37;
	_ =	sdelay $0x3  }
0x164: {  	[tilespmem:v56+s17+$0x0] =	vst.idx.msk $0xffff, v39  }
0x165: {  	v38 =	vld.idx.msk [tilespmem:v57+s24+$0x0], $0xffff;
	_ =	sdelay $0x4  }
0x166: {  	v38 =	vshll.u32 v38, $0x6  }
0x167: {  	v58 =	vshll.u32 v57, $0x7;
	v38 =	vand.u32 $0x40, v38  }
0x168: {  	v38 =	vor.u32 v58, v38  }
0x169: {  	v39 =	vor.u32 v0, v38;
	_ =	sdelay $0x4  }
0x16a: {  	v59 =	vor.u32 v24, v37;
	v39 =	vld.idx.msk [tilespmem:v39+s13+$0x0], $0xffff  }
0x16b: {  	v60 =	vor.u32 v2, v38;
	_ =	sdelay $0x3  }
0x16c: {  	[tilespmem:v59+s17+$0x0] =	vst.idx.msk $0xffff, v39  }
0x16d: {  	v61 =	vor.u32 v25, v37;
	v39 =	vld.idx.msk [tilespmem:v60+s13+$0x0], $0xffff  }
0x16e: {  	v62 =	vor.u32 v4, v38;
	_ =	sdelay $0x3  }
0x16f: {  	[tilespmem:v61+s17+$0x0] =	vst.idx.msk $0xffff, v39  }
0x170: {  	v63 =	vor.u32 v26, v37;
	v39 =	vld.idx.msk [tilespmem:v62+s13+$0x0], $0xffff  }
0x171: {  	v38 =	vor.u32 v6, v38;
	_ =	sdelay $0x3  }
0x172: {  	[tilespmem:v63+s17+$0x0] =	vst.idx.msk $0xffff, v39  }
0x173: {  	v39 =	vor.u32 v27, v37;
	v38 =	vld.idx.msk [tilespmem:v38+s13+$0x0], $0xffff  }
0x174: {  	s26 =	simm.s32 $0x2;
	v37 =	vor.u32 $0x50, v36  }
.LBB2_13:
0x175: {  	_ =	sdelay $0x2  }
0x176: {  	p1 =	sne.s32 s26, $0xF;
	s28 =	smov.u32 s26;
	s26 =	sadd.s32 $0x1, s26;
	[tilespmem:v39+s17+$0x0] =	vst.idx.msk $0xffff, v38  }
0x177: {  	v38 =	vld.idx.msk [tilespmem:v37+s24+$0x0], $0xffff;
	_ =	sdelay $0x5  }
0x178: {  	v38 =	vshll.u32 v38, $0x6  }
0x179: {  	v37 =	vshll.u32 v37, $0x7;
	v38 =	vand.u32 $0x40, v38  }
0x17a: {  	v37 =	vor.u32 v37, v38  }
0x17b: {  	v38 =	vor.u32 v0, v37;
	_ =	sdelay $0x4  }
0x17c: {  	v38 =	vld.idx.msk [tilespmem:v38+s13+$0x0], $0xffff  }
0x17d: {  	v39 =	vor.u32 v24, v36  }
0x17e: {  	v40 =	vor.u32 v2, v37;
	_ =	sdelay $0x3  }
0x17f: {  	[tilespmem:v39+s17+$0x0] =	vst.idx.msk $0xffff, v38  }
0x180: {  	v38 =	vld.idx.msk [tilespmem:v40+s13+$0x0], $0xffff  }
0x181: {  	v39 =	vor.u32 v25, v36  }
0x182: {  	v40 =	vor.u32 v4, v37;
	_ =	sdelay $0x3  }
0x183: {  	[tilespmem:v39+s17+$0x0] =	vst.idx.msk $0xffff, v38  }
0x184: {  	v38 =	vld.idx.msk [tilespmem:v40+s13+$0x0], $0xffff  }
0x185: {  	v39 =	vor.u32 v26, v36  }
0x186: {  	v37 =	vor.u32 v6, v37;
	_ =	sdelay $0x2  }
.Ltmp7:
0x187: {  	(pc) =	sbr.rel @p1 .LBB2_13-.Ltmp7, $4  }
0x188: {  	[tilespmem:v39+s17+$0x0] =	vst.idx.msk $0xffff, v38  }
0x189: {  	v38 =	vld.idx.msk [tilespmem:v37+s13+$0x0], $0xffff  }
0x18a: {  	v39 =	vor.u32 v27, v36;
	v36 =	vadd.s32 s28, v0  }
0x18b: {  	v37 =	vor.u32 $0x50, v36  }
0x18c: {  	_ =	sdelay $0x3  }
0x18d: {  	[tilespmem:v39+s17+$0x0] =	vst.idx.msk $0xffff, v38  }
0x18e: {  	v38 =	vld.idx.msk [tilespmem:v37+s24+$0x0], $0xffff;
	_ =	sdelay $0x4  }
0x18f: {  	v38 =	vshll.u32 v38, $0x6  }
0x190: {  	v49 =	vshll.u32 v37, $0x7;
	v38 =	vand.u32 $0x40, v38  }
0x191: {  	v37 =	vor.u32 v49, v38  }
0x192: {  	v38 =	vor.u32 v0, v37;
	_ =	sdelay $0x4  }
0x193: {  	v50 =	vor.u32 v24, v36;
	v38 =	vld.idx.msk [tilespmem:v38+s13+$0x0], $0xffff  }
0x194: {  	v40 =	vor.u32 v2, v37;
	_ =	sdelay $0x3  }
0x195: {  	[tilespmem:v50+s17+$0x0] =	vst.idx.msk $0xffff, v38  }
0x196: {  	v51 =	vor.u32 v25, v36;
	v38 =	vld.idx.msk [tilespmem:v40+s13+$0x0], $0xffff  }
0x197: {  	v52 =	vor.u32 v4, v37;
	_ =	sdelay $0x3  }
0x198: {  	[tilespmem:v51+s17+$0x0] =	vst.idx.msk $0xffff, v38  }
0x199: {  	v53 =	vor.u32 v26, v36;
	v38 =	vld.idx.msk [tilespmem:v52+s13+$0x0], $0xffff  }
0x19a: {  	v54 =	vor.u32 v6, v37;
	_ =	sdelay $0x2  }
0x19b: {  	s26 =	simm.s32 $0x0  }
0x19c: {  	v37 =	vadd.s32 s26, v0;
	[tilespmem:v53+s17+$0x0] =	vst.idx.msk $0xffff, v38  }
0x19d: {  	v55 =	vor.u32 v27, v36;
	v56 =	vand.u32 $0xF, v37;
	v38 =	vld.idx.msk [tilespmem:v54+s13+$0x0], $0xffff  }
0x19e: {  	v57 =	vor.u32 $0x60, v56;
	_ =	sdelay $0x3  }
0x19f: {  	[tilespmem:v55+s17+$0x0] =	vst.idx.msk $0xffff, v38  }
0x1a0: {  	v36 =	vld.idx.msk [tilespmem:v57+s24+$0x0], $0xffff;
	_ =	sdelay $0x4  }
0x1a1: {  	v36 =	vshll.u32 v36, $0x6  }
0x1a2: {  	v58 =	vshll.u32 v57, $0x7;
	v36 =	vand.u32 $0x40, v36  }
0x1a3: {  	v36 =	vor.u32 v58, v36  }
0x1a4: {  	v38 =	vor.u32 v0, v36;
	_ =	sdelay $0x4  }
0x1a5: {  	v59 =	vor.u32 v28, v56;
	v38 =	vld.idx.msk [tilespmem:v38+s13+$0x0], $0xffff  }
0x1a6: {  	v41 =	vor.u32 v2, v36;
	_ =	sdelay $0x3  }
0x1a7: {  	[tilespmem:v59+s17+$0x0] =	vst.idx.msk $0xffff, v38  }
0x1a8: {  	v60 =	vor.u32 v29, v56;
	v38 =	vld.idx.msk [tilespmem:v41+s13+$0x0], $0xffff  }
0x1a9: {  	v61 =	vor.u32 v4, v36;
	_ =	sdelay $0x3  }
0x1aa: {  	[tilespmem:v60+s17+$0x0] =	vst.idx.msk $0xffff, v38  }
0x1ab: {  	v62 =	vor.u32 v30, v56;
	v38 =	vld.idx.msk [tilespmem:v61+s13+$0x0], $0xffff  }
0x1ac: {  	v63 =	vor.u32 v6, v36;
	_ =	sdelay $0x2  }
0x1ad: {  	s31 =	simm.s32 $0x1  }
0x1ae: {  	v36 =	vadd.s32 s31, v0;
	[tilespmem:v62+s17+$0x0] =	vst.idx.msk $0xffff, v38  }
0x1af: {  	v41 =	vor.u32 v31, v56;
	v38 =	vand.u32 $0xF, v36;
	v40 =	vld.idx.msk [tilespmem:v63+s13+$0x0], $0xffff  }
0x1b0: {  	s26 =	simm.s32 $0x2;
	v39 =	vor.u32 $0x60, v38  }
.LBB2_15:
0x1b1: {  	_ =	sdelay $0x2  }
0x1b2: {  	p1 =	sne.s32 s26, $0xF;
	s28 =	smov.u32 s26;
	s26 =	sadd.s32 $0x1, s26;
	[tilespmem:v41+s17+$0x0] =	vst.idx.msk $0xffff, v40  }
0x1b3: {  	v40 =	vld.idx.msk [tilespmem:v39+s24+$0x0], $0xffff;
	_ =	sdelay $0x5  }
0x1b4: {  	v40 =	vshll.u32 v40, $0x6  }
0x1b5: {  	v39 =	vshll.u32 v39, $0x7;
	v40 =	vand.u32 $0x40, v40  }
0x1b6: {  	v39 =	vor.u32 v39, v40  }
0x1b7: {  	v40 =	vor.u32 v0, v39;
	_ =	sdelay $0x4  }
0x1b8: {  	v40 =	vld.idx.msk [tilespmem:v40+s13+$0x0], $0xffff  }
0x1b9: {  	v41 =	vor.u32 v28, v38  }
0x1ba: {  	v42 =	vor.u32 v2, v39;
	_ =	sdelay $0x3  }
0x1bb: {  	[tilespmem:v41+s17+$0x0] =	vst.idx.msk $0xffff, v40  }
0x1bc: {  	v40 =	vld.idx.msk [tilespmem:v42+s13+$0x0], $0xffff  }
0x1bd: {  	v41 =	vor.u32 v29, v38  }
0x1be: {  	v42 =	vor.u32 v4, v39;
	_ =	sdelay $0x3  }
0x1bf: {  	[tilespmem:v41+s17+$0x0] =	vst.idx.msk $0xffff, v40  }
0x1c0: {  	v40 =	vld.idx.msk [tilespmem:v42+s13+$0x0], $0xffff  }
0x1c1: {  	v41 =	vor.u32 v30, v38  }
0x1c2: {  	v39 =	vor.u32 v6, v39;
	_ =	sdelay $0x2  }
.Ltmp8:
0x1c3: {  	(pc) =	sbr.rel @p1 .LBB2_15-.Ltmp8, $4  }
0x1c4: {  	[tilespmem:v41+s17+$0x0] =	vst.idx.msk $0xffff, v40  }
0x1c5: {  	v42 =	vadd.s32 s28, v0;
	v40 =	vld.idx.msk [tilespmem:v39+s13+$0x0], $0xffff  }
0x1c6: {  	v41 =	vor.u32 v31, v38;
	v38 =	vand.u32 $0xF, v42  }
0x1c7: {  	v39 =	vor.u32 $0x60, v38  }
0x1c8: {  	_ =	sdelay $0x3  }
0x1c9: {  	[tilespmem:v41+s17+$0x0] =	vst.idx.msk $0xffff, v40  }
0x1ca: {  	v40 =	vld.idx.msk [tilespmem:v39+s24+$0x0], $0xffff;
	_ =	sdelay $0x4  }
0x1cb: {  	v40 =	vshll.u32 v40, $0x6  }
0x1cc: {  	v51 =	vshll.u32 v39, $0x7;
	v40 =	vand.u32 $0x40, v40  }
0x1cd: {  	v39 =	vor.u32 v51, v40  }
0x1ce: {  	v40 =	vor.u32 v0, v39;
	_ =	sdelay $0x4  }
0x1cf: {  	v52 =	vor.u32 v28, v38;
	v40 =	vld.idx.msk [tilespmem:v40+s13+$0x0], $0xffff  }
0x1d0: {  	v42 =	vor.u32 v2, v39;
	_ =	sdelay $0x3  }
0x1d1: {  	[tilespmem:v52+s17+$0x0] =	vst.idx.msk $0xffff, v40  }
0x1d2: {  	v53 =	vor.u32 v29, v38;
	v40 =	vld.idx.msk [tilespmem:v42+s13+$0x0], $0xffff  }
0x1d3: {  	v54 =	vor.u32 v4, v39;
	_ =	sdelay $0x3  }
0x1d4: {  	[tilespmem:v53+s17+$0x0] =	vst.idx.msk $0xffff, v40  }
0x1d5: {  	v55 =	vor.u32 v30, v38;
	v40 =	vld.idx.msk [tilespmem:v54+s13+$0x0], $0xffff  }
0x1d6: {  	v39 =	vor.u32 v6, v39;
	_ =	sdelay $0x3  }
0x1d7: {  	[tilespmem:v55+s17+$0x0] =	vst.idx.msk $0xffff, v40  }
0x1d8: {  	v56 =	vor.u32 v31, v38;
	v39 =	vld.idx.msk [tilespmem:v39+s13+$0x0], $0xffff  }
0x1d9: {  	v57 =	vor.u32 $0x70, v37;
	_ =	sdelay $0x3  }
0x1da: {  	[tilespmem:v56+s17+$0x0] =	vst.idx.msk $0xffff, v39  }
0x1db: {  	v38 =	vld.idx.msk [tilespmem:v57+s24+$0x0], $0xffff;
	_ =	sdelay $0x4  }
0x1dc: {  	v38 =	vshll.u32 v38, $0x6  }
0x1dd: {  	v58 =	vshll.u32 v57, $0x7;
	v38 =	vand.u32 $0x40, v38  }
0x1de: {  	v38 =	vor.u32 v58, v38  }
0x1df: {  	v39 =	vor.u32 v0, v38;
	_ =	sdelay $0x4  }
0x1e0: {  	v59 =	vor.u32 v32, v37;
	v39 =	vld.idx.msk [tilespmem:v39+s13+$0x0], $0xffff  }
0x1e1: {  	v60 =	vor.u32 v2, v38;
	_ =	sdelay $0x3  }
0x1e2: {  	[tilespmem:v59+s17+$0x0] =	vst.idx.msk $0xffff, v39  }
0x1e3: {  	v61 =	vor.u32 v33, v37;
	v39 =	vld.idx.msk [tilespmem:v60+s13+$0x0], $0xffff  }
0x1e4: {  	v62 =	vor.u32 v4, v38;
	_ =	sdelay $0x3  }
0x1e5: {  	[tilespmem:v61+s17+$0x0] =	vst.idx.msk $0xffff, v39  }
0x1e6: {  	v63 =	vor.u32 v34, v37;
	v39 =	vld.idx.msk [tilespmem:v62+s13+$0x0], $0xffff  }
0x1e7: {  	v38 =	vor.u32 v6, v38;
	_ =	sdelay $0x3  }
0x1e8: {  	[tilespmem:v63+s17+$0x0] =	vst.idx.msk $0xffff, v39  }
0x1e9: {  	v39 =	vor.u32 v35, v37;
	v38 =	vld.idx.msk [tilespmem:v38+s13+$0x0], $0xffff  }
0x1ea: {  	s26 =	simm.s32 $0x2;
	v37 =	vor.u32 $0x70, v36  }
.LBB2_17:
0x1eb: {  	_ =	sdelay $0x2  }
0x1ec: {  	p1 =	sne.s32 s26, $0xF;
	s28 =	smov.u32 s26;
	s26 =	sadd.s32 $0x1, s26;
	[tilespmem:v39+s17+$0x0] =	vst.idx.msk $0xffff, v38  }
0x1ed: {  	v38 =	vld.idx.msk [tilespmem:v37+s24+$0x0], $0xffff;
	_ =	sdelay $0x5  }
0x1ee: {  	v38 =	vshll.u32 v38, $0x6  }
0x1ef: {  	v37 =	vshll.u32 v37, $0x7;
	v38 =	vand.u32 $0x40, v38  }
0x1f0: {  	v37 =	vor.u32 v37, v38  }
0x1f1: {  	v38 =	vor.u32 v0, v37;
	_ =	sdelay $0x4  }
0x1f2: {  	v38 =	vld.idx.msk [tilespmem:v38+s13+$0x0], $0xffff  }
0x1f3: {  	v39 =	vor.u32 v32, v36  }
0x1f4: {  	v40 =	vor.u32 v2, v37;
	_ =	sdelay $0x3  }
0x1f5: {  	[tilespmem:v39+s17+$0x0] =	vst.idx.msk $0xffff, v38  }
0x1f6: {  	v38 =	vld.idx.msk [tilespmem:v40+s13+$0x0], $0xffff  }
0x1f7: {  	v39 =	vor.u32 v33, v36  }
0x1f8: {  	v40 =	vor.u32 v4, v37;
	_ =	sdelay $0x3  }
0x1f9: {  	[tilespmem:v39+s17+$0x0] =	vst.idx.msk $0xffff, v38  }
0x1fa: {  	v38 =	vld.idx.msk [tilespmem:v40+s13+$0x0], $0xffff  }
0x1fb: {  	v39 =	vor.u32 v34, v36  }
0x1fc: {  	v37 =	vor.u32 v6, v37;
	_ =	sdelay $0x2  }
.Ltmp9:
0x1fd: {  	(pc) =	sbr.rel @p1 .LBB2_17-.Ltmp9, $4  }
0x1fe: {  	[tilespmem:v39+s17+$0x0] =	vst.idx.msk $0xffff, v38  }
0x1ff: {  	v38 =	vld.idx.msk [tilespmem:v37+s13+$0x0], $0xffff  }
0x200: {  	v39 =	vor.u32 v35, v36;
	v36 =	vadd.s32 s28, v0  }
0x201: {  	v37 =	vor.u32 $0x70, v36  }
0x202: {  	_ =	sdelay $0x3  }
0x203: {  	[tilespmem:v39+s17+$0x0] =	vst.idx.msk $0xffff, v38  }
0x204: {  	v38 =	vld.idx.msk [tilespmem:v37+s24+$0x0], $0xffff;
	_ =	sdelay $0x4  }
0x205: {  	v38 =	vshll.u32 v38, $0x6  }
0x206: {  	v50 =	vshll.u32 v37, $0x7;
	v38 =	vand.u32 $0x40, v38  }
0x207: {  	v37 =	vor.u32 v50, v38  }
0x208: {  	v38 =	vor.u32 v0, v37;
	_ =	sdelay $0x4  }
0x209: {  	v51 =	vor.u32 v32, v36;
	v38 =	vld.idx.msk [tilespmem:v38+s13+$0x0], $0xffff  }
0x20a: {  	v40 =	vor.u32 v2, v37;
	_ =	sdelay $0x3  }
0x20b: {  	[tilespmem:v51+s17+$0x0] =	vst.idx.msk $0xffff, v38  }
0x20c: {  	v52 =	vor.u32 v33, v36;
	v38 =	vld.idx.msk [tilespmem:v40+s13+$0x0], $0xffff  }
0x20d: {  	v53 =	vor.u32 v4, v37;
	_ =	sdelay $0x3  }
0x20e: {  	[tilespmem:v52+s17+$0x0] =	vst.idx.msk $0xffff, v38  }
0x20f: {  	v54 =	vor.u32 v34, v36;
	v38 =	vld.idx.msk [tilespmem:v53+s13+$0x0], $0xffff  }
0x210: {  	v37 =	vor.u32 v6, v37;
	_ =	sdelay $0x3  }
0x211: {  	[tilespmem:v54+s17+$0x0] =	vst.idx.msk $0xffff, v38  }
0x212: {  	v55 =	vor.u32 v35, v36;
	v37 =	vld.idx.msk [tilespmem:v37+s13+$0x0], $0xffff;
	_ =	sdelay $0x1  }
0x213: {  	s26 =	sshll.u32 s23, $0x13  }
0x214: {  	s26 =	sor.u32 s4, s26  }
0x215: {  	s26 =	sshrl.u32 s26, $0x3  }
0x216: {  	p1 =	seq.s32 s23, $0x63;
	s26 =	sadd.s32 s1, s26;
	[tilespmem:v55+s17+$0x0] =	vst.idx.msk $0xffff, v37  }
0x217: {  	[hbm4b:s26+s8] =	stream.strided.scatter [tilespmem:s17], [sflag:$0x3], $0x2000, s9, s8, $0x38;
	[tilespmem:$0x12500] =	vst v63  }
0x218: {  	v36 =	vld @!p1 [tilespmem:s24+$0x100];
	_ =	sdelay $0x4  }
0x219: {  	v36 =	vshrl.u32 @!p1 v36, $0x1  }
0x21a: {  	[tilespmem:$0x6400] =	vst @!p1 v36  }
0x21b: {  	v36 =	vld @!p1 [tilespmem:s24+$0x110];
	_ =	sdelay $0x4  }
0x21c: {  	v36 =	vshrl.u32 @!p1 v36, $0x1  }
0x21d: {  	[tilespmem:$0x6410] =	vst @!p1 v36  }
0x21e: {  	v36 =	vld @!p1 [tilespmem:s24+$0x120];
	_ =	sdelay $0x4  }
0x21f: {  	v36 =	vshrl.u32 @!p1 v36, $0x1  }
0x220: {  	[tilespmem:$0x6420] =	vst @!p1 v36  }
0x221: {  	v36 =	vld @!p1 [tilespmem:s24+$0x130];
	_ =	sdelay $0x4  }
0x222: {  	v36 =	vshrl.u32 @!p1 v36, $0x1  }
0x223: {  	[tilespmem:$0x6430] =	vst @!p1 v36  }
0x224: {  	v36 =	vld @!p1 [tilespmem:s24+$0x140];
	_ =	sdelay $0x4  }
0x225: {  	v36 =	vshrl.u32 @!p1 v36, $0x1  }
0x226: {  	[tilespmem:$0x6440] =	vst @!p1 v36  }
0x227: {  	v36 =	vld @!p1 [tilespmem:s24+$0x150];
	_ =	sdelay $0x4  }
0x228: {  	v36 =	vshrl.u32 @!p1 v36, $0x1  }
0x229: {  	[tilespmem:$0x6450] =	vst @!p1 v36  }
0x22a: {  	v36 =	vld @!p1 [tilespmem:s24+$0x160];
	_ =	sdelay $0x4  }
0x22b: {  	v36 =	vshrl.u32 @!p1 v36, $0x1  }
0x22c: {  	[tilespmem:$0x6460] =	vst @!p1 v36  }
0x22d: {  	v36 =	vld @!p1 [tilespmem:s24+$0x170];
	_ =	sdelay $0x4  }
0x22e: {  	s31 =	simm.s32 $0x0;
	v36 =	vshrl.u32 @!p1 v36, $0x1  }
0x22f: {  	s28 =	simm.s32 @!p1 $0x6400;
	s29 =	simm.s32 @!p1 $0x6500;
	s26 =	simm.s32 @!p1 $0x80;
	[tilespmem:$0x6470] =	vst @!p1 v36  }
0x230: {  	[tilespmem:s29], [sflag:$0x1] =	stream.indirect.gather @!p1 [hbm4b:s5+s26], $0x80, s28, s26, $0xb8;
	[tilespmem:$0x12500] =	vst v63  }
0x231: {  	v37 =	vadd.s32 s31, v0;
	_ =	swait.ge [sflag:s18], $0x4000  }
0x232: {  	v56 =	vand.u32 $0xF, v37;
	[sflag:s18] =	ssyncset.done $0x0  }
0x233: {  	s26 =	simm.s32 @!p0 $0x4;
	[sflag:s18] =	ssyncadd.s32 $0xFFFFC000  }
0x234: {  	s25 =	sor.u32 $0x1, s25;
	_ =	swait.ge @!p0 [sflag:s26], $0x2000  }
0x235: {  	s28 =	sshll.u32 s25, $0x7;
	[sflag:s26] =	ssyncset.done @!p0 $0x0  }
0x236: {  	[sflag:s26] =	ssyncadd.s32 @!p0 $0xFFFFE000;
	s26 =	sand.u32 $0x3FFFFF80, s28  }
0x237: {  	v57 =	vld.idx.msk [tilespmem:v56+s26+$0x0], $0xffff;
	_ =	sdelay $0x4  }
0x238: {  	v36 =	vshll.u32 v57, $0x6  }
0x239: {  	v58 =	vshll.u32 v56, $0x7;
	v36 =	vand.u32 $0x40, v36  }
0x23a: {  	v36 =	vor.u32 v58, v36  }
0x23b: {  	v39 =	vor.u32 v0, v36;
	_ =	sdelay $0x4  }
0x23c: {  	v59 =	vor.u32 v1, v56;
	v39 =	vld.idx.msk [tilespmem:v39+s15+$0x0], $0xffff  }
0x23d: {  	v41 =	vor.u32 v2, v36;
	_ =	sdelay $0x3  }
0x23e: {  	[tilespmem:v59+s19+$0x0] =	vst.idx.msk $0xffff, v39  }
0x23f: {  	v60 =	vor.u32 v3, v56;
	v39 =	vld.idx.msk [tilespmem:v41+s15+$0x0], $0xffff  }
0x240: {  	v61 =	vor.u32 v4, v36;
	_ =	sdelay $0x3  }
0x241: {  	[tilespmem:v60+s19+$0x0] =	vst.idx.msk $0xffff, v39  }
0x242: {  	v62 =	vor.u32 v5, v56;
	v39 =	vld.idx.msk [tilespmem:v61+s15+$0x0], $0xffff  }
0x243: {  	v63 =	vor.u32 v6, v36;
	_ =	sdelay $0x3  }
0x244: {  	s28 =	simm.s32 $0x1;
	[tilespmem:v62+s19+$0x0] =	vst.idx.msk $0xffff, v39  }
0x245: {  	v40 =	vor.u32 v7, v56;
	v36 =	vadd.s32 s28, v0;
	v39 =	vld.idx.msk [tilespmem:v63+s15+$0x0], $0xffff  }
0x246: {  	s28 =	simm.s32 $0x2;
	v38 =	vand.u32 $0xF, v36  }
.LBB2_19:
0x247: {  	_ =	sdelay $0x2  }
0x248: {  	p0 =	sne.s32 s28, $0xF;
	s29 =	smov.u32 s28;
	s28 =	sadd.s32 $0x1, s28;
	[tilespmem:v40+s19+$0x0] =	vst.idx.msk $0xffff, v39  }
0x249: {  	v39 =	vld.idx.msk [tilespmem:v38+s26+$0x0], $0xffff;
	_ =	sdelay $0x5  }
0x24a: {  	v39 =	vshll.u32 v39, $0x6  }
0x24b: {  	v40 =	vshll.u32 v38, $0x7;
	v39 =	vand.u32 $0x40, v39  }
0x24c: {  	v39 =	vor.u32 v40, v39  }
0x24d: {  	v40 =	vor.u32 v0, v39;
	_ =	sdelay $0x4  }
0x24e: {  	v40 =	vld.idx.msk [tilespmem:v40+s15+$0x0], $0xffff  }
0x24f: {  	v41 =	vor.u32 v1, v38  }
0x250: {  	v42 =	vor.u32 v2, v39;
	_ =	sdelay $0x3  }
0x251: {  	[tilespmem:v41+s19+$0x0] =	vst.idx.msk $0xffff, v40  }
0x252: {  	v40 =	vld.idx.msk [tilespmem:v42+s15+$0x0], $0xffff  }
0x253: {  	v41 =	vor.u32 v3, v38  }
0x254: {  	v42 =	vor.u32 v4, v39;
	_ =	sdelay $0x3  }
0x255: {  	[tilespmem:v41+s19+$0x0] =	vst.idx.msk $0xffff, v40  }
0x256: {  	v40 =	vld.idx.msk [tilespmem:v42+s15+$0x0], $0xffff  }
0x257: {  	v41 =	vor.u32 v5, v38  }
0x258: {  	v39 =	vor.u32 v6, v39;
	_ =	sdelay $0x2  }
.Ltmp10:
0x259: {  	(pc) =	sbr.rel @p0 .LBB2_19-.Ltmp10, $4  }
0x25a: {  	[tilespmem:v41+s19+$0x0] =	vst.idx.msk $0xffff, v40  }
0x25b: {  	v39 =	vld.idx.msk [tilespmem:v39+s15+$0x0], $0xffff  }
0x25c: {  	v41 =	vadd.s32 s29, v0;
	v40 =	vor.u32 v7, v38  }
0x25d: {  	v38 =	vand.u32 $0xF, v41  }
0x25e: {  	_ =	sdelay $0x3  }
0x25f: {  	[tilespmem:v40+s19+$0x0] =	vst.idx.msk $0xffff, v39  }
0x260: {  	v39 =	vld.idx.msk [tilespmem:v38+s26+$0x0], $0xffff;
	_ =	sdelay $0x4  }
0x261: {  	v39 =	vshll.u32 v39, $0x6  }
0x262: {  	v52 =	vshll.u32 v38, $0x7;
	v39 =	vand.u32 $0x40, v39  }
0x263: {  	v39 =	vor.u32 v52, v39  }
0x264: {  	v40 =	vor.u32 v0, v39;
	_ =	sdelay $0x4  }
0x265: {  	v41 =	vor.u32 v1, v38;
	v40 =	vld.idx.msk [tilespmem:v40+s15+$0x0], $0xffff  }
0x266: {  	v42 =	vor.u32 v2, v39;
	_ =	sdelay $0x3  }
0x267: {  	[tilespmem:v41+s19+$0x0] =	vst.idx.msk $0xffff, v40  }
0x268: {  	v53 =	vor.u32 v3, v38;
	v40 =	vld.idx.msk [tilespmem:v42+s15+$0x0], $0xffff  }
0x269: {  	v54 =	vor.u32 v4, v39;
	_ =	sdelay $0x3  }
0x26a: {  	[tilespmem:v53+s19+$0x0] =	vst.idx.msk $0xffff, v40  }
0x26b: {  	v55 =	vor.u32 v5, v38;
	v40 =	vld.idx.msk [tilespmem:v54+s15+$0x0], $0xffff  }
0x26c: {  	v39 =	vor.u32 v6, v39;
	_ =	sdelay $0x3  }
0x26d: {  	[tilespmem:v55+s19+$0x0] =	vst.idx.msk $0xffff, v40  }
0x26e: {  	v56 =	vor.u32 v7, v38;
	v39 =	vld.idx.msk [tilespmem:v39+s15+$0x0], $0xffff  }
0x26f: {  	v57 =	vor.u32 $0x10, v37;
	_ =	sdelay $0x3  }
0x270: {  	[tilespmem:v56+s19+$0x0] =	vst.idx.msk $0xffff, v39  }
0x271: {  	v38 =	vld.idx.msk [tilespmem:v57+s26+$0x0], $0xffff;
	_ =	sdelay $0x4  }
0x272: {  	v38 =	vshll.u32 v38, $0x6  }
0x273: {  	v58 =	vshll.u32 v57, $0x7;
	v38 =	vand.u32 $0x40, v38  }
0x274: {  	v38 =	vor.u32 v58, v38  }
0x275: {  	v39 =	vor.u32 v0, v38;
	_ =	sdelay $0x4  }
0x276: {  	v59 =	vor.u32 v8, v37;
	v39 =	vld.idx.msk [tilespmem:v39+s15+$0x0], $0xffff  }
0x277: {  	v60 =	vor.u32 v2, v38;
	_ =	sdelay $0x3  }
0x278: {  	[tilespmem:v59+s19+$0x0] =	vst.idx.msk $0xffff, v39  }
0x279: {  	v61 =	vor.u32 v9, v37;
	v39 =	vld.idx.msk [tilespmem:v60+s15+$0x0], $0xffff  }
0x27a: {  	v62 =	vor.u32 v4, v38;
	_ =	sdelay $0x3  }
0x27b: {  	[tilespmem:v61+s19+$0x0] =	vst.idx.msk $0xffff, v39  }
0x27c: {  	v63 =	vor.u32 v10, v37;
	v39 =	vld.idx.msk [tilespmem:v62+s15+$0x0], $0xffff  }
0x27d: {  	v38 =	vor.u32 v6, v38;
	_ =	sdelay $0x3  }
0x27e: {  	[tilespmem:v63+s19+$0x0] =	vst.idx.msk $0xffff, v39  }
0x27f: {  	v39 =	vor.u32 v11, v37;
	v38 =	vld.idx.msk [tilespmem:v38+s15+$0x0], $0xffff  }
0x280: {  	s28 =	simm.s32 $0x2;
	v37 =	vor.u32 $0x10, v36  }
.LBB2_21:
0x281: {  	_ =	sdelay $0x2  }
0x282: {  	p0 =	sne.s32 s28, $0xF;
	s29 =	smov.u32 s28;
	s28 =	sadd.s32 $0x1, s28;
	[tilespmem:v39+s19+$0x0] =	vst.idx.msk $0xffff, v38  }
0x283: {  	v38 =	vld.idx.msk [tilespmem:v37+s26+$0x0], $0xffff;
	_ =	sdelay $0x5  }
0x284: {  	v38 =	vshll.u32 v38, $0x6  }
0x285: {  	v37 =	vshll.u32 v37, $0x7;
	v38 =	vand.u32 $0x40, v38  }
0x286: {  	v37 =	vor.u32 v37, v38  }
0x287: {  	v38 =	vor.u32 v0, v37;
	_ =	sdelay $0x4  }
0x288: {  	v38 =	vld.idx.msk [tilespmem:v38+s15+$0x0], $0xffff  }
0x289: {  	v39 =	vor.u32 v8, v36  }
0x28a: {  	v40 =	vor.u32 v2, v37;
	_ =	sdelay $0x3  }
0x28b: {  	[tilespmem:v39+s19+$0x0] =	vst.idx.msk $0xffff, v38  }
0x28c: {  	v38 =	vld.idx.msk [tilespmem:v40+s15+$0x0], $0xffff  }
0x28d: {  	v39 =	vor.u32 v9, v36  }
0x28e: {  	v40 =	vor.u32 v4, v37;
	_ =	sdelay $0x3  }
0x28f: {  	[tilespmem:v39+s19+$0x0] =	vst.idx.msk $0xffff, v38  }
0x290: {  	v38 =	vld.idx.msk [tilespmem:v40+s15+$0x0], $0xffff  }
0x291: {  	v39 =	vor.u32 v10, v36  }
0x292: {  	v37 =	vor.u32 v6, v37;
	_ =	sdelay $0x2  }
.Ltmp11:
0x293: {  	(pc) =	sbr.rel @p0 .LBB2_21-.Ltmp11, $4  }
0x294: {  	[tilespmem:v39+s19+$0x0] =	vst.idx.msk $0xffff, v38  }
0x295: {  	v38 =	vld.idx.msk [tilespmem:v37+s15+$0x0], $0xffff  }
0x296: {  	v39 =	vor.u32 v11, v36;
	v36 =	vadd.s32 s29, v0  }
0x297: {  	v37 =	vor.u32 $0x10, v36  }
0x298: {  	_ =	sdelay $0x3  }
0x299: {  	[tilespmem:v39+s19+$0x0] =	vst.idx.msk $0xffff, v38  }
0x29a: {  	v38 =	vld.idx.msk [tilespmem:v37+s26+$0x0], $0xffff;
	_ =	sdelay $0x4  }
0x29b: {  	v38 =	vshll.u32 v38, $0x6  }
0x29c: {  	v49 =	vshll.u32 v37, $0x7;
	v38 =	vand.u32 $0x40, v38  }
0x29d: {  	v37 =	vor.u32 v49, v38  }
0x29e: {  	v38 =	vor.u32 v0, v37;
	_ =	sdelay $0x4  }
0x29f: {  	v50 =	vor.u32 v8, v36;
	v38 =	vld.idx.msk [tilespmem:v38+s15+$0x0], $0xffff  }
0x2a0: {  	v40 =	vor.u32 v2, v37;
	_ =	sdelay $0x3  }
0x2a1: {  	[tilespmem:v50+s19+$0x0] =	vst.idx.msk $0xffff, v38  }
0x2a2: {  	v51 =	vor.u32 v9, v36;
	v38 =	vld.idx.msk [tilespmem:v40+s15+$0x0], $0xffff  }
0x2a3: {  	v52 =	vor.u32 v4, v37;
	_ =	sdelay $0x3  }
0x2a4: {  	[tilespmem:v51+s19+$0x0] =	vst.idx.msk $0xffff, v38  }
0x2a5: {  	v53 =	vor.u32 v10, v36;
	v38 =	vld.idx.msk [tilespmem:v52+s15+$0x0], $0xffff  }
0x2a6: {  	v54 =	vor.u32 v6, v37;
	_ =	sdelay $0x2  }
0x2a7: {  	s28 =	simm.s32 $0x0  }
0x2a8: {  	v37 =	vadd.s32 s28, v0;
	[tilespmem:v53+s19+$0x0] =	vst.idx.msk $0xffff, v38  }
0x2a9: {  	v55 =	vor.u32 v11, v36;
	v56 =	vand.u32 $0xF, v37;
	v38 =	vld.idx.msk [tilespmem:v54+s15+$0x0], $0xffff  }
0x2aa: {  	v57 =	vor.u32 $0x20, v56;
	_ =	sdelay $0x3  }
0x2ab: {  	[tilespmem:v55+s19+$0x0] =	vst.idx.msk $0xffff, v38  }
0x2ac: {  	v36 =	vld.idx.msk [tilespmem:v57+s26+$0x0], $0xffff;
	_ =	sdelay $0x4  }
0x2ad: {  	v36 =	vshll.u32 v36, $0x6  }
0x2ae: {  	v58 =	vshll.u32 v57, $0x7;
	v36 =	vand.u32 $0x40, v36  }
0x2af: {  	v36 =	vor.u32 v58, v36  }
0x2b0: {  	v38 =	vor.u32 v0, v36;
	_ =	sdelay $0x4  }
0x2b1: {  	v59 =	vor.u32 v12, v56;
	v38 =	vld.idx.msk [tilespmem:v38+s15+$0x0], $0xffff  }
0x2b2: {  	v41 =	vor.u32 v2, v36;
	_ =	sdelay $0x3  }
0x2b3: {  	[tilespmem:v59+s19+$0x0] =	vst.idx.msk $0xffff, v38  }
0x2b4: {  	v60 =	vor.u32 v13, v56;
	v38 =	vld.idx.msk [tilespmem:v41+s15+$0x0], $0xffff  }
0x2b5: {  	v61 =	vor.u32 v4, v36;
	_ =	sdelay $0x3  }
0x2b6: {  	[tilespmem:v60+s19+$0x0] =	vst.idx.msk $0xffff, v38  }
0x2b7: {  	v62 =	vor.u32 v14, v56;
	v38 =	vld.idx.msk [tilespmem:v61+s15+$0x0], $0xffff  }
0x2b8: {  	v63 =	vor.u32 v6, v36;
	_ =	sdelay $0x2  }
0x2b9: {  	s28 =	simm.s32 $0x1  }
0x2ba: {  	v36 =	vadd.s32 s28, v0;
	[tilespmem:v62+s19+$0x0] =	vst.idx.msk $0xffff, v38  }
0x2bb: {  	v41 =	vor.u32 v15, v56;
	v38 =	vand.u32 $0xF, v36;
	v40 =	vld.idx.msk [tilespmem:v63+s15+$0x0], $0xffff  }
0x2bc: {  	s28 =	simm.s32 $0x2;
	v39 =	vor.u32 $0x20, v38  }
.LBB2_23:
0x2bd: {  	_ =	sdelay $0x2  }
0x2be: {  	p0 =	sne.s32 s28, $0xF;
	s29 =	smov.u32 s28;
	s28 =	sadd.s32 $0x1, s28;
	[tilespmem:v41+s19+$0x0] =	vst.idx.msk $0xffff, v40  }
0x2bf: {  	v40 =	vld.idx.msk [tilespmem:v39+s26+$0x0], $0xffff;
	_ =	sdelay $0x5  }
0x2c0: {  	v40 =	vshll.u32 v40, $0x6  }
0x2c1: {  	v39 =	vshll.u32 v39, $0x7;
	v40 =	vand.u32 $0x40, v40  }
0x2c2: {  	v39 =	vor.u32 v39, v40  }
0x2c3: {  	v40 =	vor.u32 v0, v39;
	_ =	sdelay $0x4  }
0x2c4: {  	v40 =	vld.idx.msk [tilespmem:v40+s15+$0x0], $0xffff  }
0x2c5: {  	v41 =	vor.u32 v12, v38  }
0x2c6: {  	v42 =	vor.u32 v2, v39;
	_ =	sdelay $0x3  }
0x2c7: {  	[tilespmem:v41+s19+$0x0] =	vst.idx.msk $0xffff, v40  }
0x2c8: {  	v40 =	vld.idx.msk [tilespmem:v42+s15+$0x0], $0xffff  }
0x2c9: {  	v41 =	vor.u32 v13, v38  }
0x2ca: {  	v42 =	vor.u32 v4, v39;
	_ =	sdelay $0x3  }
0x2cb: {  	[tilespmem:v41+s19+$0x0] =	vst.idx.msk $0xffff, v40  }
0x2cc: {  	v40 =	vld.idx.msk [tilespmem:v42+s15+$0x0], $0xffff  }
0x2cd: {  	v41 =	vor.u32 v14, v38  }
0x2ce: {  	v39 =	vor.u32 v6, v39;
	_ =	sdelay $0x2  }
.Ltmp12:
0x2cf: {  	(pc) =	sbr.rel @p0 .LBB2_23-.Ltmp12, $4  }
0x2d0: {  	[tilespmem:v41+s19+$0x0] =	vst.idx.msk $0xffff, v40  }
0x2d1: {  	v42 =	vadd.s32 s29, v0;
	v40 =	vld.idx.msk [tilespmem:v39+s15+$0x0], $0xffff  }
0x2d2: {  	v41 =	vor.u32 v15, v38;
	v38 =	vand.u32 $0xF, v42  }
0x2d3: {  	v39 =	vor.u32 $0x20, v38  }
0x2d4: {  	_ =	sdelay $0x3  }
0x2d5: {  	[tilespmem:v41+s19+$0x0] =	vst.idx.msk $0xffff, v40  }
0x2d6: {  	v40 =	vld.idx.msk [tilespmem:v39+s26+$0x0], $0xffff;
	_ =	sdelay $0x4  }
0x2d7: {  	v40 =	vshll.u32 v40, $0x6  }
0x2d8: {  	v51 =	vshll.u32 v39, $0x7;
	v40 =	vand.u32 $0x40, v40  }
0x2d9: {  	v39 =	vor.u32 v51, v40  }
0x2da: {  	v40 =	vor.u32 v0, v39;
	_ =	sdelay $0x4  }
0x2db: {  	v52 =	vor.u32 v12, v38;
	v40 =	vld.idx.msk [tilespmem:v40+s15+$0x0], $0xffff  }
0x2dc: {  	v42 =	vor.u32 v2, v39;
	_ =	sdelay $0x3  }
0x2dd: {  	[tilespmem:v52+s19+$0x0] =	vst.idx.msk $0xffff, v40  }
0x2de: {  	v53 =	vor.u32 v13, v38;
	v40 =	vld.idx.msk [tilespmem:v42+s15+$0x0], $0xffff  }
0x2df: {  	v54 =	vor.u32 v4, v39;
	_ =	sdelay $0x3  }
0x2e0: {  	[tilespmem:v53+s19+$0x0] =	vst.idx.msk $0xffff, v40  }
0x2e1: {  	v55 =	vor.u32 v14, v38;
	v40 =	vld.idx.msk [tilespmem:v54+s15+$0x0], $0xffff  }
0x2e2: {  	v39 =	vor.u32 v6, v39;
	_ =	sdelay $0x3  }
0x2e3: {  	[tilespmem:v55+s19+$0x0] =	vst.idx.msk $0xffff, v40  }
0x2e4: {  	v56 =	vor.u32 v15, v38;
	v39 =	vld.idx.msk [tilespmem:v39+s15+$0x0], $0xffff  }
0x2e5: {  	v57 =	vor.u32 $0x30, v37;
	_ =	sdelay $0x3  }
0x2e6: {  	[tilespmem:v56+s19+$0x0] =	vst.idx.msk $0xffff, v39  }
0x2e7: {  	v38 =	vld.idx.msk [tilespmem:v57+s26+$0x0], $0xffff;
	_ =	sdelay $0x4  }
0x2e8: {  	v38 =	vshll.u32 v38, $0x6  }
0x2e9: {  	v58 =	vshll.u32 v57, $0x7;
	v38 =	vand.u32 $0x40, v38  }
0x2ea: {  	v38 =	vor.u32 v58, v38  }
0x2eb: {  	v39 =	vor.u32 v0, v38;
	_ =	sdelay $0x4  }
0x2ec: {  	v59 =	vor.u32 v16, v37;
	v39 =	vld.idx.msk [tilespmem:v39+s15+$0x0], $0xffff  }
0x2ed: {  	v60 =	vor.u32 v2, v38;
	_ =	sdelay $0x3  }
0x2ee: {  	[tilespmem:v59+s19+$0x0] =	vst.idx.msk $0xffff, v39  }
0x2ef: {  	v61 =	vor.u32 v17, v37;
	v39 =	vld.idx.msk [tilespmem:v60+s15+$0x0], $0xffff  }
0x2f0: {  	v62 =	vor.u32 v4, v38;
	_ =	sdelay $0x3  }
0x2f1: {  	[tilespmem:v61+s19+$0x0] =	vst.idx.msk $0xffff, v39  }
0x2f2: {  	v63 =	vor.u32 v18, v37;
	v39 =	vld.idx.msk [tilespmem:v62+s15+$0x0], $0xffff  }
0x2f3: {  	v38 =	vor.u32 v6, v38;
	_ =	sdelay $0x3  }
0x2f4: {  	[tilespmem:v63+s19+$0x0] =	vst.idx.msk $0xffff, v39  }
0x2f5: {  	v39 =	vor.u32 v19, v37;
	v38 =	vld.idx.msk [tilespmem:v38+s15+$0x0], $0xffff  }
0x2f6: {  	s28 =	simm.s32 $0x2;
	v37 =	vor.u32 $0x30, v36  }
.LBB2_25:
0x2f7: {  	_ =	sdelay $0x2  }
0x2f8: {  	p0 =	sne.s32 s28, $0xF;
	s29 =	smov.u32 s28;
	s28 =	sadd.s32 $0x1, s28;
	[tilespmem:v39+s19+$0x0] =	vst.idx.msk $0xffff, v38  }
0x2f9: {  	v38 =	vld.idx.msk [tilespmem:v37+s26+$0x0], $0xffff;
	_ =	sdelay $0x5  }
0x2fa: {  	v38 =	vshll.u32 v38, $0x6  }
0x2fb: {  	v37 =	vshll.u32 v37, $0x7;
	v38 =	vand.u32 $0x40, v38  }
0x2fc: {  	v37 =	vor.u32 v37, v38  }
0x2fd: {  	v38 =	vor.u32 v0, v37;
	_ =	sdelay $0x4  }
0x2fe: {  	v38 =	vld.idx.msk [tilespmem:v38+s15+$0x0], $0xffff  }
0x2ff: {  	v39 =	vor.u32 v16, v36  }
0x300: {  	v40 =	vor.u32 v2, v37;
	_ =	sdelay $0x3  }
0x301: {  	[tilespmem:v39+s19+$0x0] =	vst.idx.msk $0xffff, v38  }
0x302: {  	v38 =	vld.idx.msk [tilespmem:v40+s15+$0x0], $0xffff  }
0x303: {  	v39 =	vor.u32 v17, v36  }
0x304: {  	v40 =	vor.u32 v4, v37;
	_ =	sdelay $0x3  }
0x305: {  	[tilespmem:v39+s19+$0x0] =	vst.idx.msk $0xffff, v38  }
0x306: {  	v38 =	vld.idx.msk [tilespmem:v40+s15+$0x0], $0xffff  }
0x307: {  	v39 =	vor.u32 v18, v36  }
0x308: {  	v37 =	vor.u32 v6, v37;
	_ =	sdelay $0x2  }
.Ltmp13:
0x309: {  	(pc) =	sbr.rel @p0 .LBB2_25-.Ltmp13, $4  }
0x30a: {  	[tilespmem:v39+s19+$0x0] =	vst.idx.msk $0xffff, v38  }
0x30b: {  	v38 =	vld.idx.msk [tilespmem:v37+s15+$0x0], $0xffff  }
0x30c: {  	v39 =	vor.u32 v19, v36;
	v36 =	vadd.s32 s29, v0  }
0x30d: {  	v37 =	vor.u32 $0x30, v36  }
0x30e: {  	_ =	sdelay $0x3  }
0x30f: {  	[tilespmem:v39+s19+$0x0] =	vst.idx.msk $0xffff, v38  }
0x310: {  	v38 =	vld.idx.msk [tilespmem:v37+s26+$0x0], $0xffff;
	_ =	sdelay $0x4  }
0x311: {  	v38 =	vshll.u32 v38, $0x6  }
0x312: {  	v49 =	vshll.u32 v37, $0x7;
	v38 =	vand.u32 $0x40, v38  }
0x313: {  	v37 =	vor.u32 v49, v38  }
0x314: {  	v38 =	vor.u32 v0, v37;
	_ =	sdelay $0x4  }
0x315: {  	v50 =	vor.u32 v16, v36;
	v38 =	vld.idx.msk [tilespmem:v38+s15+$0x0], $0xffff  }
0x316: {  	v40 =	vor.u32 v2, v37;
	_ =	sdelay $0x3  }
0x317: {  	[tilespmem:v50+s19+$0x0] =	vst.idx.msk $0xffff, v38  }
0x318: {  	v51 =	vor.u32 v17, v36;
	v38 =	vld.idx.msk [tilespmem:v40+s15+$0x0], $0xffff  }
0x319: {  	v52 =	vor.u32 v4, v37;
	_ =	sdelay $0x3  }
0x31a: {  	[tilespmem:v51+s19+$0x0] =	vst.idx.msk $0xffff, v38  }
0x31b: {  	v53 =	vor.u32 v18, v36;
	v38 =	vld.idx.msk [tilespmem:v52+s15+$0x0], $0xffff  }
0x31c: {  	v54 =	vor.u32 v6, v37;
	_ =	sdelay $0x2  }
0x31d: {  	s28 =	simm.s32 $0x0  }
0x31e: {  	v37 =	vadd.s32 s28, v0;
	[tilespmem:v53+s19+$0x0] =	vst.idx.msk $0xffff, v38  }
0x31f: {  	v55 =	vor.u32 v19, v36;
	v56 =	vand.u32 $0xF, v37;
	v38 =	vld.idx.msk [tilespmem:v54+s15+$0x0], $0xffff  }
0x320: {  	v57 =	vor.u32 $0x40, v56;
	_ =	sdelay $0x3  }
0x321: {  	[tilespmem:v55+s19+$0x0] =	vst.idx.msk $0xffff, v38  }
0x322: {  	v36 =	vld.idx.msk [tilespmem:v57+s26+$0x0], $0xffff;
	_ =	sdelay $0x4  }
0x323: {  	v36 =	vshll.u32 v36, $0x6  }
0x324: {  	v58 =	vshll.u32 v57, $0x7;
	v36 =	vand.u32 $0x40, v36  }
0x325: {  	v36 =	vor.u32 v58, v36  }
0x326: {  	v38 =	vor.u32 v0, v36;
	_ =	sdelay $0x4  }
0x327: {  	v59 =	vor.u32 v20, v56;
	v38 =	vld.idx.msk [tilespmem:v38+s15+$0x0], $0xffff  }
0x328: {  	v41 =	vor.u32 v2, v36;
	_ =	sdelay $0x3  }
0x329: {  	[tilespmem:v59+s19+$0x0] =	vst.idx.msk $0xffff, v38  }
0x32a: {  	v60 =	vor.u32 v21, v56;
	v38 =	vld.idx.msk [tilespmem:v41+s15+$0x0], $0xffff  }
0x32b: {  	v61 =	vor.u32 v4, v36;
	_ =	sdelay $0x3  }
0x32c: {  	[tilespmem:v60+s19+$0x0] =	vst.idx.msk $0xffff, v38  }
0x32d: {  	v62 =	vor.u32 v22, v56;
	v38 =	vld.idx.msk [tilespmem:v61+s15+$0x0], $0xffff  }
0x32e: {  	v63 =	vor.u32 v6, v36;
	_ =	sdelay $0x2  }
0x32f: {  	s28 =	simm.s32 $0x1  }
0x330: {  	v36 =	vadd.s32 s28, v0;
	[tilespmem:v62+s19+$0x0] =	vst.idx.msk $0xffff, v38  }
0x331: {  	v41 =	vor.u32 v23, v56;
	v38 =	vand.u32 $0xF, v36;
	v40 =	vld.idx.msk [tilespmem:v63+s15+$0x0], $0xffff  }
0x332: {  	s28 =	simm.s32 $0x2;
	v39 =	vor.u32 $0x40, v38  }
.LBB2_27:
0x333: {  	_ =	sdelay $0x2  }
0x334: {  	p0 =	sne.s32 s28, $0xF;
	s29 =	smov.u32 s28;
	s28 =	sadd.s32 $0x1, s28;
	[tilespmem:v41+s19+$0x0] =	vst.idx.msk $0xffff, v40  }
0x335: {  	v40 =	vld.idx.msk [tilespmem:v39+s26+$0x0], $0xffff;
	_ =	sdelay $0x5  }
0x336: {  	v40 =	vshll.u32 v40, $0x6  }
0x337: {  	v39 =	vshll.u32 v39, $0x7;
	v40 =	vand.u32 $0x40, v40  }
0x338: {  	v39 =	vor.u32 v39, v40  }
0x339: {  	v40 =	vor.u32 v0, v39;
	_ =	sdelay $0x4  }
0x33a: {  	v40 =	vld.idx.msk [tilespmem:v40+s15+$0x0], $0xffff  }
0x33b: {  	v41 =	vor.u32 v20, v38  }
0x33c: {  	v42 =	vor.u32 v2, v39;
	_ =	sdelay $0x3  }
0x33d: {  	[tilespmem:v41+s19+$0x0] =	vst.idx.msk $0xffff, v40  }
0x33e: {  	v40 =	vld.idx.msk [tilespmem:v42+s15+$0x0], $0xffff  }
0x33f: {  	v41 =	vor.u32 v21, v38  }
0x340: {  	v42 =	vor.u32 v4, v39;
	_ =	sdelay $0x3  }
0x341: {  	[tilespmem:v41+s19+$0x0] =	vst.idx.msk $0xffff, v40  }
0x342: {  	v40 =	vld.idx.msk [tilespmem:v42+s15+$0x0], $0xffff  }
0x343: {  	v41 =	vor.u32 v22, v38  }
0x344: {  	v39 =	vor.u32 v6, v39;
	_ =	sdelay $0x2  }
.Ltmp14:
0x345: {  	(pc) =	sbr.rel @p0 .LBB2_27-.Ltmp14, $4  }
0x346: {  	[tilespmem:v41+s19+$0x0] =	vst.idx.msk $0xffff, v40  }
0x347: {  	v42 =	vadd.s32 s29, v0;
	v40 =	vld.idx.msk [tilespmem:v39+s15+$0x0], $0xffff  }
0x348: {  	v41 =	vor.u32 v23, v38;
	v38 =	vand.u32 $0xF, v42  }
0x349: {  	v39 =	vor.u32 $0x40, v38  }
0x34a: {  	_ =	sdelay $0x3  }
0x34b: {  	[tilespmem:v41+s19+$0x0] =	vst.idx.msk $0xffff, v40  }
0x34c: {  	v40 =	vld.idx.msk [tilespmem:v39+s26+$0x0], $0xffff;
	_ =	sdelay $0x4  }
0x34d: {  	v40 =	vshll.u32 v40, $0x6  }
0x34e: {  	v51 =	vshll.u32 v39, $0x7;
	v40 =	vand.u32 $0x40, v40  }
0x34f: {  	v39 =	vor.u32 v51, v40  }
0x350: {  	v40 =	vor.u32 v0, v39;
	_ =	sdelay $0x4  }
0x351: {  	v52 =	vor.u32 v20, v38;
	v40 =	vld.idx.msk [tilespmem:v40+s15+$0x0], $0xffff  }
0x352: {  	v42 =	vor.u32 v2, v39;
	_ =	sdelay $0x3  }
0x353: {  	[tilespmem:v52+s19+$0x0] =	vst.idx.msk $0xffff, v40  }
0x354: {  	v53 =	vor.u32 v21, v38;
	v40 =	vld.idx.msk [tilespmem:v42+s15+$0x0], $0xffff  }
0x355: {  	v54 =	vor.u32 v4, v39;
	_ =	sdelay $0x3  }
0x356: {  	[tilespmem:v53+s19+$0x0] =	vst.idx.msk $0xffff, v40  }
0x357: {  	v55 =	vor.u32 v22, v38;
	v40 =	vld.idx.msk [tilespmem:v54+s15+$0x0], $0xffff  }
0x358: {  	v39 =	vor.u32 v6, v39;
	_ =	sdelay $0x3  }
0x359: {  	[tilespmem:v55+s19+$0x0] =	vst.idx.msk $0xffff, v40  }
0x35a: {  	v56 =	vor.u32 v23, v38;
	v39 =	vld.idx.msk [tilespmem:v39+s15+$0x0], $0xffff  }
0x35b: {  	v57 =	vor.u32 $0x50, v37;
	_ =	sdelay $0x3  }
0x35c: {  	[tilespmem:v56+s19+$0x0] =	vst.idx.msk $0xffff, v39  }
0x35d: {  	v38 =	vld.idx.msk [tilespmem:v57+s26+$0x0], $0xffff;
	_ =	sdelay $0x4  }
0x35e: {  	v38 =	vshll.u32 v38, $0x6  }
0x35f: {  	v58 =	vshll.u32 v57, $0x7;
	v38 =	vand.u32 $0x40, v38  }
0x360: {  	v38 =	vor.u32 v58, v38  }
0x361: {  	v39 =	vor.u32 v0, v38;
	_ =	sdelay $0x4  }
0x362: {  	v59 =	vor.u32 v24, v37;
	v39 =	vld.idx.msk [tilespmem:v39+s15+$0x0], $0xffff  }
0x363: {  	v60 =	vor.u32 v2, v38;
	_ =	sdelay $0x3  }
0x364: {  	[tilespmem:v59+s19+$0x0] =	vst.idx.msk $0xffff, v39  }
0x365: {  	v61 =	vor.u32 v25, v37;
	v39 =	vld.idx.msk [tilespmem:v60+s15+$0x0], $0xffff  }
0x366: {  	v62 =	vor.u32 v4, v38;
	_ =	sdelay $0x3  }
0x367: {  	[tilespmem:v61+s19+$0x0] =	vst.idx.msk $0xffff, v39  }
0x368: {  	v63 =	vor.u32 v26, v37;
	v39 =	vld.idx.msk [tilespmem:v62+s15+$0x0], $0xffff  }
0x369: {  	v38 =	vor.u32 v6, v38;
	_ =	sdelay $0x3  }
0x36a: {  	[tilespmem:v63+s19+$0x0] =	vst.idx.msk $0xffff, v39  }
0x36b: {  	v39 =	vor.u32 v27, v37;
	v38 =	vld.idx.msk [tilespmem:v38+s15+$0x0], $0xffff  }
0x36c: {  	s28 =	simm.s32 $0x2;
	v37 =	vor.u32 $0x50, v36  }
.LBB2_29:
0x36d: {  	_ =	sdelay $0x2  }
0x36e: {  	p0 =	sne.s32 s28, $0xF;
	s29 =	smov.u32 s28;
	s28 =	sadd.s32 $0x1, s28;
	[tilespmem:v39+s19+$0x0] =	vst.idx.msk $0xffff, v38  }
0x36f: {  	v38 =	vld.idx.msk [tilespmem:v37+s26+$0x0], $0xffff;
	_ =	sdelay $0x5  }
0x370: {  	v38 =	vshll.u32 v38, $0x6  }
0x371: {  	v37 =	vshll.u32 v37, $0x7;
	v38 =	vand.u32 $0x40, v38  }
0x372: {  	v37 =	vor.u32 v37, v38  }
0x373: {  	v38 =	vor.u32 v0, v37;
	_ =	sdelay $0x4  }
0x374: {  	v38 =	vld.idx.msk [tilespmem:v38+s15+$0x0], $0xffff  }
0x375: {  	v39 =	vor.u32 v24, v36  }
0x376: {  	v40 =	vor.u32 v2, v37;
	_ =	sdelay $0x3  }
0x377: {  	[tilespmem:v39+s19+$0x0] =	vst.idx.msk $0xffff, v38  }
0x378: {  	v38 =	vld.idx.msk [tilespmem:v40+s15+$0x0], $0xffff  }
0x379: {  	v39 =	vor.u32 v25, v36  }
0x37a: {  	v40 =	vor.u32 v4, v37;
	_ =	sdelay $0x3  }
0x37b: {  	[tilespmem:v39+s19+$0x0] =	vst.idx.msk $0xffff, v38  }
0x37c: {  	v38 =	vld.idx.msk [tilespmem:v40+s15+$0x0], $0xffff  }
0x37d: {  	v39 =	vor.u32 v26, v36  }
0x37e: {  	v37 =	vor.u32 v6, v37;
	_ =	sdelay $0x2  }
.Ltmp15:
0x37f: {  	(pc) =	sbr.rel @p0 .LBB2_29-.Ltmp15, $4  }
0x380: {  	[tilespmem:v39+s19+$0x0] =	vst.idx.msk $0xffff, v38  }
0x381: {  	v38 =	vld.idx.msk [tilespmem:v37+s15+$0x0], $0xffff  }
0x382: {  	v39 =	vor.u32 v27, v36;
	v36 =	vadd.s32 s29, v0  }
0x383: {  	v37 =	vor.u32 $0x50, v36  }
0x384: {  	_ =	sdelay $0x3  }
0x385: {  	[tilespmem:v39+s19+$0x0] =	vst.idx.msk $0xffff, v38  }
0x386: {  	v38 =	vld.idx.msk [tilespmem:v37+s26+$0x0], $0xffff;
	_ =	sdelay $0x4  }
0x387: {  	v38 =	vshll.u32 v38, $0x6  }
0x388: {  	v49 =	vshll.u32 v37, $0x7;
	v38 =	vand.u32 $0x40, v38  }
0x389: {  	v37 =	vor.u32 v49, v38  }
0x38a: {  	v38 =	vor.u32 v0, v37;
	_ =	sdelay $0x4  }
0x38b: {  	v50 =	vor.u32 v24, v36;
	v38 =	vld.idx.msk [tilespmem:v38+s15+$0x0], $0xffff  }
0x38c: {  	v40 =	vor.u32 v2, v37;
	_ =	sdelay $0x3  }
0x38d: {  	[tilespmem:v50+s19+$0x0] =	vst.idx.msk $0xffff, v38  }
0x38e: {  	v51 =	vor.u32 v25, v36;
	v38 =	vld.idx.msk [tilespmem:v40+s15+$0x0], $0xffff  }
0x38f: {  	v52 =	vor.u32 v4, v37;
	_ =	sdelay $0x3  }
0x390: {  	[tilespmem:v51+s19+$0x0] =	vst.idx.msk $0xffff, v38  }
0x391: {  	v53 =	vor.u32 v26, v36;
	v38 =	vld.idx.msk [tilespmem:v52+s15+$0x0], $0xffff  }
0x392: {  	v54 =	vor.u32 v6, v37;
	_ =	sdelay $0x2  }
0x393: {  	s28 =	simm.s32 $0x0  }
0x394: {  	v37 =	vadd.s32 s28, v0;
	[tilespmem:v53+s19+$0x0] =	vst.idx.msk $0xffff, v38  }
0x395: {  	v55 =	vor.u32 v27, v36;
	v56 =	vand.u32 $0xF, v37;
	v38 =	vld.idx.msk [tilespmem:v54+s15+$0x0], $0xffff  }
0x396: {  	v57 =	vor.u32 $0x60, v56;
	_ =	sdelay $0x3  }
0x397: {  	[tilespmem:v55+s19+$0x0] =	vst.idx.msk $0xffff, v38  }
0x398: {  	v36 =	vld.idx.msk [tilespmem:v57+s26+$0x0], $0xffff;
	_ =	sdelay $0x4  }
0x399: {  	v36 =	vshll.u32 v36, $0x6  }
0x39a: {  	v58 =	vshll.u32 v57, $0x7;
	v36 =	vand.u32 $0x40, v36  }
0x39b: {  	v36 =	vor.u32 v58, v36  }
0x39c: {  	v38 =	vor.u32 v0, v36;
	_ =	sdelay $0x4  }
0x39d: {  	v59 =	vor.u32 v28, v56;
	v38 =	vld.idx.msk [tilespmem:v38+s15+$0x0], $0xffff  }
0x39e: {  	v41 =	vor.u32 v2, v36;
	_ =	sdelay $0x3  }
0x39f: {  	[tilespmem:v59+s19+$0x0] =	vst.idx.msk $0xffff, v38  }
0x3a0: {  	v60 =	vor.u32 v29, v56;
	v38 =	vld.idx.msk [tilespmem:v41+s15+$0x0], $0xffff  }
0x3a1: {  	v61 =	vor.u32 v4, v36;
	_ =	sdelay $0x3  }
0x3a2: {  	[tilespmem:v60+s19+$0x0] =	vst.idx.msk $0xffff, v38  }
0x3a3: {  	v62 =	vor.u32 v30, v56;
	v38 =	vld.idx.msk [tilespmem:v61+s15+$0x0], $0xffff  }
0x3a4: {  	v63 =	vor.u32 v6, v36;
	_ =	sdelay $0x2  }
0x3a5: {  	s28 =	simm.s32 $0x1  }
0x3a6: {  	v36 =	vadd.s32 s28, v0;
	[tilespmem:v62+s19+$0x0] =	vst.idx.msk $0xffff, v38  }
0x3a7: {  	v41 =	vor.u32 v31, v56;
	v38 =	vand.u32 $0xF, v36;
	v40 =	vld.idx.msk [tilespmem:v63+s15+$0x0], $0xffff  }
0x3a8: {  	s28 =	simm.s32 $0x2;
	v39 =	vor.u32 $0x60, v38  }
.LBB2_31:
0x3a9: {  	_ =	sdelay $0x2  }
0x3aa: {  	p0 =	sne.s32 s28, $0xF;
	s29 =	smov.u32 s28;
	s28 =	sadd.s32 $0x1, s28;
	[tilespmem:v41+s19+$0x0] =	vst.idx.msk $0xffff, v40  }
0x3ab: {  	v40 =	vld.idx.msk [tilespmem:v39+s26+$0x0], $0xffff;
	_ =	sdelay $0x5  }
0x3ac: {  	v40 =	vshll.u32 v40, $0x6  }
0x3ad: {  	v39 =	vshll.u32 v39, $0x7;
	v40 =	vand.u32 $0x40, v40  }
0x3ae: {  	v39 =	vor.u32 v39, v40  }
0x3af: {  	v40 =	vor.u32 v0, v39;
	_ =	sdelay $0x4  }
0x3b0: {  	v40 =	vld.idx.msk [tilespmem:v40+s15+$0x0], $0xffff  }
0x3b1: {  	v41 =	vor.u32 v28, v38  }
0x3b2: {  	v42 =	vor.u32 v2, v39;
	_ =	sdelay $0x3  }
0x3b3: {  	[tilespmem:v41+s19+$0x0] =	vst.idx.msk $0xffff, v40  }
0x3b4: {  	v40 =	vld.idx.msk [tilespmem:v42+s15+$0x0], $0xffff  }
0x3b5: {  	v41 =	vor.u32 v29, v38  }
0x3b6: {  	v42 =	vor.u32 v4, v39;
	_ =	sdelay $0x3  }
0x3b7: {  	[tilespmem:v41+s19+$0x0] =	vst.idx.msk $0xffff, v40  }
0x3b8: {  	v40 =	vld.idx.msk [tilespmem:v42+s15+$0x0], $0xffff  }
0x3b9: {  	v41 =	vor.u32 v30, v38  }
0x3ba: {  	v39 =	vor.u32 v6, v39;
	_ =	sdelay $0x2  }
.Ltmp16:
0x3bb: {  	(pc) =	sbr.rel @p0 .LBB2_31-.Ltmp16, $4  }
0x3bc: {  	[tilespmem:v41+s19+$0x0] =	vst.idx.msk $0xffff, v40  }
0x3bd: {  	v42 =	vadd.s32 s29, v0;
	v40 =	vld.idx.msk [tilespmem:v39+s15+$0x0], $0xffff  }
0x3be: {  	v41 =	vor.u32 v31, v38;
	v38 =	vand.u32 $0xF, v42  }
0x3bf: {  	v39 =	vor.u32 $0x60, v38  }
0x3c0: {  	_ =	sdelay $0x3  }
0x3c1: {  	[tilespmem:v41+s19+$0x0] =	vst.idx.msk $0xffff, v40  }
0x3c2: {  	v40 =	vld.idx.msk [tilespmem:v39+s26+$0x0], $0xffff;
	_ =	sdelay $0x4  }
0x3c3: {  	v40 =	vshll.u32 v40, $0x6  }
0x3c4: {  	v51 =	vshll.u32 v39, $0x7;
	v40 =	vand.u32 $0x40, v40  }
0x3c5: {  	v39 =	vor.u32 v51, v40  }
0x3c6: {  	v40 =	vor.u32 v0, v39;
	_ =	sdelay $0x4  }
0x3c7: {  	v52 =	vor.u32 v28, v38;
	v40 =	vld.idx.msk [tilespmem:v40+s15+$0x0], $0xffff  }
0x3c8: {  	v42 =	vor.u32 v2, v39;
	_ =	sdelay $0x3  }
0x3c9: {  	[tilespmem:v52+s19+$0x0] =	vst.idx.msk $0xffff, v40  }
0x3ca: {  	v53 =	vor.u32 v29, v38;
	v40 =	vld.idx.msk [tilespmem:v42+s15+$0x0], $0xffff  }
0x3cb: {  	v54 =	vor.u32 v4, v39;
	_ =	sdelay $0x3  }
0x3cc: {  	[tilespmem:v53+s19+$0x0] =	vst.idx.msk $0xffff, v40  }
0x3cd: {  	v55 =	vor.u32 v30, v38;
	v40 =	vld.idx.msk [tilespmem:v54+s15+$0x0], $0xffff  }
0x3ce: {  	v39 =	vor.u32 v6, v39;
	_ =	sdelay $0x3  }
0x3cf: {  	[tilespmem:v55+s19+$0x0] =	vst.idx.msk $0xffff, v40  }
0x3d0: {  	v56 =	vor.u32 v31, v38;
	v39 =	vld.idx.msk [tilespmem:v39+s15+$0x0], $0xffff  }
0x3d1: {  	v57 =	vor.u32 $0x70, v37;
	_ =	sdelay $0x3  }
0x3d2: {  	[tilespmem:v56+s19+$0x0] =	vst.idx.msk $0xffff, v39  }
0x3d3: {  	v38 =	vld.idx.msk [tilespmem:v57+s26+$0x0], $0xffff;
	_ =	sdelay $0x4  }
0x3d4: {  	v38 =	vshll.u32 v38, $0x6  }
0x3d5: {  	v58 =	vshll.u32 v57, $0x7;
	v38 =	vand.u32 $0x40, v38  }
0x3d6: {  	v38 =	vor.u32 v58, v38  }
0x3d7: {  	v39 =	vor.u32 v0, v38;
	_ =	sdelay $0x4  }
0x3d8: {  	v59 =	vor.u32 v32, v37;
	v39 =	vld.idx.msk [tilespmem:v39+s15+$0x0], $0xffff  }
0x3d9: {  	v60 =	vor.u32 v2, v38;
	_ =	sdelay $0x3  }
0x3da: {  	[tilespmem:v59+s19+$0x0] =	vst.idx.msk $0xffff, v39  }
0x3db: {  	v61 =	vor.u32 v33, v37;
	v39 =	vld.idx.msk [tilespmem:v60+s15+$0x0], $0xffff  }
0x3dc: {  	v62 =	vor.u32 v4, v38;
	_ =	sdelay $0x3  }
0x3dd: {  	[tilespmem:v61+s19+$0x0] =	vst.idx.msk $0xffff, v39  }
0x3de: {  	v63 =	vor.u32 v34, v37;
	v39 =	vld.idx.msk [tilespmem:v62+s15+$0x0], $0xffff  }
0x3df: {  	v38 =	vor.u32 v6, v38;
	_ =	sdelay $0x3  }
0x3e0: {  	[tilespmem:v63+s19+$0x0] =	vst.idx.msk $0xffff, v39  }
0x3e1: {  	v39 =	vor.u32 v35, v37;
	v38 =	vld.idx.msk [tilespmem:v38+s15+$0x0], $0xffff  }
0x3e2: {  	s28 =	simm.s32 $0x2;
	v37 =	vor.u32 $0x70, v36  }
.LBB2_33:
0x3e3: {  	_ =	sdelay $0x2  }
0x3e4: {  	p0 =	sne.s32 s28, $0xF;
	s29 =	smov.u32 s28;
	s28 =	sadd.s32 $0x1, s28;
	[tilespmem:v39+s19+$0x0] =	vst.idx.msk $0xffff, v38  }
0x3e5: {  	v38 =	vld.idx.msk [tilespmem:v37+s26+$0x0], $0xffff;
	_ =	sdelay $0x5  }
0x3e6: {  	v38 =	vshll.u32 v38, $0x6  }
0x3e7: {  	v37 =	vshll.u32 v37, $0x7;
	v38 =	vand.u32 $0x40, v38  }
0x3e8: {  	v37 =	vor.u32 v37, v38  }
0x3e9: {  	v38 =	vor.u32 v0, v37;
	_ =	sdelay $0x4  }
0x3ea: {  	v38 =	vld.idx.msk [tilespmem:v38+s15+$0x0], $0xffff  }
0x3eb: {  	v39 =	vor.u32 v32, v36  }
0x3ec: {  	v40 =	vor.u32 v2, v37;
	_ =	sdelay $0x3  }
0x3ed: {  	[tilespmem:v39+s19+$0x0] =	vst.idx.msk $0xffff, v38  }
0x3ee: {  	v38 =	vld.idx.msk [tilespmem:v40+s15+$0x0], $0xffff  }
0x3ef: {  	v39 =	vor.u32 v33, v36  }
0x3f0: {  	v40 =	vor.u32 v4, v37;
	_ =	sdelay $0x3  }
0x3f1: {  	[tilespmem:v39+s19+$0x0] =	vst.idx.msk $0xffff, v38  }
0x3f2: {  	v38 =	vld.idx.msk [tilespmem:v40+s15+$0x0], $0xffff  }
0x3f3: {  	v39 =	vor.u32 v34, v36  }
0x3f4: {  	v37 =	vor.u32 v6, v37;
	_ =	sdelay $0x2  }
.Ltmp17:
0x3f5: {  	(pc) =	sbr.rel @p0 .LBB2_33-.Ltmp17, $4  }
0x3f6: {  	[tilespmem:v39+s19+$0x0] =	vst.idx.msk $0xffff, v38  }
0x3f7: {  	v38 =	vld.idx.msk [tilespmem:v37+s15+$0x0], $0xffff  }
0x3f8: {  	v39 =	vor.u32 v35, v36;
	v36 =	vadd.s32 s29, v0  }
0x3f9: {  	v37 =	vor.u32 $0x70, v36  }
0x3fa: {  	_ =	sdelay $0x3  }
0x3fb: {  	[tilespmem:v39+s19+$0x0] =	vst.idx.msk $0xffff, v38  }
0x3fc: {  	v38 =	vld.idx.msk [tilespmem:v37+s26+$0x0], $0xffff;
	_ =	sdelay $0x4  }
0x3fd: {  	v38 =	vshll.u32 v38, $0x6  }
0x3fe: {  	v58 =	vshll.u32 v37, $0x7;
	v38 =	vand.u32 $0x40, v38  }
0x3ff: {  	v37 =	vor.u32 v58, v38  }
0x400: {  	v38 =	vor.u32 v0, v37;
	_ =	sdelay $0x4  }
0x401: {  	v59 =	vor.u32 v32, v36;
	v38 =	vld.idx.msk [tilespmem:v38+s15+$0x0], $0xffff  }
0x402: {  	v40 =	vor.u32 v2, v37;
	_ =	sdelay $0x3  }
0x403: {  	[tilespmem:v59+s19+$0x0] =	vst.idx.msk $0xffff, v38  }
0x404: {  	v60 =	vor.u32 v33, v36;
	v38 =	vld.idx.msk [tilespmem:v40+s15+$0x0], $0xffff  }
0x405: {  	v61 =	vor.u32 v4, v37;
	_ =	sdelay $0x3  }
0x406: {  	[tilespmem:v60+s19+$0x0] =	vst.idx.msk $0xffff, v38  }
0x407: {  	v62 =	vor.u32 v34, v36;
	v38 =	vld.idx.msk [tilespmem:v61+s15+$0x0], $0xffff  }
0x408: {  	v37 =	vor.u32 v6, v37;
	_ =	sdelay $0x3  }
0x409: {  	[tilespmem:v62+s19+$0x0] =	vst.idx.msk $0xffff, v38  }
0x40a: {  	v63 =	vor.u32 v35, v36;
	v37 =	vld.idx.msk [tilespmem:v37+s15+$0x0], $0xffff;
	_ =	sdelay $0x1  }
.Ltmp18:
0x40b: {  	s25 =	sshll.u32 s25, $0x12;
	(pc) =	sbr.rel @p1 .LBB2_36-.Ltmp18, $4  }
0x40c: {  	s25 =	sor.u32 s4, s25  }
0x40d: {  	s25 =	sshrl.u32 s25, $0x3  }
0x40e: {  	s25 =	sadd.s32 s1, s25;
	[tilespmem:v63+s19+$0x0] =	vst.idx.msk $0xffff, v37  }
0x40f: {  	[hbm4b:s25+s8] =	stream.strided.scatter [tilespmem:s19], [sflag:$0x4], $0x2000, s9, s8, $0x38;
	[tilespmem:$0x12500] =	vst v63  }
0x410: {  	v36 =	vld [tilespmem:s24+$0x180];
	_ =	sdelay $0x4  }
0x411: {  	v36 =	vshrl.u32 v36, $0x1  }
0x412: {  	[tilespmem:$0x6480] =	vst v36  }
0x413: {  	v36 =	vld [tilespmem:s24+$0x190];
	_ =	sdelay $0x4  }
0x414: {  	v36 =	vshrl.u32 v36, $0x1  }
0x415: {  	[tilespmem:$0x6490] =	vst v36  }
0x416: {  	v36 =	vld [tilespmem:s24+$0x1A0];
	_ =	sdelay $0x4  }
0x417: {  	v36 =	vshrl.u32 v36, $0x1  }
0x418: {  	[tilespmem:$0x64A0] =	vst v36  }
0x419: {  	v36 =	vld [tilespmem:s24+$0x1B0];
	_ =	sdelay $0x4  }
0x41a: {  	v36 =	vshrl.u32 v36, $0x1  }
0x41b: {  	[tilespmem:$0x64B0] =	vst v36  }
0x41c: {  	v36 =	vld [tilespmem:s24+$0x1C0];
	_ =	sdelay $0x4  }
0x41d: {  	v36 =	vshrl.u32 v36, $0x1  }
0x41e: {  	[tilespmem:$0x64C0] =	vst v36  }
0x41f: {  	v36 =	vld [tilespmem:s24+$0x1D0];
	_ =	sdelay $0x4  }
0x420: {  	v36 =	vshrl.u32 v36, $0x1  }
0x421: {  	[tilespmem:$0x64D0] =	vst v36  }
0x422: {  	v36 =	vld [tilespmem:s24+$0x1E0];
	_ =	sdelay $0x4  }
0x423: {  	v36 =	vshrl.u32 v36, $0x1  }
0x424: {  	[tilespmem:$0x64E0] =	vst v36  }
0x425: {  	v36 =	vld [tilespmem:s24+$0x1F0];
	_ =	sdelay $0x2  }
.Ltmp19:
0x426: {  	_ = 	snop;
	(pc) =	sbr.rel .LBB2_2-.Ltmp19, $4  }
0x427: {  	_ = 	snop  }
0x428: {  	v36 =	vshrl.u32 v36, $0x1  }
0x429: {  	s23 =	sadd.s32 $0x1, s23;
	[tilespmem:$0x64F0] =	vst v36  }
0x42a: {  	[tilespmem:s15], [sflag:$0x2] =	stream.indirect.gather [hbm4b:s5+s11], $0x80, s14, s11, $0xb8;
	[tilespmem:$0x12500] =	vst v63  }
.LBB2_37:
0x42b: {  	_ =	sfence.sel $0x180000  }
0x42c: {  	[bflag:$0x0] =	sbarrier.arrive $0xFFFF  }
0x42d: {  	p0 =	sne.s32 s2, $0x0;
	_ =	strace $0x9000004A  }
0x42e: {  	s0 =	sadd.s32 @!p0 $0x100000, s0;
	[bflag:$0x2] =	sbarrier.arrive $0xFFFF  }
0x42f: {  	[sflag:s0] =	ssyncadd.tile.s32 @!p0 $0x1;
	_ =	shalt  }
.Lfunc_end2:
_tile_overlayer_lowered:
.L_overlay_start_2:
0x430: {  	(tag) =	ssettag $0x2  }
0x431: {  	s0 =	rddreg [dreg:$0x0];
	s2 =	stileid.u32  }
0x432: {  	s1 =	rddreg [dreg:$0x1];
	p0 =	sne.s32 s2, $0x0  }
0x433: {  	s3 =	rddreg [dreg:$0x2];
	[bflag:$0x3] =	sbarrier.arrive $0xFFFF;
	s2 =	simm.s32 @!p0 $0x1C05  }
0x434: {  	[timem:s3], [sflag:s2] =	dma.local @!p0 [hbm:s0], s1  }
0x435: {  	s0 =	simm.s32 @!p0 $0x5  }
0x436: {  	_ =	swait.ge @!p0 [sflag:s0], s1  }
0x437: {  	s1 =	ssub.s32 @!p0 $0x0, s1;
	[sflag:s0] =	ssyncset.done @!p0 $0x0  }
0x438: {  	[sflag:s0] =	ssyncadd.s32 @!p0 s1  }
0x439: {  	[bflag:$0x3] =	sbarrier.arrive $0xFFFF  }
0x43a: {  	_ =	shalt  }

</sc_bundles>
